<compile_context>
chip_gen: v7x
topology: tpu7x:2x2x1
jax: 0.10.2.dev20260603
libtpu: 0.0.44.dev20260713+nightly
codegen_flags: <defaults>
</compile_context>

<pallas_src>
import functools

import jax
import jax.numpy as jnp
from jax import lax
from jax.experimental import pallas as pl
from jax.experimental.pallas import tpu as pltpu
from jax.experimental.pallas import tpu_sc as plsc

N = 10000
E = 320000
D = 128
H = 16
G = 64
NPAD = 10240
CHUNK = 128
NCHUNKS = E // CHUNK
NW = 32
K78 = NCHUNKS // NW
TAIL = NCHUNKS - K78 * NW
NBUF = 4
RPS = NPAD // 16

_mesh = plsc.VectorSubcoreMesh(core_axis_name="c", subcore_axis_name="s")
_sc_params = pltpu.CompilerParams(use_tc_tiling_on_sc=False,
                                  needs_layout_passes=False)

_f32 = jnp.float32



@functools.partial(
    pl.kernel,
    out_type=[jax.ShapeDtypeStruct((16, NPAD), _f32),
              jax.ShapeDtypeStruct((16, NPAD), _f32)],
    mesh=_mesh,
    compiler_params=_sc_params,
    scratch_types=[
        pltpu.VMEM_SHARED((NPAD,), _f32),
        pltpu.VMEM((K78 + 1, CHUNK), jnp.int32),
        pltpu.VMEM((CHUNK,), _f32),
        pltpu.VMEM((RPS,), _f32),
        pltpu.VMEM((16, RPS), _f32),
        pltpu.SemaphoreType.DMA,
        pltpu.SemaphoreType.DMA,
        pltpu.SemaphoreType.DMA,
        pltpu.SemaphoreType.DMA,
    ],
)
def _deg(ei3_hbm, degt0_hbm, degt1_hbm, deg_sh, didx, ones_v,
         dval_v, drep_v, sm0, sm1, sm2, sm3):
    ssem = (sm0, sm1, sm2, sm3)
    c = lax.axis_index("c")
    s = lax.axis_index("s")
    wid = s * 2 + c
    for k in range(CHUNK // 16):
        ones_v[pl.ds(k * 16, 16)] = jnp.full((16,), 1.0, _f32)

    @plsc.parallel_loop(0, RPS // 16, unroll=4)
    def zero_body(k):
        dval_v[pl.ds(k * 16, 16)] = jnp.zeros((16,), _f32)

    pltpu.sync_copy(dval_v, deg_sh.at[pl.ds(s * RPS, RPS)])
    pltpu.sync_copy(ei3_hbm.at[1].at[pl.ds(wid * K78, K78)],
                    didx.at[pl.ds(0, K78)])

    @pl.when(wid < TAIL)
    def _():
        pltpu.sync_copy(ei3_hbm.at[1].at[K78 * NW + wid], didx.at[K78])

    kmax = jnp.where(wid < TAIL, K78 + 1, K78)
    plsc.subcore_barrier()

    def grp_body(gidx, carry):
        for b in range(NBUF):
            j = gidx * NBUF + b

            @pl.when(j < kmax)
            def _(b=b, j=j):
                @pl.when(j >= NBUF)
                def _():
                    pltpu.make_async_copy(
                        ones_v, deg_sh.at[didx.at[0]], ssem[b]).wait()
                pltpu.async_copy(ones_v, deg_sh.at[didx.at[j]], ssem[b],
                                 add=True)
        return carry

    lax.fori_loop(0, (K78 + 1 + NBUF - 1) // NBUF, grp_body, 0)
    for b in range(NBUF):
        pltpu.make_async_copy(ones_v, deg_sh.at[didx.at[0]], ssem[b]).wait()
    plsc.subcore_barrier()

    pltpu.sync_copy(deg_sh.at[pl.ds(s * RPS, RPS)], dval_v)

    @plsc.parallel_loop(0, RPS // 16, unroll=4)
    def rep_body(k):
        v = dval_v[pl.ds(k * 16, 16)]
        for l in range(16):
            drep_v[l, pl.ds(k * 16, 16)] = v

    @pl.when(c == 0)
    def _():
        pltpu.sync_copy(drep_v,
                        degt0_hbm.at[pl.ds(0, 16), pl.ds(s * RPS, RPS)])

    @pl.when(c == 1)
    def _():
        pltpu.sync_copy(drep_v,
                        degt1_hbm.at[pl.ds(0, 16), pl.ds(s * RPS, RPS)])


@functools.partial(
    pl.kernel,
    out_type=[jax.ShapeDtypeStruct((16, NPAD), _f32),
              jax.ShapeDtypeStruct((16, NPAD), _f32),
              jax.ShapeDtypeStruct((NPAD, H), _f32)],
    mesh=_mesh,
    compiler_params=_sc_params,
    scratch_types=[
        pltpu.VMEM_SHARED((NPAD, H), _f32),
        pltpu.VMEM((K78 + 1, CHUNK), jnp.int32),
        pltpu.VMEM((K78 + 1, CHUNK), jnp.int32),
        pltpu.VMEM((16, RPS), _f32),
        pltpu.VMEM((RPS, H), _f32),
        pltpu.VMEM((CHUNK, H), _f32),
        pltpu.VMEM((CHUNK, H), _f32),
        pltpu.VMEM((CHUNK, H), _f32),
        pltpu.VMEM((CHUNK, H), _f32),
        pltpu.SemaphoreType.DMA,
        pltpu.SemaphoreType.DMA,
        pltpu.SemaphoreType.DMA,
        pltpu.SemaphoreType.DMA,
        pltpu.SemaphoreType.DMA,
        pltpu.SemaphoreType.DMA,
        pltpu.SemaphoreType.DMA,
        pltpu.SemaphoreType.DMA,
    ],
)
def _msg(ei3_hbm, gt_hbm, spt0_hbm, spt1_hbm, grows_hbm,
         acc_sh, sidx, didx, tbuf, rbuf, r0, r1, r2, r3,
         gm0, gm1, gm2, gm3, sm0, sm1, sm2, sm3):
    rows = (r0, r1, r2, r3)
    gsem = (gm0, gm1, gm2, gm3)
    ssem = (sm0, sm1, sm2, sm3)
    c = lax.axis_index("c")
    s = lax.axis_index("s")
    wid = s * 2 + c
    lane_iota = lax.iota(jnp.int32, 16)

    pltpu.sync_copy(gt_hbm.at[pl.ds(0, 16), pl.ds(s * RPS, RPS)], tbuf)

    @plsc.parallel_loop(0, RPS, unroll=16)
    def tr_body(j):
        col = lane_iota * 0 + j
        v = plsc.load_gather(tbuf, [lane_iota, col])
        rbuf[j, :] = v
    pltpu.sync_copy(rbuf, grows_hbm.at[pl.ds(s * RPS, RPS)])

    @plsc.parallel_loop(0, RPS, unroll=16)
    def zero_body(j):
        rbuf[j, :] = jnp.zeros((16,), _f32)

    pltpu.sync_copy(rbuf, acc_sh.at[pl.ds(s * RPS, RPS)])
    pltpu.sync_copy(ei3_hbm.at[0].at[pl.ds(wid * K78, K78)],
                    sidx.at[pl.ds(0, K78)])
    pltpu.sync_copy(ei3_hbm.at[1].at[pl.ds(wid * K78, K78)],
                    didx.at[pl.ds(0, K78)])

    @pl.when(wid < TAIL)
    def _():
        pltpu.sync_copy(ei3_hbm.at[0].at[K78 * NW + wid], sidx.at[K78])
        pltpu.sync_copy(ei3_hbm.at[1].at[K78 * NW + wid], didx.at[K78])

    kmax = jnp.where(wid < TAIL, K78 + 1, K78)
    plsc.subcore_barrier()

    def issue_gather(j, b):
        pltpu.async_copy(grows_hbm.at[sidx.at[j]], rows[b], gsem[b])

    def wait_gather(b):
        pltpu.make_async_copy(grows_hbm.at[sidx.at[0]], rows[b],
                              gsem[b]).wait()

    def issue_scatter(j, b):
        pltpu.async_copy(rows[b], acc_sh.at[didx.at[j]], ssem[b], add=True)

    def wait_scatter(b):
        pltpu.make_async_copy(rows[b], acc_sh.at[didx.at[0]], ssem[b]).wait()

    for b in range(NBUF):
        issue_gather(jnp.int32(b), b)

    def grp_body(gidx, carry):
        for b in range(NBUF):
            j = gidx * NBUF + b

            @pl.when(j < kmax)
            def _(b=b, j=j):
                wait_gather(b)
                issue_scatter(j, b)
                jn = j + NBUF

                @pl.when(jn < kmax)
                def _(b=b, jn=jn):
                    wait_scatter(b)
                    issue_gather(jn, b)
        return carry

    lax.fori_loop(0, (K78 + 1 + NBUF - 1) // NBUF, grp_body, 0)
    for b in range(NBUF):
        wait_scatter(b)
    plsc.subcore_barrier()

    pltpu.sync_copy(acc_sh.at[pl.ds(s * RPS, RPS)], rbuf)

    @plsc.parallel_loop(0, RPS // 16, unroll=4)
    def trb_body(k):
        ridx = k * 16 + lane_iota
        for l in range(16):
            cidx = lane_iota * 0 + l
            v = plsc.load_gather(rbuf, [ridx, cidx])
            tbuf[l, pl.ds(k * 16, 16)] = v

    @pl.when(c == 0)
    def _():
        pltpu.sync_copy(tbuf,
                        spt0_hbm.at[pl.ds(0, 16), pl.ds(s * RPS, RPS)])

    @pl.when(c == 1)
    def _():
        pltpu.sync_copy(tbuf,
                        spt1_hbm.at[pl.ds(0, 16), pl.ds(s * RPS, RPS)])



def _mm1_body(x_ref, w1_ref, d0_ref, d1_ref, gt_ref, dinv_ref):
    deg = d0_ref[...] + d1_ref[...] + 1.0
    dinv = lax.rsqrt(jnp.maximum(deg, 1.0))
    ht = lax.dot_general(w1_ref[...], x_ref[...], (((0,), (1,)), ((), ())),
                         preferred_element_type=_f32)
    htp = jnp.concatenate([ht, jnp.zeros((H, NPAD - N), _f32)], axis=1)
    gt_ref[...] = htp * dinv
    dinv_ref[...] = dinv


_mm1 = pl.pallas_call(
    _mm1_body,
    out_shape=[
        jax.ShapeDtypeStruct((16, NPAD), _f32),
        jax.ShapeDtypeStruct((16, NPAD), _f32),
    ],
)


def _comb1_body(s0_ref, s1_ref, gt_ref, dinv_ref, w2_ref, b1_ref, g2_ref):
    h1 = jnp.maximum(
        (s0_ref[...] + s1_ref[...] + gt_ref[...]) * dinv_ref[...]
        + b1_ref[...], 0.0)
    g2_ref[...] = lax.dot_general(
        w2_ref[...], h1, (((0,), (0,)), ((), ())),
        preferred_element_type=_f32) * dinv_ref[...]


_comb1 = pl.pallas_call(
    _comb1_body,
    out_shape=jax.ShapeDtypeStruct((16, NPAD), _f32),
)


def _comb2_body(q0_ref, q1_ref, g2_ref, dinv_ref, b2_ref, batch_ref,
                wl_ref, bl_ref, out_ref):
    h2 = jnp.maximum(
        (q0_ref[...] + q1_ref[...] + g2_ref[...]) * dinv_ref[...]
        + b2_ref[...], 0.0)
    iota = lax.broadcasted_iota(jnp.int32, (G, NPAD), 0)
    onehot = (iota == batch_ref[...]).astype(_f32)
    pooled = lax.dot_general(onehot, h2, (((1,), (1,)), ((), ())),
                             preferred_element_type=_f32)
    counts = lax.dot_general(onehot, jnp.ones((1, NPAD), _f32),
                             (((1,), (1,)), ((), ())),
                             preferred_element_type=_f32)
    pooled = pooled / jnp.maximum(counts, 1.0)
    z = jnp.dot(pooled, wl_ref[...], preferred_element_type=_f32) + bl_ref[...]
    out_ref[...] = jax.nn.sigmoid(z)


_comb2 = pl.pallas_call(
    _comb2_body,
    out_shape=jax.ShapeDtypeStruct((G, 1), _f32),
)


def kernel(x, edge_index, batch, W1, b1, W2, b2, Wl, bl):
    ei3 = edge_index.reshape(2, NCHUNKS, CHUNK)
    batr = jnp.pad(batch, (0, NPAD - N),
                   constant_values=G + 1).reshape(1, NPAD)

    d0t, d1t = _deg(ei3)
    g1t, dinvt = _mm1(x, W1, d0t, d1t)

    s0t, s1t, _ = _msg(ei3, g1t)
    g2t = _comb1(s0t, s1t, g1t, dinvt, W2, b1.reshape(H, 1))

    q0t, q1t, _ = _msg(ei3, g2t)
    out2d = _comb2(q0t, q1t, g2t, dinvt, b2.reshape(H, 1), batr,
                   Wl, bl.reshape(1, 1))
    return out2d[:, 0]

# --- scband reference (transcript-rebuilt; emitter-appended) ---
"""Pipeline reference for scband-gcn-75677323755551 (READ-ONLY COPY).

The authoritative reference and input builder live on the scoring server;
editing this copy changes nothing except your own understanding.
"""

import jax, jax.numpy as jnp
import numpy as np

N = 10000   # nodes
E = 320000  # edges
D = 128     # input feature dim (stand-in for dataset.num_node_features)
H = 16      # hidden dim
G = 64      # number of graphs in the batch


def setup_inputs(seed: int = 0) -> dict:
    key = jax.random.key(seed)
    ks = jax.random.split(key, 9)
    x = jax.random.normal(ks[0], (N, D), dtype=jnp.float32)
    edge_index = jax.random.randint(ks[1], (2, E), 0, N, dtype=jnp.int32)
    batch = jnp.sort(jax.random.randint(ks[2], (N,), 0, G, dtype=jnp.int32))
    W1 = jax.random.normal(ks[3], (D, H), dtype=jnp.float32) * (1.0 / np.sqrt(D))
    b1 = jnp.zeros((H,), dtype=jnp.float32)
    W2 = jax.random.normal(ks[4], (H, H), dtype=jnp.float32) * (1.0 / np.sqrt(H))
    b2 = jnp.zeros((H,), dtype=jnp.float32)
    Wl = jax.random.normal(ks[5], (H, 1), dtype=jnp.float32) * (1.0 / np.sqrt(H))
    bl = jnp.zeros((1,), dtype=jnp.float32)
    return {"x": x, "edge_index": edge_index, "batch": batch,
            "W1": W1, "b1": b1, "W2": W2, "b2": b2, "Wl": Wl, "bl": bl}


def _gcn_conv(x, src, dst, norm, W, b):
    # GCNConv: x' = D^{-1/2} (A + I) D^{-1/2} (x W) + b
    h = x @ W
    msg = h[src] * norm[:, None]           # gather (memory-bound)
    out = jax.ops.segment_sum(msg, dst, num_segments=N)  # scatter-add
    return out + b


def reference(x, edge_index, batch, W1, b1, W2, b2, Wl, bl):
    src = edge_index[0]
    dst = edge_index[1]
    loop = jnp.arange(N, dtype=src.dtype)
    src_f = jnp.concatenate([src, loop])
    dst_f = jnp.concatenate([dst, loop])
    deg = jax.ops.segment_sum(jnp.ones_like(src_f, dtype=jnp.float32), dst_f, num_segments=N)
    dinv = jax.lax.rsqrt(jnp.maximum(deg, 1.0))
    norm = dinv[src_f] * dinv[dst_f]

    h = _gcn_conv(x, src_f, dst_f, norm, W1, b1)
    h = jax.nn.relu(h)
    h = _gcn_conv(h, src_f, dst_f, norm, W2, b2)
    h = jax.nn.relu(h)

    # global_mean_pool over `batch` segment ids
    counts = jax.ops.segment_sum(jnp.ones((N,), jnp.float32), batch, num_segments=G)
    pooled = jax.ops.segment_sum(h, batch, num_segments=G) / jnp.maximum(counts, 1.0)[:, None]

    out = pooled @ Wl + bl
    out = jax.nn.sigmoid(out)
    return out[:, 0]

if __name__ == "__main__":
    import jax
    _d = setup_inputs()
    print(jax.jit(kernel)(*tuple(_d.values())))

</pallas_src>

<mosaic_0001>
#map = affine_map<(d0, d1) -> (0, 0, 0)>
#map1 = affine_map<(d0, d1) -> (0, 0)>
module attributes {stable_mosaic.version = 14 : i64} {
  func.func @_msg(%arg0: i32, %arg1: i32, %arg2: memref<2x2500x128xi32, #tpu.memory_space<hbm>>, %arg3: memref<16x10240xf32, #tpu.memory_space<hbm>>, %arg4: memref<16x10240xf32, #tpu.memory_space<hbm>>, %arg5: memref<16x10240xf32, #tpu.memory_space<hbm>>, %arg6: memref<10240x16xf32, #tpu.memory_space<hbm>>, %arg7: memref<10240x16xf32, #tpu.memory_space<vmem_shared>>, %arg8: memref<79x128xi32, #tpu.memory_space<vmem>>, %arg9: memref<79x128xi32, #tpu.memory_space<vmem>>, %arg10: memref<16x640xf32, #tpu.memory_space<vmem>>, %arg11: memref<640x16xf32, #tpu.memory_space<vmem>>, %arg12: memref<128x16xf32, #tpu.memory_space<vmem>>, %arg13: memref<128x16xf32, #tpu.memory_space<vmem>>, %arg14: memref<128x16xf32, #tpu.memory_space<vmem>>, %arg15: memref<128x16xf32, #tpu.memory_space<vmem>>, %arg16: memref<!tpu.dma_semaphore, #tpu.memory_space<semaphore_mem>>, %arg17: memref<!tpu.dma_semaphore, #tpu.memory_space<semaphore_mem>>, %arg18: memref<!tpu.dma_semaphore, #tpu.memory_space<semaphore_mem>>, %arg19: memref<!tpu.dma_semaphore, #tpu.memory_space<semaphore_mem>>, %arg20: memref<!tpu.dma_semaphore, #tpu.memory_space<semaphore_mem>>, %arg21: memref<!tpu.dma_semaphore, #tpu.memory_space<semaphore_mem>>, %arg22: memref<!tpu.dma_semaphore, #tpu.memory_space<semaphore_mem>>, %arg23: memref<!tpu.dma_semaphore, #tpu.memory_space<semaphore_mem>>) attributes {dimension_semantics = [#tpu.dimension_semantics<core_parallel>, #tpu.dimension_semantics<subcore_parallel>], iteration_bounds = array<i64: 2, 16>, scalar_prefetch = 0 : i64, scratch_operands = 17 : i64, tpu.core_type = #tpu.core_type<sc_vector_subcore>, window_params = [{transform_indices = #map}, {transform_indices = #map1}, {transform_indices = #map1}, {transform_indices = #map1}, {transform_indices = #map1}]} {
    %mul3A = arith.constant 2 : i32
    %mul3A_0 = arith.muli %arg1, %mul3A : i32
    %add3A = arith.addi %mul3A_0, %arg0 : i32
    %iota3A = tpu.iota {dimensions = array<i32: 0>} : vector<16xi32>
    %mul3A_1 = arith.constant 640 : i32
    %mul3A_2 = arith.muli %arg1, %mul3A_1 : i32
    "tpu.region"() ({
      %run_scoped3A_96 = tpu.sem_alloc : memref<!tpu.dma_semaphore, #tpu.memory_space<semaphore_mem>>
      %dma_start3A_97 = arith.constant 0 : i32
      %dma_start3A_98 = tpu.memref_slice %arg3[%dma_start3A_97, %mul3A_2] : memref<16x10240xf32, #tpu.memory_space<hbm>> -> memref<16x640xf32, #tpu.memory_space<hbm>>
      %dma_start3A_99 = arith.constant 0 : i32
      %dma_start3A_100 = tpu.memref_slice %arg3[%dma_start3A_99, %mul3A_2] : memref<16x10240xf32, #tpu.memory_space<hbm>> -> memref<16x640xf32, #tpu.memory_space<hbm>>
      tpu.enqueue_dma source(%dma_start3A_100 : memref<16x640xf32, #tpu.memory_space<hbm>>) target(%arg10 : memref<16x640xf32, #tpu.memory_space<vmem>>) target_semaphore(%run_scoped3A_96 : memref<!tpu.dma_semaphore, #tpu.memory_space<semaphore_mem>>)
      %dma_wait3A_101 = arith.constant 0 : i32
      %dma_wait3A_102 = tpu.memref_slice %arg3[%dma_wait3A_101, %mul3A_2] : memref<16x10240xf32, #tpu.memory_space<hbm>> -> memref<16x640xf32, #tpu.memory_space<hbm>>
      %dma_wait3A_103 = arith.constant 0 : i32
      %dma_wait3A_104 = tpu.memref_slice %arg3[%dma_wait3A_103, %mul3A_2] : memref<16x10240xf32, #tpu.memory_space<hbm>> -> memref<16x640xf32, #tpu.memory_space<hbm>>
      tpu.wait_dma2 semaphore(%run_scoped3A_96 : memref<!tpu.dma_semaphore, #tpu.memory_space<semaphore_mem>>) src(%dma_wait3A_104 : memref<16x640xf32, #tpu.memory_space<hbm>>) dst(%arg10 : memref<16x640xf32, #tpu.memory_space<vmem>>)
      tpu.yield
    }) : () -> ()
    %parallel_loop3A = arith.constant 0 : i32
    %parallel_loop3A_3 = arith.constant 640 : i32
    %parallel_loop3A_4 = arith.constant 1 : i32
    scf.for %parallel_loop3A_96 = %parallel_loop3A to %parallel_loop3A_3 step %parallel_loop3A_4  : i32 {
      %parallel_loop3A_97 = arith.constant 0 : i32
      %parallel_loop3A_98 = vector.broadcast %parallel_loop3A_97 : i32 to vector<16xi32>
      %parallel_loop3A_99 = arith.muli %iota3A, %parallel_loop3A_98 : vector<16xi32>
      %parallel_loop3A_100 = vector.broadcast %parallel_loop3A_96 : i32 to vector<16xi32>
      %parallel_loop3A_101 = arith.addi %parallel_loop3A_99, %parallel_loop3A_100 : vector<16xi32>
      %parallel_loop3A_102 = tpu.vector_load_idx %arg10[%iota3A, %parallel_loop3A_101] : memref<16x640xf32, #tpu.memory_space<vmem>>[vector<16xi32>, vector<16xi32>], vector<16xf32>,
      %parallel_loop3A_103 = arith.index_cast %parallel_loop3A_96 : i32 to index
      %parallel_loop3A_104 = arith.constant 0 : index
      %parallel_loop3A_105 = tpu.vector_load %arg11[%parallel_loop3A_103, %parallel_loop3A_104] {strides = array<i32>} : memref<640x16xf32, #tpu.memory_space<vmem>>, vector<16xf32>,
      tpu.vector_store %arg11[%parallel_loop3A_103, %parallel_loop3A_104], %parallel_loop3A_102 {strides = array<i32>} : memref<640x16xf32, #tpu.memory_space<vmem>>, vector<16xf32>,
    } {sc.loop_unroll_factor = 16 : i64, sc.parallel_access}
    %mul3A_5 = arith.constant 640 : i32
    %mul3A_6 = arith.muli %arg1, %mul3A_5 : i32
    "tpu.region"() ({
      %run_scoped3A_96 = tpu.sem_alloc : memref<!tpu.dma_semaphore, #tpu.memory_space<semaphore_mem>>
      %dma_start3A_97 = arith.constant 0 : i32
      %dma_start3A_98 = tpu.memref_slice %arg6[%mul3A_6, %dma_start3A_97] : memref<10240x16xf32, #tpu.memory_space<hbm>> -> memref<640x16xf32, #tpu.memory_space<hbm>>
      %dma_start3A_99 = arith.constant 0 : i32
      %dma_start3A_100 = tpu.memref_slice %arg6[%mul3A_6, %dma_start3A_99] : memref<10240x16xf32, #tpu.memory_space<hbm>> -> memref<640x16xf32, #tpu.memory_space<hbm>>
      tpu.enqueue_dma source(%arg11 : memref<640x16xf32, #tpu.memory_space<vmem>>) target(%dma_start3A_100 : memref<640x16xf32, #tpu.memory_space<hbm>>) target_semaphore(%run_scoped3A_96 : memref<!tpu.dma_semaphore, #tpu.memory_space<semaphore_mem>>)
      %dma_wait3A_101 = arith.constant 0 : i32
      %dma_wait3A_102 = tpu.memref_slice %arg6[%mul3A_6, %dma_wait3A_101] : memref<10240x16xf32, #tpu.memory_space<hbm>> -> memref<640x16xf32, #tpu.memory_space<hbm>>
      %dma_wait3A_103 = arith.constant 0 : i32
      %dma_wait3A_104 = tpu.memref_slice %arg6[%mul3A_6, %dma_wait3A_103] : memref<10240x16xf32, #tpu.memory_space<hbm>> -> memref<640x16xf32, #tpu.memory_space<hbm>>
      tpu.wait_dma2 semaphore(%run_scoped3A_96 : memref<!tpu.dma_semaphore, #tpu.memory_space<semaphore_mem>>) src(%arg11 : memref<640x16xf32, #tpu.memory_space<vmem>>) dst(%dma_wait3A_104 : memref<640x16xf32, #tpu.memory_space<hbm>>)
      tpu.yield
    }) : () -> ()
    %parallel_loop3A_7 = arith.constant 0 : i32
    %parallel_loop3A_8 = arith.constant 640 : i32
    %parallel_loop3A_9 = arith.constant 1 : i32
    scf.for %parallel_loop3A_96 = %parallel_loop3A_7 to %parallel_loop3A_8 step %parallel_loop3A_9  : i32 {
      %parallel_loop3A_97 = arith.constant 0.000000e+00 : f32
      %parallel_loop3A_98 = vector.broadcast %parallel_loop3A_97 : f32 to vector<16xf32>
      %parallel_loop3A_99 = arith.index_cast %parallel_loop3A_96 : i32 to index
      %parallel_loop3A_100 = arith.constant 0 : index
      %parallel_loop3A_101 = tpu.vector_load %arg11[%parallel_loop3A_99, %parallel_loop3A_100] {strides = array<i32>} : memref<640x16xf32, #tpu.memory_space<vmem>>, vector<16xf32>,
      tpu.vector_store %arg11[%parallel_loop3A_99, %parallel_loop3A_100], %parallel_loop3A_98 {strides = array<i32>} : memref<640x16xf32, #tpu.memory_space<vmem>>, vector<16xf32>,
    } {sc.loop_unroll_factor = 16 : i64, sc.parallel_access}
    %mul3A_10 = arith.constant 640 : i32
    %mul3A_11 = arith.muli %arg1, %mul3A_10 : i32
    "tpu.region"() ({
      %run_scoped3A_96 = tpu.sem_alloc : memref<!tpu.dma_semaphore, #tpu.memory_space<semaphore_mem>>
      %dma_start3A_97 = arith.constant 0 : i32
      %dma_start3A_98 = tpu.memref_slice %arg7[%mul3A_11, %dma_start3A_97] : memref<10240x16xf32, #tpu.memory_space<vmem_shared>> -> memref<640x16xf32, #tpu.memory_space<vmem_shared>>
      %dma_start3A_99 = arith.constant 0 : i32
      %dma_start3A_100 = tpu.memref_slice %arg7[%mul3A_11, %dma_start3A_99] : memref<10240x16xf32, #tpu.memory_space<vmem_shared>> -> memref<640x16xf32, #tpu.memory_space<vmem_shared>>
      tpu.enqueue_dma source(%arg11 : memref<640x16xf32, #tpu.memory_space<vmem>>) target(%dma_start3A_100 : memref<640x16xf32, #tpu.memory_space<vmem_shared>>) target_semaphore(%run_scoped3A_96 : memref<!tpu.dma_semaphore, #tpu.memory_space<semaphore_mem>>)
      %dma_wait3A_101 = arith.constant 0 : i32
      %dma_wait3A_102 = tpu.memref_slice %arg7[%mul3A_11, %dma_wait3A_101] : memref<10240x16xf32, #tpu.memory_space<vmem_shared>> -> memref<640x16xf32, #tpu.memory_space<vmem_shared>>
      %dma_wait3A_103 = arith.constant 0 : i32
      %dma_wait3A_104 = tpu.memref_slice %arg7[%mul3A_11, %dma_wait3A_103] : memref<10240x16xf32, #tpu.memory_space<vmem_shared>> -> memref<640x16xf32, #tpu.memory_space<vmem_shared>>
      tpu.wait_dma2 semaphore(%run_scoped3A_96 : memref<!tpu.dma_semaphore, #tpu.memory_space<semaphore_mem>>) src(%arg11 : memref<640x16xf32, #tpu.memory_space<vmem>>) dst(%dma_wait3A_104 : memref<640x16xf32, #tpu.memory_space<vmem_shared>>)
      tpu.yield
    }) : () -> ()
    %mul3A_12 = arith.constant 78 : i32
    %mul3A_13 = arith.muli %add3A, %mul3A_12 : i32
    %run_scoped3A = arith.constant 0 : i32
    "tpu.region"() ({
      %run_scoped3A_96 = tpu.sem_alloc : memref<!tpu.dma_semaphore, #tpu.memory_space<semaphore_mem>>
      %dma_start3A_97 = arith.constant 0 : i32
      %dma_start3A_98 = arith.constant 0 : i32
      %dma_start3A_99 = tpu.memref_slice %arg8[%dma_start3A_97, %dma_start3A_98] : memref<79x128xi32, #tpu.memory_space<vmem>> -> memref<78x128xi32, #tpu.memory_space<vmem>>
      %dma_start3A_100 = arith.constant 0 : i32
      %dma_start3A_101 = arith.constant 0 : i32
      %dma_start3A_102 = tpu.memref_slice %arg2[%run_scoped3A, %dma_start3A_100, %dma_start3A_101] : memref<2x2500x128xi32, #tpu.memory_space<hbm>> -> memref<1x2500x128xi32, #tpu.memory_space<hbm>>
      %dma_start3A_103 = tpu.memref_squeeze %dma_start3A_102 : memref<1x2500x128xi32, #tpu.memory_space<hbm>> -> memref<2500x128xi32, #tpu.memory_space<hbm>>
      %dma_start3A_104 = arith.constant 0 : i32
      %dma_start3A_105 = tpu.memref_slice %dma_start3A_103[%mul3A_13, %dma_start3A_104] : memref<2500x128xi32, #tpu.memory_space<hbm>> -> memref<78x128xi32, #tpu.memory_space<hbm>>
      %dma_start3A_106 = arith.constant 0 : i32
      %dma_start3A_107 = arith.constant 0 : i32
      %dma_start3A_108 = tpu.memref_slice %arg8[%dma_start3A_106, %dma_start3A_107] : memref<79x128xi32, #tpu.memory_space<vmem>> -> memref<78x128xi32, #tpu.memory_space<vmem>>
      %dma_start3A_109 = arith.constant 0 : i32
      %dma_start3A_110 = arith.constant 0 : i32
      %dma_start3A_111 = tpu.memref_slice %arg2[%run_scoped3A, %dma_start3A_109, %dma_start3A_110] : memref<2x2500x128xi32, #tpu.memory_space<hbm>> -> memref<1x2500x128xi32, #tpu.memory_space<hbm>>
      %dma_start3A_112 = tpu.memref_squeeze %dma_start3A_111 : memref<1x2500x128xi32, #tpu.memory_space<hbm>> -> memref<2500x128xi32, #tpu.memory_space<hbm>>
      %dma_start3A_113 = arith.constant 0 : i32
      %dma_start3A_114 = tpu.memref_slice %dma_start3A_112[%mul3A_13, %dma_start3A_113] : memref<2500x128xi32, #tpu.memory_space<hbm>> -> memref<78x128xi32, #tpu.memory_space<hbm>>
      tpu.enqueue_dma source(%dma_start3A_114 : memref<78x128xi32, #tpu.memory_space<hbm>>) target(%dma_start3A_108 : memref<78x128xi32, #tpu.memory_space<vmem>>) target_semaphore(%run_scoped3A_96 : memref<!tpu.dma_semaphore, #tpu.memory_space<semaphore_mem>>)
      %dma_wait3A_115 = arith.constant 0 : i32
      %dma_wait3A_116 = arith.constant 0 : i32
      %dma_wait3A_117 = tpu.memref_slice %arg8[%dma_wait3A_115, %dma_wait3A_116] : memref<79x128xi32, #tpu.memory_space<vmem>> -> memref<78x128xi32, #tpu.memory_space<vmem>>
      %dma_wait3A_118 = arith.constant 0 : i32
      %dma_wait3A_119 = arith.constant 0 : i32
      %dma_wait3A_120 = tpu.memref_slice %arg2[%run_scoped3A, %dma_wait3A_118, %dma_wait3A_119] : memref<2x2500x128xi32, #tpu.memory_space<hbm>> -> memref<1x2500x128xi32, #tpu.memory_space<hbm>>
      %dma_wait3A_121 = tpu.memref_squeeze %dma_wait3A_120 : memref<1x2500x128xi32, #tpu.memory_space<hbm>> -> memref<2500x128xi32, #tpu.memory_space<hbm>>
      %dma_wait3A_122 = arith.constant 0 : i32
      %dma_wait3A_123 = tpu.memref_slice %dma_wait3A_121[%mul3A_13, %dma_wait3A_122] : memref<2500x128xi32, #tpu.memory_space<hbm>> -> memref<78x128xi32, #tpu.memory_space<hbm>>
      %dma_wait3A_124 = arith.constant 0 : i32
      %dma_wait3A_125 = arith.constant 0 : i32
      %dma_wait3A_126 = tpu.memref_slice %arg8[%dma_wait3A_124, %dma_wait3A_125] : memref<79x128xi32, #tpu.memory_space<vmem>> -> memref<78x128xi32, #tpu.memory_space<vmem>>
      %dma_wait3A_127 = arith.constant 0 : i32
      %dma_wait3A_128 = arith.constant 0 : i32
      %dma_wait3A_129 = tpu.memref_slice %arg2[%run_scoped3A, %dma_wait3A_127, %dma_wait3A_128] : memref<2x2500x128xi32, #tpu.memory_space<hbm>> -> memref<1x2500x128xi32, #tpu.memory_space<hbm>>
      %dma_wait3A_130 = tpu.memref_squeeze %dma_wait3A_129 : memref<1x2500x128xi32, #tpu.memory_space<hbm>> -> memref<2500x128xi32, #tpu.memory_space<hbm>>
      %dma_wait3A_131 = arith.constant 0 : i32
      %dma_wait3A_132 = tpu.memref_slice %dma_wait3A_130[%mul3A_13, %dma_wait3A_131] : memref<2500x128xi32, #tpu.memory_space<hbm>> -> memref<78x128xi32, #tpu.memory_space<hbm>>
      tpu.wait_dma2 semaphore(%run_scoped3A_96 : memref<!tpu.dma_semaphore, #tpu.memory_space<semaphore_mem>>) src(%dma_wait3A_132 : memref<78x128xi32, #tpu.memory_space<hbm>>) dst(%dma_wait3A_126 : memref<78x128xi32, #tpu.memory_space<vmem>>)
      tpu.yield
    }) : () -> ()
    %mul3A_14 = arith.constant 78 : i32
    %mul3A_15 = arith.muli %add3A, %mul3A_14 : i32
    %run_scoped3A_16 = arith.constant 1 : i32
    "tpu.region"() ({
      %run_scoped3A_96 = tpu.sem_alloc : memref<!tpu.dma_semaphore, #tpu.memory_space<semaphore_mem>>
      %dma_start3A_97 = arith.constant 0 : i32
      %dma_start3A_98 = arith.constant 0 : i32
      %dma_start3A_99 = tpu.memref_slice %arg9[%dma_start3A_97, %dma_start3A_98] : memref<79x128xi32, #tpu.memory_space<vmem>> -> memref<78x128xi32, #tpu.memory_space<vmem>>
      %dma_start3A_100 = arith.constant 0 : i32
      %dma_start3A_101 = arith.constant 0 : i32
      %dma_start3A_102 = tpu.memref_slice %arg2[%run_scoped3A_16, %dma_start3A_100, %dma_start3A_101] : memref<2x2500x128xi32, #tpu.memory_space<hbm>> -> memref<1x2500x128xi32, #tpu.memory_space<hbm>>
      %dma_start3A_103 = tpu.memref_squeeze %dma_start3A_102 : memref<1x2500x128xi32, #tpu.memory_space<hbm>> -> memref<2500x128xi32, #tpu.memory_space<hbm>>
      %dma_start3A_104 = arith.constant 0 : i32
      %dma_start3A_105 = tpu.memref_slice %dma_start3A_103[%mul3A_15, %dma_start3A_104] : memref<2500x128xi32, #tpu.memory_space<hbm>> -> memref<78x128xi32, #tpu.memory_space<hbm>>
      %dma_start3A_106 = arith.constant 0 : i32
      %dma_start3A_107 = arith.constant 0 : i32
      %dma_start3A_108 = tpu.memref_slice %arg9[%dma_start3A_106, %dma_start3A_107] : memref<79x128xi32, #tpu.memory_space<vmem>> -> memref<78x128xi32, #tpu.memory_space<vmem>>
      %dma_start3A_109 = arith.constant 0 : i32
      %dma_start3A_110 = arith.constant 0 : i32
      %dma_start3A_111 = tpu.memref_slice %arg2[%run_scoped3A_16, %dma_start3A_109, %dma_start3A_110] : memref<2x2500x128xi32, #tpu.memory_space<hbm>> -> memref<1x2500x128xi32, #tpu.memory_space<hbm>>
      %dma_start3A_112 = tpu.memref_squeeze %dma_start3A_111 : memref<1x2500x128xi32, #tpu.memory_space<hbm>> -> memref<2500x128xi32, #tpu.memory_space<hbm>>
      %dma_start3A_113 = arith.constant 0 : i32
      %dma_start3A_114 = tpu.memref_slice %dma_start3A_112[%mul3A_15, %dma_start3A_113] : memref<2500x128xi32, #tpu.memory_space<hbm>> -> memref<78x128xi32, #tpu.memory_space<hbm>>
      tpu.enqueue_dma source(%dma_start3A_114 : memref<78x128xi32, #tpu.memory_space<hbm>>) target(%dma_start3A_108 : memref<78x128xi32, #tpu.memory_space<vmem>>) target_semaphore(%run_scoped3A_96 : memref<!tpu.dma_semaphore, #tpu.memory_space<semaphore_mem>>)
      %dma_wait3A_115 = arith.constant 0 : i32
      %dma_wait3A_116 = arith.constant 0 : i32
      %dma_wait3A_117 = tpu.memref_slice %arg9[%dma_wait3A_115, %dma_wait3A_116] : memref<79x128xi32, #tpu.memory_space<vmem>> -> memref<78x128xi32, #tpu.memory_space<vmem>>
      %dma_wait3A_118 = arith.constant 0 : i32
      %dma_wait3A_119 = arith.constant 0 : i32
      %dma_wait3A_120 = tpu.memref_slice %arg2[%run_scoped3A_16, %dma_wait3A_118, %dma_wait3A_119] : memref<2x2500x128xi32, #tpu.memory_space<hbm>> -> memref<1x2500x128xi32, #tpu.memory_space<hbm>>
      %dma_wait3A_121 = tpu.memref_squeeze %dma_wait3A_120 : memref<1x2500x128xi32, #tpu.memory_space<hbm>> -> memref<2500x128xi32, #tpu.memory_space<hbm>>
      %dma_wait3A_122 = arith.constant 0 : i32
      %dma_wait3A_123 = tpu.memref_slice %dma_wait3A_121[%mul3A_15, %dma_wait3A_122] : memref<2500x128xi32, #tpu.memory_space<hbm>> -> memref<78x128xi32, #tpu.memory_space<hbm>>
      %dma_wait3A_124 = arith.constant 0 : i32
      %dma_wait3A_125 = arith.constant 0 : i32
      %dma_wait3A_126 = tpu.memref_slice %arg9[%dma_wait3A_124, %dma_wait3A_125] : memref<79x128xi32, #tpu.memory_space<vmem>> -> memref<78x128xi32, #tpu.memory_space<vmem>>
      %dma_wait3A_127 = arith.constant 0 : i32
      %dma_wait3A_128 = arith.constant 0 : i32
      %dma_wait3A_129 = tpu.memref_slice %arg2[%run_scoped3A_16, %dma_wait3A_127, %dma_wait3A_128] : memref<2x2500x128xi32, #tpu.memory_space<hbm>> -> memref<1x2500x128xi32, #tpu.memory_space<hbm>>
      %dma_wait3A_130 = tpu.memref_squeeze %dma_wait3A_129 : memref<1x2500x128xi32, #tpu.memory_space<hbm>> -> memref<2500x128xi32, #tpu.memory_space<hbm>>
      %dma_wait3A_131 = arith.constant 0 : i32
      %dma_wait3A_132 = tpu.memref_slice %dma_wait3A_130[%mul3A_15, %dma_wait3A_131] : memref<2500x128xi32, #tpu.memory_space<hbm>> -> memref<78x128xi32, #tpu.memory_space<hbm>>
      tpu.wait_dma2 semaphore(%run_scoped3A_96 : memref<!tpu.dma_semaphore, #tpu.memory_space<semaphore_mem>>) src(%dma_wait3A_132 : memref<78x128xi32, #tpu.memory_space<hbm>>) dst(%dma_wait3A_126 : memref<78x128xi32, #tpu.memory_space<vmem>>)
      tpu.yield
    }) : () -> ()
    %lt3A = arith.constant 4 : i32
    %lt3A_17 = arith.cmpi slt, %add3A, %lt3A : i32
    %convert_element_type3A = arith.extui %lt3A_17 : i1 to i32
    %cond3A = arith.constant 0 : i32
    %cond3A_18 = arith.cmpi ne, %convert_element_type3A, %cond3A : i32
    scf.if %cond3A_18 {
      %add3A_96 = arith.constant 2496 : i32
      %add3A_97 = arith.addi %add3A_96, %add3A : i32
      %run_scoped3A_98 = arith.constant 0 : i32
      %run_scoped3A_99 = arith.constant 78 : i32
      "tpu.region"() ({
        %run_scoped3A_104 = tpu.sem_alloc : memref<!tpu.dma_semaphore, #tpu.memory_space<semaphore_mem>>
        %dma_start3A_105 = arith.constant 0 : i32
        %dma_start3A_106 = tpu.memref_slice %arg8[%run_scoped3A_99, %dma_start3A_105] : memref<79x128xi32, #tpu.memory_space<vmem>> -> memref<1x128xi32, #tpu.memory_space<vmem>>
        %dma_start3A_107 = tpu.memref_squeeze %dma_start3A_106 : memref<1x128xi32, #tpu.memory_space<vmem>> -> memref<128xi32, #tpu.memory_space<vmem>>
        %dma_start3A_108 = arith.constant 0 : i32
        %dma_start3A_109 = arith.constant 0 : i32
        %dma_start3A_110 = tpu.memref_slice %arg2[%run_scoped3A_98, %dma_start3A_108, %dma_start3A_109] : memref<2x2500x128xi32, #tpu.memory_space<hbm>> -> memref<1x2500x128xi32, #tpu.memory_space<hbm>>
        %dma_start3A_111 = tpu.memref_squeeze %dma_start3A_110 : memref<1x2500x128xi32, #tpu.memory_space<hbm>> -> memref<2500x128xi32, #tpu.memory_space<hbm>>
        %dma_start3A_112 = arith.constant 0 : i32
        %dma_start3A_113 = tpu.memref_slice %dma_start3A_111[%add3A_97, %dma_start3A_112] : memref<2500x128xi32, #tpu.memory_space<hbm>> -> memref<1x128xi32, #tpu.memory_space<hbm>>
        %dma_start3A_114 = tpu.memref_squeeze %dma_start3A_113 : memref<1x128xi32, #tpu.memory_space<hbm>> -> memref<128xi32, #tpu.memory_space<hbm>>
        %dma_start3A_115 = arith.constant 0 : i32
        %dma_start3A_116 = tpu.memref_slice %arg8[%run_scoped3A_99, %dma_start3A_115] : memref<79x128xi32, #tpu.memory_space<vmem>> -> memref<1x128xi32, #tpu.memory_space<vmem>>
        %dma_start3A_117 = tpu.memref_squeeze %dma_start3A_116 : memref<1x128xi32, #tpu.memory_space<vmem>> -> memref<128xi32, #tpu.memory_space<vmem>>
        %dma_start3A_118 = arith.constant 0 : i32
        %dma_start3A_119 = arith.constant 0 : i32
        %dma_start3A_120 = tpu.memref_slice %arg2[%run_scoped3A_98, %dma_start3A_118, %dma_start3A_119] : memref<2x2500x128xi32, #tpu.memory_space<hbm>> -> memref<1x2500x128xi32, #tpu.memory_space<hbm>>
        %dma_start3A_121 = tpu.memref_squeeze %dma_start3A_120 : memref<1x2500x128xi32, #tpu.memory_space<hbm>> -> memref<2500x128xi32, #tpu.memory_space<hbm>>
        %dma_start3A_122 = arith.constant 0 : i32
        %dma_start3A_123 = tpu.memref_slice %dma_start3A_121[%add3A_97, %dma_start3A_122] : memref<2500x128xi32, #tpu.memory_space<hbm>> -> memref<1x128xi32, #tpu.memory_space<hbm>>
        %dma_start3A_124 = tpu.memref_squeeze %dma_start3A_123 : memref<1x128xi32, #tpu.memory_space<hbm>> -> memref<128xi32, #tpu.memory_space<hbm>>
        tpu.enqueue_dma source(%dma_start3A_124 : memref<128xi32, #tpu.memory_space<hbm>>) target(%dma_start3A_117 : memref<128xi32, #tpu.memory_space<vmem>>) target_semaphore(%run_scoped3A_104 : memref<!tpu.dma_semaphore, #tpu.memory_space<semaphore_mem>>)
        %dma_wait3A_125 = arith.constant 0 : i32
        %dma_wait3A_126 = tpu.memref_slice %arg8[%run_scoped3A_99, %dma_wait3A_125] : memref<79x128xi32, #tpu.memory_space<vmem>> -> memref<1x128xi32, #tpu.memory_space<vmem>>
        %dma_wait3A_127 = tpu.memref_squeeze %dma_wait3A_126 : memref<1x128xi32, #tpu.memory_space<vmem>> -> memref<128xi32, #tpu.memory_space<vmem>>
        %dma_wait3A_128 = arith.constant 0 : i32
        %dma_wait3A_129 = arith.constant 0 : i32
        %dma_wait3A_130 = tpu.memref_slice %arg2[%run_scoped3A_98, %dma_wait3A_128, %dma_wait3A_129] : memref<2x2500x128xi32, #tpu.memory_space<hbm>> -> memref<1x2500x128xi32, #tpu.memory_space<hbm>>
        %dma_wait3A_131 = tpu.memref_squeeze %dma_wait3A_130 : memref<1x2500x128xi32, #tpu.memory_space<hbm>> -> memref<2500x128xi32, #tpu.memory_space<hbm>>
        %dma_wait3A_132 = arith.constant 0 : i32
        %dma_wait3A_133 = tpu.memref_slice %dma_wait3A_131[%add3A_97, %dma_wait3A_132] : memref<2500x128xi32, #tpu.memory_space<hbm>> -> memref<1x128xi32, #tpu.memory_space<hbm>>
        %dma_wait3A_134 = tpu.memref_squeeze %dma_wait3A_133 : memref<1x128xi32, #tpu.memory_space<hbm>> -> memref<128xi32, #tpu.memory_space<hbm>>
        %dma_wait3A_135 = arith.constant 0 : i32
        %dma_wait3A_136 = tpu.memref_slice %arg8[%run_scoped3A_99, %dma_wait3A_135] : memref<79x128xi32, #tpu.memory_space<vmem>> -> memref<1x128xi32, #tpu.memory_space<vmem>>
        %dma_wait3A_137 = tpu.memref_squeeze %dma_wait3A_136 : memref<1x128xi32, #tpu.memory_space<vmem>> -> memref<128xi32, #tpu.memory_space<vmem>>
        %dma_wait3A_138 = arith.constant 0 : i32
        %dma_wait3A_139 = arith.constant 0 : i32
        %dma_wait3A_140 = tpu.memref_slice %arg2[%run_scoped3A_98, %dma_wait3A_138, %dma_wait3A_139] : memref<2x2500x128xi32, #tpu.memory_space<hbm>> -> memref<1x2500x128xi32, #tpu.memory_space<hbm>>
        %dma_wait3A_141 = tpu.memref_squeeze %dma_wait3A_140 : memref<1x2500x128xi32, #tpu.memory_space<hbm>> -> memref<2500x128xi32, #tpu.memory_space<hbm>>
        %dma_wait3A_142 = arith.constant 0 : i32
        %dma_wait3A_143 = tpu.memref_slice %dma_wait3A_141[%add3A_97, %dma_wait3A_142] : memref<2500x128xi32, #tpu.memory_space<hbm>> -> memref<1x128xi32, #tpu.memory_space<hbm>>
        %dma_wait3A_144 = tpu.memref_squeeze %dma_wait3A_143 : memref<1x128xi32, #tpu.memory_space<hbm>> -> memref<128xi32, #tpu.memory_space<hbm>>
        tpu.wait_dma2 semaphore(%run_scoped3A_104 : memref<!tpu.dma_semaphore, #tpu.memory_space<semaphore_mem>>) src(%dma_wait3A_144 : memref<128xi32, #tpu.memory_space<hbm>>) dst(%dma_wait3A_137 : memref<128xi32, #tpu.memory_space<vmem>>)
        tpu.yield
      }) : () -> ()
      %add3A_100 = arith.constant 2496 : i32
      %add3A_101 = arith.addi %add3A_100, %add3A : i32
      %run_scoped3A_102 = arith.constant 1 : i32
      %run_scoped3A_103 = arith.constant 78 : i32
      "tpu.region"() ({
        %run_scoped3A_104 = tpu.sem_alloc : memref<!tpu.dma_semaphore, #tpu.memory_space<semaphore_mem>>
        %dma_start3A_105 = arith.constant 0 : i32
        %dma_start3A_106 = tpu.memref_slice %arg9[%run_scoped3A_103, %dma_start3A_105] : memref<79x128xi32, #tpu.memory_space<vmem>> -> memref<1x128xi32, #tpu.memory_space<vmem>>
        %dma_start3A_107 = tpu.memref_squeeze %dma_start3A_106 : memref<1x128xi32, #tpu.memory_space<vmem>> -> memref<128xi32, #tpu.memory_space<vmem>>
        %dma_start3A_108 = arith.constant 0 : i32
        %dma_start3A_109 = arith.constant 0 : i32
        %dma_start3A_110 = tpu.memref_slice %arg2[%run_scoped3A_102, %dma_start3A_108, %dma_start3A_109] : memref<2x2500x128xi32, #tpu.memory_space<hbm>> -> memref<1x2500x128xi32, #tpu.memory_space<hbm>>
        %dma_start3A_111 = tpu.memref_squeeze %dma_start3A_110 : memref<1x2500x128xi32, #tpu.memory_space<hbm>> -> memref<2500x128xi32, #tpu.memory_space<hbm>>
        %dma_start3A_112 = arith.constant 0 : i32
        %dma_start3A_113 = tpu.memref_slice %dma_start3A_111[%add3A_101, %dma_start3A_112] : memref<2500x128xi32, #tpu.memory_space<hbm>> -> memref<1x128xi32, #tpu.memory_space<hbm>>
        %dma_start3A_114 = tpu.memref_squeeze %dma_start3A_113 : memref<1x128xi32, #tpu.memory_space<hbm>> -> memref<128xi32, #tpu.memory_space<hbm>>
        %dma_start3A_115 = arith.constant 0 : i32
        %dma_start3A_116 = tpu.memref_slice %arg9[%run_scoped3A_103, %dma_start3A_115] : memref<79x128xi32, #tpu.memory_space<vmem>> -> memref<1x128xi32, #tpu.memory_space<vmem>>
        %dma_start3A_117 = tpu.memref_squeeze %dma_start3A_116 : memref<1x128xi32, #tpu.memory_space<vmem>> -> memref<128xi32, #tpu.memory_space<vmem>>
        %dma_start3A_118 = arith.constant 0 : i32
        %dma_start3A_119 = arith.constant 0 : i32
        %dma_start3A_120 = tpu.memref_slice %arg2[%run_scoped3A_102, %dma_start3A_118, %dma_start3A_119] : memref<2x2500x128xi32, #tpu.memory_space<hbm>> -> memref<1x2500x128xi32, #tpu.memory_space<hbm>>
        %dma_start3A_121 = tpu.memref_squeeze %dma_start3A_120 : memref<1x2500x128xi32, #tpu.memory_space<hbm>> -> memref<2500x128xi32, #tpu.memory_space<hbm>>
        %dma_start3A_122 = arith.constant 0 : i32
        %dma_start3A_123 = tpu.memref_slice %dma_start3A_121[%add3A_101, %dma_start3A_122] : memref<2500x128xi32, #tpu.memory_space<hbm>> -> memref<1x128xi32, #tpu.memory_space<hbm>>
        %dma_start3A_124 = tpu.memref_squeeze %dma_start3A_123 : memref<1x128xi32, #tpu.memory_space<hbm>> -> memref<128xi32, #tpu.memory_space<hbm>>
        tpu.enqueue_dma source(%dma_start3A_124 : memref<128xi32, #tpu.memory_space<hbm>>) target(%dma_start3A_117 : memref<128xi32, #tpu.memory_space<vmem>>) target_semaphore(%run_scoped3A_104 : memref<!tpu.dma_semaphore, #tpu.memory_space<semaphore_mem>>)
        %dma_wait3A_125 = arith.constant 0 : i32
        %dma_wait3A_126 = tpu.memref_slice %arg9[%run_scoped3A_103, %dma_wait3A_125] : memref<79x128xi32, #tpu.memory_space<vmem>> -> memref<1x128xi32, #tpu.memory_space<vmem>>
        %dma_wait3A_127 = tpu.memref_squeeze %dma_wait3A_126 : memref<1x128xi32, #tpu.memory_space<vmem>> -> memref<128xi32, #tpu.memory_space<vmem>>
        %dma_wait3A_128 = arith.constant 0 : i32
        %dma_wait3A_129 = arith.constant 0 : i32
        %dma_wait3A_130 = tpu.memref_slice %arg2[%run_scoped3A_102, %dma_wait3A_128, %dma_wait3A_129] : memref<2x2500x128xi32, #tpu.memory_space<hbm>> -> memref<1x2500x128xi32, #tpu.memory_space<hbm>>
        %dma_wait3A_131 = tpu.memref_squeeze %dma_wait3A_130 : memref<1x2500x128xi32, #tpu.memory_space<hbm>> -> memref<2500x128xi32, #tpu.memory_space<hbm>>
        %dma_wait3A_132 = arith.constant 0 : i32
        %dma_wait3A_133 = tpu.memref_slice %dma_wait3A_131[%add3A_101, %dma_wait3A_132] : memref<2500x128xi32, #tpu.memory_space<hbm>> -> memref<1x128xi32, #tpu.memory_space<hbm>>
        %dma_wait3A_134 = tpu.memref_squeeze %dma_wait3A_133 : memref<1x128xi32, #tpu.memory_space<hbm>> -> memref<128xi32, #tpu.memory_space<hbm>>
        %dma_wait3A_135 = arith.constant 0 : i32
        %dma_wait3A_136 = tpu.memref_slice %arg9[%run_scoped3A_103, %dma_wait3A_135] : memref<79x128xi32, #tpu.memory_space<vmem>> -> memref<1x128xi32, #tpu.memory_space<vmem>>
        %dma_wait3A_137 = tpu.memref_squeeze %dma_wait3A_136 : memref<1x128xi32, #tpu.memory_space<vmem>> -> memref<128xi32, #tpu.memory_space<vmem>>
        %dma_wait3A_138 = arith.constant 0 : i32
        %dma_wait3A_139 = arith.constant 0 : i32
        %dma_wait3A_140 = tpu.memref_slice %arg2[%run_scoped3A_102, %dma_wait3A_138, %dma_wait3A_139] : memref<2x2500x128xi32, #tpu.memory_space<hbm>> -> memref<1x2500x128xi32, #tpu.memory_space<hbm>>
        %dma_wait3A_141 = tpu.memref_squeeze %dma_wait3A_140 : memref<1x2500x128xi32, #tpu.memory_space<hbm>> -> memref<2500x128xi32, #tpu.memory_space<hbm>>
        %dma_wait3A_142 = arith.constant 0 : i32
        %dma_wait3A_143 = tpu.memref_slice %dma_wait3A_141[%add3A_101, %dma_wait3A_142] : memref<2500x128xi32, #tpu.memory_space<hbm>> -> memref<1x128xi32, #tpu.memory_space<hbm>>
        %dma_wait3A_144 = tpu.memref_squeeze %dma_wait3A_143 : memref<1x128xi32, #tpu.memory_space<hbm>> -> memref<128xi32, #tpu.memory_space<hbm>>
        tpu.wait_dma2 semaphore(%run_scoped3A_104 : memref<!tpu.dma_semaphore, #tpu.memory_space<semaphore_mem>>) src(%dma_wait3A_144 : memref<128xi32, #tpu.memory_space<hbm>>) dst(%dma_wait3A_137 : memref<128xi32, #tpu.memory_space<vmem>>)
        tpu.yield
      }) : () -> ()
    } else {
    }
    %lt3A_19 = arith.constant 4 : i32
    %lt3A_20 = arith.cmpi slt, %add3A, %lt3A_19 : i32
    %jit3A = arith.constant 79 : i32
    %jit3A_21 = arith.constant 78 : i32
    %select_n3A = arith.select %lt3A_20, %jit3A, %jit3A_21 : i32
    %barrier3A = arith.constant 0 : index
    tpu.barrier barrier_id(%barrier3A)
    %dma_start3A = arith.constant 0 : i32
    %dma_start3A_22 = arith.constant 0 : i32
    %dma_start3A_23 = tpu.memref_slice %arg8[%dma_start3A, %dma_start3A_22] : memref<79x128xi32, #tpu.memory_space<vmem>> -> memref<1x128xi32, #tpu.memory_space<vmem>>
    %dma_start3A_24 = tpu.memref_squeeze %dma_start3A_23 : memref<1x128xi32, #tpu.memory_space<vmem>> -> memref<128xi32, #tpu.memory_space<vmem>>
    %dma_start3A_25 = arith.constant 0 : i32
    %dma_start3A_26 = arith.constant 0 : i32
    %dma_start3A_27 = tpu.memref_slice %arg6[%dma_start3A_25, %dma_start3A_26] : memref<10240x16xf32, #tpu.memory_space<hbm>> -> memref<10240x16xf32, #tpu.memory_space<hbm>>
    tpu.enqueue_indirect_dma source(%dma_start3A_27 : memref<10240x16xf32, #tpu.memory_space<hbm>>) target(%arg12 : memref<128x16xf32, #tpu.memory_space<vmem>>) offsets(%dma_start3A_24 : memref<128xi32, #tpu.memory_space<vmem>>) semaphore(%arg16 : memref<!tpu.dma_semaphore, #tpu.memory_space<semaphore_mem>>)
    %dma_start3A_28 = arith.constant 1 : i32
    %dma_start3A_29 = arith.constant 0 : i32
    %dma_start3A_30 = tpu.memref_slice %arg8[%dma_start3A_28, %dma_start3A_29] : memref<79x128xi32, #tpu.memory_space<vmem>> -> memref<1x128xi32, #tpu.memory_space<vmem>>
    %dma_start3A_31 = tpu.memref_squeeze %dma_start3A_30 : memref<1x128xi32, #tpu.memory_space<vmem>> -> memref<128xi32, #tpu.memory_space<vmem>>
    %dma_start3A_32 = arith.constant 0 : i32
    %dma_start3A_33 = arith.constant 0 : i32
    %dma_start3A_34 = tpu.memref_slice %arg6[%dma_start3A_32, %dma_start3A_33] : memref<10240x16xf32, #tpu.memory_space<hbm>> -> memref<10240x16xf32, #tpu.memory_space<hbm>>
    tpu.enqueue_indirect_dma source(%dma_start3A_34 : memref<10240x16xf32, #tpu.memory_space<hbm>>) target(%arg13 : memref<128x16xf32, #tpu.memory_space<vmem>>) offsets(%dma_start3A_31 : memref<128xi32, #tpu.memory_space<vmem>>) semaphore(%arg17 : memref<!tpu.dma_semaphore, #tpu.memory_space<semaphore_mem>>)
    %dma_start3A_35 = arith.constant 2 : i32
    %dma_start3A_36 = arith.constant 0 : i32
    %dma_start3A_37 = tpu.memref_slice %arg8[%dma_start3A_35, %dma_start3A_36] : memref<79x128xi32, #tpu.memory_space<vmem>> -> memref<1x128xi32, #tpu.memory_space<vmem>>
    %dma_start3A_38 = tpu.memref_squeeze %dma_start3A_37 : memref<1x128xi32, #tpu.memory_space<vmem>> -> memref<128xi32, #tpu.memory_space<vmem>>
    %dma_start3A_39 = arith.constant 0 : i32
    %dma_start3A_40 = arith.constant 0 : i32
    %dma_start3A_41 = tpu.memref_slice %arg6[%dma_start3A_39, %dma_start3A_40] : memref<10240x16xf32, #tpu.memory_space<hbm>> -> memref<10240x16xf32, #tpu.memory_space<hbm>>
    tpu.enqueue_indirect_dma source(%dma_start3A_41 : memref<10240x16xf32, #tpu.memory_space<hbm>>) target(%arg14 : memref<128x16xf32, #tpu.memory_space<vmem>>) offsets(%dma_start3A_38 : memref<128xi32, #tpu.memory_space<vmem>>) semaphore(%arg18 : memref<!tpu.dma_semaphore, #tpu.memory_space<semaphore_mem>>)
    %dma_start3A_42 = arith.constant 3 : i32
    %dma_start3A_43 = arith.constant 0 : i32
    %dma_start3A_44 = tpu.memref_slice %arg8[%dma_start3A_42, %dma_start3A_43] : memref<79x128xi32, #tpu.memory_space<vmem>> -> memref<1x128xi32, #tpu.memory_space<vmem>>
    %dma_start3A_45 = tpu.memref_squeeze %dma_start3A_44 : memref<1x128xi32, #tpu.memory_space<vmem>> -> memref<128xi32, #tpu.memory_space<vmem>>
    %dma_start3A_46 = arith.constant 0 : i32
    %dma_start3A_47 = arith.constant 0 : i32
    %dma_start3A_48 = tpu.memref_slice %arg6[%dma_start3A_46, %dma_start3A_47] : memref<10240x16xf32, #tpu.memory_space<hbm>> -> memref<10240x16xf32, #tpu.memory_space<hbm>>
    tpu.enqueue_indirect_dma source(%dma_start3A_48 : memref<10240x16xf32, #tpu.memory_space<hbm>>) target(%arg15 : memref<128x16xf32, #tpu.memory_space<vmem>>) offsets(%dma_start3A_45 : memref<128xi32, #tpu.memory_space<vmem>>) semaphore(%arg19 : memref<!tpu.dma_semaphore, #tpu.memory_space<semaphore_mem>>)
    %scan3A = arith.constant 0 : i32
    %scan3A_49 = arith.constant 0 : i32
    %scan3A_50 = arith.constant 20 : i32
    %scan3A_51 = arith.addi %scan3A_49, %scan3A_50 : i32
    %scan3A_52 = arith.constant 1 : i32
    scf.for %scan3A_96 = %scan3A_49 to %scan3A_51 step %scan3A_52  : i32 {
      %mul3A_97 = arith.constant 4 : i32
      %mul3A_98 = arith.muli %scan3A_96, %mul3A_97 : i32
      %add3A_99 = arith.constant 0 : i32
      %add3A_100 = arith.addi %mul3A_98, %add3A_99 : i32
      %lt3A_101 = arith.cmpi slt, %add3A_100, %select_n3A : i32
      %convert_element_type3A_102 = arith.extui %lt3A_101 : i1 to i32
      %cond3A_103 = arith.constant 0 : i32
      %cond3A_104 = arith.cmpi ne, %convert_element_type3A_102, %cond3A_103 : i32
      scf.if %cond3A_104 {
        %dma_wait3A_129 = arith.constant 0 : i32
        %dma_wait3A_130 = arith.constant 0 : i32
        %dma_wait3A_131 = tpu.memref_slice %arg8[%dma_wait3A_129, %dma_wait3A_130] : memref<79x128xi32, #tpu.memory_space<vmem>> -> memref<1x128xi32, #tpu.memory_space<vmem>>
        %dma_wait3A_132 = tpu.memref_squeeze %dma_wait3A_131 : memref<1x128xi32, #tpu.memory_space<vmem>> -> memref<128xi32, #tpu.memory_space<vmem>>
        %dma_wait3A_133 = arith.constant 0 : i32
        %dma_wait3A_134 = arith.constant 0 : i32
        %dma_wait3A_135 = tpu.memref_slice %arg6[%dma_wait3A_133, %dma_wait3A_134] : memref<10240x16xf32, #tpu.memory_space<hbm>> -> memref<10240x16xf32, #tpu.memory_space<hbm>>
        tpu.wait_indirect_dma semaphore(%arg16 : memref<!tpu.dma_semaphore, #tpu.memory_space<semaphore_mem>>) src(%dma_wait3A_135 : memref<10240x16xf32, #tpu.memory_space<hbm>>) dst(%arg12 : memref<128x16xf32, #tpu.memory_space<vmem>>)
        %dma_start3A_136 = arith.constant 0 : i32
        %dma_start3A_137 = tpu.memref_slice %arg9[%add3A_100, %dma_start3A_136] : memref<79x128xi32, #tpu.memory_space<vmem>> -> memref<1x128xi32, #tpu.memory_space<vmem>>
        %dma_start3A_138 = tpu.memref_squeeze %dma_start3A_137 : memref<1x128xi32, #tpu.memory_space<vmem>> -> memref<128xi32, #tpu.memory_space<vmem>>
        %dma_start3A_139 = arith.constant 0 : i32
        %dma_start3A_140 = arith.constant 0 : i32
        %dma_start3A_141 = tpu.memref_slice %arg7[%dma_start3A_139, %dma_start3A_140] : memref<10240x16xf32, #tpu.memory_space<vmem_shared>> -> memref<10240x16xf32, #tpu.memory_space<vmem_shared>>
        tpu.enqueue_indirect_dma source(%arg12 : memref<128x16xf32, #tpu.memory_space<vmem>>) target(%dma_start3A_141 : memref<10240x16xf32, #tpu.memory_space<vmem_shared>>) offsets(%dma_start3A_138 : memref<128xi32, #tpu.memory_space<vmem>>) semaphore(%arg20 : memref<!tpu.dma_semaphore, #tpu.memory_space<semaphore_mem>>) {add = true}
        %add3A_142 = arith.constant 4 : i32
        %add3A_143 = arith.addi %add3A_100, %add3A_142 : i32
        %lt3A_144 = arith.cmpi slt, %add3A_143, %select_n3A : i32
        %convert_element_type3A_145 = arith.extui %lt3A_144 : i1 to i32
        %cond3A_146 = arith.constant 0 : i32
        %cond3A_147 = arith.cmpi ne, %convert_element_type3A_145, %cond3A_146 : i32
        scf.if %cond3A_147 {
          %dma_wait3A_148 = arith.constant 0 : i32
          %dma_wait3A_149 = arith.constant 0 : i32
          %dma_wait3A_150 = tpu.memref_slice %arg9[%dma_wait3A_148, %dma_wait3A_149] : memref<79x128xi32, #tpu.memory_space<vmem>> -> memref<1x128xi32, #tpu.memory_space<vmem>>
          %dma_wait3A_151 = tpu.memref_squeeze %dma_wait3A_150 : memref<1x128xi32, #tpu.memory_space<vmem>> -> memref<128xi32, #tpu.memory_space<vmem>>
          %dma_wait3A_152 = arith.constant 0 : i32
          %dma_wait3A_153 = arith.constant 0 : i32
          %dma_wait3A_154 = tpu.memref_slice %arg7[%dma_wait3A_152, %dma_wait3A_153] : memref<10240x16xf32, #tpu.memory_space<vmem_shared>> -> memref<10240x16xf32, #tpu.memory_space<vmem_shared>>
          tpu.wait_indirect_dma semaphore(%arg20 : memref<!tpu.dma_semaphore, #tpu.memory_space<semaphore_mem>>) src(%arg12 : memref<128x16xf32, #tpu.memory_space<vmem>>) dst(%dma_wait3A_154 : memref<10240x16xf32, #tpu.memory_space<vmem_shared>>)
          %dma_start3A_155 = arith.constant 0 : i32
          %dma_start3A_156 = tpu.memref_slice %arg8[%add3A_143, %dma_start3A_155] : memref<79x128xi32, #tpu.memory_space<vmem>> -> memref<1x128xi32, #tpu.memory_space<vmem>>
          %dma_start3A_157 = tpu.memref_squeeze %dma_start3A_156 : memref<1x128xi32, #tpu.memory_space<vmem>> -> memref<128xi32, #tpu.memory_space<vmem>>
          %dma_start3A_158 = arith.constant 0 : i32
          %dma_start3A_159 = arith.constant 0 : i32
          %dma_start3A_160 = tpu.memref_slice %arg6[%dma_start3A_158, %dma_start3A_159] : memref<10240x16xf32, #tpu.memory_space<hbm>> -> memref<10240x16xf32, #tpu.memory_space<hbm>>
          tpu.enqueue_indirect_dma source(%dma_start3A_160 : memref<10240x16xf32, #tpu.memory_space<hbm>>) target(%arg12 : memref<128x16xf32, #tpu.memory_space<vmem>>) offsets(%dma_start3A_157 : memref<128xi32, #tpu.memory_space<vmem>>) semaphore(%arg16 : memref<!tpu.dma_semaphore, #tpu.memory_space<semaphore_mem>>)
        } else {
        }
      } else {
      }
      %mul3A_105 = arith.constant 4 : i32
      %mul3A_106 = arith.muli %scan3A_96, %mul3A_105 : i32
      %add3A_107 = arith.constant 1 : i32
      %add3A_108 = arith.addi %mul3A_106, %add3A_107 : i32
      %lt3A_109 = arith.cmpi slt, %add3A_108, %select_n3A : i32
      %convert_element_type3A_110 = arith.extui %lt3A_109 : i1 to i32
      %cond3A_111 = arith.constant 0 : i32
      %cond3A_112 = arith.cmpi ne, %convert_element_type3A_110, %cond3A_111 : i32
      scf.if %cond3A_112 {
        %dma_wait3A_129 = arith.constant 0 : i32
        %dma_wait3A_130 = arith.constant 0 : i32
        %dma_wait3A_131 = tpu.memref_slice %arg8[%dma_wait3A_129, %dma_wait3A_130] : memref<79x128xi32, #tpu.memory_space<vmem>> -> memref<1x128xi32, #tpu.memory_space<vmem>>
        %dma_wait3A_132 = tpu.memref_squeeze %dma_wait3A_131 : memref<1x128xi32, #tpu.memory_space<vmem>> -> memref<128xi32, #tpu.memory_space<vmem>>
        %dma_wait3A_133 = arith.constant 0 : i32
        %dma_wait3A_134 = arith.constant 0 : i32
        %dma_wait3A_135 = tpu.memref_slice %arg6[%dma_wait3A_133, %dma_wait3A_134] : memref<10240x16xf32, #tpu.memory_space<hbm>> -> memref<10240x16xf32, #tpu.memory_space<hbm>>
        tpu.wait_indirect_dma semaphore(%arg17 : memref<!tpu.dma_semaphore, #tpu.memory_space<semaphore_mem>>) src(%dma_wait3A_135 : memref<10240x16xf32, #tpu.memory_space<hbm>>) dst(%arg13 : memref<128x16xf32, #tpu.memory_space<vmem>>)
        %dma_start3A_136 = arith.constant 0 : i32
        %dma_start3A_137 = tpu.memref_slice %arg9[%add3A_108, %dma_start3A_136] : memref<79x128xi32, #tpu.memory_space<vmem>> -> memref<1x128xi32, #tpu.memory_space<vmem>>
        %dma_start3A_138 = tpu.memref_squeeze %dma_start3A_137 : memref<1x128xi32, #tpu.memory_space<vmem>> -> memref<128xi32, #tpu.memory_space<vmem>>
        %dma_start3A_139 = arith.constant 0 : i32
        %dma_start3A_140 = arith.constant 0 : i32
        %dma_start3A_141 = tpu.memref_slice %arg7[%dma_start3A_139, %dma_start3A_140] : memref<10240x16xf32, #tpu.memory_space<vmem_shared>> -> memref<10240x16xf32, #tpu.memory_space<vmem_shared>>
        tpu.enqueue_indirect_dma source(%arg13 : memref<128x16xf32, #tpu.memory_space<vmem>>) target(%dma_start3A_141 : memref<10240x16xf32, #tpu.memory_space<vmem_shared>>) offsets(%dma_start3A_138 : memref<128xi32, #tpu.memory_space<vmem>>) semaphore(%arg21 : memref<!tpu.dma_semaphore, #tpu.memory_space<semaphore_mem>>) {add = true}
        %add3A_142 = arith.constant 4 : i32
        %add3A_143 = arith.addi %add3A_108, %add3A_142 : i32
        %lt3A_144 = arith.cmpi slt, %add3A_143, %select_n3A : i32
        %convert_element_type3A_145 = arith.extui %lt3A_144 : i1 to i32
        %cond3A_146 = arith.constant 0 : i32
        %cond3A_147 = arith.cmpi ne, %convert_element_type3A_145, %cond3A_146 : i32
        scf.if %cond3A_147 {
          %dma_wait3A_148 = arith.constant 0 : i32
          %dma_wait3A_149 = arith.constant 0 : i32
          %dma_wait3A_150 = tpu.memref_slice %arg9[%dma_wait3A_148, %dma_wait3A_149] : memref<79x128xi32, #tpu.memory_space<vmem>> -> memref<1x128xi32, #tpu.memory_space<vmem>>
          %dma_wait3A_151 = tpu.memref_squeeze %dma_wait3A_150 : memref<1x128xi32, #tpu.memory_space<vmem>> -> memref<128xi32, #tpu.memory_space<vmem>>
          %dma_wait3A_152 = arith.constant 0 : i32
          %dma_wait3A_153 = arith.constant 0 : i32
          %dma_wait3A_154 = tpu.memref_slice %arg7[%dma_wait3A_152, %dma_wait3A_153] : memref<10240x16xf32, #tpu.memory_space<vmem_shared>> -> memref<10240x16xf32, #tpu.memory_space<vmem_shared>>
          tpu.wait_indirect_dma semaphore(%arg21 : memref<!tpu.dma_semaphore, #tpu.memory_space<semaphore_mem>>) src(%arg13 : memref<128x16xf32, #tpu.memory_space<vmem>>) dst(%dma_wait3A_154 : memref<10240x16xf32, #tpu.memory_space<vmem_shared>>)
          %dma_start3A_155 = arith.constant 0 : i32
          %dma_start3A_156 = tpu.memref_slice %arg8[%add3A_143, %dma_start3A_155] : memref<79x128xi32, #tpu.memory_space<vmem>> -> memref<1x128xi32, #tpu.memory_space<vmem>>
          %dma_start3A_157 = tpu.memref_squeeze %dma_start3A_156 : memref<1x128xi32, #tpu.memory_space<vmem>> -> memref<128xi32, #tpu.memory_space<vmem>>
          %dma_start3A_158 = arith.constant 0 : i32
          %dma_start3A_159 = arith.constant 0 : i32
          %dma_start3A_160 = tpu.memref_slice %arg6[%dma_start3A_158, %dma_start3A_159] : memref<10240x16xf32, #tpu.memory_space<hbm>> -> memref<10240x16xf32, #tpu.memory_space<hbm>>
          tpu.enqueue_indirect_dma source(%dma_start3A_160 : memref<10240x16xf32, #tpu.memory_space<hbm>>) target(%arg13 : memref<128x16xf32, #tpu.memory_space<vmem>>) offsets(%dma_start3A_157 : memref<128xi32, #tpu.memory_space<vmem>>) semaphore(%arg17 : memref<!tpu.dma_semaphore, #tpu.memory_space<semaphore_mem>>)
        } else {
        }
      } else {
      }
      %mul3A_113 = arith.constant 4 : i32
      %mul3A_114 = arith.muli %scan3A_96, %mul3A_113 : i32
      %add3A_115 = arith.constant 2 : i32
      %add3A_116 = arith.addi %mul3A_114, %add3A_115 : i32
      %lt3A_117 = arith.cmpi slt, %add3A_116, %select_n3A : i32
      %convert_element_type3A_118 = arith.extui %lt3A_117 : i1 to i32
      %cond3A_119 = arith.constant 0 : i32
      %cond3A_120 = arith.cmpi ne, %convert_element_type3A_118, %cond3A_119 : i32
      scf.if %cond3A_120 {
        %dma_wait3A_129 = arith.constant 0 : i32
        %dma_wait3A_130 = arith.constant 0 : i32
        %dma_wait3A_131 = tpu.memref_slice %arg8[%dma_wait3A_129, %dma_wait3A_130] : memref<79x128xi32, #tpu.memory_space<vmem>> -> memref<1x128xi32, #tpu.memory_space<vmem>>
        %dma_wait3A_132 = tpu.memref_squeeze %dma_wait3A_131 : memref<1x128xi32, #tpu.memory_space<vmem>> -> memref<128xi32, #tpu.memory_space<vmem>>
        %dma_wait3A_133 = arith.constant 0 : i32
        %dma_wait3A_134 = arith.constant 0 : i32
        %dma_wait3A_135 = tpu.memref_slice %arg6[%dma_wait3A_133, %dma_wait3A_134] : memref<10240x16xf32, #tpu.memory_space<hbm>> -> memref<10240x16xf32, #tpu.memory_space<hbm>>
        tpu.wait_indirect_dma semaphore(%arg18 : memref<!tpu.dma_semaphore, #tpu.memory_space<semaphore_mem>>) src(%dma_wait3A_135 : memref<10240x16xf32, #tpu.memory_space<hbm>>) dst(%arg14 : memref<128x16xf32, #tpu.memory_space<vmem>>)
        %dma_start3A_136 = arith.constant 0 : i32
        %dma_start3A_137 = tpu.memref_slice %arg9[%add3A_116, %dma_start3A_136] : memref<79x128xi32, #tpu.memory_space<vmem>> -> memref<1x128xi32, #tpu.memory_space<vmem>>
        %dma_start3A_138 = tpu.memref_squeeze %dma_start3A_137 : memref<1x128xi32, #tpu.memory_space<vmem>> -> memref<128xi32, #tpu.memory_space<vmem>>
        %dma_start3A_139 = arith.constant 0 : i32
        %dma_start3A_140 = arith.constant 0 : i32
        %dma_start3A_141 = tpu.memref_slice %arg7[%dma_start3A_139, %dma_start3A_140] : memref<10240x16xf32, #tpu.memory_space<vmem_shared>> -> memref<10240x16xf32, #tpu.memory_space<vmem_shared>>
        tpu.enqueue_indirect_dma source(%arg14 : memref<128x16xf32, #tpu.memory_space<vmem>>) target(%dma_start3A_141 : memref<10240x16xf32, #tpu.memory_space<vmem_shared>>) offsets(%dma_start3A_138 : memref<128xi32, #tpu.memory_space<vmem>>) semaphore(%arg22 : memref<!tpu.dma_semaphore, #tpu.memory_space<semaphore_mem>>) {add = true}
        %add3A_142 = arith.constant 4 : i32
        %add3A_143 = arith.addi %add3A_116, %add3A_142 : i32
        %lt3A_144 = arith.cmpi slt, %add3A_143, %select_n3A : i32
        %convert_element_type3A_145 = arith.extui %lt3A_144 : i1 to i32
        %cond3A_146 = arith.constant 0 : i32
        %cond3A_147 = arith.cmpi ne, %convert_element_type3A_145, %cond3A_146 : i32
        scf.if %cond3A_147 {
          %dma_wait3A_148 = arith.constant 0 : i32
          %dma_wait3A_149 = arith.constant 0 : i32
          %dma_wait3A_150 = tpu.memref_slice %arg9[%dma_wait3A_148, %dma_wait3A_149] : memref<79x128xi32, #tpu.memory_space<vmem>> -> memref<1x128xi32, #tpu.memory_space<vmem>>
          %dma_wait3A_151 = tpu.memref_squeeze %dma_wait3A_150 : memref<1x128xi32, #tpu.memory_space<vmem>> -> memref<128xi32, #tpu.memory_space<vmem>>
          %dma_wait3A_152 = arith.constant 0 : i32
          %dma_wait3A_153 = arith.constant 0 : i32
          %dma_wait3A_154 = tpu.memref_slice %arg7[%dma_wait3A_152, %dma_wait3A_153] : memref<10240x16xf32, #tpu.memory_space<vmem_shared>> -> memref<10240x16xf32, #tpu.memory_space<vmem_shared>>
          tpu.wait_indirect_dma semaphore(%arg22 : memref<!tpu.dma_semaphore, #tpu.memory_space<semaphore_mem>>) src(%arg14 : memref<128x16xf32, #tpu.memory_space<vmem>>) dst(%dma_wait3A_154 : memref<10240x16xf32, #tpu.memory_space<vmem_shared>>)
          %dma_start3A_155 = arith.constant 0 : i32
          %dma_start3A_156 = tpu.memref_slice %arg8[%add3A_143, %dma_start3A_155] : memref<79x128xi32, #tpu.memory_space<vmem>> -> memref<1x128xi32, #tpu.memory_space<vmem>>
          %dma_start3A_157 = tpu.memref_squeeze %dma_start3A_156 : memref<1x128xi32, #tpu.memory_space<vmem>> -> memref<128xi32, #tpu.memory_space<vmem>>
          %dma_start3A_158 = arith.constant 0 : i32
          %dma_start3A_159 = arith.constant 0 : i32
          %dma_start3A_160 = tpu.memref_slice %arg6[%dma_start3A_158, %dma_start3A_159] : memref<10240x16xf32, #tpu.memory_space<hbm>> -> memref<10240x16xf32, #tpu.memory_space<hbm>>
          tpu.enqueue_indirect_dma source(%dma_start3A_160 : memref<10240x16xf32, #tpu.memory_space<hbm>>) target(%arg14 : memref<128x16xf32, #tpu.memory_space<vmem>>) offsets(%dma_start3A_157 : memref<128xi32, #tpu.memory_space<vmem>>) semaphore(%arg18 : memref<!tpu.dma_semaphore, #tpu.memory_space<semaphore_mem>>)
        } else {
        }
      } else {
      }
      %mul3A_121 = arith.constant 4 : i32
      %mul3A_122 = arith.muli %scan3A_96, %mul3A_121 : i32
      %add3A_123 = arith.constant 3 : i32
      %add3A_124 = arith.addi %mul3A_122, %add3A_123 : i32
      %lt3A_125 = arith.cmpi slt, %add3A_124, %select_n3A : i32
      %convert_element_type3A_126 = arith.extui %lt3A_125 : i1 to i32
      %cond3A_127 = arith.constant 0 : i32
      %cond3A_128 = arith.cmpi ne, %convert_element_type3A_126, %cond3A_127 : i32
      scf.if %cond3A_128 {
        %dma_wait3A_129 = arith.constant 0 : i32
        %dma_wait3A_130 = arith.constant 0 : i32
        %dma_wait3A_131 = tpu.memref_slice %arg8[%dma_wait3A_129, %dma_wait3A_130] : memref<79x128xi32, #tpu.memory_space<vmem>> -> memref<1x128xi32, #tpu.memory_space<vmem>>
        %dma_wait3A_132 = tpu.memref_squeeze %dma_wait3A_131 : memref<1x128xi32, #tpu.memory_space<vmem>> -> memref<128xi32, #tpu.memory_space<vmem>>
        %dma_wait3A_133 = arith.constant 0 : i32
        %dma_wait3A_134 = arith.constant 0 : i32
        %dma_wait3A_135 = tpu.memref_slice %arg6[%dma_wait3A_133, %dma_wait3A_134] : memref<10240x16xf32, #tpu.memory_space<hbm>> -> memref<10240x16xf32, #tpu.memory_space<hbm>>
        tpu.wait_indirect_dma semaphore(%arg19 : memref<!tpu.dma_semaphore, #tpu.memory_space<semaphore_mem>>) src(%dma_wait3A_135 : memref<10240x16xf32, #tpu.memory_space<hbm>>) dst(%arg15 : memref<128x16xf32, #tpu.memory_space<vmem>>)
        %dma_start3A_136 = arith.constant 0 : i32
        %dma_start3A_137 = tpu.memref_slice %arg9[%add3A_124, %dma_start3A_136] : memref<79x128xi32, #tpu.memory_space<vmem>> -> memref<1x128xi32, #tpu.memory_space<vmem>>
        %dma_start3A_138 = tpu.memref_squeeze %dma_start3A_137 : memref<1x128xi32, #tpu.memory_space<vmem>> -> memref<128xi32, #tpu.memory_space<vmem>>
        %dma_start3A_139 = arith.constant 0 : i32
        %dma_start3A_140 = arith.constant 0 : i32
        %dma_start3A_141 = tpu.memref_slice %arg7[%dma_start3A_139, %dma_start3A_140] : memref<10240x16xf32, #tpu.memory_space<vmem_shared>> -> memref<10240x16xf32, #tpu.memory_space<vmem_shared>>
        tpu.enqueue_indirect_dma source(%arg15 : memref<128x16xf32, #tpu.memory_space<vmem>>) target(%dma_start3A_141 : memref<10240x16xf32, #tpu.memory_space<vmem_shared>>) offsets(%dma_start3A_138 : memref<128xi32, #tpu.memory_space<vmem>>) semaphore(%arg23 : memref<!tpu.dma_semaphore, #tpu.memory_space<semaphore_mem>>) {add = true}
        %add3A_142 = arith.constant 4 : i32
        %add3A_143 = arith.addi %add3A_124, %add3A_142 : i32
        %lt3A_144 = arith.cmpi slt, %add3A_143, %select_n3A : i32
        %convert_element_type3A_145 = arith.extui %lt3A_144 : i1 to i32
        %cond3A_146 = arith.constant 0 : i32
        %cond3A_147 = arith.cmpi ne, %convert_element_type3A_145, %cond3A_146 : i32
        scf.if %cond3A_147 {
          %dma_wait3A_148 = arith.constant 0 : i32
          %dma_wait3A_149 = arith.constant 0 : i32
          %dma_wait3A_150 = tpu.memref_slice %arg9[%dma_wait3A_148, %dma_wait3A_149] : memref<79x128xi32, #tpu.memory_space<vmem>> -> memref<1x128xi32, #tpu.memory_space<vmem>>
          %dma_wait3A_151 = tpu.memref_squeeze %dma_wait3A_150 : memref<1x128xi32, #tpu.memory_space<vmem>> -> memref<128xi32, #tpu.memory_space<vmem>>
          %dma_wait3A_152 = arith.constant 0 : i32
          %dma_wait3A_153 = arith.constant 0 : i32
          %dma_wait3A_154 = tpu.memref_slice %arg7[%dma_wait3A_152, %dma_wait3A_153] : memref<10240x16xf32, #tpu.memory_space<vmem_shared>> -> memref<10240x16xf32, #tpu.memory_space<vmem_shared>>
          tpu.wait_indirect_dma semaphore(%arg23 : memref<!tpu.dma_semaphore, #tpu.memory_space<semaphore_mem>>) src(%arg15 : memref<128x16xf32, #tpu.memory_space<vmem>>) dst(%dma_wait3A_154 : memref<10240x16xf32, #tpu.memory_space<vmem_shared>>)
          %dma_start3A_155 = arith.constant 0 : i32
          %dma_start3A_156 = tpu.memref_slice %arg8[%add3A_143, %dma_start3A_155] : memref<79x128xi32, #tpu.memory_space<vmem>> -> memref<1x128xi32, #tpu.memory_space<vmem>>
          %dma_start3A_157 = tpu.memref_squeeze %dma_start3A_156 : memref<1x128xi32, #tpu.memory_space<vmem>> -> memref<128xi32, #tpu.memory_space<vmem>>
          %dma_start3A_158 = arith.constant 0 : i32
          %dma_start3A_159 = arith.constant 0 : i32
          %dma_start3A_160 = tpu.memref_slice %arg6[%dma_start3A_158, %dma_start3A_159] : memref<10240x16xf32, #tpu.memory_space<hbm>> -> memref<10240x16xf32, #tpu.memory_space<hbm>>
          tpu.enqueue_indirect_dma source(%dma_start3A_160 : memref<10240x16xf32, #tpu.memory_space<hbm>>) target(%arg15 : memref<128x16xf32, #tpu.memory_space<vmem>>) offsets(%dma_start3A_157 : memref<128xi32, #tpu.memory_space<vmem>>) semaphore(%arg19 : memref<!tpu.dma_semaphore, #tpu.memory_space<semaphore_mem>>)
        } else {
        }
      } else {
      }
    }
    %scan3A_53 = arith.constant 20 : i32
    %dma_wait3A = arith.constant 0 : i32
    %dma_wait3A_54 = arith.constant 0 : i32
    %dma_wait3A_55 = tpu.memref_slice %arg9[%dma_wait3A, %dma_wait3A_54] : memref<79x128xi32, #tpu.memory_space<vmem>> -> memref<1x128xi32, #tpu.memory_space<vmem>>
    %dma_wait3A_56 = tpu.memref_squeeze %dma_wait3A_55 : memref<1x128xi32, #tpu.memory_space<vmem>> -> memref<128xi32, #tpu.memory_space<vmem>>
    %dma_wait3A_57 = arith.constant 0 : i32
    %dma_wait3A_58 = arith.constant 0 : i32
    %dma_wait3A_59 = tpu.memref_slice %arg7[%dma_wait3A_57, %dma_wait3A_58] : memref<10240x16xf32, #tpu.memory_space<vmem_shared>> -> memref<10240x16xf32, #tpu.memory_space<vmem_shared>>
    tpu.wait_indirect_dma semaphore(%arg20 : memref<!tpu.dma_semaphore, #tpu.memory_space<semaphore_mem>>) src(%arg12 : memref<128x16xf32, #tpu.memory_space<vmem>>) dst(%dma_wait3A_59 : memref<10240x16xf32, #tpu.memory_space<vmem_shared>>)
    %dma_wait3A_60 = arith.constant 0 : i32
    %dma_wait3A_61 = arith.constant 0 : i32
    %dma_wait3A_62 = tpu.memref_slice %arg9[%dma_wait3A_60, %dma_wait3A_61] : memref<79x128xi32, #tpu.memory_space<vmem>> -> memref<1x128xi32, #tpu.memory_space<vmem>>
    %dma_wait3A_63 = tpu.memref_squeeze %dma_wait3A_62 : memref<1x128xi32, #tpu.memory_space<vmem>> -> memref<128xi32, #tpu.memory_space<vmem>>
    %dma_wait3A_64 = arith.constant 0 : i32
    %dma_wait3A_65 = arith.constant 0 : i32
    %dma_wait3A_66 = tpu.memref_slice %arg7[%dma_wait3A_64, %dma_wait3A_65] : memref<10240x16xf32, #tpu.memory_space<vmem_shared>> -> memref<10240x16xf32, #tpu.memory_space<vmem_shared>>
    tpu.wait_indirect_dma semaphore(%arg21 : memref<!tpu.dma_semaphore, #tpu.memory_space<semaphore_mem>>) src(%arg13 : memref<128x16xf32, #tpu.memory_space<vmem>>) dst(%dma_wait3A_66 : memref<10240x16xf32, #tpu.memory_space<vmem_shared>>)
    %dma_wait3A_67 = arith.constant 0 : i32
    %dma_wait3A_68 = arith.constant 0 : i32
    %dma_wait3A_69 = tpu.memref_slice %arg9[%dma_wait3A_67, %dma_wait3A_68] : memref<79x128xi32, #tpu.memory_space<vmem>> -> memref<1x128xi32, #tpu.memory_space<vmem>>
    %dma_wait3A_70 = tpu.memref_squeeze %dma_wait3A_69 : memref<1x128xi32, #tpu.memory_space<vmem>> -> memref<128xi32, #tpu.memory_space<vmem>>
    %dma_wait3A_71 = arith.constant 0 : i32
    %dma_wait3A_72 = arith.constant 0 : i32
    %dma_wait3A_73 = tpu.memref_slice %arg7[%dma_wait3A_71, %dma_wait3A_72] : memref<10240x16xf32, #tpu.memory_space<vmem_shared>> -> memref<10240x16xf32, #tpu.memory_space<vmem_shared>>
    tpu.wait_indirect_dma semaphore(%arg22 : memref<!tpu.dma_semaphore, #tpu.memory_space<semaphore_mem>>) src(%arg14 : memref<128x16xf32, #tpu.memory_space<vmem>>) dst(%dma_wait3A_73 : memref<10240x16xf32, #tpu.memory_space<vmem_shared>>)
    %dma_wait3A_74 = arith.constant 0 : i32
    %dma_wait3A_75 = arith.constant 0 : i32
    %dma_wait3A_76 = tpu.memref_slice %arg9[%dma_wait3A_74, %dma_wait3A_75] : memref<79x128xi32, #tpu.memory_space<vmem>> -> memref<1x128xi32, #tpu.memory_space<vmem>>
    %dma_wait3A_77 = tpu.memref_squeeze %dma_wait3A_76 : memref<1x128xi32, #tpu.memory_space<vmem>> -> memref<128xi32, #tpu.memory_space<vmem>>
    %dma_wait3A_78 = arith.constant 0 : i32
    %dma_wait3A_79 = arith.constant 0 : i32
    %dma_wait3A_80 = tpu.memref_slice %arg7[%dma_wait3A_78, %dma_wait3A_79] : memref<10240x16xf32, #tpu.memory_space<vmem_shared>> -> memref<10240x16xf32, #tpu.memory_space<vmem_shared>>
    tpu.wait_indirect_dma semaphore(%arg23 : memref<!tpu.dma_semaphore, #tpu.memory_space<semaphore_mem>>) src(%arg15 : memref<128x16xf32, #tpu.memory_space<vmem>>) dst(%dma_wait3A_80 : memref<10240x16xf32, #tpu.memory_space<vmem_shared>>)
    %barrier3A_81 = arith.constant 0 : index
    tpu.barrier barrier_id(%barrier3A_81)
    %mul3A_82 = arith.constant 640 : i32
    %mul3A_83 = arith.muli %arg1, %mul3A_82 : i32
    "tpu.region"() ({
      %run_scoped3A_96 = tpu.sem_alloc : memref<!tpu.dma_semaphore, #tpu.memory_space<semaphore_mem>>
      %dma_start3A_97 = arith.constant 0 : i32
      %dma_start3A_98 = tpu.memref_slice %arg7[%mul3A_83, %dma_start3A_97] : memref<10240x16xf32, #tpu.memory_space<vmem_shared>> -> memref<640x16xf32, #tpu.memory_space<vmem_shared>>
      %dma_start3A_99 = arith.constant 0 : i32
      %dma_start3A_100 = tpu.memref_slice %arg7[%mul3A_83, %dma_start3A_99] : memref<10240x16xf32, #tpu.memory_space<vmem_shared>> -> memref<640x16xf32, #tpu.memory_space<vmem_shared>>
      tpu.enqueue_dma source(%dma_start3A_100 : memref<640x16xf32, #tpu.memory_space<vmem_shared>>) target(%arg11 : memref<640x16xf32, #tpu.memory_space<vmem>>) target_semaphore(%run_scoped3A_96 : memref<!tpu.dma_semaphore, #tpu.memory_space<semaphore_mem>>)
      %dma_wait3A_101 = arith.constant 0 : i32
      %dma_wait3A_102 = tpu.memref_slice %arg7[%mul3A_83, %dma_wait3A_101] : memref<10240x16xf32, #tpu.memory_space<vmem_shared>> -> memref<640x16xf32, #tpu.memory_space<vmem_shared>>
      %dma_wait3A_103 = arith.constant 0 : i32
      %dma_wait3A_104 = tpu.memref_slice %arg7[%mul3A_83, %dma_wait3A_103] : memref<10240x16xf32, #tpu.memory_space<vmem_shared>> -> memref<640x16xf32, #tpu.memory_space<vmem_shared>>
      tpu.wait_dma2 semaphore(%run_scoped3A_96 : memref<!tpu.dma_semaphore, #tpu.memory_space<semaphore_mem>>) src(%dma_wait3A_104 : memref<640x16xf32, #tpu.memory_space<vmem_shared>>) dst(%arg11 : memref<640x16xf32, #tpu.memory_space<vmem>>)
      tpu.yield
    }) : () -> ()
    %parallel_loop3A_84 = arith.constant 0 : i32
    %parallel_loop3A_85 = arith.constant 40 : i32
    %parallel_loop3A_86 = arith.constant 1 : i32
    scf.for %parallel_loop3A_96 = %parallel_loop3A_84 to %parallel_loop3A_85 step %parallel_loop3A_86  : i32 {
      %parallel_loop3A_97 = arith.constant 16 : i32
      %parallel_loop3A_98 = arith.muli %parallel_loop3A_96, %parallel_loop3A_97 : i32
      %parallel_loop3A_99 = vector.broadcast %parallel_loop3A_98 : i32 to vector<16xi32>
      %parallel_loop3A_100 = arith.addi %parallel_loop3A_99, %iota3A : vector<16xi32>
      %parallel_loop3A_101 = arith.constant 0 : i32
      %parallel_loop3A_102 = vector.broadcast %parallel_loop3A_101 : i32 to vector<16xi32>
      %parallel_loop3A_103 = arith.muli %iota3A, %parallel_loop3A_102 : vector<16xi32>
      %parallel_loop3A_104 = arith.constant 0 : i32
      %parallel_loop3A_105 = vector.broadcast %parallel_loop3A_104 : i32 to vector<16xi32>
      %parallel_loop3A_106 = arith.addi %parallel_loop3A_103, %parallel_loop3A_105 : vector<16xi32>
      %parallel_loop3A_107 = tpu.vector_load_idx %arg11[%parallel_loop3A_100, %parallel_loop3A_106] : memref<640x16xf32, #tpu.memory_space<vmem>>[vector<16xi32>, vector<16xi32>], vector<16xf32>,
      %parallel_loop3A_108 = arith.constant 16 : i32
      %parallel_loop3A_109 = arith.muli %parallel_loop3A_96, %parallel_loop3A_108 : i32
      %parallel_loop3A_110 = arith.constant 0 : i32
      %parallel_loop3A_111 = arith.index_cast %parallel_loop3A_110 : i32 to index
      %parallel_loop3A_112 = arith.index_cast %parallel_loop3A_109 : i32 to index
      %parallel_loop3A_113 = tpu.vector_load %arg10[%parallel_loop3A_111, %parallel_loop3A_112] {strides = array<i32>} : memref<16x640xf32, #tpu.memory_space<vmem>>, vector<16xf32>,
      tpu.vector_store %arg10[%parallel_loop3A_111, %parallel_loop3A_112], %parallel_loop3A_107 {strides = array<i32>} : memref<16x640xf32, #tpu.memory_space<vmem>>, vector<16xf32>,
      %parallel_loop3A_114 = arith.constant 0 : i32
      %parallel_loop3A_115 = vector.broadcast %parallel_loop3A_114 : i32 to vector<16xi32>
      %parallel_loop3A_116 = arith.muli %iota3A, %parallel_loop3A_115 : vector<16xi32>
      %parallel_loop3A_117 = arith.constant 1 : i32
      %parallel_loop3A_118 = vector.broadcast %parallel_loop3A_117 : i32 to vector<16xi32>
      %parallel_loop3A_119 = arith.addi %parallel_loop3A_116, %parallel_loop3A_118 : vector<16xi32>
      %parallel_loop3A_120 = tpu.vector_load_idx %arg11[%parallel_loop3A_100, %parallel_loop3A_119] : memref<640x16xf32, #tpu.memory_space<vmem>>[vector<16xi32>, vector<16xi32>], vector<16xf32>,
      %parallel_loop3A_121 = arith.constant 16 : i32
      %parallel_loop3A_122 = arith.muli %parallel_loop3A_96, %parallel_loop3A_121 : i32
      %parallel_loop3A_123 = arith.constant 1 : i32
      %parallel_loop3A_124 = arith.index_cast %parallel_loop3A_123 : i32 to index
      %parallel_loop3A_125 = arith.index_cast %parallel_loop3A_122 : i32 to index
      %parallel_loop3A_126 = tpu.vector_load %arg10[%parallel_loop3A_124, %parallel_loop3A_125] {strides = array<i32>} : memref<16x640xf32, #tpu.memory_space<vmem>>, vector<16xf32>,
      tpu.vector_store %arg10[%parallel_loop3A_124, %parallel_loop3A_125], %parallel_loop3A_120 {strides = array<i32>} : memref<16x640xf32, #tpu.memory_space<vmem>>, vector<16xf32>,
      %parallel_loop3A_127 = arith.constant 0 : i32
      %parallel_loop3A_128 = vector.broadcast %parallel_loop3A_127 : i32 to vector<16xi32>
      %parallel_loop3A_129 = arith.muli %iota3A, %parallel_loop3A_128 : vector<16xi32>
      %parallel_loop3A_130 = arith.constant 2 : i32
      %parallel_loop3A_131 = vector.broadcast %parallel_loop3A_130 : i32 to vector<16xi32>
      %parallel_loop3A_132 = arith.addi %parallel_loop3A_129, %parallel_loop3A_131 : vector<16xi32>
      %parallel_loop3A_133 = tpu.vector_load_idx %arg11[%parallel_loop3A_100, %parallel_loop3A_132] : memref<640x16xf32, #tpu.memory_space<vmem>>[vector<16xi32>, vector<16xi32>], vector<16xf32>,
      %parallel_loop3A_134 = arith.constant 16 : i32
      %parallel_loop3A_135 = arith.muli %parallel_loop3A_96, %parallel_loop3A_134 : i32
      %parallel_loop3A_136 = arith.constant 2 : i32
      %parallel_loop3A_137 = arith.index_cast %parallel_loop3A_136 : i32 to index
      %parallel_loop3A_138 = arith.index_cast %parallel_loop3A_135 : i32 to index
      %parallel_loop3A_139 = tpu.vector_load %arg10[%parallel_loop3A_137, %parallel_loop3A_138] {strides = array<i32>} : memref<16x640xf32, #tpu.memory_space<vmem>>, vector<16xf32>,
      tpu.vector_store %arg10[%parallel_loop3A_137, %parallel_loop3A_138], %parallel_loop3A_133 {strides = array<i32>} : memref<16x640xf32, #tpu.memory_space<vmem>>, vector<16xf32>,
      %parallel_loop3A_140 = arith.constant 0 : i32
      %parallel_loop3A_141 = vector.broadcast %parallel_loop3A_140 : i32 to vector<16xi32>
      %parallel_loop3A_142 = arith.muli %iota3A, %parallel_loop3A_141 : vector<16xi32>
      %parallel_loop3A_143 = arith.constant 3 : i32
      %parallel_loop3A_144 = vector.broadcast %parallel_loop3A_143 : i32 to vector<16xi32>
      %parallel_loop3A_145 = arith.addi %parallel_loop3A_142, %parallel_loop3A_144 : vector<16xi32>
      %parallel_loop3A_146 = tpu.vector_load_idx %arg11[%parallel_loop3A_100, %parallel_loop3A_145] : memref<640x16xf32, #tpu.memory_space<vmem>>[vector<16xi32>, vector<16xi32>], vector<16xf32>,
      %parallel_loop3A_147 = arith.constant 16 : i32
      %parallel_loop3A_148 = arith.muli %parallel_loop3A_96, %parallel_loop3A_147 : i32
      %parallel_loop3A_149 = arith.constant 3 : i32
      %parallel_loop3A_150 = arith.index_cast %parallel_loop3A_149 : i32 to index
      %parallel_loop3A_151 = arith.index_cast %parallel_loop3A_148 : i32 to index
      %parallel_loop3A_152 = tpu.vector_load %arg10[%parallel_loop3A_150, %parallel_loop3A_151] {strides = array<i32>} : memref<16x640xf32, #tpu.memory_space<vmem>>, vector<16xf32>,
      tpu.vector_store %arg10[%parallel_loop3A_150, %parallel_loop3A_151], %parallel_loop3A_146 {strides = array<i32>} : memref<16x640xf32, #tpu.memory_space<vmem>>, vector<16xf32>,
      %parallel_loop3A_153 = arith.constant 0 : i32
      %parallel_loop3A_154 = vector.broadcast %parallel_loop3A_153 : i32 to vector<16xi32>
      %parallel_loop3A_155 = arith.muli %iota3A, %parallel_loop3A_154 : vector<16xi32>
      %parallel_loop3A_156 = arith.constant 4 : i32
      %parallel_loop3A_157 = vector.broadcast %parallel_loop3A_156 : i32 to vector<16xi32>
      %parallel_loop3A_158 = arith.addi %parallel_loop3A_155, %parallel_loop3A_157 : vector<16xi32>
      %parallel_loop3A_159 = tpu.vector_load_idx %arg11[%parallel_loop3A_100, %parallel_loop3A_158] : memref<640x16xf32, #tpu.memory_space<vmem>>[vector<16xi32>, vector<16xi32>], vector<16xf32>,
      %parallel_loop3A_160 = arith.constant 16 : i32
      %parallel_loop3A_161 = arith.muli %parallel_loop3A_96, %parallel_loop3A_160 : i32
      %parallel_loop3A_162 = arith.constant 4 : i32
      %parallel_loop3A_163 = arith.index_cast %parallel_loop3A_162 : i32 to index
      %parallel_loop3A_164 = arith.index_cast %parallel_loop3A_161 : i32 to index
      %parallel_loop3A_165 = tpu.vector_load %arg10[%parallel_loop3A_163, %parallel_loop3A_164] {strides = array<i32>} : memref<16x640xf32, #tpu.memory_space<vmem>>, vector<16xf32>,
      tpu.vector_store %arg10[%parallel_loop3A_163, %parallel_loop3A_164], %parallel_loop3A_159 {strides = array<i32>} : memref<16x640xf32, #tpu.memory_space<vmem>>, vector<16xf32>,
      %parallel_loop3A_166 = arith.constant 0 : i32
      %parallel_loop3A_167 = vector.broadcast %parallel_loop3A_166 : i32 to vector<16xi32>
      %parallel_loop3A_168 = arith.muli %iota3A, %parallel_loop3A_167 : vector<16xi32>
      %parallel_loop3A_169 = arith.constant 5 : i32
      %parallel_loop3A_170 = vector.broadcast %parallel_loop3A_169 : i32 to vector<16xi32>
      %parallel_loop3A_171 = arith.addi %parallel_loop3A_168, %parallel_loop3A_170 : vector<16xi32>
      %parallel_loop3A_172 = tpu.vector_load_idx %arg11[%parallel_loop3A_100, %parallel_loop3A_171] : memref<640x16xf32, #tpu.memory_space<vmem>>[vector<16xi32>, vector<16xi32>], vector<16xf32>,
      %parallel_loop3A_173 = arith.constant 16 : i32
      %parallel_loop3A_174 = arith.muli %parallel_loop3A_96, %parallel_loop3A_173 : i32
      %parallel_loop3A_175 = arith.constant 5 : i32
      %parallel_loop3A_176 = arith.index_cast %parallel_loop3A_175 : i32 to index
      %parallel_loop3A_177 = arith.index_cast %parallel_loop3A_174 : i32 to index
      %parallel_loop3A_178 = tpu.vector_load %arg10[%parallel_loop3A_176, %parallel_loop3A_177] {strides = array<i32>} : memref<16x640xf32, #tpu.memory_space<vmem>>, vector<16xf32>,
      tpu.vector_store %arg10[%parallel_loop3A_176, %parallel_loop3A_177], %parallel_loop3A_172 {strides = array<i32>} : memref<16x640xf32, #tpu.memory_space<vmem>>, vector<16xf32>,
      %parallel_loop3A_179 = arith.constant 0 : i32
      %parallel_loop3A_180 = vector.broadcast %parallel_loop3A_179 : i32 to vector<16xi32>
      %parallel_loop3A_181 = arith.muli %iota3A, %parallel_loop3A_180 : vector<16xi32>
      %parallel_loop3A_182 = arith.constant 6 : i32
      %parallel_loop3A_183 = vector.broadcast %parallel_loop3A_182 : i32 to vector<16xi32>
      %parallel_loop3A_184 = arith.addi %parallel_loop3A_181, %parallel_loop3A_183 : vector<16xi32>
      %parallel_loop3A_185 = tpu.vector_load_idx %arg11[%parallel_loop3A_100, %parallel_loop3A_184] : memref<640x16xf32, #tpu.memory_space<vmem>>[vector<16xi32>, vector<16xi32>], vector<16xf32>,
      %parallel_loop3A_186 = arith.constant 16 : i32
      %parallel_loop3A_187 = arith.muli %parallel_loop3A_96, %parallel_loop3A_186 : i32
      %parallel_loop3A_188 = arith.constant 6 : i32
      %parallel_loop3A_189 = arith.index_cast %parallel_loop3A_188 : i32 to index
      %parallel_loop3A_190 = arith.index_cast %parallel_loop3A_187 : i32 to index
      %parallel_loop3A_191 = tpu.vector_load %arg10[%parallel_loop3A_189, %parallel_loop3A_190] {strides = array<i32>} : memref<16x640xf32, #tpu.memory_space<vmem>>, vector<16xf32>,
      tpu.vector_store %arg10[%parallel_loop3A_189, %parallel_loop3A_190], %parallel_loop3A_185 {strides = array<i32>} : memref<16x640xf32, #tpu.memory_space<vmem>>, vector<16xf32>,
      %parallel_loop3A_192 = arith.constant 0 : i32
      %parallel_loop3A_193 = vector.broadcast %parallel_loop3A_192 : i32 to vector<16xi32>
      %parallel_loop3A_194 = arith.muli %iota3A, %parallel_loop3A_193 : vector<16xi32>
      %parallel_loop3A_195 = arith.constant 7 : i32
      %parallel_loop3A_196 = vector.broadcast %parallel_loop3A_195 : i32 to vector<16xi32>
      %parallel_loop3A_197 = arith.addi %parallel_loop3A_194, %parallel_loop3A_196 : vector<16xi32>
      %parallel_loop3A_198 = tpu.vector_load_idx %arg11[%parallel_loop3A_100, %parallel_loop3A_197] : memref<640x16xf32, #tpu.memory_space<vmem>>[vector<16xi32>, vector<16xi32>], vector<16xf32>,
      %parallel_loop3A_199 = arith.constant 16 : i32
      %parallel_loop3A_200 = arith.muli %parallel_loop3A_96, %parallel_loop3A_199 : i32
      %parallel_loop3A_201 = arith.constant 7 : i32
      %parallel_loop3A_202 = arith.index_cast %parallel_loop3A_201 : i32 to index
      %parallel_loop3A_203 = arith.index_cast %parallel_loop3A_200 : i32 to index
      %parallel_loop3A_204 = tpu.vector_load %arg10[%parallel_loop3A_202, %parallel_loop3A_203] {strides = array<i32>} : memref<16x640xf32, #tpu.memory_space<vmem>>, vector<16xf32>,
      tpu.vector_store %arg10[%parallel_loop3A_202, %parallel_loop3A_203], %parallel_loop3A_198 {strides = array<i32>} : memref<16x640xf32, #tpu.memory_space<vmem>>, vector<16xf32>,
      %parallel_loop3A_205 = arith.constant 0 : i32
      %parallel_loop3A_206 = vector.broadcast %parallel_loop3A_205 : i32 to vector<16xi32>
      %parallel_loop3A_207 = arith.muli %iota3A, %parallel_loop3A_206 : vector<16xi32>
      %parallel_loop3A_208 = arith.constant 8 : i32
      %parallel_loop3A_209 = vector.broadcast %parallel_loop3A_208 : i32 to vector<16xi32>
      %parallel_loop3A_210 = arith.addi %parallel_loop3A_207, %parallel_loop3A_209 : vector<16xi32>
      %parallel_loop3A_211 = tpu.vector_load_idx %arg11[%parallel_loop3A_100, %parallel_loop3A_210] : memref<640x16xf32, #tpu.memory_space<vmem>>[vector<16xi32>, vector<16xi32>], vector<16xf32>,
      %parallel_loop3A_212 = arith.constant 16 : i32
      %parallel_loop3A_213 = arith.muli %parallel_loop3A_96, %parallel_loop3A_212 : i32
      %parallel_loop3A_214 = arith.constant 8 : i32
      %parallel_loop3A_215 = arith.index_cast %parallel_loop3A_214 : i32 to index
      %parallel_loop3A_216 = arith.index_cast %parallel_loop3A_213 : i32 to index
      %parallel_loop3A_217 = tpu.vector_load %arg10[%parallel_loop3A_215, %parallel_loop3A_216] {strides = array<i32>} : memref<16x640xf32, #tpu.memory_space<vmem>>, vector<16xf32>,
      tpu.vector_store %arg10[%parallel_loop3A_215, %parallel_loop3A_216], %parallel_loop3A_211 {strides = array<i32>} : memref<16x640xf32, #tpu.memory_space<vmem>>, vector<16xf32>,
      %parallel_loop3A_218 = arith.constant 0 : i32
      %parallel_loop3A_219 = vector.broadcast %parallel_loop3A_218 : i32 to vector<16xi32>
      %parallel_loop3A_220 = arith.muli %iota3A, %parallel_loop3A_219 : vector<16xi32>
      %parallel_loop3A_221 = arith.constant 9 : i32
      %parallel_loop3A_222 = vector.broadcast %parallel_loop3A_221 : i32 to vector<16xi32>
      %parallel_loop3A_223 = arith.addi %parallel_loop3A_220, %parallel_loop3A_222 : vector<16xi32>
      %parallel_loop3A_224 = tpu.vector_load_idx %arg11[%parallel_loop3A_100, %parallel_loop3A_223] : memref<640x16xf32, #tpu.memory_space<vmem>>[vector<16xi32>, vector<16xi32>], vector<16xf32>,
      %parallel_loop3A_225 = arith.constant 16 : i32
      %parallel_loop3A_226 = arith.muli %parallel_loop3A_96, %parallel_loop3A_225 : i32
      %parallel_loop3A_227 = arith.constant 9 : i32
      %parallel_loop3A_228 = arith.index_cast %parallel_loop3A_227 : i32 to index
      %parallel_loop3A_229 = arith.index_cast %parallel_loop3A_226 : i32 to index
      %parallel_loop3A_230 = tpu.vector_load %arg10[%parallel_loop3A_228, %parallel_loop3A_229] {strides = array<i32>} : memref<16x640xf32, #tpu.memory_space<vmem>>, vector<16xf32>,
      tpu.vector_store %arg10[%parallel_loop3A_228, %parallel_loop3A_229], %parallel_loop3A_224 {strides = array<i32>} : memref<16x640xf32, #tpu.memory_space<vmem>>, vector<16xf32>,
      %parallel_loop3A_231 = arith.constant 0 : i32
      %parallel_loop3A_232 = vector.broadcast %parallel_loop3A_231 : i32 to vector<16xi32>
      %parallel_loop3A_233 = arith.muli %iota3A, %parallel_loop3A_232 : vector<16xi32>
      %parallel_loop3A_234 = arith.constant 10 : i32
      %parallel_loop3A_235 = vector.broadcast %parallel_loop3A_234 : i32 to vector<16xi32>
      %parallel_loop3A_236 = arith.addi %parallel_loop3A_233, %parallel_loop3A_235 : vector<16xi32>
      %parallel_loop3A_237 = tpu.vector_load_idx %arg11[%parallel_loop3A_100, %parallel_loop3A_236] : memref<640x16xf32, #tpu.memory_space<vmem>>[vector<16xi32>, vector<16xi32>], vector<16xf32>,
      %parallel_loop3A_238 = arith.constant 16 : i32
      %parallel_loop3A_239 = arith.muli %parallel_loop3A_96, %parallel_loop3A_238 : i32
      %parallel_loop3A_240 = arith.constant 10 : i32
      %parallel_loop3A_241 = arith.index_cast %parallel_loop3A_240 : i32 to index
      %parallel_loop3A_242 = arith.index_cast %parallel_loop3A_239 : i32 to index
      %parallel_loop3A_243 = tpu.vector_load %arg10[%parallel_loop3A_241, %parallel_loop3A_242] {strides = array<i32>} : memref<16x640xf32, #tpu.memory_space<vmem>>, vector<16xf32>,
      tpu.vector_store %arg10[%parallel_loop3A_241, %parallel_loop3A_242], %parallel_loop3A_237 {strides = array<i32>} : memref<16x640xf32, #tpu.memory_space<vmem>>, vector<16xf32>,
      %parallel_loop3A_244 = arith.constant 0 : i32
      %parallel_loop3A_245 = vector.broadcast %parallel_loop3A_244 : i32 to vector<16xi32>
      %parallel_loop3A_246 = arith.muli %iota3A, %parallel_loop3A_245 : vector<16xi32>
      %parallel_loop3A_247 = arith.constant 11 : i32
      %parallel_loop3A_248 = vector.broadcast %parallel_loop3A_247 : i32 to vector<16xi32>
      %parallel_loop3A_249 = arith.addi %parallel_loop3A_246, %parallel_loop3A_248 : vector<16xi32>
      %parallel_loop3A_250 = tpu.vector_load_idx %arg11[%parallel_loop3A_100, %parallel_loop3A_249] : memref<640x16xf32, #tpu.memory_space<vmem>>[vector<16xi32>, vector<16xi32>], vector<16xf32>,
      %parallel_loop3A_251 = arith.constant 16 : i32
      %parallel_loop3A_252 = arith.muli %parallel_loop3A_96, %parallel_loop3A_251 : i32
      %parallel_loop3A_253 = arith.constant 11 : i32
      %parallel_loop3A_254 = arith.index_cast %parallel_loop3A_253 : i32 to index
      %parallel_loop3A_255 = arith.index_cast %parallel_loop3A_252 : i32 to index
      %parallel_loop3A_256 = tpu.vector_load %arg10[%parallel_loop3A_254, %parallel_loop3A_255] {strides = array<i32>} : memref<16x640xf32, #tpu.memory_space<vmem>>, vector<16xf32>,
      tpu.vector_store %arg10[%parallel_loop3A_254, %parallel_loop3A_255], %parallel_loop3A_250 {strides = array<i32>} : memref<16x640xf32, #tpu.memory_space<vmem>>, vector<16xf32>,
      %parallel_loop3A_257 = arith.constant 0 : i32
      %parallel_loop3A_258 = vector.broadcast %parallel_loop3A_257 : i32 to vector<16xi32>
      %parallel_loop3A_259 = arith.muli %iota3A, %parallel_loop3A_258 : vector<16xi32>
      %parallel_loop3A_260 = arith.constant 12 : i32
      %parallel_loop3A_261 = vector.broadcast %parallel_loop3A_260 : i32 to vector<16xi32>
      %parallel_loop3A_262 = arith.addi %parallel_loop3A_259, %parallel_loop3A_261 : vector<16xi32>
      %parallel_loop3A_263 = tpu.vector_load_idx %arg11[%parallel_loop3A_100, %parallel_loop3A_262] : memref<640x16xf32, #tpu.memory_space<vmem>>[vector<16xi32>, vector<16xi32>], vector<16xf32>,
      %parallel_loop3A_264 = arith.constant 16 : i32
      %parallel_loop3A_265 = arith.muli %parallel_loop3A_96, %parallel_loop3A_264 : i32
      %parallel_loop3A_266 = arith.constant 12 : i32
      %parallel_loop3A_267 = arith.index_cast %parallel_loop3A_266 : i32 to index
      %parallel_loop3A_268 = arith.index_cast %parallel_loop3A_265 : i32 to index
      %parallel_loop3A_269 = tpu.vector_load %arg10[%parallel_loop3A_267, %parallel_loop3A_268] {strides = array<i32>} : memref<16x640xf32, #tpu.memory_space<vmem>>, vector<16xf32>,
      tpu.vector_store %arg10[%parallel_loop3A_267, %parallel_loop3A_268], %parallel_loop3A_263 {strides = array<i32>} : memref<16x640xf32, #tpu.memory_space<vmem>>, vector<16xf32>,
      %parallel_loop3A_270 = arith.constant 0 : i32
      %parallel_loop3A_271 = vector.broadcast %parallel_loop3A_270 : i32 to vector<16xi32>
      %parallel_loop3A_272 = arith.muli %iota3A, %parallel_loop3A_271 : vector<16xi32>
      %parallel_loop3A_273 = arith.constant 13 : i32
      %parallel_loop3A_274 = vector.broadcast %parallel_loop3A_273 : i32 to vector<16xi32>
      %parallel_loop3A_275 = arith.addi %parallel_loop3A_272, %parallel_loop3A_274 : vector<16xi32>
      %parallel_loop3A_276 = tpu.vector_load_idx %arg11[%parallel_loop3A_100, %parallel_loop3A_275] : memref<640x16xf32, #tpu.memory_space<vmem>>[vector<16xi32>, vector<16xi32>], vector<16xf32>,
      %parallel_loop3A_277 = arith.constant 16 : i32
      %parallel_loop3A_278 = arith.muli %parallel_loop3A_96, %parallel_loop3A_277 : i32
      %parallel_loop3A_279 = arith.constant 13 : i32
      %parallel_loop3A_280 = arith.index_cast %parallel_loop3A_279 : i32 to index
      %parallel_loop3A_281 = arith.index_cast %parallel_loop3A_278 : i32 to index
      %parallel_loop3A_282 = tpu.vector_load %arg10[%parallel_loop3A_280, %parallel_loop3A_281] {strides = array<i32>} : memref<16x640xf32, #tpu.memory_space<vmem>>, vector<16xf32>,
      tpu.vector_store %arg10[%parallel_loop3A_280, %parallel_loop3A_281], %parallel_loop3A_276 {strides = array<i32>} : memref<16x640xf32, #tpu.memory_space<vmem>>, vector<16xf32>,
      %parallel_loop3A_283 = arith.constant 0 : i32
      %parallel_loop3A_284 = vector.broadcast %parallel_loop3A_283 : i32 to vector<16xi32>
      %parallel_loop3A_285 = arith.muli %iota3A, %parallel_loop3A_284 : vector<16xi32>
      %parallel_loop3A_286 = arith.constant 14 : i32
      %parallel_loop3A_287 = vector.broadcast %parallel_loop3A_286 : i32 to vector<16xi32>
      %parallel_loop3A_288 = arith.addi %parallel_loop3A_285, %parallel_loop3A_287 : vector<16xi32>
      %parallel_loop3A_289 = tpu.vector_load_idx %arg11[%parallel_loop3A_100, %parallel_loop3A_288] : memref<640x16xf32, #tpu.memory_space<vmem>>[vector<16xi32>, vector<16xi32>], vector<16xf32>,
      %parallel_loop3A_290 = arith.constant 16 : i32
      %parallel_loop3A_291 = arith.muli %parallel_loop3A_96, %parallel_loop3A_290 : i32
      %parallel_loop3A_292 = arith.constant 14 : i32
      %parallel_loop3A_293 = arith.index_cast %parallel_loop3A_292 : i32 to index
      %parallel_loop3A_294 = arith.index_cast %parallel_loop3A_291 : i32 to index
      %parallel_loop3A_295 = tpu.vector_load %arg10[%parallel_loop3A_293, %parallel_loop3A_294] {strides = array<i32>} : memref<16x640xf32, #tpu.memory_space<vmem>>, vector<16xf32>,
      tpu.vector_store %arg10[%parallel_loop3A_293, %parallel_loop3A_294], %parallel_loop3A_289 {strides = array<i32>} : memref<16x640xf32, #tpu.memory_space<vmem>>, vector<16xf32>,
      %parallel_loop3A_296 = arith.constant 0 : i32
      %parallel_loop3A_297 = vector.broadcast %parallel_loop3A_296 : i32 to vector<16xi32>
      %parallel_loop3A_298 = arith.muli %iota3A, %parallel_loop3A_297 : vector<16xi32>
      %parallel_loop3A_299 = arith.constant 15 : i32
      %parallel_loop3A_300 = vector.broadcast %parallel_loop3A_299 : i32 to vector<16xi32>
      %parallel_loop3A_301 = arith.addi %parallel_loop3A_298, %parallel_loop3A_300 : vector<16xi32>
      %parallel_loop3A_302 = tpu.vector_load_idx %arg11[%parallel_loop3A_100, %parallel_loop3A_301] : memref<640x16xf32, #tpu.memory_space<vmem>>[vector<16xi32>, vector<16xi32>], vector<16xf32>,
      %parallel_loop3A_303 = arith.constant 16 : i32
      %parallel_loop3A_304 = arith.muli %parallel_loop3A_96, %parallel_loop3A_303 : i32
      %parallel_loop3A_305 = arith.constant 15 : i32
      %parallel_loop3A_306 = arith.index_cast %parallel_loop3A_305 : i32 to index
      %parallel_loop3A_307 = arith.index_cast %parallel_loop3A_304 : i32 to index
      %parallel_loop3A_308 = tpu.vector_load %arg10[%parallel_loop3A_306, %parallel_loop3A_307] {strides = array<i32>} : memref<16x640xf32, #tpu.memory_space<vmem>>, vector<16xf32>,
      tpu.vector_store %arg10[%parallel_loop3A_306, %parallel_loop3A_307], %parallel_loop3A_302 {strides = array<i32>} : memref<16x640xf32, #tpu.memory_space<vmem>>, vector<16xf32>,
    } {sc.loop_unroll_factor = 4 : i64, sc.parallel_access}
    %eq3A = arith.constant 0 : i32
    %eq3A_87 = arith.cmpi eq, %arg0, %eq3A : i32
    %convert_element_type3A_88 = arith.extui %eq3A_87 : i1 to i32
    %cond3A_89 = arith.constant 0 : i32
    %cond3A_90 = arith.cmpi ne, %convert_element_type3A_88, %cond3A_89 : i32
    scf.if %cond3A_90 {
      %mul3A_96 = arith.constant 640 : i32
      %mul3A_97 = arith.muli %arg1, %mul3A_96 : i32
      "tpu.region"() ({
        %run_scoped3A_98 = tpu.sem_alloc : memref<!tpu.dma_semaphore, #tpu.memory_space<semaphore_mem>>
        %dma_start3A_99 = arith.constant 0 : i32
        %dma_start3A_100 = tpu.memref_slice %arg4[%dma_start3A_99, %mul3A_97] : memref<16x10240xf32, #tpu.memory_space<hbm>> -> memref<16x640xf32, #tpu.memory_space<hbm>>
        %dma_start3A_101 = arith.constant 0 : i32
        %dma_start3A_102 = tpu.memref_slice %arg4[%dma_start3A_101, %mul3A_97] : memref<16x10240xf32, #tpu.memory_space<hbm>> -> memref<16x640xf32, #tpu.memory_space<hbm>>
        tpu.enqueue_dma source(%arg10 : memref<16x640xf32, #tpu.memory_space<vmem>>) target(%dma_start3A_102 : memref<16x640xf32, #tpu.memory_space<hbm>>) target_semaphore(%run_scoped3A_98 : memref<!tpu.dma_semaphore, #tpu.memory_space<semaphore_mem>>)
        %dma_wait3A_103 = arith.constant 0 : i32
        %dma_wait3A_104 = tpu.memref_slice %arg4[%dma_wait3A_103, %mul3A_97] : memref<16x10240xf32, #tpu.memory_space<hbm>> -> memref<16x640xf32, #tpu.memory_space<hbm>>
        %dma_wait3A_105 = arith.constant 0 : i32
        %dma_wait3A_106 = tpu.memref_slice %arg4[%dma_wait3A_105, %mul3A_97] : memref<16x10240xf32, #tpu.memory_space<hbm>> -> memref<16x640xf32, #tpu.memory_space<hbm>>
        tpu.wait_dma2 semaphore(%run_scoped3A_98 : memref<!tpu.dma_semaphore, #tpu.memory_space<semaphore_mem>>) src(%arg10 : memref<16x640xf32, #tpu.memory_space<vmem>>) dst(%dma_wait3A_106 : memref<16x640xf32, #tpu.memory_space<hbm>>)
        tpu.yield
      }) : () -> ()
    } else {
    }
    %eq3A_91 = arith.constant 1 : i32
    %eq3A_92 = arith.cmpi eq, %arg0, %eq3A_91 : i32
    %convert_element_type3A_93 = arith.extui %eq3A_92 : i1 to i32
    %cond3A_94 = arith.constant 0 : i32
    %cond3A_95 = arith.cmpi ne, %convert_element_type3A_93, %cond3A_94 : i32
    scf.if %cond3A_95 {
      %mul3A_96 = arith.constant 640 : i32
      %mul3A_97 = arith.muli %arg1, %mul3A_96 : i32
      "tpu.region"() ({
        %run_scoped3A_98 = tpu.sem_alloc : memref<!tpu.dma_semaphore, #tpu.memory_space<semaphore_mem>>
        %dma_start3A_99 = arith.constant 0 : i32
        %dma_start3A_100 = tpu.memref_slice %arg5[%dma_start3A_99, %mul3A_97] : memref<16x10240xf32, #tpu.memory_space<hbm>> -> memref<16x640xf32, #tpu.memory_space<hbm>>
        %dma_start3A_101 = arith.constant 0 : i32
        %dma_start3A_102 = tpu.memref_slice %arg5[%dma_start3A_101, %mul3A_97] : memref<16x10240xf32, #tpu.memory_space<hbm>> -> memref<16x640xf32, #tpu.memory_space<hbm>>
        tpu.enqueue_dma source(%arg10 : memref<16x640xf32, #tpu.memory_space<vmem>>) target(%dma_start3A_102 : memref<16x640xf32, #tpu.memory_space<hbm>>) target_semaphore(%run_scoped3A_98 : memref<!tpu.dma_semaphore, #tpu.memory_space<semaphore_mem>>)
        %dma_wait3A_103 = arith.constant 0 : i32
        %dma_wait3A_104 = tpu.memref_slice %arg5[%dma_wait3A_103, %mul3A_97] : memref<16x10240xf32, #tpu.memory_space<hbm>> -> memref<16x640xf32, #tpu.memory_space<hbm>>
        %dma_wait3A_105 = arith.constant 0 : i32
        %dma_wait3A_106 = tpu.memref_slice %arg5[%dma_wait3A_105, %mul3A_97] : memref<16x10240xf32, #tpu.memory_space<hbm>> -> memref<16x640xf32, #tpu.memory_space<hbm>>
        tpu.wait_dma2 semaphore(%run_scoped3A_98 : memref<!tpu.dma_semaphore, #tpu.memory_space<semaphore_mem>>) src(%arg10 : memref<16x640xf32, #tpu.memory_space<vmem>>) dst(%dma_wait3A_106 : memref<16x640xf32, #tpu.memory_space<hbm>>)
        tpu.yield
      }) : () -> ()
    } else {
    }
    return
  }
}

#map = affine_map<(d0, d1) -> (0, 0, 0)>
#map1 = affine_map<(d0, d1) -> (0, 0)>
module attributes {stable_mosaic.version = 14 : i64} {
  func.func @_msg(%arg0: i32, %arg1: i32, %arg2: memref<2x2500x128xi32, #tpu.memory_space<hbm>>, %arg3: memref<16x10240xf32, #tpu.memory_space<hbm>>, %arg4: memref<16x10240xf32, #tpu.memory_space<hbm>>, %arg5: memref<16x10240xf32, #tpu.memory_space<hbm>>, %arg6: memref<10240x16xf32, #tpu.memory_space<hbm>>, %arg7: memref<10240x16xf32, #tpu.memory_space<vmem_shared>>, %arg8: memref<79x128xi32, #tpu.memory_space<vmem>>, %arg9: memref<79x128xi32, #tpu.memory_space<vmem>>, %arg10: memref<16x640xf32, #tpu.memory_space<vmem>>, %arg11: memref<640x16xf32, #tpu.memory_space<vmem>>, %arg12: memref<128x16xf32, #tpu.memory_space<vmem>>, %arg13: memref<128x16xf32, #tpu.memory_space<vmem>>, %arg14: memref<128x16xf32, #tpu.memory_space<vmem>>, %arg15: memref<128x16xf32, #tpu.memory_space<vmem>>, %arg16: memref<!tpu.dma_semaphore, #tpu.memory_space<semaphore_mem>>, %arg17: memref<!tpu.dma_semaphore, #tpu.memory_space<semaphore_mem>>, %arg18: memref<!tpu.dma_semaphore, #tpu.memory_space<semaphore_mem>>, %arg19: memref<!tpu.dma_semaphore, #tpu.memory_space<semaphore_mem>>, %arg20: memref<!tpu.dma_semaphore, #tpu.memory_space<semaphore_mem>>, %arg21: memref<!tpu.dma_semaphore, #tpu.memory_space<semaphore_mem>>, %arg22: memref<!tpu.dma_semaphore, #tpu.memory_space<semaphore_mem>>, %arg23: memref<!tpu.dma_semaphore, #tpu.memory_space<semaphore_mem>>) attributes {dimension_semantics = [#tpu.dimension_semantics<core_parallel>, #tpu.dimension_semantics<subcore_parallel>], iteration_bounds = array<i64: 2, 16>, scalar_prefetch = 0 : i64, scratch_operands = 17 : i64, tpu.core_type = #tpu.core_type<sc_vector_subcore>, window_params = [{transform_indices = #map}, {transform_indices = #map1}, {transform_indices = #map1}, {transform_indices = #map1}, {transform_indices = #map1}]} {
    %mul3A = arith.constant 2 : i32
    %mul3A_0 = arith.muli %arg1, %mul3A : i32
    %add3A = arith.addi %mul3A_0, %arg0 : i32
    %iota3A = tpu.iota {dimensions = array<i32: 0>} : vector<16xi32>
    %mul3A_1 = arith.constant 640 : i32
    %mul3A_2 = arith.muli %arg1, %mul3A_1 : i32
    "tpu.region"() ({
      %run_scoped3A_96 = tpu.sem_alloc : memref<!tpu.dma_semaphore, #tpu.memory_space<semaphore_mem>>
      %dma_start3A_97 = arith.constant 0 : i32
      %dma_start3A_98 = tpu.memref_slice %arg3[%dma_start3A_97, %mul3A_2] : memref<16x10240xf32, #tpu.memory_space<hbm>> -> memref<16x640xf32, #tpu.memory_space<hbm>>
      %dma_start3A_99 = arith.constant 0 : i32
      %dma_start3A_100 = tpu.memref_slice %arg3[%dma_start3A_99, %mul3A_2] : memref<16x10240xf32, #tpu.memory_space<hbm>> -> memref<16x640xf32, #tpu.memory_space<hbm>>
      tpu.enqueue_dma source(%dma_start3A_100 : memref<16x640xf32, #tpu.memory_space<hbm>>) target(%arg10 : memref<16x640xf32, #tpu.memory_space<vmem>>) target_semaphore(%run_scoped3A_96 : memref<!tpu.dma_semaphore, #tpu.memory_space<semaphore_mem>>)
      %dma_wait3A_101 = arith.constant 0 : i32
      %dma_wait3A_102 = tpu.memref_slice %arg3[%dma_wait3A_101, %mul3A_2] : memref<16x10240xf32, #tpu.memory_space<hbm>> -> memref<16x640xf32, #tpu.memory_space<hbm>>
      %dma_wait3A_103 = arith.constant 0 : i32
      %dma_wait3A_104 = tpu.memref_slice %arg3[%dma_wait3A_103, %mul3A_2] : memref<16x10240xf32, #tpu.memory_space<hbm>> -> memref<16x640xf32, #tpu.memory_space<hbm>>
      tpu.wait_dma2 semaphore(%run_scoped3A_96 : memref<!tpu.dma_semaphore, #tpu.memory_space<semaphore_mem>>) src(%dma_wait3A_104 : memref<16x640xf32, #tpu.memory_space<hbm>>) dst(%arg10 : memref<16x640xf32, #tpu.memory_space<vmem>>)
      tpu.yield
    }) : () -> ()
    %parallel_loop3A = arith.constant 0 : i32
    %parallel_loop3A_3 = arith.constant 640 : i32
    %parallel_loop3A_4 = arith.constant 1 : i32
    scf.for %parallel_loop3A_96 = %parallel_loop3A to %parallel_loop3A_3 step %parallel_loop3A_4  : i32 {
      %parallel_loop3A_97 = arith.constant 0 : i32
      %parallel_loop3A_98 = vector.broadcast %parallel_loop3A_97 : i32 to vector<16xi32>
      %parallel_loop3A_99 = arith.muli %iota3A, %parallel_loop3A_98 : vector<16xi32>
      %parallel_loop3A_100 = vector.broadcast %parallel_loop3A_96 : i32 to vector<16xi32>
      %parallel_loop3A_101 = arith.addi %parallel_loop3A_99, %parallel_loop3A_100 : vector<16xi32>
      %parallel_loop3A_102 = tpu.vector_load_idx %arg10[%iota3A, %parallel_loop3A_101] : memref<16x640xf32, #tpu.memory_space<vmem>>[vector<16xi32>, vector<16xi32>], vector<16xf32>,
      %parallel_loop3A_103 = arith.index_cast %parallel_loop3A_96 : i32 to index
      %parallel_loop3A_104 = arith.constant 0 : index
      %parallel_loop3A_105 = tpu.vector_load %arg11[%parallel_loop3A_103, %parallel_loop3A_104] {strides = array<i32>} : memref<640x16xf32, #tpu.memory_space<vmem>>, vector<16xf32>,
      tpu.vector_store %arg11[%parallel_loop3A_103, %parallel_loop3A_104], %parallel_loop3A_102 {strides = array<i32>} : memref<640x16xf32, #tpu.memory_space<vmem>>, vector<16xf32>,
    } {sc.loop_unroll_factor = 16 : i64, sc.parallel_access}
    %mul3A_5 = arith.constant 640 : i32
    %mul3A_6 = arith.muli %arg1, %mul3A_5 : i32
    "tpu.region"() ({
      %run_scoped3A_96 = tpu.sem_alloc : memref<!tpu.dma_semaphore, #tpu.memory_space<semaphore_mem>>
      %dma_start3A_97 = arith.constant 0 : i32
      %dma_start3A_98 = tpu.memref_slice %arg6[%mul3A_6, %dma_start3A_97] : memref<10240x16xf32, #tpu.memory_space<hbm>> -> memref<640x16xf32, #tpu.memory_space<hbm>>
      %dma_start3A_99 = arith.constant 0 : i32
      %dma_start3A_100 = tpu.memref_slice %arg6[%mul3A_6, %dma_start3A_99] : memref<10240x16xf32, #tpu.memory_space<hbm>> -> memref<640x16xf32, #tpu.memory_space<hbm>>
      tpu.enqueue_dma source(%arg11 : memref<640x16xf32, #tpu.memory_space<vmem>>) target(%dma_start3A_100 : memref<640x16xf32, #tpu.memory_space<hbm>>) target_semaphore(%run_scoped3A_96 : memref<!tpu.dma_semaphore, #tpu.memory_space<semaphore_mem>>)
      %dma_wait3A_101 = arith.constant 0 : i32
      %dma_wait3A_102 = tpu.memref_slice %arg6[%mul3A_6, %dma_wait3A_101] : memref<10240x16xf32, #tpu.memory_space<hbm>> -> memref<640x16xf32, #tpu.memory_space<hbm>>
      %dma_wait3A_103 = arith.constant 0 : i32
      %dma_wait3A_104 = tpu.memref_slice %arg6[%mul3A_6, %dma_wait3A_103] : memref<10240x16xf32, #tpu.memory_space<hbm>> -> memref<640x16xf32, #tpu.memory_space<hbm>>
      tpu.wait_dma2 semaphore(%run_scoped3A_96 : memref<!tpu.dma_semaphore, #tpu.memory_space<semaphore_mem>>) src(%arg11 : memref<640x16xf32, #tpu.memory_space<vmem>>) dst(%dma_wait3A_104 : memref<640x16xf32, #tpu.memory_space<hbm>>)
      tpu.yield
    }) : () -> ()
    %parallel_loop3A_7 = arith.constant 0 : i32
    %parallel_loop3A_8 = arith.constant 640 : i32
    %parallel_loop3A_9 = arith.constant 1 : i32
    scf.for %parallel_loop3A_96 = %parallel_loop3A_7 to %parallel_loop3A_8 step %parallel_loop3A_9  : i32 {
      %parallel_loop3A_97 = arith.constant 0.000000e+00 : f32
      %parallel_loop3A_98 = vector.broadcast %parallel_loop3A_97 : f32 to vector<16xf32>
      %parallel_loop3A_99 = arith.index_cast %parallel_loop3A_96 : i32 to index
      %parallel_loop3A_100 = arith.constant 0 : index
      %parallel_loop3A_101 = tpu.vector_load %arg11[%parallel_loop3A_99, %parallel_loop3A_100] {strides = array<i32>} : memref<640x16xf32, #tpu.memory_space<vmem>>, vector<16xf32>,
      tpu.vector_store %arg11[%parallel_loop3A_99, %parallel_loop3A_100], %parallel_loop3A_98 {strides = array<i32>} : memref<640x16xf32, #tpu.memory_space<vmem>>, vector<16xf32>,
    } {sc.loop_unroll_factor = 16 : i64, sc.parallel_access}
    %mul3A_10 = arith.constant 640 : i32
    %mul3A_11 = arith.muli %arg1, %mul3A_10 : i32
    "tpu.region"() ({
      %run_scoped3A_96 = tpu.sem_alloc : memref<!tpu.dma_semaphore, #tpu.memory_space<semaphore_mem>>
      %dma_start3A_97 = arith.constant 0 : i32
      %dma_start3A_98 = tpu.memref_slice %arg7[%mul3A_11, %dma_start3A_97] : memref<10240x16xf32, #tpu.memory_space<vmem_shared>> -> memref<640x16xf32, #tpu.memory_space<vmem_shared>>
      %dma_start3A_99 = arith.constant 0 : i32
      %dma_start3A_100 = tpu.memref_slice %arg7[%mul3A_11, %dma_start3A_99] : memref<10240x16xf32, #tpu.memory_space<vmem_shared>> -> memref<640x16xf32, #tpu.memory_space<vmem_shared>>
      tpu.enqueue_dma source(%arg11 : memref<640x16xf32, #tpu.memory_space<vmem>>) target(%dma_start3A_100 : memref<640x16xf32, #tpu.memory_space<vmem_shared>>) target_semaphore(%run_scoped3A_96 : memref<!tpu.dma_semaphore, #tpu.memory_space<semaphore_mem>>)
      %dma_wait3A_101 = arith.constant 0 : i32
      %dma_wait3A_102 = tpu.memref_slice %arg7[%mul3A_11, %dma_wait3A_101] : memref<10240x16xf32, #tpu.memory_space<vmem_shared>> -> memref<640x16xf32, #tpu.memory_space<vmem_shared>>
      %dma_wait3A_103 = arith.constant 0 : i32
      %dma_wait3A_104 = tpu.memref_slice %arg7[%mul3A_11, %dma_wait3A_103] : memref<10240x16xf32, #tpu.memory_space<vmem_shared>> -> memref<640x16xf32, #tpu.memory_space<vmem_shared>>
      tpu.wait_dma2 semaphore(%run_scoped3A_96 : memref<!tpu.dma_semaphore, #tpu.memory_space<semaphore_mem>>) src(%arg11 : memref<640x16xf32, #tpu.memory_space<vmem>>) dst(%dma_wait3A_104 : memref<640x16xf32, #tpu.memory_space<vmem_shared>>)
      tpu.yield
    }) : () -> ()
    %mul3A_12 = arith.constant 78 : i32
    %mul3A_13 = arith.muli %add3A, %mul3A_12 : i32
    %run_scoped3A = arith.constant 0 : i32
    "tpu.region"() ({
      %run_scoped3A_96 = tpu.sem_alloc : memref<!tpu.dma_semaphore, #tpu.memory_space<semaphore_mem>>
      %dma_start3A_97 = arith.constant 0 : i32
      %dma_start3A_98 = arith.constant 0 : i32
      %dma_start3A_99 = tpu.memref_slice %arg8[%dma_start3A_97, %dma_start3A_98] : memref<79x128xi32, #tpu.memory_space<vmem>> -> memref<78x128xi32, #tpu.memory_space<vmem>>
      %dma_start3A_100 = arith.constant 0 : i32
      %dma_start3A_101 = arith.constant 0 : i32
      %dma_start3A_102 = tpu.memref_slice %arg2[%run_scoped3A, %dma_start3A_100, %dma_start3A_101] : memref<2x2500x128xi32, #tpu.memory_space<hbm>> -> memref<1x2500x128xi32, #tpu.memory_space<hbm>>
      %dma_start3A_103 = tpu.memref_squeeze %dma_start3A_102 : memref<1x2500x128xi32, #tpu.memory_space<hbm>> -> memref<2500x128xi32, #tpu.memory_space<hbm>>
      %dma_start3A_104 = arith.constant 0 : i32
      %dma_start3A_105 = tpu.memref_slice %dma_start3A_103[%mul3A_13, %dma_start3A_104] : memref<2500x128xi32, #tpu.memory_space<hbm>> -> memref<78x128xi32, #tpu.memory_space<hbm>>
      %dma_start3A_106 = arith.constant 0 : i32
      %dma_start3A_107 = arith.constant 0 : i32
      %dma_start3A_108 = tpu.memref_slice %arg8[%dma_start3A_106, %dma_start3A_107] : memref<79x128xi32, #tpu.memory_space<vmem>> -> memref<78x128xi32, #tpu.memory_space<vmem>>
      %dma_start3A_109 = arith.constant 0 : i32
      %dma_start3A_110 = arith.constant 0 : i32
      %dma_start3A_111 = tpu.memref_slice %arg2[%run_scoped3A, %dma_start3A_109, %dma_start3A_110] : memref<2x2500x128xi32, #tpu.memory_space<hbm>> -> memref<1x2500x128xi32, #tpu.memory_space<hbm>>
      %dma_start3A_112 = tpu.memref_squeeze %dma_start3A_111 : memref<1x2500x128xi32, #tpu.memory_space<hbm>> -> memref<2500x128xi32, #tpu.memory_space<hbm>>
      %dma_start3A_113 = arith.constant 0 : i32
      %dma_start3A_114 = tpu.memref_slice %dma_start3A_112[%mul3A_13, %dma_start3A_113] : memref<2500x128xi32, #tpu.memory_space<hbm>> -> memref<78x128xi32, #tpu.memory_space<hbm>>
      tpu.enqueue_dma source(%dma_start3A_114 : memref<78x128xi32, #tpu.memory_space<hbm>>) target(%dma_start3A_108 : memref<78x128xi32, #tpu.memory_space<vmem>>) target_semaphore(%run_scoped3A_96 : memref<!tpu.dma_semaphore, #tpu.memory_space<semaphore_mem>>)
      %dma_wait3A_115 = arith.constant 0 : i32
      %dma_wait3A_116 = arith.constant 0 : i32
      %dma_wait3A_117 = tpu.memref_slice %arg8[%dma_wait3A_115, %dma_wait3A_116] : memref<79x128xi32, #tpu.memory_space<vmem>> -> memref<78x128xi32, #tpu.memory_space<vmem>>
      %dma_wait3A_118 = arith.constant 0 : i32
      %dma_wait3A_119 = arith.constant 0 : i32
      %dma_wait3A_120 = tpu.memref_slice %arg2[%run_scoped3A, %dma_wait3A_118, %dma_wait3A_119] : memref<2x2500x128xi32, #tpu.memory_space<hbm>> -> memref<1x2500x128xi32, #tpu.memory_space<hbm>>
      %dma_wait3A_121 = tpu.memref_squeeze %dma_wait3A_120 : memref<1x2500x128xi32, #tpu.memory_space<hbm>> -> memref<2500x128xi32, #tpu.memory_space<hbm>>
      %dma_wait3A_122 = arith.constant 0 : i32
      %dma_wait3A_123 = tpu.memref_slice %dma_wait3A_121[%mul3A_13, %dma_wait3A_122] : memref<2500x128xi32, #tpu.memory_space<hbm>> -> memref<78x128xi32, #tpu.memory_space<hbm>>
      %dma_wait3A_124 = arith.constant 0 : i32
      %dma_wait3A_125 = arith.constant 0 : i32
      %dma_wait3A_126 = tpu.memref_slice %arg8[%dma_wait3A_124, %dma_wait3A_125] : memref<79x128xi32, #tpu.memory_space<vmem>> -> memref<78x128xi32, #tpu.memory_space<vmem>>
      %dma_wait3A_127 = arith.constant 0 : i32
      %dma_wait3A_128 = arith.constant 0 : i32
      %dma_wait3A_129 = tpu.memref_slice %arg2[%run_scoped3A, %dma_wait3A_127, %dma_wait3A_128] : memref<2x2500x128xi32, #tpu.memory_space<hbm>> -> memref<1x2500x128xi32, #tpu.memory_space<hbm>>
      %dma_wait3A_130 = tpu.memref_squeeze %dma_wait3A_129 : memref<1x2500x128xi32, #tpu.memory_space<hbm>> -> memref<2500x128xi32, #tpu.memory_space<hbm>>
      %dma_wait3A_131 = arith.constant 0 : i32
      %dma_wait3A_132 = tpu.memref_slice %dma_wait3A_130[%mul3A_13, %dma_wait3A_131] : memref<2500x128xi32, #tpu.memory_space<hbm>> -> memref<78x128xi32, #tpu.memory_space<hbm>>
      tpu.wait_dma2 semaphore(%run_scoped3A_96 : memref<!tpu.dma_semaphore, #tpu.memory_space<semaphore_mem>>) src(%dma_wait3A_132 : memref<78x128xi32, #tpu.memory_space<hbm>>) dst(%dma_wait3A_126 : memref<78x128xi32, #tpu.memory_space<vmem>>)
      tpu.yield
    }) : () -> ()
    %mul3A_14 = arith.constant 78 : i32
    %mul3A_15 = arith.muli %add3A, %mul3A_14 : i32
    %run_scoped3A_16 = arith.constant 1 : i32
    "tpu.region"() ({
      %run_scoped3A_96 = tpu.sem_alloc : memref<!tpu.dma_semaphore, #tpu.memory_space<semaphore_mem>>
      %dma_start3A_97 = arith.constant 0 : i32
      %dma_start3A_98 = arith.constant 0 : i32
      %dma_start3A_99 = tpu.memref_slice %arg9[%dma_start3A_97, %dma_start3A_98] : memref<79x128xi32, #tpu.memory_space<vmem>> -> memref<78x128xi32, #tpu.memory_space<vmem>>
      %dma_start3A_100 = arith.constant 0 : i32
      %dma_start3A_101 = arith.constant 0 : i32
      %dma_start3A_102 = tpu.memref_slice %arg2[%run_scoped3A_16, %dma_start3A_100, %dma_start3A_101] : memref<2x2500x128xi32, #tpu.memory_space<hbm>> -> memref<1x2500x128xi32, #tpu.memory_space<hbm>>
      %dma_start3A_103 = tpu.memref_squeeze %dma_start3A_102 : memref<1x2500x128xi32, #tpu.memory_space<hbm>> -> memref<2500x128xi32, #tpu.memory_space<hbm>>
      %dma_start3A_104 = arith.constant 0 : i32
      %dma_start3A_105 = tpu.memref_slice %dma_start3A_103[%mul3A_15, %dma_start3A_104] : memref<2500x128xi32, #tpu.memory_space<hbm>> -> memref<78x128xi32, #tpu.memory_space<hbm>>
      %dma_start3A_106 = arith.constant 0 : i32
      %dma_start3A_107 = arith.constant 0 : i32
      %dma_start3A_108 = tpu.memref_slice %arg9[%dma_start3A_106, %dma_start3A_107] : memref<79x128xi32, #tpu.memory_space<vmem>> -> memref<78x128xi32, #tpu.memory_space<vmem>>
      %dma_start3A_109 = arith.constant 0 : i32
      %dma_start3A_110 = arith.constant 0 : i32
      %dma_start3A_111 = tpu.memref_slice %arg2[%run_scoped3A_16, %dma_start3A_109, %dma_start3A_110] : memref<2x2500x128xi32, #tpu.memory_space<hbm>> -> memref<1x2500x128xi32, #tpu.memory_space<hbm>>
      %dma_start3A_112 = tpu.memref_squeeze %dma_start3A_111 : memref<1x2500x128xi32, #tpu.memory_space<hbm>> -> memref<2500x128xi32, #tpu.memory_space<hbm>>
      %dma_start3A_113 = arith.constant 0 : i32
      %dma_start3A_114 = tpu.memref_slice %dma_start3A_112[%mul3A_15, %dma_start3A_113] : memref<2500x128xi32, #tpu.memory_space<hbm>> -> memref<78x128xi32, #tpu.memory_space<hbm>>
      tpu.enqueue_dma source(%dma_start3A_114 : memref<78x128xi32, #tpu.memory_space<hbm>>) target(%dma_start3A_108 : memref<78x128xi32, #tpu.memory_space<vmem>>) target_semaphore(%run_scoped3A_96 : memref<!tpu.dma_semaphore, #tpu.memory_space<semaphore_mem>>)
      %dma_wait3A_115 = arith.constant 0 : i32
      %dma_wait3A_116 = arith.constant 0 : i32
      %dma_wait3A_117 = tpu.memref_slice %arg9[%dma_wait3A_115, %dma_wait3A_116] : memref<79x128xi32, #tpu.memory_space<vmem>> -> memref<78x128xi32, #tpu.memory_space<vmem>>
      %dma_wait3A_118 = arith.constant 0 : i32
      %dma_wait3A_119 = arith.constant 0 : i32
      %dma_wait3A_120 = tpu.memref_slice %arg2[%run_scoped3A_16, %dma_wait3A_118, %dma_wait3A_119] : memref<2x2500x128xi32, #tpu.memory_space<hbm>> -> memref<1x2500x128xi32, #tpu.memory_space<hbm>>
      %dma_wait3A_121 = tpu.memref_squeeze %dma_wait3A_120 : memref<1x2500x128xi32, #tpu.memory_space<hbm>> -> memref<2500x128xi32, #tpu.memory_space<hbm>>
      %dma_wait3A_122 = arith.constant 0 : i32
      %dma_wait3A_123 = tpu.memref_slice %dma_wait3A_121[%mul3A_15, %dma_wait3A_122] : memref<2500x128xi32, #tpu.memory_space<hbm>> -> memref<78x128xi32, #tpu.memory_space<hbm>>
      %dma_wait3A_124 = arith.constant 0 : i32
      %dma_wait3A_125 = arith.constant 0 : i32
      %dma_wait3A_126 = tpu.memref_slice %arg9[%dma_wait3A_124, %dma_wait3A_125] : memref<79x128xi32, #tpu.memory_space<vmem>> -> memref<78x128xi32, #tpu.memory_space<vmem>>
      %dma_wait3A_127 = arith.constant 0 : i32
      %dma_wait3A_128 = arith.constant 0 : i32
      %dma_wait3A_129 = tpu.memref_slice %arg2[%run_scoped3A_16, %dma_wait3A_127, %dma_wait3A_128] : memref<2x2500x128xi32, #tpu.memory_space<hbm>> -> memref<1x2500x128xi32, #tpu.memory_space<hbm>>
      %dma_wait3A_130 = tpu.memref_squeeze %dma_wait3A_129 : memref<1x2500x128xi32, #tpu.memory_space<hbm>> -> memref<2500x128xi32, #tpu.memory_space<hbm>>
      %dma_wait3A_131 = arith.constant 0 : i32
      %dma_wait3A_132 = tpu.memref_slice %dma_wait3A_130[%mul3A_15, %dma_wait3A_131] : memref<2500x128xi32, #tpu.memory_space<hbm>> -> memref<78x128xi32, #tpu.memory_space<hbm>>
      tpu.wait_dma2 semaphore(%run_scoped3A_96 : memref<!tpu.dma_semaphore, #tpu.memory_space<semaphore_mem>>) src(%dma_wait3A_132 : memref<78x128xi32, #tpu.memory_space<hbm>>) dst(%dma_wait3A_126 : memref<78x128xi32, #tpu.memory_space<vmem>>)
      tpu.yield
    }) : () -> ()
    %lt3A = arith.constant 4 : i32
    %lt3A_17 = arith.cmpi slt, %add3A, %lt3A : i32
    %convert_element_type3A = arith.extui %lt3A_17 : i1 to i32
    %cond3A = arith.constant 0 : i32
    %cond3A_18 = arith.cmpi ne, %convert_element_type3A, %cond3A : i32
    scf.if %cond3A_18 {
      %add3A_96 = arith.constant 2496 : i32
      %add3A_97 = arith.addi %add3A_96, %add3A : i32
      %run_scoped3A_98 = arith.constant 0 : i32
      %run_scoped3A_99 = arith.constant 78 : i32
      "tpu.region"() ({
        %run_scoped3A_104 = tpu.sem_alloc : memref<!tpu.dma_semaphore, #tpu.memory_space<semaphore_mem>>
        %dma_start3A_105 = arith.constant 0 : i32
        %dma_start3A_106 = tpu.memref_slice %arg8[%run_scoped3A_99, %dma_start3A_105] : memref<79x128xi32, #tpu.memory_space<vmem>> -> memref<1x128xi32, #tpu.memory_space<vmem>>
        %dma_start3A_107 = tpu.memref_squeeze %dma_start3A_106 : memref<1x128xi32, #tpu.memory_space<vmem>> -> memref<128xi32, #tpu.memory_space<vmem>>
        %dma_start3A_108 = arith.constant 0 : i32
        %dma_start3A_109 = arith.constant 0 : i32
        %dma_start3A_110 = tpu.memref_slice %arg2[%run_scoped3A_98, %dma_start3A_108, %dma_start3A_109] : memref<2x2500x128xi32, #tpu.memory_space<hbm>> -> memref<1x2500x128xi32, #tpu.memory_space<hbm>>
        %dma_start3A_111 = tpu.memref_squeeze %dma_start3A_110 : memref<1x2500x128xi32, #tpu.memory_space<hbm>> -> memref<2500x128xi32, #tpu.memory_space<hbm>>
        %dma_start3A_112 = arith.constant 0 : i32
        %dma_start3A_113 = tpu.memref_slice %dma_start3A_111[%add3A_97, %dma_start3A_112] : memref<2500x128xi32, #tpu.memory_space<hbm>> -> memref<1x128xi32, #tpu.memory_space<hbm>>
        %dma_start3A_114 = tpu.memref_squeeze %dma_start3A_113 : memref<1x128xi32, #tpu.memory_space<hbm>> -> memref<128xi32, #tpu.memory_space<hbm>>
        %dma_start3A_115 = arith.constant 0 : i32
        %dma_start3A_116 = tpu.memref_slice %arg8[%run_scoped3A_99, %dma_start3A_115] : memref<79x128xi32, #tpu.memory_space<vmem>> -> memref<1x128xi32, #tpu.memory_space<vmem>>
        %dma_start3A_117 = tpu.memref_squeeze %dma_start3A_116 : memref<1x128xi32, #tpu.memory_space<vmem>> -> memref<128xi32, #tpu.memory_space<vmem>>
        %dma_start3A_118 = arith.constant 0 : i32
        %dma_start3A_119 = arith.constant 0 : i32
        %dma_start3A_120 = tpu.memref_slice %arg2[%run_scoped3A_98, %dma_start3A_118, %dma_start3A_119] : memref<2x2500x128xi32, #tpu.memory_space<hbm>> -> memref<1x2500x128xi32, #tpu.memory_space<hbm>>
        %dma_start3A_121 = tpu.memref_squeeze %dma_start3A_120 : memref<1x2500x128xi32, #tpu.memory_space<hbm>> -> memref<2500x128xi32, #tpu.memory_space<hbm>>
        %dma_start3A_122 = arith.constant 0 : i32
        %dma_start3A_123 = tpu.memref_slice %dma_start3A_121[%add3A_97, %dma_start3A_122] : memref<2500x128xi32, #tpu.memory_space<hbm>> -> memref<1x128xi32, #tpu.memory_space<hbm>>
        %dma_start3A_124 = tpu.memref_squeeze %dma_start3A_123 : memref<1x128xi32, #tpu.memory_space<hbm>> -> memref<128xi32, #tpu.memory_space<hbm>>
        tpu.enqueue_dma source(%dma_start3A_124 : memref<128xi32, #tpu.memory_space<hbm>>) target(%dma_start3A_117 : memref<128xi32, #tpu.memory_space<vmem>>) target_semaphore(%run_scoped3A_104 : memref<!tpu.dma_semaphore, #tpu.memory_space<semaphore_mem>>)
        %dma_wait3A_125 = arith.constant 0 : i32
        %dma_wait3A_126 = tpu.memref_slice %arg8[%run_scoped3A_99, %dma_wait3A_125] : memref<79x128xi32, #tpu.memory_space<vmem>> -> memref<1x128xi32, #tpu.memory_space<vmem>>
        %dma_wait3A_127 = tpu.memref_squeeze %dma_wait3A_126 : memref<1x128xi32, #tpu.memory_space<vmem>> -> memref<128xi32, #tpu.memory_space<vmem>>
        %dma_wait3A_128 = arith.constant 0 : i32
        %dma_wait3A_129 = arith.constant 0 : i32
        %dma_wait3A_130 = tpu.memref_slice %arg2[%run_scoped3A_98, %dma_wait3A_128, %dma_wait3A_129] : memref<2x2500x128xi32, #tpu.memory_space<hbm>> -> memref<1x2500x128xi32, #tpu.memory_space<hbm>>
        %dma_wait3A_131 = tpu.memref_squeeze %dma_wait3A_130 : memref<1x2500x128xi32, #tpu.memory_space<hbm>> -> memref<2500x128xi32, #tpu.memory_space<hbm>>
        %dma_wait3A_132 = arith.constant 0 : i32
        %dma_wait3A_133 = tpu.memref_slice %dma_wait3A_131[%add3A_97, %dma_wait3A_132] : memref<2500x128xi32, #tpu.memory_space<hbm>> -> memref<1x128xi32, #tpu.memory_space<hbm>>
        %dma_wait3A_134 = tpu.memref_squeeze %dma_wait3A_133 : memref<1x128xi32, #tpu.memory_space<hbm>> -> memref<128xi32, #tpu.memory_space<hbm>>
        %dma_wait3A_135 = arith.constant 0 : i32
        %dma_wait3A_136 = tpu.memref_slice %arg8[%run_scoped3A_99, %dma_wait3A_135] : memref<79x128xi32, #tpu.memory_space<vmem>> -> memref<1x128xi32, #tpu.memory_space<vmem>>
        %dma_wait3A_137 = tpu.memref_squeeze %dma_wait3A_136 : memref<1x128xi32, #tpu.memory_space<vmem>> -> memref<128xi32, #tpu.memory_space<vmem>>
        %dma_wait3A_138 = arith.constant 0 : i32
        %dma_wait3A_139 = arith.constant 0 : i32
        %dma_wait3A_140 = tpu.memref_slice %arg2[%run_scoped3A_98, %dma_wait3A_138, %dma_wait3A_139] : memref<2x2500x128xi32, #tpu.memory_space<hbm>> -> memref<1x2500x128xi32, #tpu.memory_space<hbm>>
        %dma_wait3A_141 = tpu.memref_squeeze %dma_wait3A_140 : memref<1x2500x128xi32, #tpu.memory_space<hbm>> -> memref<2500x128xi32, #tpu.memory_space<hbm>>
        %dma_wait3A_142 = arith.constant 0 : i32
        %dma_wait3A_143 = tpu.memref_slice %dma_wait3A_141[%add3A_97, %dma_wait3A_142] : memref<2500x128xi32, #tpu.memory_space<hbm>> -> memref<1x128xi32, #tpu.memory_space<hbm>>
        %dma_wait3A_144 = tpu.memref_squeeze %dma_wait3A_143 : memref<1x128xi32, #tpu.memory_space<hbm>> -> memref<128xi32, #tpu.memory_space<hbm>>
        tpu.wait_dma2 semaphore(%run_scoped3A_104 : memref<!tpu.dma_semaphore, #tpu.memory_space<semaphore_mem>>) src(%dma_wait3A_144 : memref<128xi32, #tpu.memory_space<hbm>>) dst(%dma_wait3A_137 : memref<128xi32, #tpu.memory_space<vmem>>)
        tpu.yield
      }) : () -> ()
      %add3A_100 = arith.constant 2496 : i32
      %add3A_101 = arith.addi %add3A_100, %add3A : i32
      %run_scoped3A_102 = arith.constant 1 : i32
      %run_scoped3A_103 = arith.constant 78 : i32
      "tpu.region"() ({
        %run_scoped3A_104 = tpu.sem_alloc : memref<!tpu.dma_semaphore, #tpu.memory_space<semaphore_mem>>
        %dma_start3A_105 = arith.constant 0 : i32
        %dma_start3A_106 = tpu.memref_slice %arg9[%run_scoped3A_103, %dma_start3A_105] : memref<79x128xi32, #tpu.memory_space<vmem>> -> memref<1x128xi32, #tpu.memory_space<vmem>>
        %dma_start3A_107 = tpu.memref_squeeze %dma_start3A_106 : memref<1x128xi32, #tpu.memory_space<vmem>> -> memref<128xi32, #tpu.memory_space<vmem>>
        %dma_start3A_108 = arith.constant 0 : i32
        %dma_start3A_109 = arith.constant 0 : i32
        %dma_start3A_110 = tpu.memref_slice %arg2[%run_scoped3A_102, %dma_start3A_108, %dma_start3A_109] : memref<2x2500x128xi32, #tpu.memory_space<hbm>> -> memref<1x2500x128xi32, #tpu.memory_space<hbm>>
        %dma_start3A_111 = tpu.memref_squeeze %dma_start3A_110 : memref<1x2500x128xi32, #tpu.memory_space<hbm>> -> memref<2500x128xi32, #tpu.memory_space<hbm>>
        %dma_start3A_112 = arith.constant 0 : i32
        %dma_start3A_113 = tpu.memref_slice %dma_start3A_111[%add3A_101, %dma_start3A_112] : memref<2500x128xi32, #tpu.memory_space<hbm>> -> memref<1x128xi32, #tpu.memory_space<hbm>>
        %dma_start3A_114 = tpu.memref_squeeze %dma_start3A_113 : memref<1x128xi32, #tpu.memory_space<hbm>> -> memref<128xi32, #tpu.memory_space<hbm>>
        %dma_start3A_115 = arith.constant 0 : i32
        %dma_start3A_116 = tpu.memref_slice %arg9[%run_scoped3A_103, %dma_start3A_115] : memref<79x128xi32, #tpu.memory_space<vmem>> -> memref<1x128xi32, #tpu.memory_space<vmem>>
        %dma_start3A_117 = tpu.memref_squeeze %dma_start3A_116 : memref<1x128xi32, #tpu.memory_space<vmem>> -> memref<128xi32, #tpu.memory_space<vmem>>
        %dma_start3A_118 = arith.constant 0 : i32
        %dma_start3A_119 = arith.constant 0 : i32
        %dma_start3A_120 = tpu.memref_slice %arg2[%run_scoped3A_102, %dma_start3A_118, %dma_start3A_119] : memref<2x2500x128xi32, #tpu.memory_space<hbm>> -> memref<1x2500x128xi32, #tpu.memory_space<hbm>>
        %dma_start3A_121 = tpu.memref_squeeze %dma_start3A_120 : memref<1x2500x128xi32, #tpu.memory_space<hbm>> -> memref<2500x128xi32, #tpu.memory_space<hbm>>
        %dma_start3A_122 = arith.constant 0 : i32
        %dma_start3A_123 = tpu.memref_slice %dma_start3A_121[%add3A_101, %dma_start3A_122] : memref<2500x128xi32, #tpu.memory_space<hbm>> -> memref<1x128xi32, #tpu.memory_space<hbm>>
        %dma_start3A_124 = tpu.memref_squeeze %dma_start3A_123 : memref<1x128xi32, #tpu.memory_space<hbm>> -> memref<128xi32, #tpu.memory_space<hbm>>
        tpu.enqueue_dma source(%dma_start3A_124 : memref<128xi32, #tpu.memory_space<hbm>>) target(%dma_start3A_117 : memref<128xi32, #tpu.memory_space<vmem>>) target_semaphore(%run_scoped3A_104 : memref<!tpu.dma_semaphore, #tpu.memory_space<semaphore_mem>>)
        %dma_wait3A_125 = arith.constant 0 : i32
        %dma_wait3A_126 = tpu.memref_slice %arg9[%run_scoped3A_103, %dma_wait3A_125] : memref<79x128xi32, #tpu.memory_space<vmem>> -> memref<1x128xi32, #tpu.memory_space<vmem>>
        %dma_wait3A_127 = tpu.memref_squeeze %dma_wait3A_126 : memref<1x128xi32, #tpu.memory_space<vmem>> -> memref<128xi32, #tpu.memory_space<vmem>>
        %dma_wait3A_128 = arith.constant 0 : i32
        %dma_wait3A_129 = arith.constant 0 : i32
        %dma_wait3A_130 = tpu.memref_slice %arg2[%run_scoped3A_102, %dma_wait3A_128, %dma_wait3A_129] : memref<2x2500x128xi32, #tpu.memory_space<hbm>> -> memref<1x2500x128xi32, #tpu.memory_space<hbm>>
        %dma_wait3A_131 = tpu.memref_squeeze %dma_wait3A_130 : memref<1x2500x128xi32, #tpu.memory_space<hbm>> -> memref<2500x128xi32, #tpu.memory_space<hbm>>
        %dma_wait3A_132 = arith.constant 0 : i32
        %dma_wait3A_133 = tpu.memref_slice %dma_wait3A_131[%add3A_101, %dma_wait3A_132] : memref<2500x128xi32, #tpu.memory_space<hbm>> -> memref<1x128xi32, #tpu.memory_space<hbm>>
        %dma_wait3A_134 = tpu.memref_squeeze %dma_wait3A_133 : memref<1x128xi32, #tpu.memory_space<hbm>> -> memref<128xi32, #tpu.memory_space<hbm>>
        %dma_wait3A_135 = arith.constant 0 : i32
        %dma_wait3A_136 = tpu.memref_slice %arg9[%run_scoped3A_103, %dma_wait3A_135] : memref<79x128xi32, #tpu.memory_space<vmem>> -> memref<1x128xi32, #tpu.memory_space<vmem>>
        %dma_wait3A_137 = tpu.memref_squeeze %dma_wait3A_136 : memref<1x128xi32, #tpu.memory_space<vmem>> -> memref<128xi32, #tpu.memory_space<vmem>>
        %dma_wait3A_138 = arith.constant 0 : i32
        %dma_wait3A_139 = arith.constant 0 : i32
        %dma_wait3A_140 = tpu.memref_slice %arg2[%run_scoped3A_102, %dma_wait3A_138, %dma_wait3A_139] : memref<2x2500x128xi32, #tpu.memory_space<hbm>> -> memref<1x2500x128xi32, #tpu.memory_space<hbm>>
        %dma_wait3A_141 = tpu.memref_squeeze %dma_wait3A_140 : memref<1x2500x128xi32, #tpu.memory_space<hbm>> -> memref<2500x128xi32, #tpu.memory_space<hbm>>
        %dma_wait3A_142 = arith.constant 0 : i32
        %dma_wait3A_143 = tpu.memref_slice %dma_wait3A_141[%add3A_101, %dma_wait3A_142] : memref<2500x128xi32, #tpu.memory_space<hbm>> -> memref<1x128xi32, #tpu.memory_space<hbm>>
        %dma_wait3A_144 = tpu.memref_squeeze %dma_wait3A_143 : memref<1x128xi32, #tpu.memory_space<hbm>> -> memref<128xi32, #tpu.memory_space<hbm>>
        tpu.wait_dma2 semaphore(%run_scoped3A_104 : memref<!tpu.dma_semaphore, #tpu.memory_space<semaphore_mem>>) src(%dma_wait3A_144 : memref<128xi32, #tpu.memory_space<hbm>>) dst(%dma_wait3A_137 : memref<128xi32, #tpu.memory_space<vmem>>)
        tpu.yield
      }) : () -> ()
    } else {
    }
    %lt3A_19 = arith.constant 4 : i32
    %lt3A_20 = arith.cmpi slt, %add3A, %lt3A_19 : i32
    %jit3A = arith.constant 79 : i32
    %jit3A_21 = arith.constant 78 : i32
    %select_n3A = arith.select %lt3A_20, %jit3A, %jit3A_21 : i32
    %barrier3A = arith.constant 0 : index
    tpu.barrier barrier_id(%barrier3A)
    %dma_start3A = arith.constant 0 : i32
    %dma_start3A_22 = arith.constant 0 : i32
    %dma_start3A_23 = tpu.memref_slice %arg8[%dma_start3A, %dma_start3A_22] : memref<79x128xi32, #tpu.memory_space<vmem>> -> memref<1x128xi32, #tpu.memory_space<vmem>>
    %dma_start3A_24 = tpu.memref_squeeze %dma_start3A_23 : memref<1x128xi32, #tpu.memory_space<vmem>> -> memref<128xi32, #tpu.memory_space<vmem>>
    %dma_start3A_25 = arith.constant 0 : i32
    %dma_start3A_26 = arith.constant 0 : i32
    %dma_start3A_27 = tpu.memref_slice %arg6[%dma_start3A_25, %dma_start3A_26] : memref<10240x16xf32, #tpu.memory_space<hbm>> -> memref<10240x16xf32, #tpu.memory_space<hbm>>
    tpu.enqueue_indirect_dma source(%dma_start3A_27 : memref<10240x16xf32, #tpu.memory_space<hbm>>) target(%arg12 : memref<128x16xf32, #tpu.memory_space<vmem>>) offsets(%dma_start3A_24 : memref<128xi32, #tpu.memory_space<vmem>>) semaphore(%arg16 : memref<!tpu.dma_semaphore, #tpu.memory_space<semaphore_mem>>)
    %dma_start3A_28 = arith.constant 1 : i32
    %dma_start3A_29 = arith.constant 0 : i32
    %dma_start3A_30 = tpu.memref_slice %arg8[%dma_start3A_28, %dma_start3A_29] : memref<79x128xi32, #tpu.memory_space<vmem>> -> memref<1x128xi32, #tpu.memory_space<vmem>>
    %dma_start3A_31 = tpu.memref_squeeze %dma_start3A_30 : memref<1x128xi32, #tpu.memory_space<vmem>> -> memref<128xi32, #tpu.memory_space<vmem>>
    %dma_start3A_32 = arith.constant 0 : i32
    %dma_start3A_33 = arith.constant 0 : i32
    %dma_start3A_34 = tpu.memref_slice %arg6[%dma_start3A_32, %dma_start3A_33] : memref<10240x16xf32, #tpu.memory_space<hbm>> -> memref<10240x16xf32, #tpu.memory_space<hbm>>
    tpu.enqueue_indirect_dma source(%dma_start3A_34 : memref<10240x16xf32, #tpu.memory_space<hbm>>) target(%arg13 : memref<128x16xf32, #tpu.memory_space<vmem>>) offsets(%dma_start3A_31 : memref<128xi32, #tpu.memory_space<vmem>>) semaphore(%arg17 : memref<!tpu.dma_semaphore, #tpu.memory_space<semaphore_mem>>)
    %dma_start3A_35 = arith.constant 2 : i32
    %dma_start3A_36 = arith.constant 0 : i32
    %dma_start3A_37 = tpu.memref_slice %arg8[%dma_start3A_35, %dma_start3A_36] : memref<79x128xi32, #tpu.memory_space<vmem>> -> memref<1x128xi32, #tpu.memory_space<vmem>>
    %dma_start3A_38 = tpu.memref_squeeze %dma_start3A_37 : memref<1x128xi32, #tpu.memory_space<vmem>> -> memref<128xi32, #tpu.memory_space<vmem>>
    %dma_start3A_39 = arith.constant 0 : i32
    %dma_start3A_40 = arith.constant 0 : i32
    %dma_start3A_41 = tpu.memref_slice %arg6[%dma_start3A_39, %dma_start3A_40] : memref<10240x16xf32, #tpu.memory_space<hbm>> -> memref<10240x16xf32, #tpu.memory_space<hbm>>
    tpu.enqueue_indirect_dma source(%dma_start3A_41 : memref<10240x16xf32, #tpu.memory_space<hbm>>) target(%arg14 : memref<128x16xf32, #tpu.memory_space<vmem>>) offsets(%dma_start3A_38 : memref<128xi32, #tpu.memory_space<vmem>>) semaphore(%arg18 : memref<!tpu.dma_semaphore, #tpu.memory_space<semaphore_mem>>)
    %dma_start3A_42 = arith.constant 3 : i32
    %dma_start3A_43 = arith.constant 0 : i32
    %dma_start3A_44 = tpu.memref_slice %arg8[%dma_start3A_42, %dma_start3A_43] : memref<79x128xi32, #tpu.memory_space<vmem>> -> memref<1x128xi32, #tpu.memory_space<vmem>>
    %dma_start3A_45 = tpu.memref_squeeze %dma_start3A_44 : memref<1x128xi32, #tpu.memory_space<vmem>> -> memref<128xi32, #tpu.memory_space<vmem>>
    %dma_start3A_46 = arith.constant 0 : i32
    %dma_start3A_47 = arith.constant 0 : i32
    %dma_start3A_48 = tpu.memref_slice %arg6[%dma_start3A_46, %dma_start3A_47] : memref<10240x16xf32, #tpu.memory_space<hbm>> -> memref<10240x16xf32, #tpu.memory_space<hbm>>
    tpu.enqueue_indirect_dma source(%dma_start3A_48 : memref<10240x16xf32, #tpu.memory_space<hbm>>) target(%arg15 : memref<128x16xf32, #tpu.memory_space<vmem>>) offsets(%dma_start3A_45 : memref<128xi32, #tpu.memory_space<vmem>>) semaphore(%arg19 : memref<!tpu.dma_semaphore, #tpu.memory_space<semaphore_mem>>)
    %scan3A = arith.constant 0 : i32
    %scan3A_49 = arith.constant 0 : i32
    %scan3A_50 = arith.constant 20 : i32
    %scan3A_51 = arith.addi %scan3A_49, %scan3A_50 : i32
    %scan3A_52 = arith.constant 1 : i32
    scf.for %scan3A_96 = %scan3A_49 to %scan3A_51 step %scan3A_52  : i32 {
      %mul3A_97 = arith.constant 4 : i32
      %mul3A_98 = arith.muli %scan3A_96, %mul3A_97 : i32
      %add3A_99 = arith.constant 0 : i32
      %add3A_100 = arith.addi %mul3A_98, %add3A_99 : i32
      %lt3A_101 = arith.cmpi slt, %add3A_100, %select_n3A : i32
      %convert_element_type3A_102 = arith.extui %lt3A_101 : i1 to i32
      %cond3A_103 = arith.constant 0 : i32
      %cond3A_104 = arith.cmpi ne, %convert_element_type3A_102, %cond3A_103 : i32
      scf.if %cond3A_104 {
        %dma_wait3A_129 = arith.constant 0 : i32
        %dma_wait3A_130 = arith.constant 0 : i32
        %dma_wait3A_131 = tpu.memref_slice %arg8[%dma_wait3A_129, %dma_wait3A_130] : memref<79x128xi32, #tpu.memory_space<vmem>> -> memref<1x128xi32, #tpu.memory_space<vmem>>
        %dma_wait3A_132 = tpu.memref_squeeze %dma_wait3A_131 : memref<1x128xi32, #tpu.memory_space<vmem>> -> memref<128xi32, #tpu.memory_space<vmem>>
        %dma_wait3A_133 = arith.constant 0 : i32
        %dma_wait3A_134 = arith.constant 0 : i32
        %dma_wait3A_135 = tpu.memref_slice %arg6[%dma_wait3A_133, %dma_wait3A_134] : memref<10240x16xf32, #tpu.memory_space<hbm>> -> memref<10240x16xf32, #tpu.memory_space<hbm>>
        tpu.wait_indirect_dma semaphore(%arg16 : memref<!tpu.dma_semaphore, #tpu.memory_space<semaphore_mem>>) src(%dma_wait3A_135 : memref<10240x16xf32, #tpu.memory_space<hbm>>) dst(%arg12 : memref<128x16xf32, #tpu.memory_space<vmem>>)
        %dma_start3A_136 = arith.constant 0 : i32
        %dma_start3A_137 = tpu.memref_slice %arg9[%add3A_100, %dma_start3A_136] : memref<79x128xi32, #tpu.memory_space<vmem>> -> memref<1x128xi32, #tpu.memory_space<vmem>>
        %dma_start3A_138 = tpu.memref_squeeze %dma_start3A_137 : memref<1x128xi32, #tpu.memory_space<vmem>> -> memref<128xi32, #tpu.memory_space<vmem>>
        %dma_start3A_139 = arith.constant 0 : i32
        %dma_start3A_140 = arith.constant 0 : i32
        %dma_start3A_141 = tpu.memref_slice %arg7[%dma_start3A_139, %dma_start3A_140] : memref<10240x16xf32, #tpu.memory_space<vmem_shared>> -> memref<10240x16xf32, #tpu.memory_space<vmem_shared>>
        tpu.enqueue_indirect_dma source(%arg12 : memref<128x16xf32, #tpu.memory_space<vmem>>) target(%dma_start3A_141 : memref<10240x16xf32, #tpu.memory_space<vmem_shared>>) offsets(%dma_start3A_138 : memref<128xi32, #tpu.memory_space<vmem>>) semaphore(%arg20 : memref<!tpu.dma_semaphore, #tpu.memory_space<semaphore_mem>>) {add = true}
        %add3A_142 = arith.constant 4 : i32
        %add3A_143 = arith.addi %add3A_100, %add3A_142 : i32
        %lt3A_144 = arith.cmpi slt, %add3A_143, %select_n3A : i32
        %convert_element_type3A_145 = arith.extui %lt3A_144 : i1 to i32
        %cond3A_146 = arith.constant 0 : i32
        %cond3A_147 = arith.cmpi ne, %convert_element_type3A_145, %cond3A_146 : i32
        scf.if %cond3A_147 {
          %dma_wait3A_148 = arith.constant 0 : i32
          %dma_wait3A_149 = arith.constant 0 : i32
          %dma_wait3A_150 = tpu.memref_slice %arg9[%dma_wait3A_148, %dma_wait3A_149] : memref<79x128xi32, #tpu.memory_space<vmem>> -> memref<1x128xi32, #tpu.memory_space<vmem>>
          %dma_wait3A_151 = tpu.memref_squeeze %dma_wait3A_150 : memref<1x128xi32, #tpu.memory_space<vmem>> -> memref<128xi32, #tpu.memory_space<vmem>>
          %dma_wait3A_152 = arith.constant 0 : i32
          %dma_wait3A_153 = arith.constant 0 : i32
          %dma_wait3A_154 = tpu.memref_slice %arg7[%dma_wait3A_152, %dma_wait3A_153] : memref<10240x16xf32, #tpu.memory_space<vmem_shared>> -> memref<10240x16xf32, #tpu.memory_space<vmem_shared>>
          tpu.wait_indirect_dma semaphore(%arg20 : memref<!tpu.dma_semaphore, #tpu.memory_space<semaphore_mem>>) src(%arg12 : memref<128x16xf32, #tpu.memory_space<vmem>>) dst(%dma_wait3A_154 : memref<10240x16xf32, #tpu.memory_space<vmem_shared>>)
          %dma_start3A_155 = arith.constant 0 : i32
          %dma_start3A_156 = tpu.memref_slice %arg8[%add3A_143, %dma_start3A_155] : memref<79x128xi32, #tpu.memory_space<vmem>> -> memref<1x128xi32, #tpu.memory_space<vmem>>
          %dma_start3A_157 = tpu.memref_squeeze %dma_start3A_156 : memref<1x128xi32, #tpu.memory_space<vmem>> -> memref<128xi32, #tpu.memory_space<vmem>>
          %dma_start3A_158 = arith.constant 0 : i32
          %dma_start3A_159 = arith.constant 0 : i32
          %dma_start3A_160 = tpu.memref_slice %arg6[%dma_start3A_158, %dma_start3A_159] : memref<10240x16xf32, #tpu.memory_space<hbm>> -> memref<10240x16xf32, #tpu.memory_space<hbm>>
          tpu.enqueue_indirect_dma source(%dma_start3A_160 : memref<10240x16xf32, #tpu.memory_space<hbm>>) target(%arg12 : memref<128x16xf32, #tpu.memory_space<vmem>>) offsets(%dma_start3A_157 : memref<128xi32, #tpu.memory_space<vmem>>) semaphore(%arg16 : memref<!tpu.dma_semaphore, #tpu.memory_space<semaphore_mem>>)
        } else {
        }
      } else {
      }
      %mul3A_105 = arith.constant 4 : i32
      %mul3A_106 = arith.muli %scan3A_96, %mul3A_105 : i32
      %add3A_107 = arith.constant 1 : i32
      %add3A_108 = arith.addi %mul3A_106, %add3A_107 : i32
      %lt3A_109 = arith.cmpi slt, %add3A_108, %select_n3A : i32
      %convert_element_type3A_110 = arith.extui %lt3A_109 : i1 to i32
      %cond3A_111 = arith.constant 0 : i32
      %cond3A_112 = arith.cmpi ne, %convert_element_type3A_110, %cond3A_111 : i32
      scf.if %cond3A_112 {
        %dma_wait3A_129 = arith.constant 0 : i32
        %dma_wait3A_130 = arith.constant 0 : i32
        %dma_wait3A_131 = tpu.memref_slice %arg8[%dma_wait3A_129, %dma_wait3A_130] : memref<79x128xi32, #tpu.memory_space<vmem>> -> memref<1x128xi32, #tpu.memory_space<vmem>>
        %dma_wait3A_132 = tpu.memref_squeeze %dma_wait3A_131 : memref<1x128xi32, #tpu.memory_space<vmem>> -> memref<128xi32, #tpu.memory_space<vmem>>
        %dma_wait3A_133 = arith.constant 0 : i32
        %dma_wait3A_134 = arith.constant 0 : i32
        %dma_wait3A_135 = tpu.memref_slice %arg6[%dma_wait3A_133, %dma_wait3A_134] : memref<10240x16xf32, #tpu.memory_space<hbm>> -> memref<10240x16xf32, #tpu.memory_space<hbm>>
        tpu.wait_indirect_dma semaphore(%arg17 : memref<!tpu.dma_semaphore, #tpu.memory_space<semaphore_mem>>) src(%dma_wait3A_135 : memref<10240x16xf32, #tpu.memory_space<hbm>>) dst(%arg13 : memref<128x16xf32, #tpu.memory_space<vmem>>)
        %dma_start3A_136 = arith.constant 0 : i32
        %dma_start3A_137 = tpu.memref_slice %arg9[%add3A_108, %dma_start3A_136] : memref<79x128xi32, #tpu.memory_space<vmem>> -> memref<1x128xi32, #tpu.memory_space<vmem>>
        %dma_start3A_138 = tpu.memref_squeeze %dma_start3A_137 : memref<1x128xi32, #tpu.memory_space<vmem>> -> memref<128xi32, #tpu.memory_space<vmem>>
        %dma_start3A_139 = arith.constant 0 : i32
        %dma_start3A_140 = arith.constant 0 : i32
        %dma_start3A_141 = tpu.memref_slice %arg7[%dma_start3A_139, %dma_start3A_140] : memref<10240x16xf32, #tpu.memory_space<vmem_shared>> -> memref<10240x16xf32, #tpu.memory_space<vmem_shared>>
        tpu.enqueue_indirect_dma source(%arg13 : memref<128x16xf32, #tpu.memory_space<vmem>>) target(%dma_start3A_141 : memref<10240x16xf32, #tpu.memory_space<vmem_shared>>) offsets(%dma_start3A_138 : memref<128xi32, #tpu.memory_space<vmem>>) semaphore(%arg21 : memref<!tpu.dma_semaphore, #tpu.memory_space<semaphore_mem>>) {add = true}
        %add3A_142 = arith.constant 4 : i32
        %add3A_143 = arith.addi %add3A_108, %add3A_142 : i32
        %lt3A_144 = arith.cmpi slt, %add3A_143, %select_n3A : i32
        %convert_element_type3A_145 = arith.extui %lt3A_144 : i1 to i32
        %cond3A_146 = arith.constant 0 : i32
        %cond3A_147 = arith.cmpi ne, %convert_element_type3A_145, %cond3A_146 : i32
        scf.if %cond3A_147 {
          %dma_wait3A_148 = arith.constant 0 : i32
          %dma_wait3A_149 = arith.constant 0 : i32
          %dma_wait3A_150 = tpu.memref_slice %arg9[%dma_wait3A_148, %dma_wait3A_149] : memref<79x128xi32, #tpu.memory_space<vmem>> -> memref<1x128xi32, #tpu.memory_space<vmem>>
          %dma_wait3A_151 = tpu.memref_squeeze %dma_wait3A_150 : memref<1x128xi32, #tpu.memory_space<vmem>> -> memref<128xi32, #tpu.memory_space<vmem>>
          %dma_wait3A_152 = arith.constant 0 : i32
          %dma_wait3A_153 = arith.constant 0 : i32
          %dma_wait3A_154 = tpu.memref_slice %arg7[%dma_wait3A_152, %dma_wait3A_153] : memref<10240x16xf32, #tpu.memory_space<vmem_shared>> -> memref<10240x16xf32, #tpu.memory_space<vmem_shared>>
          tpu.wait_indirect_dma semaphore(%arg21 : memref<!tpu.dma_semaphore, #tpu.memory_space<semaphore_mem>>) src(%arg13 : memref<128x16xf32, #tpu.memory_space<vmem>>) dst(%dma_wait3A_154 : memref<10240x16xf32, #tpu.memory_space<vmem_shared>>)
          %dma_start3A_155 = arith.constant 0 : i32
          %dma_start3A_156 = tpu.memref_slice %arg8[%add3A_143, %dma_start3A_155] : memref<79x128xi32, #tpu.memory_space<vmem>> -> memref<1x128xi32, #tpu.memory_space<vmem>>
          %dma_start3A_157 = tpu.memref_squeeze %dma_start3A_156 : memref<1x128xi32, #tpu.memory_space<vmem>> -> memref<128xi32, #tpu.memory_space<vmem>>
          %dma_start3A_158 = arith.constant 0 : i32
          %dma_start3A_159 = arith.constant 0 : i32
          %dma_start3A_160 = tpu.memref_slice %arg6[%dma_start3A_158, %dma_start3A_159] : memref<10240x16xf32, #tpu.memory_space<hbm>> -> memref<10240x16xf32, #tpu.memory_space<hbm>>
          tpu.enqueue_indirect_dma source(%dma_start3A_160 : memref<10240x16xf32, #tpu.memory_space<hbm>>) target(%arg13 : memref<128x16xf32, #tpu.memory_space<vmem>>) offsets(%dma_start3A_157 : memref<128xi32, #tpu.memory_space<vmem>>) semaphore(%arg17 : memref<!tpu.dma_semaphore, #tpu.memory_space<semaphore_mem>>)
        } else {
        }
      } else {
      }
      %mul3A_113 = arith.constant 4 : i32
      %mul3A_114 = arith.muli %scan3A_96, %mul3A_113 : i32
      %add3A_115 = arith.constant 2 : i32
      %add3A_116 = arith.addi %mul3A_114, %add3A_115 : i32
      %lt3A_117 = arith.cmpi slt, %add3A_116, %select_n3A : i32
      %convert_element_type3A_118 = arith.extui %lt3A_117 : i1 to i32
      %cond3A_119 = arith.constant 0 : i32
      %cond3A_120 = arith.cmpi ne, %convert_element_type3A_118, %cond3A_119 : i32
      scf.if %cond3A_120 {
        %dma_wait3A_129 = arith.constant 0 : i32
        %dma_wait3A_130 = arith.constant 0 : i32
        %dma_wait3A_131 = tpu.memref_slice %arg8[%dma_wait3A_129, %dma_wait3A_130] : memref<79x128xi32, #tpu.memory_space<vmem>> -> memref<1x128xi32, #tpu.memory_space<vmem>>
        %dma_wait3A_132 = tpu.memref_squeeze %dma_wait3A_131 : memref<1x128xi32, #tpu.memory_space<vmem>> -> memref<128xi32, #tpu.memory_space<vmem>>
        %dma_wait3A_133 = arith.constant 0 : i32
        %dma_wait3A_134 = arith.constant 0 : i32
        %dma_wait3A_135 = tpu.memref_slice %arg6[%dma_wait3A_133, %dma_wait3A_134] : memref<10240x16xf32, #tpu.memory_space<hbm>> -> memref<10240x16xf32, #tpu.memory_space<hbm>>
        tpu.wait_indirect_dma semaphore(%arg18 : memref<!tpu.dma_semaphore, #tpu.memory_space<semaphore_mem>>) src(%dma_wait3A_135 : memref<10240x16xf32, #tpu.memory_space<hbm>>) dst(%arg14 : memref<128x16xf32, #tpu.memory_space<vmem>>)
        %dma_start3A_136 = arith.constant 0 : i32
        %dma_start3A_137 = tpu.memref_slice %arg9[%add3A_116, %dma_start3A_136] : memref<79x128xi32, #tpu.memory_space<vmem>> -> memref<1x128xi32, #tpu.memory_space<vmem>>
        %dma_start3A_138 = tpu.memref_squeeze %dma_start3A_137 : memref<1x128xi32, #tpu.memory_space<vmem>> -> memref<128xi32, #tpu.memory_space<vmem>>
        %dma_start3A_139 = arith.constant 0 : i32
        %dma_start3A_140 = arith.constant 0 : i32
        %dma_start3A_141 = tpu.memref_slice %arg7[%dma_start3A_139, %dma_start3A_140] : memref<10240x16xf32, #tpu.memory_space<vmem_shared>> -> memref<10240x16xf32, #tpu.memory_space<vmem_shared>>
        tpu.enqueue_indirect_dma source(%arg14 : memref<128x16xf32, #tpu.memory_space<vmem>>) target(%dma_start3A_141 : memref<10240x16xf32, #tpu.memory_space<vmem_shared>>) offsets(%dma_start3A_138 : memref<128xi32, #tpu.memory_space<vmem>>) semaphore(%arg22 : memref<!tpu.dma_semaphore, #tpu.memory_space<semaphore_mem>>) {add = true}
        %add3A_142 = arith.constant 4 : i32
        %add3A_143 = arith.addi %add3A_116, %add3A_142 : i32
        %lt3A_144 = arith.cmpi slt, %add3A_143, %select_n3A : i32
        %convert_element_type3A_145 = arith.extui %lt3A_144 : i1 to i32
        %cond3A_146 = arith.constant 0 : i32
        %cond3A_147 = arith.cmpi ne, %convert_element_type3A_145, %cond3A_146 : i32
        scf.if %cond3A_147 {
          %dma_wait3A_148 = arith.constant 0 : i32
          %dma_wait3A_149 = arith.constant 0 : i32
          %dma_wait3A_150 = tpu.memref_slice %arg9[%dma_wait3A_148, %dma_wait3A_149] : memref<79x128xi32, #tpu.memory_space<vmem>> -> memref<1x128xi32, #tpu.memory_space<vmem>>
          %dma_wait3A_151 = tpu.memref_squeeze %dma_wait3A_150 : memref<1x128xi32, #tpu.memory_space<vmem>> -> memref<128xi32, #tpu.memory_space<vmem>>
          %dma_wait3A_152 = arith.constant 0 : i32
          %dma_wait3A_153 = arith.constant 0 : i32
          %dma_wait3A_154 = tpu.memref_slice %arg7[%dma_wait3A_152, %dma_wait3A_153] : memref<10240x16xf32, #tpu.memory_space<vmem_shared>> -> memref<10240x16xf32, #tpu.memory_space<vmem_shared>>
          tpu.wait_indirect_dma semaphore(%arg22 : memref<!tpu.dma_semaphore, #tpu.memory_space<semaphore_mem>>) src(%arg14 : memref<128x16xf32, #tpu.memory_space<vmem>>) dst(%dma_wait3A_154 : memref<10240x16xf32, #tpu.memory_space<vmem_shared>>)
          %dma_start3A_155 = arith.constant 0 : i32
          %dma_start3A_156 = tpu.memref_slice %arg8[%add3A_143, %dma_start3A_155] : memref<79x128xi32, #tpu.memory_space<vmem>> -> memref<1x128xi32, #tpu.memory_space<vmem>>
          %dma_start3A_157 = tpu.memref_squeeze %dma_start3A_156 : memref<1x128xi32, #tpu.memory_space<vmem>> -> memref<128xi32, #tpu.memory_space<vmem>>
          %dma_start3A_158 = arith.constant 0 : i32
          %dma_start3A_159 = arith.constant 0 : i32
          %dma_start3A_160 = tpu.memref_slice %arg6[%dma_start3A_158, %dma_start3A_159] : memref<10240x16xf32, #tpu.memory_space<hbm>> -> memref<10240x16xf32, #tpu.memory_space<hbm>>
          tpu.enqueue_indirect_dma source(%dma_start3A_160 : memref<10240x16xf32, #tpu.memory_space<hbm>>) target(%arg14 : memref<128x16xf32, #tpu.memory_space<vmem>>) offsets(%dma_start3A_157 : memref<128xi32, #tpu.memory_space<vmem>>) semaphore(%arg18 : memref<!tpu.dma_semaphore, #tpu.memory_space<semaphore_mem>>)
        } else {
        }
      } else {
      }
      %mul3A_121 = arith.constant 4 : i32
      %mul3A_122 = arith.muli %scan3A_96, %mul3A_121 : i32
      %add3A_123 = arith.constant 3 : i32
      %add3A_124 = arith.addi %mul3A_122, %add3A_123 : i32
      %lt3A_125 = arith.cmpi slt, %add3A_124, %select_n3A : i32
      %convert_element_type3A_126 = arith.extui %lt3A_125 : i1 to i32
      %cond3A_127 = arith.constant 0 : i32
      %cond3A_128 = arith.cmpi ne, %convert_element_type3A_126, %cond3A_127 : i32
      scf.if %cond3A_128 {
        %dma_wait3A_129 = arith.constant 0 : i32
        %dma_wait3A_130 = arith.constant 0 : i32
        %dma_wait3A_131 = tpu.memref_slice %arg8[%dma_wait3A_129, %dma_wait3A_130] : memref<79x128xi32, #tpu.memory_space<vmem>> -> memref<1x128xi32, #tpu.memory_space<vmem>>
        %dma_wait3A_132 = tpu.memref_squeeze %dma_wait3A_131 : memref<1x128xi32, #tpu.memory_space<vmem>> -> memref<128xi32, #tpu.memory_space<vmem>>
        %dma_wait3A_133 = arith.constant 0 : i32
        %dma_wait3A_134 = arith.constant 0 : i32
        %dma_wait3A_135 = tpu.memref_slice %arg6[%dma_wait3A_133, %dma_wait3A_134] : memref<10240x16xf32, #tpu.memory_space<hbm>> -> memref<10240x16xf32, #tpu.memory_space<hbm>>
        tpu.wait_indirect_dma semaphore(%arg19 : memref<!tpu.dma_semaphore, #tpu.memory_space<semaphore_mem>>) src(%dma_wait3A_135 : memref<10240x16xf32, #tpu.memory_space<hbm>>) dst(%arg15 : memref<128x16xf32, #tpu.memory_space<vmem>>)
        %dma_start3A_136 = arith.constant 0 : i32
        %dma_start3A_137 = tpu.memref_slice %arg9[%add3A_124, %dma_start3A_136] : memref<79x128xi32, #tpu.memory_space<vmem>> -> memref<1x128xi32, #tpu.memory_space<vmem>>
        %dma_start3A_138 = tpu.memref_squeeze %dma_start3A_137 : memref<1x128xi32, #tpu.memory_space<vmem>> -> memref<128xi32, #tpu.memory_space<vmem>>
        %dma_start3A_139 = arith.constant 0 : i32
        %dma_start3A_140 = arith.constant 0 : i32
        %dma_start3A_141 = tpu.memref_slice %arg7[%dma_start3A_139, %dma_start3A_140] : memref<10240x16xf32, #tpu.memory_space<vmem_shared>> -> memref<10240x16xf32, #tpu.memory_space<vmem_shared>>
        tpu.enqueue_indirect_dma source(%arg15 : memref<128x16xf32, #tpu.memory_space<vmem>>) target(%dma_start3A_141 : memref<10240x16xf32, #tpu.memory_space<vmem_shared>>) offsets(%dma_start3A_138 : memref<128xi32, #tpu.memory_space<vmem>>) semaphore(%arg23 : memref<!tpu.dma_semaphore, #tpu.memory_space<semaphore_mem>>) {add = true}
        %add3A_142 = arith.constant 4 : i32
        %add3A_143 = arith.addi %add3A_124, %add3A_142 : i32
        %lt3A_144 = arith.cmpi slt, %add3A_143, %select_n3A : i32
        %convert_element_type3A_145 = arith.extui %lt3A_144 : i1 to i32
        %cond3A_146 = arith.constant 0 : i32
        %cond3A_147 = arith.cmpi ne, %convert_element_type3A_145, %cond3A_146 : i32
        scf.if %cond3A_147 {
          %dma_wait3A_148 = arith.constant 0 : i32
          %dma_wait3A_149 = arith.constant 0 : i32
          %dma_wait3A_150 = tpu.memref_slice %arg9[%dma_wait3A_148, %dma_wait3A_149] : memref<79x128xi32, #tpu.memory_space<vmem>> -> memref<1x128xi32, #tpu.memory_space<vmem>>
          %dma_wait3A_151 = tpu.memref_squeeze %dma_wait3A_150 : memref<1x128xi32, #tpu.memory_space<vmem>> -> memref<128xi32, #tpu.memory_space<vmem>>
          %dma_wait3A_152 = arith.constant 0 : i32
          %dma_wait3A_153 = arith.constant 0 : i32
          %dma_wait3A_154 = tpu.memref_slice %arg7[%dma_wait3A_152, %dma_wait3A_153] : memref<10240x16xf32, #tpu.memory_space<vmem_shared>> -> memref<10240x16xf32, #tpu.memory_space<vmem_shared>>
          tpu.wait_indirect_dma semaphore(%arg23 : memref<!tpu.dma_semaphore, #tpu.memory_space<semaphore_mem>>) src(%arg15 : memref<128x16xf32, #tpu.memory_space<vmem>>) dst(%dma_wait3A_154 : memref<10240x16xf32, #tpu.memory_space<vmem_shared>>)
          %dma_start3A_155 = arith.constant 0 : i32
          %dma_start3A_156 = tpu.memref_slice %arg8[%add3A_143, %dma_start3A_155] : memref<79x128xi32, #tpu.memory_space<vmem>> -> memref<1x128xi32, #tpu.memory_space<vmem>>
          %dma_start3A_157 = tpu.memref_squeeze %dma_start3A_156 : memref<1x128xi32, #tpu.memory_space<vmem>> -> memref<128xi32, #tpu.memory_space<vmem>>
          %dma_start3A_158 = arith.constant 0 : i32
          %dma_start3A_159 = arith.constant 0 : i32
          %dma_start3A_160 = tpu.memref_slice %arg6[%dma_start3A_158, %dma_start3A_159] : memref<10240x16xf32, #tpu.memory_space<hbm>> -> memref<10240x16xf32, #tpu.memory_space<hbm>>
          tpu.enqueue_indirect_dma source(%dma_start3A_160 : memref<10240x16xf32, #tpu.memory_space<hbm>>) target(%arg15 : memref<128x16xf32, #tpu.memory_space<vmem>>) offsets(%dma_start3A_157 : memref<128xi32, #tpu.memory_space<vmem>>) semaphore(%arg19 : memref<!tpu.dma_semaphore, #tpu.memory_space<semaphore_mem>>)
        } else {
        }
      } else {
      }
    }
    %scan3A_53 = arith.constant 20 : i32
    %dma_wait3A = arith.constant 0 : i32
    %dma_wait3A_54 = arith.constant 0 : i32
    %dma_wait3A_55 = tpu.memref_slice %arg9[%dma_wait3A, %dma_wait3A_54] : memref<79x128xi32, #tpu.memory_space<vmem>> -> memref<1x128xi32, #tpu.memory_space<vmem>>
    %dma_wait3A_56 = tpu.memref_squeeze %dma_wait3A_55 : memref<1x128xi32, #tpu.memory_space<vmem>> -> memref<128xi32, #tpu.memory_space<vmem>>
    %dma_wait3A_57 = arith.constant 0 : i32
    %dma_wait3A_58 = arith.constant 0 : i32
    %dma_wait3A_59 = tpu.memref_slice %arg7[%dma_wait3A_57, %dma_wait3A_58] : memref<10240x16xf32, #tpu.memory_space<vmem_shared>> -> memref<10240x16xf32, #tpu.memory_space<vmem_shared>>
    tpu.wait_indirect_dma semaphore(%arg20 : memref<!tpu.dma_semaphore, #tpu.memory_space<semaphore_mem>>) src(%arg12 : memref<128x16xf32, #tpu.memory_space<vmem>>) dst(%dma_wait3A_59 : memref<10240x16xf32, #tpu.memory_space<vmem_shared>>)
    %dma_wait3A_60 = arith.constant 0 : i32
    %dma_wait3A_61 = arith.constant 0 : i32
    %dma_wait3A_62 = tpu.memref_slice %arg9[%dma_wait3A_60, %dma_wait3A_61] : memref<79x128xi32, #tpu.memory_space<vmem>> -> memref<1x128xi32, #tpu.memory_space<vmem>>
    %dma_wait3A_63 = tpu.memref_squeeze %dma_wait3A_62 : memref<1x128xi32, #tpu.memory_space<vmem>> -> memref<128xi32, #tpu.memory_space<vmem>>
    %dma_wait3A_64 = arith.constant 0 : i32
    %dma_wait3A_65 = arith.constant 0 : i32
    %dma_wait3A_66 = tpu.memref_slice %arg7[%dma_wait3A_64, %dma_wait3A_65] : memref<10240x16xf32, #tpu.memory_space<vmem_shared>> -> memref<10240x16xf32, #tpu.memory_space<vmem_shared>>
    tpu.wait_indirect_dma semaphore(%arg21 : memref<!tpu.dma_semaphore, #tpu.memory_space<semaphore_mem>>) src(%arg13 : memref<128x16xf32, #tpu.memory_space<vmem>>) dst(%dma_wait3A_66 : memref<10240x16xf32, #tpu.memory_space<vmem_shared>>)
    %dma_wait3A_67 = arith.constant 0 : i32
    %dma_wait3A_68 = arith.constant 0 : i32
    %dma_wait3A_69 = tpu.memref_slice %arg9[%dma_wait3A_67, %dma_wait3A_68] : memref<79x128xi32, #tpu.memory_space<vmem>> -> memref<1x128xi32, #tpu.memory_space<vmem>>
    %dma_wait3A_70 = tpu.memref_squeeze %dma_wait3A_69 : memref<1x128xi32, #tpu.memory_space<vmem>> -> memref<128xi32, #tpu.memory_space<vmem>>
    %dma_wait3A_71 = arith.constant 0 : i32
    %dma_wait3A_72 = arith.constant 0 : i32
    %dma_wait3A_73 = tpu.memref_slice %arg7[%dma_wait3A_71, %dma_wait3A_72] : memref<10240x16xf32, #tpu.memory_space<vmem_shared>> -> memref<10240x16xf32, #tpu.memory_space<vmem_shared>>
    tpu.wait_indirect_dma semaphore(%arg22 : memref<!tpu.dma_semaphore, #tpu.memory_space<semaphore_mem>>) src(%arg14 : memref<128x16xf32, #tpu.memory_space<vmem>>) dst(%dma_wait3A_73 : memref<10240x16xf32, #tpu.memory_space<vmem_shared>>)
    %dma_wait3A_74 = arith.constant 0 : i32
    %dma_wait3A_75 = arith.constant 0 : i32
    %dma_wait3A_76 = tpu.memref_slice %arg9[%dma_wait3A_74, %dma_wait3A_75] : memref<79x128xi32, #tpu.memory_space<vmem>> -> memref<1x128xi32, #tpu.memory_space<vmem>>
    %dma_wait3A_77 = tpu.memref_squeeze %dma_wait3A_76 : memref<1x128xi32, #tpu.memory_space<vmem>> -> memref<128xi32, #tpu.memory_space<vmem>>
    %dma_wait3A_78 = arith.constant 0 : i32
    %dma_wait3A_79 = arith.constant 0 : i32
    %dma_wait3A_80 = tpu.memref_slice %arg7[%dma_wait3A_78, %dma_wait3A_79] : memref<10240x16xf32, #tpu.memory_space<vmem_shared>> -> memref<10240x16xf32, #tpu.memory_space<vmem_shared>>
    tpu.wait_indirect_dma semaphore(%arg23 : memref<!tpu.dma_semaphore, #tpu.memory_space<semaphore_mem>>) src(%arg15 : memref<128x16xf32, #tpu.memory_space<vmem>>) dst(%dma_wait3A_80 : memref<10240x16xf32, #tpu.memory_space<vmem_shared>>)
    %barrier3A_81 = arith.constant 0 : index
    tpu.barrier barrier_id(%barrier3A_81)
    %mul3A_82 = arith.constant 640 : i32
    %mul3A_83 = arith.muli %arg1, %mul3A_82 : i32
    "tpu.region"() ({
      %run_scoped3A_96 = tpu.sem_alloc : memref<!tpu.dma_semaphore, #tpu.memory_space<semaphore_mem>>
      %dma_start3A_97 = arith.constant 0 : i32
      %dma_start3A_98 = tpu.memref_slice %arg7[%mul3A_83, %dma_start3A_97] : memref<10240x16xf32, #tpu.memory_space<vmem_shared>> -> memref<640x16xf32, #tpu.memory_space<vmem_shared>>
      %dma_start3A_99 = arith.constant 0 : i32
      %dma_start3A_100 = tpu.memref_slice %arg7[%mul3A_83, %dma_start3A_99] : memref<10240x16xf32, #tpu.memory_space<vmem_shared>> -> memref<640x16xf32, #tpu.memory_space<vmem_shared>>
      tpu.enqueue_dma source(%dma_start3A_100 : memref<640x16xf32, #tpu.memory_space<vmem_shared>>) target(%arg11 : memref<640x16xf32, #tpu.memory_space<vmem>>) target_semaphore(%run_scoped3A_96 : memref<!tpu.dma_semaphore, #tpu.memory_space<semaphore_mem>>)
      %dma_wait3A_101 = arith.constant 0 : i32
      %dma_wait3A_102 = tpu.memref_slice %arg7[%mul3A_83, %dma_wait3A_101] : memref<10240x16xf32, #tpu.memory_space<vmem_shared>> -> memref<640x16xf32, #tpu.memory_space<vmem_shared>>
      %dma_wait3A_103 = arith.constant 0 : i32
      %dma_wait3A_104 = tpu.memref_slice %arg7[%mul3A_83, %dma_wait3A_103] : memref<10240x16xf32, #tpu.memory_space<vmem_shared>> -> memref<640x16xf32, #tpu.memory_space<vmem_shared>>
      tpu.wait_dma2 semaphore(%run_scoped3A_96 : memref<!tpu.dma_semaphore, #tpu.memory_space<semaphore_mem>>) src(%dma_wait3A_104 : memref<640x16xf32, #tpu.memory_space<vmem_shared>>) dst(%arg11 : memref<640x16xf32, #tpu.memory_space<vmem>>)
      tpu.yield
    }) : () -> ()
    %parallel_loop3A_84 = arith.constant 0 : i32
    %parallel_loop3A_85 = arith.constant 40 : i32
    %parallel_loop3A_86 = arith.constant 1 : i32
    scf.for %parallel_loop3A_96 = %parallel_loop3A_84 to %parallel_loop3A_85 step %parallel_loop3A_86  : i32 {
      %parallel_loop3A_97 = arith.constant 16 : i32
      %parallel_loop3A_98 = arith.muli %parallel_loop3A_96, %parallel_loop3A_97 : i32
      %parallel_loop3A_99 = vector.broadcast %parallel_loop3A_98 : i32 to vector<16xi32>
      %parallel_loop3A_100 = arith.addi %parallel_loop3A_99, %iota3A : vector<16xi32>
      %parallel_loop3A_101 = arith.constant 0 : i32
      %parallel_loop3A_102 = vector.broadcast %parallel_loop3A_101 : i32 to vector<16xi32>
      %parallel_loop3A_103 = arith.muli %iota3A, %parallel_loop3A_102 : vector<16xi32>
      %parallel_loop3A_104 = arith.constant 0 : i32
      %parallel_loop3A_105 = vector.broadcast %parallel_loop3A_104 : i32 to vector<16xi32>
      %parallel_loop3A_106 = arith.addi %parallel_loop3A_103, %parallel_loop3A_105 : vector<16xi32>
      %parallel_loop3A_107 = tpu.vector_load_idx %arg11[%parallel_loop3A_100, %parallel_loop3A_106] : memref<640x16xf32, #tpu.memory_space<vmem>>[vector<16xi32>, vector<16xi32>], vector<16xf32>,
      %parallel_loop3A_108 = arith.constant 16 : i32
      %parallel_loop3A_109 = arith.muli %parallel_loop3A_96, %parallel_loop3A_108 : i32
      %parallel_loop3A_110 = arith.constant 0 : i32
      %parallel_loop3A_111 = arith.index_cast %parallel_loop3A_110 : i32 to index
      %parallel_loop3A_112 = arith.index_cast %parallel_loop3A_109 : i32 to index
      %parallel_loop3A_113 = tpu.vector_load %arg10[%parallel_loop3A_111, %parallel_loop3A_112] {strides = array<i32>} : memref<16x640xf32, #tpu.memory_space<vmem>>, vector<16xf32>,
      tpu.vector_store %arg10[%parallel_loop3A_111, %parallel_loop3A_112], %parallel_loop3A_107 {strides = array<i32>} : memref<16x640xf32, #tpu.memory_space<vmem>>, vector<16xf32>,
      %parallel_loop3A_114 = arith.constant 0 : i32
      %parallel_loop3A_115 = vector.broadcast %parallel_loop3A_114 : i32 to vector<16xi32>
      %parallel_loop3A_116 = arith.muli %iota3A, %parallel_loop3A_115 : vector<16xi32>
      %parallel_loop3A_117 = arith.constant 1 : i32
      %parallel_loop3A_118 = vector.broadcast %parallel_loop3A_117 : i32 to vector<16xi32>
      %parallel_loop3A_119 = arith.addi %parallel_loop3A_116, %parallel_loop3A_118 : vector<16xi32>
      %parallel_loop3A_120 = tpu.vector_load_idx %arg11[%parallel_loop3A_100, %parallel_loop3A_119] : memref<640x16xf32, #tpu.memory_space<vmem>>[vector<16xi32>, vector<16xi32>], vector<16xf32>,
      %parallel_loop3A_121 = arith.constant 16 : i32
      %parallel_loop3A_122 = arith.muli %parallel_loop3A_96, %parallel_loop3A_121 : i32
      %parallel_loop3A_123 = arith.constant 1 : i32
      %parallel_loop3A_124 = arith.index_cast %parallel_loop3A_123 : i32 to index
      %parallel_loop3A_125 = arith.index_cast %parallel_loop3A_122 : i32 to index
      %parallel_loop3A_126 = tpu.vector_load %arg10[%parallel_loop3A_124, %parallel_loop3A_125] {strides = array<i32>} : memref<16x640xf32, #tpu.memory_space<vmem>>, vector<16xf32>,
      tpu.vector_store %arg10[%parallel_loop3A_124, %parallel_loop3A_125], %parallel_loop3A_120 {strides = array<i32>} : memref<16x640xf32, #tpu.memory_space<vmem>>, vector<16xf32>,
      %parallel_loop3A_127 = arith.constant 0 : i32
      %parallel_loop3A_128 = vector.broadcast %parallel_loop3A_127 : i32 to vector<16xi32>
      %parallel_loop3A_129 = arith.muli %iota3A, %parallel_loop3A_128 : vector<16xi32>
      %parallel_loop3A_130 = arith.constant 2 : i32
      %parallel_loop3A_131 = vector.broadcast %parallel_loop3A_130 : i32 to vector<16xi32>
      %parallel_loop3A_132 = arith.addi %parallel_loop3A_129, %parallel_loop3A_131 : vector<16xi32>
      %parallel_loop3A_133 = tpu.vector_load_idx %arg11[%parallel_loop3A_100, %parallel_loop3A_132] : memref<640x16xf32, #tpu.memory_space<vmem>>[vector<16xi32>, vector<16xi32>], vector<16xf32>,
      %parallel_loop3A_134 = arith.constant 16 : i32
      %parallel_loop3A_135 = arith.muli %parallel_loop3A_96, %parallel_loop3A_134 : i32
      %parallel_loop3A_136 = arith.constant 2 : i32
      %parallel_loop3A_137 = arith.index_cast %parallel_loop3A_136 : i32 to index
      %parallel_loop3A_138 = arith.index_cast %parallel_loop3A_135 : i32 to index
      %parallel_loop3A_139 = tpu.vector_load %arg10[%parallel_loop3A_137, %parallel_loop3A_138] {strides = array<i32>} : memref<16x640xf32, #tpu.memory_space<vmem>>, vector<16xf32>,
      tpu.vector_store %arg10[%parallel_loop3A_137, %parallel_loop3A_138], %parallel_loop3A_133 {strides = array<i32>} : memref<16x640xf32, #tpu.memory_space<vmem>>, vector<16xf32>,
      %parallel_loop3A_140 = arith.constant 0 : i32
      %parallel_loop3A_141 = vector.broadcast %parallel_loop3A_140 : i32 to vector<16xi32>
      %parallel_loop3A_142 = arith.muli %iota3A, %parallel_loop3A_141 : vector<16xi32>
      %parallel_loop3A_143 = arith.constant 3 : i32
      %parallel_loop3A_144 = vector.broadcast %parallel_loop3A_143 : i32 to vector<16xi32>
      %parallel_loop3A_145 = arith.addi %parallel_loop3A_142, %parallel_loop3A_144 : vector<16xi32>
      %parallel_loop3A_146 = tpu.vector_load_idx %arg11[%parallel_loop3A_100, %parallel_loop3A_145] : memref<640x16xf32, #tpu.memory_space<vmem>>[vector<16xi32>, vector<16xi32>], vector<16xf32>,
      %parallel_loop3A_147 = arith.constant 16 : i32
      %parallel_loop3A_148 = arith.muli %parallel_loop3A_96, %parallel_loop3A_147 : i32
      %parallel_loop3A_149 = arith.constant 3 : i32
      %parallel_loop3A_150 = arith.index_cast %parallel_loop3A_149 : i32 to index
      %parallel_loop3A_151 = arith.index_cast %parallel_loop3A_148 : i32 to index
      %parallel_loop3A_152 = tpu.vector_load %arg10[%parallel_loop3A_150, %parallel_loop3A_151] {strides = array<i32>} : memref<16x640xf32, #tpu.memory_space<vmem>>, vector<16xf32>,
      tpu.vector_store %arg10[%parallel_loop3A_150, %parallel_loop3A_151], %parallel_loop3A_146 {strides = array<i32>} : memref<16x640xf32, #tpu.memory_space<vmem>>, vector<16xf32>,
      %parallel_loop3A_153 = arith.constant 0 : i32
      %parallel_loop3A_154 = vector.broadcast %parallel_loop3A_153 : i32 to vector<16xi32>
      %parallel_loop3A_155 = arith.muli %iota3A, %parallel_loop3A_154 : vector<16xi32>
      %parallel_loop3A_156 = arith.constant 4 : i32
      %parallel_loop3A_157 = vector.broadcast %parallel_loop3A_156 : i32 to vector<16xi32>
      %parallel_loop3A_158 = arith.addi %parallel_loop3A_155, %parallel_loop3A_157 : vector<16xi32>
      %parallel_loop3A_159 = tpu.vector_load_idx %arg11[%parallel_loop3A_100, %parallel_loop3A_158] : memref<640x16xf32, #tpu.memory_space<vmem>>[vector<16xi32>, vector<16xi32>], vector<16xf32>,
      %parallel_loop3A_160 = arith.constant 16 : i32
      %parallel_loop3A_161 = arith.muli %parallel_loop3A_96, %parallel_loop3A_160 : i32
      %parallel_loop3A_162 = arith.constant 4 : i32
      %parallel_loop3A_163 = arith.index_cast %parallel_loop3A_162 : i32 to index
      %parallel_loop3A_164 = arith.index_cast %parallel_loop3A_161 : i32 to index
      %parallel_loop3A_165 = tpu.vector_load %arg10[%parallel_loop3A_163, %parallel_loop3A_164] {strides = array<i32>} : memref<16x640xf32, #tpu.memory_space<vmem>>, vector<16xf32>,
      tpu.vector_store %arg10[%parallel_loop3A_163, %parallel_loop3A_164], %parallel_loop3A_159 {strides = array<i32>} : memref<16x640xf32, #tpu.memory_space<vmem>>, vector<16xf32>,
      %parallel_loop3A_166 = arith.constant 0 : i32
      %parallel_loop3A_167 = vector.broadcast %parallel_loop3A_166 : i32 to vector<16xi32>
      %parallel_loop3A_168 = arith.muli %iota3A, %parallel_loop3A_167 : vector<16xi32>
      %parallel_loop3A_169 = arith.constant 5 : i32
      %parallel_loop3A_170 = vector.broadcast %parallel_loop3A_169 : i32 to vector<16xi32>
      %parallel_loop3A_171 = arith.addi %parallel_loop3A_168, %parallel_loop3A_170 : vector<16xi32>
      %parallel_loop3A_172 = tpu.vector_load_idx %arg11[%parallel_loop3A_100, %parallel_loop3A_171] : memref<640x16xf32, #tpu.memory_space<vmem>>[vector<16xi32>, vector<16xi32>], vector<16xf32>,
      %parallel_loop3A_173 = arith.constant 16 : i32
      %parallel_loop3A_174 = arith.muli %parallel_loop3A_96, %parallel_loop3A_173 : i32
      %parallel_loop3A_175 = arith.constant 5 : i32
      %parallel_loop3A_176 = arith.index_cast %parallel_loop3A_175 : i32 to index
      %parallel_loop3A_177 = arith.index_cast %parallel_loop3A_174 : i32 to index
      %parallel_loop3A_178 = tpu.vector_load %arg10[%parallel_loop3A_176, %parallel_loop3A_177] {strides = array<i32>} : memref<16x640xf32, #tpu.memory_space<vmem>>, vector<16xf32>,
      tpu.vector_store %arg10[%parallel_loop3A_176, %parallel_loop3A_177], %parallel_loop3A_172 {strides = array<i32>} : memref<16x640xf32, #tpu.memory_space<vmem>>, vector<16xf32>,
      %parallel_loop3A_179 = arith.constant 0 : i32
      %parallel_loop3A_180 = vector.broadcast %parallel_loop3A_179 : i32 to vector<16xi32>
      %parallel_loop3A_181 = arith.muli %iota3A, %parallel_loop3A_180 : vector<16xi32>
      %parallel_loop3A_182 = arith.constant 6 : i32
      %parallel_loop3A_183 = vector.broadcast %parallel_loop3A_182 : i32 to vector<16xi32>
      %parallel_loop3A_184 = arith.addi %parallel_loop3A_181, %parallel_loop3A_183 : vector<16xi32>
      %parallel_loop3A_185 = tpu.vector_load_idx %arg11[%parallel_loop3A_100, %parallel_loop3A_184] : memref<640x16xf32, #tpu.memory_space<vmem>>[vector<16xi32>, vector<16xi32>], vector<16xf32>,
      %parallel_loop3A_186 = arith.constant 16 : i32
      %parallel_loop3A_187 = arith.muli %parallel_loop3A_96, %parallel_loop3A_186 : i32
      %parallel_loop3A_188 = arith.constant 6 : i32
      %parallel_loop3A_189 = arith.index_cast %parallel_loop3A_188 : i32 to index
      %parallel_loop3A_190 = arith.index_cast %parallel_loop3A_187 : i32 to index
      %parallel_loop3A_191 = tpu.vector_load %arg10[%parallel_loop3A_189, %parallel_loop3A_190] {strides = array<i32>} : memref<16x640xf32, #tpu.memory_space<vmem>>, vector<16xf32>,
      tpu.vector_store %arg10[%parallel_loop3A_189, %parallel_loop3A_190], %parallel_loop3A_185 {strides = array<i32>} : memref<16x640xf32, #tpu.memory_space<vmem>>, vector<16xf32>,
      %parallel_loop3A_192 = arith.constant 0 : i32
      %parallel_loop3A_193 = vector.broadcast %parallel_loop3A_192 : i32 to vector<16xi32>
      %parallel_loop3A_194 = arith.muli %iota3A, %parallel_loop3A_193 : vector<16xi32>
      %parallel_loop3A_195 = arith.constant 7 : i32
      %parallel_loop3A_196 = vector.broadcast %parallel_loop3A_195 : i32 to vector<16xi32>
      %parallel_loop3A_197 = arith.addi %parallel_loop3A_194, %parallel_loop3A_196 : vector<16xi32>
      %parallel_loop3A_198 = tpu.vector_load_idx %arg11[%parallel_loop3A_100, %parallel_loop3A_197] : memref<640x16xf32, #tpu.memory_space<vmem>>[vector<16xi32>, vector<16xi32>], vector<16xf32>,
      %parallel_loop3A_199 = arith.constant 16 : i32
      %parallel_loop3A_200 = arith.muli %parallel_loop3A_96, %parallel_loop3A_199 : i32
      %parallel_loop3A_201 = arith.constant 7 : i32
      %parallel_loop3A_202 = arith.index_cast %parallel_loop3A_201 : i32 to index
      %parallel_loop3A_203 = arith.index_cast %parallel_loop3A_200 : i32 to index
      %parallel_loop3A_204 = tpu.vector_load %arg10[%parallel_loop3A_202, %parallel_loop3A_203] {strides = array<i32>} : memref<16x640xf32, #tpu.memory_space<vmem>>, vector<16xf32>,
      tpu.vector_store %arg10[%parallel_loop3A_202, %parallel_loop3A_203], %parallel_loop3A_198 {strides = array<i32>} : memref<16x640xf32, #tpu.memory_space<vmem>>, vector<16xf32>,
      %parallel_loop3A_205 = arith.constant 0 : i32
      %parallel_loop3A_206 = vector.broadcast %parallel_loop3A_205 : i32 to vector<16xi32>
      %parallel_loop3A_207 = arith.muli %iota3A, %parallel_loop3A_206 : vector<16xi32>
      %parallel_loop3A_208 = arith.constant 8 : i32
      %parallel_loop3A_209 = vector.broadcast %parallel_loop3A_208 : i32 to vector<16xi32>
      %parallel_loop3A_210 = arith.addi %parallel_loop3A_207, %parallel_loop3A_209 : vector<16xi32>
      %parallel_loop3A_211 = tpu.vector_load_idx %arg11[%parallel_loop3A_100, %parallel_loop3A_210] : memref<640x16xf32, #tpu.memory_space<vmem>>[vector<16xi32>, vector<16xi32>], vector<16xf32>,
      %parallel_loop3A_212 = arith.constant 16 : i32
      %parallel_loop3A_213 = arith.muli %parallel_loop3A_96, %parallel_loop3A_212 : i32
      %parallel_loop3A_214 = arith.constant 8 : i32
      %parallel_loop3A_215 = arith.index_cast %parallel_loop3A_214 : i32 to index
      %parallel_loop3A_216 = arith.index_cast %parallel_loop3A_213 : i32 to index
      %parallel_loop3A_217 = tpu.vector_load %arg10[%parallel_loop3A_215, %parallel_loop3A_216] {strides = array<i32>} : memref<16x640xf32, #tpu.memory_space<vmem>>, vector<16xf32>,
      tpu.vector_store %arg10[%parallel_loop3A_215, %parallel_loop3A_216], %parallel_loop3A_211 {strides = array<i32>} : memref<16x640xf32, #tpu.memory_space<vmem>>, vector<16xf32>,
      %parallel_loop3A_218 = arith.constant 0 : i32
      %parallel_loop3A_219 = vector.broadcast %parallel_loop3A_218 : i32 to vector<16xi32>
      %parallel_loop3A_220 = arith.muli %iota3A, %parallel_loop3A_219 : vector<16xi32>
      %parallel_loop3A_221 = arith.constant 9 : i32
      %parallel_loop3A_222 = vector.broadcast %parallel_loop3A_221 : i32 to vector<16xi32>
      %parallel_loop3A_223 = arith.addi %parallel_loop3A_220, %parallel_loop3A_222 : vector<16xi32>
      %parallel_loop3A_224 = tpu.vector_load_idx %arg11[%parallel_loop3A_100, %parallel_loop3A_223] : memref<640x16xf32, #tpu.memory_space<vmem>>[vector<16xi32>, vector<16xi32>], vector<16xf32>,
      %parallel_loop3A_225 = arith.constant 16 : i32
      %parallel_loop3A_226 = arith.muli %parallel_loop3A_96, %parallel_loop3A_225 : i32
      %parallel_loop3A_227 = arith.constant 9 : i32
      %parallel_loop3A_228 = arith.index_cast %parallel_loop3A_227 : i32 to index
      %parallel_loop3A_229 = arith.index_cast %parallel_loop3A_226 : i32 to index
      %parallel_loop3A_230 = tpu.vector_load %arg10[%parallel_loop3A_228, %parallel_loop3A_229] {strides = array<i32>} : memref<16x640xf32, #tpu.memory_space<vmem>>, vector<16xf32>,
      tpu.vector_store %arg10[%parallel_loop3A_228, %parallel_loop3A_229], %parallel_loop3A_224 {strides = array<i32>} : memref<16x640xf32, #tpu.memory_space<vmem>>, vector<16xf32>,
      %parallel_loop3A_231 = arith.constant 0 : i32
      %parallel_loop3A_232 = vector.broadcast %parallel_loop3A_231 : i32 to vector<16xi32>
      %parallel_loop3A_233 = arith.muli %iota3A, %parallel_loop3A_232 : vector<16xi32>
      %parallel_loop3A_234 = arith.constant 10 : i32
      %parallel_loop3A_235 = vector.broadcast %parallel_loop3A_234 : i32 to vector<16xi32>
      %parallel_loop3A_236 = arith.addi %parallel_loop3A_233, %parallel_loop3A_235 : vector<16xi32>
      %parallel_loop3A_237 = tpu.vector_load_idx %arg11[%parallel_loop3A_100, %parallel_loop3A_236] : memref<640x16xf32, #tpu.memory_space<vmem>>[vector<16xi32>, vector<16xi32>], vector<16xf32>,
      %parallel_loop3A_238 = arith.constant 16 : i32
      %parallel_loop3A_239 = arith.muli %parallel_loop3A_96, %parallel_loop3A_238 : i32
      %parallel_loop3A_240 = arith.constant 10 : i32
      %parallel_loop3A_241 = arith.index_cast %parallel_loop3A_240 : i32 to index
      %parallel_loop3A_242 = arith.index_cast %parallel_loop3A_239 : i32 to index
      %parallel_loop3A_243 = tpu.vector_load %arg10[%parallel_loop3A_241, %parallel_loop3A_242] {strides = array<i32>} : memref<16x640xf32, #tpu.memory_space<vmem>>, vector<16xf32>,
      tpu.vector_store %arg10[%parallel_loop3A_241, %parallel_loop3A_242], %parallel_loop3A_237 {strides = array<i32>} : memref<16x640xf32, #tpu.memory_space<vmem>>, vector<16xf32>,
      %parallel_loop3A_244 = arith.constant 0 : i32
      %parallel_loop3A_245 = vector.broadcast %parallel_loop3A_244 : i32 to vector<16xi32>
      %parallel_loop3A_246 = arith.muli %iota3A, %parallel_loop3A_245 : vector<16xi32>
      %parallel_loop3A_247 = arith.constant 11 : i32
      %parallel_loop3A_248 = vector.broadcast %parallel_loop3A_247 : i32 to vector<16xi32>
      %parallel_loop3A_249 = arith.addi %parallel_loop3A_246, %parallel_loop3A_248 : vector<16xi32>
      %parallel_loop3A_250 = tpu.vector_load_idx %arg11[%parallel_loop3A_100, %parallel_loop3A_249] : memref<640x16xf32, #tpu.memory_space<vmem>>[vector<16xi32>, vector<16xi32>], vector<16xf32>,
      %parallel_loop3A_251 = arith.constant 16 : i32
      %parallel_loop3A_252 = arith.muli %parallel_loop3A_96, %parallel_loop3A_251 : i32
      %parallel_loop3A_253 = arith.constant 11 : i32
      %parallel_loop3A_254 = arith.index_cast %parallel_loop3A_253 : i32 to index
      %parallel_loop3A_255 = arith.index_cast %parallel_loop3A_252 : i32 to index
      %parallel_loop3A_256 = tpu.vector_load %arg10[%parallel_loop3A_254, %parallel_loop3A_255] {strides = array<i32>} : memref<16x640xf32, #tpu.memory_space<vmem>>, vector<16xf32>,
      tpu.vector_store %arg10[%parallel_loop3A_254, %parallel_loop3A_255], %parallel_loop3A_250 {strides = array<i32>} : memref<16x640xf32, #tpu.memory_space<vmem>>, vector<16xf32>,
      %parallel_loop3A_257 = arith.constant 0 : i32
      %parallel_loop3A_258 = vector.broadcast %parallel_loop3A_257 : i32 to vector<16xi32>
      %parallel_loop3A_259 = arith.muli %iota3A, %parallel_loop3A_258 : vector<16xi32>
      %parallel_loop3A_260 = arith.constant 12 : i32
      %parallel_loop3A_261 = vector.broadcast %parallel_loop3A_260 : i32 to vector<16xi32>
      %parallel_loop3A_262 = arith.addi %parallel_loop3A_259, %parallel_loop3A_261 : vector<16xi32>
      %parallel_loop3A_263 = tpu.vector_load_idx %arg11[%parallel_loop3A_100, %parallel_loop3A_262] : memref<640x16xf32, #tpu.memory_space<vmem>>[vector<16xi32>, vector<16xi32>], vector<16xf32>,
      %parallel_loop3A_264 = arith.constant 16 : i32
      %parallel_loop3A_265 = arith.muli %parallel_loop3A_96, %parallel_loop3A_264 : i32
      %parallel_loop3A_266 = arith.constant 12 : i32
      %parallel_loop3A_267 = arith.index_cast %parallel_loop3A_266 : i32 to index
      %parallel_loop3A_268 = arith.index_cast %parallel_loop3A_265 : i32 to index
      %parallel_loop3A_269 = tpu.vector_load %arg10[%parallel_loop3A_267, %parallel_loop3A_268] {strides = array<i32>} : memref<16x640xf32, #tpu.memory_space<vmem>>, vector<16xf32>,
      tpu.vector_store %arg10[%parallel_loop3A_267, %parallel_loop3A_268], %parallel_loop3A_263 {strides = array<i32>} : memref<16x640xf32, #tpu.memory_space<vmem>>, vector<16xf32>,
      %parallel_loop3A_270 = arith.constant 0 : i32
      %parallel_loop3A_271 = vector.broadcast %parallel_loop3A_270 : i32 to vector<16xi32>
      %parallel_loop3A_272 = arith.muli %iota3A, %parallel_loop3A_271 : vector<16xi32>
      %parallel_loop3A_273 = arith.constant 13 : i32
      %parallel_loop3A_274 = vector.broadcast %parallel_loop3A_273 : i32 to vector<16xi32>
      %parallel_loop3A_275 = arith.addi %parallel_loop3A_272, %parallel_loop3A_274 : vector<16xi32>
      %parallel_loop3A_276 = tpu.vector_load_idx %arg11[%parallel_loop3A_100, %parallel_loop3A_275] : memref<640x16xf32, #tpu.memory_space<vmem>>[vector<16xi32>, vector<16xi32>], vector<16xf32>,
      %parallel_loop3A_277 = arith.constant 16 : i32
      %parallel_loop3A_278 = arith.muli %parallel_loop3A_96, %parallel_loop3A_277 : i32
      %parallel_loop3A_279 = arith.constant 13 : i32
      %parallel_loop3A_280 = arith.index_cast %parallel_loop3A_279 : i32 to index
      %parallel_loop3A_281 = arith.index_cast %parallel_loop3A_278 : i32 to index
      %parallel_loop3A_282 = tpu.vector_load %arg10[%parallel_loop3A_280, %parallel_loop3A_281] {strides = array<i32>} : memref<16x640xf32, #tpu.memory_space<vmem>>, vector<16xf32>,
      tpu.vector_store %arg10[%parallel_loop3A_280, %parallel_loop3A_281], %parallel_loop3A_276 {strides = array<i32>} : memref<16x640xf32, #tpu.memory_space<vmem>>, vector<16xf32>,
      %parallel_loop3A_283 = arith.constant 0 : i32
      %parallel_loop3A_284 = vector.broadcast %parallel_loop3A_283 : i32 to vector<16xi32>
      %parallel_loop3A_285 = arith.muli %iota3A, %parallel_loop3A_284 : vector<16xi32>
      %parallel_loop3A_286 = arith.constant 14 : i32
      %parallel_loop3A_287 = vector.broadcast %parallel_loop3A_286 : i32 to vector<16xi32>
      %parallel_loop3A_288 = arith.addi %parallel_loop3A_285, %parallel_loop3A_287 : vector<16xi32>
      %parallel_loop3A_289 = tpu.vector_load_idx %arg11[%parallel_loop3A_100, %parallel_loop3A_288] : memref<640x16xf32, #tpu.memory_space<vmem>>[vector<16xi32>, vector<16xi32>], vector<16xf32>,
      %parallel_loop3A_290 = arith.constant 16 : i32
      %parallel_loop3A_291 = arith.muli %parallel_loop3A_96, %parallel_loop3A_290 : i32
      %parallel_loop3A_292 = arith.constant 14 : i32
      %parallel_loop3A_293 = arith.index_cast %parallel_loop3A_292 : i32 to index
      %parallel_loop3A_294 = arith.index_cast %parallel_loop3A_291 : i32 to index
      %parallel_loop3A_295 = tpu.vector_load %arg10[%parallel_loop3A_293, %parallel_loop3A_294] {strides = array<i32>} : memref<16x640xf32, #tpu.memory_space<vmem>>, vector<16xf32>,
      tpu.vector_store %arg10[%parallel_loop3A_293, %parallel_loop3A_294], %parallel_loop3A_289 {strides = array<i32>} : memref<16x640xf32, #tpu.memory_space<vmem>>, vector<16xf32>,
      %parallel_loop3A_296 = arith.constant 0 : i32
      %parallel_loop3A_297 = vector.broadcast %parallel_loop3A_296 : i32 to vector<16xi32>
      %parallel_loop3A_298 = arith.muli %iota3A, %parallel_loop3A_297 : vector<16xi32>
      %parallel_loop3A_299 = arith.constant 15 : i32
      %parallel_loop3A_300 = vector.broadcast %parallel_loop3A_299 : i32 to vector<16xi32>
      %parallel_loop3A_301 = arith.addi %parallel_loop3A_298, %parallel_loop3A_300 : vector<16xi32>
      %parallel_loop3A_302 = tpu.vector_load_idx %arg11[%parallel_loop3A_100, %parallel_loop3A_301] : memref<640x16xf32, #tpu.memory_space<vmem>>[vector<16xi32>, vector<16xi32>], vector<16xf32>,
      %parallel_loop3A_303 = arith.constant 16 : i32
      %parallel_loop3A_304 = arith.muli %parallel_loop3A_96, %parallel_loop3A_303 : i32
      %parallel_loop3A_305 = arith.constant 15 : i32
      %parallel_loop3A_306 = arith.index_cast %parallel_loop3A_305 : i32 to index
      %parallel_loop3A_307 = arith.index_cast %parallel_loop3A_304 : i32 to index
      %parallel_loop3A_308 = tpu.vector_load %arg10[%parallel_loop3A_306, %parallel_loop3A_307] {strides = array<i32>} : memref<16x640xf32, #tpu.memory_space<vmem>>, vector<16xf32>,
      tpu.vector_store %arg10[%parallel_loop3A_306, %parallel_loop3A_307], %parallel_loop3A_302 {strides = array<i32>} : memref<16x640xf32, #tpu.memory_space<vmem>>, vector<16xf32>,
    } {sc.loop_unroll_factor = 4 : i64, sc.parallel_access}
    %eq3A = arith.constant 0 : i32
    %eq3A_87 = arith.cmpi eq, %arg0, %eq3A : i32
    %convert_element_type3A_88 = arith.extui %eq3A_87 : i1 to i32
    %cond3A_89 = arith.constant 0 : i32
    %cond3A_90 = arith.cmpi ne, %convert_element_type3A_88, %cond3A_89 : i32
    scf.if %cond3A_90 {
      %mul3A_96 = arith.constant 640 : i32
      %mul3A_97 = arith.muli %arg1, %mul3A_96 : i32
      "tpu.region"() ({
        %run_scoped3A_98 = tpu.sem_alloc : memref<!tpu.dma_semaphore, #tpu.memory_space<semaphore_mem>>
        %dma_start3A_99 = arith.constant 0 : i32
        %dma_start3A_100 = tpu.memref_slice %arg4[%dma_start3A_99, %mul3A_97] : memref<16x10240xf32, #tpu.memory_space<hbm>> -> memref<16x640xf32, #tpu.memory_space<hbm>>
        %dma_start3A_101 = arith.constant 0 : i32
        %dma_start3A_102 = tpu.memref_slice %arg4[%dma_start3A_101, %mul3A_97] : memref<16x10240xf32, #tpu.memory_space<hbm>> -> memref<16x640xf32, #tpu.memory_space<hbm>>
        tpu.enqueue_dma source(%arg10 : memref<16x640xf32, #tpu.memory_space<vmem>>) target(%dma_start3A_102 : memref<16x640xf32, #tpu.memory_space<hbm>>) target_semaphore(%run_scoped3A_98 : memref<!tpu.dma_semaphore, #tpu.memory_space<semaphore_mem>>)
        %dma_wait3A_103 = arith.constant 0 : i32
        %dma_wait3A_104 = tpu.memref_slice %arg4[%dma_wait3A_103, %mul3A_97] : memref<16x10240xf32, #tpu.memory_space<hbm>> -> memref<16x640xf32, #tpu.memory_space<hbm>>
        %dma_wait3A_105 = arith.constant 0 : i32
        %dma_wait3A_106 = tpu.memref_slice %arg4[%dma_wait3A_105, %mul3A_97] : memref<16x10240xf32, #tpu.memory_space<hbm>> -> memref<16x640xf32, #tpu.memory_space<hbm>>
        tpu.wait_dma2 semaphore(%run_scoped3A_98 : memref<!tpu.dma_semaphore, #tpu.memory_space<semaphore_mem>>) src(%arg10 : memref<16x640xf32, #tpu.memory_space<vmem>>) dst(%dma_wait3A_106 : memref<16x640xf32, #tpu.memory_space<hbm>>)
        tpu.yield
      }) : () -> ()
    } else {
    }
    %eq3A_91 = arith.constant 1 : i32
    %eq3A_92 = arith.cmpi eq, %arg0, %eq3A_91 : i32
    %convert_element_type3A_93 = arith.extui %eq3A_92 : i1 to i32
    %cond3A_94 = arith.constant 0 : i32
    %cond3A_95 = arith.cmpi ne, %convert_element_type3A_93, %cond3A_94 : i32
    scf.if %cond3A_95 {
      %mul3A_96 = arith.constant 640 : i32
      %mul3A_97 = arith.muli %arg1, %mul3A_96 : i32
      "tpu.region"() ({
        %run_scoped3A_98 = tpu.sem_alloc : memref<!tpu.dma_semaphore, #tpu.memory_space<semaphore_mem>>
        %dma_start3A_99 = arith.constant 0 : i32
        %dma_start3A_100 = tpu.memref_slice %arg5[%dma_start3A_99, %mul3A_97] : memref<16x10240xf32, #tpu.memory_space<hbm>> -> memref<16x640xf32, #tpu.memory_space<hbm>>
        %dma_start3A_101 = arith.constant 0 : i32
        %dma_start3A_102 = tpu.memref_slice %arg5[%dma_start3A_101, %mul3A_97] : memref<16x10240xf32, #tpu.memory_space<hbm>> -> memref<16x640xf32, #tpu.memory_space<hbm>>
        tpu.enqueue_dma source(%arg10 : memref<16x640xf32, #tpu.memory_space<vmem>>) target(%dma_start3A_102 : memref<16x640xf32, #tpu.memory_space<hbm>>) target_semaphore(%run_scoped3A_98 : memref<!tpu.dma_semaphore, #tpu.memory_space<semaphore_mem>>)
        %dma_wait3A_103 = arith.constant 0 : i32
        %dma_wait3A_104 = tpu.memref_slice %arg5[%dma_wait3A_103, %mul3A_97] : memref<16x10240xf32, #tpu.memory_space<hbm>> -> memref<16x640xf32, #tpu.memory_space<hbm>>
        %dma_wait3A_105 = arith.constant 0 : i32
        %dma_wait3A_106 = tpu.memref_slice %arg5[%dma_wait3A_105, %mul3A_97] : memref<16x10240xf32, #tpu.memory_space<hbm>> -> memref<16x640xf32, #tpu.memory_space<hbm>>
        tpu.wait_dma2 semaphore(%run_scoped3A_98 : memref<!tpu.dma_semaphore, #tpu.memory_space<semaphore_mem>>) src(%arg10 : memref<16x640xf32, #tpu.memory_space<vmem>>) dst(%dma_wait3A_106 : memref<16x640xf32, #tpu.memory_space<hbm>>)
        tpu.yield
      }) : () -> ()
    } else {
    }
    return
  }
}

#map = affine_map<(d0, d1) -> (0, 0, 0)>
#map1 = affine_map<(d0, d1) -> (0, 0)>
module attributes {stable_mosaic.version = 14 : i64} {
  func.func @_deg(%arg0: i32, %arg1: i32, %arg2: memref<2x2500x128xi32, #tpu.memory_space<hbm>>, %arg3: memref<16x10240xf32, #tpu.memory_space<hbm>>, %arg4: memref<16x10240xf32, #tpu.memory_space<hbm>>, %arg5: memref<10240xf32, #tpu.memory_space<vmem_shared>>, %arg6: memref<79x128xi32, #tpu.memory_space<vmem>>, %arg7: memref<128xf32, #tpu.memory_space<vmem>>, %arg8: memref<640xf32, #tpu.memory_space<vmem>>, %arg9: memref<16x640xf32, #tpu.memory_space<vmem>>, %arg10: memref<!tpu.dma_semaphore, #tpu.memory_space<semaphore_mem>>, %arg11: memref<!tpu.dma_semaphore, #tpu.memory_space<semaphore_mem>>, %arg12: memref<!tpu.dma_semaphore, #tpu.memory_space<semaphore_mem>>, %arg13: memref<!tpu.dma_semaphore, #tpu.memory_space<semaphore_mem>>) attributes {dimension_semantics = [#tpu.dimension_semantics<core_parallel>, #tpu.dimension_semantics<subcore_parallel>], iteration_bounds = array<i64: 2, 16>, scalar_prefetch = 0 : i64, scratch_operands = 9 : i64, tpu.core_type = #tpu.core_type<sc_vector_subcore>, window_params = [{transform_indices = #map}, {transform_indices = #map1}, {transform_indices = #map1}]} {
    %mul3A = arith.constant 2 : i32
    %mul3A_0 = arith.muli %arg1, %mul3A : i32
    %add3A = arith.addi %mul3A_0, %arg0 : i32
    %broadcast_in_dim3A = arith.constant 1.000000e+00 : f32
    %broadcast_in_dim3A_1 = vector.broadcast %broadcast_in_dim3A : f32 to vector<16xf32>
    %swap3A = arith.constant 0 : index
    %swap3A_2 = tpu.vector_load %arg7[%swap3A] {strides = array<i32>} : memref<128xf32, #tpu.memory_space<vmem>>, vector<16xf32>,
    tpu.vector_store %arg7[%swap3A], %broadcast_in_dim3A_1 {strides = array<i32>} : memref<128xf32, #tpu.memory_space<vmem>>, vector<16xf32>,
    %broadcast_in_dim3A_3 = arith.constant 1.000000e+00 : f32
    %broadcast_in_dim3A_4 = vector.broadcast %broadcast_in_dim3A_3 : f32 to vector<16xf32>
    %swap3A_5 = arith.constant 16 : index
    %swap3A_6 = tpu.vector_load %arg7[%swap3A_5] {strides = array<i32>} : memref<128xf32, #tpu.memory_space<vmem>>, vector<16xf32>,
    tpu.vector_store %arg7[%swap3A_5], %broadcast_in_dim3A_4 {strides = array<i32>} : memref<128xf32, #tpu.memory_space<vmem>>, vector<16xf32>,
    %broadcast_in_dim3A_7 = arith.constant 1.000000e+00 : f32
    %broadcast_in_dim3A_8 = vector.broadcast %broadcast_in_dim3A_7 : f32 to vector<16xf32>
    %swap3A_9 = arith.constant 32 : index
    %swap3A_10 = tpu.vector_load %arg7[%swap3A_9] {strides = array<i32>} : memref<128xf32, #tpu.memory_space<vmem>>, vector<16xf32>,
    tpu.vector_store %arg7[%swap3A_9], %broadcast_in_dim3A_8 {strides = array<i32>} : memref<128xf32, #tpu.memory_space<vmem>>, vector<16xf32>,
    %broadcast_in_dim3A_11 = arith.constant 1.000000e+00 : f32
    %broadcast_in_dim3A_12 = vector.broadcast %broadcast_in_dim3A_11 : f32 to vector<16xf32>
    %swap3A_13 = arith.constant 48 : index
    %swap3A_14 = tpu.vector_load %arg7[%swap3A_13] {strides = array<i32>} : memref<128xf32, #tpu.memory_space<vmem>>, vector<16xf32>,
    tpu.vector_store %arg7[%swap3A_13], %broadcast_in_dim3A_12 {strides = array<i32>} : memref<128xf32, #tpu.memory_space<vmem>>, vector<16xf32>,
    %broadcast_in_dim3A_15 = arith.constant 1.000000e+00 : f32
    %broadcast_in_dim3A_16 = vector.broadcast %broadcast_in_dim3A_15 : f32 to vector<16xf32>
    %swap3A_17 = arith.constant 64 : index
    %swap3A_18 = tpu.vector_load %arg7[%swap3A_17] {strides = array<i32>} : memref<128xf32, #tpu.memory_space<vmem>>, vector<16xf32>,
    tpu.vector_store %arg7[%swap3A_17], %broadcast_in_dim3A_16 {strides = array<i32>} : memref<128xf32, #tpu.memory_space<vmem>>, vector<16xf32>,
    %broadcast_in_dim3A_19 = arith.constant 1.000000e+00 : f32
    %broadcast_in_dim3A_20 = vector.broadcast %broadcast_in_dim3A_19 : f32 to vector<16xf32>
    %swap3A_21 = arith.constant 80 : index
    %swap3A_22 = tpu.vector_load %arg7[%swap3A_21] {strides = array<i32>} : memref<128xf32, #tpu.memory_space<vmem>>, vector<16xf32>,
    tpu.vector_store %arg7[%swap3A_21], %broadcast_in_dim3A_20 {strides = array<i32>} : memref<128xf32, #tpu.memory_space<vmem>>, vector<16xf32>,
    %broadcast_in_dim3A_23 = arith.constant 1.000000e+00 : f32
    %broadcast_in_dim3A_24 = vector.broadcast %broadcast_in_dim3A_23 : f32 to vector<16xf32>
    %swap3A_25 = arith.constant 96 : index
    %swap3A_26 = tpu.vector_load %arg7[%swap3A_25] {strides = array<i32>} : memref<128xf32, #tpu.memory_space<vmem>>, vector<16xf32>,
    tpu.vector_store %arg7[%swap3A_25], %broadcast_in_dim3A_24 {strides = array<i32>} : memref<128xf32, #tpu.memory_space<vmem>>, vector<16xf32>,
    %broadcast_in_dim3A_27 = arith.constant 1.000000e+00 : f32
    %broadcast_in_dim3A_28 = vector.broadcast %broadcast_in_dim3A_27 : f32 to vector<16xf32>
    %swap3A_29 = arith.constant 112 : index
    %swap3A_30 = tpu.vector_load %arg7[%swap3A_29] {strides = array<i32>} : memref<128xf32, #tpu.memory_space<vmem>>, vector<16xf32>,
    tpu.vector_store %arg7[%swap3A_29], %broadcast_in_dim3A_28 {strides = array<i32>} : memref<128xf32, #tpu.memory_space<vmem>>, vector<16xf32>,
    %parallel_loop3A = arith.constant 0 : i32
    %parallel_loop3A_31 = arith.constant 40 : i32
    %parallel_loop3A_32 = arith.constant 1 : i32
    scf.for %parallel_loop3A_85 = %parallel_loop3A to %parallel_loop3A_31 step %parallel_loop3A_32  : i32 {
      %parallel_loop3A_86 = arith.constant 0.000000e+00 : f32
      %parallel_loop3A_87 = vector.broadcast %parallel_loop3A_86 : f32 to vector<16xf32>
      %parallel_loop3A_88 = arith.constant 16 : i32
      %parallel_loop3A_89 = arith.muli %parallel_loop3A_85, %parallel_loop3A_88 : i32
      %parallel_loop3A_90 = arith.index_cast %parallel_loop3A_89 : i32 to index
      %parallel_loop3A_91 = tpu.vector_load %arg8[%parallel_loop3A_90] {strides = array<i32>} : memref<640xf32, #tpu.memory_space<vmem>>, vector<16xf32>,
      tpu.vector_store %arg8[%parallel_loop3A_90], %parallel_loop3A_87 {strides = array<i32>} : memref<640xf32, #tpu.memory_space<vmem>>, vector<16xf32>,
    } {sc.loop_unroll_factor = 4 : i64, sc.parallel_access}
    %mul3A_33 = arith.constant 640 : i32
    %mul3A_34 = arith.muli %arg1, %mul3A_33 : i32
    "tpu.region"() ({
      %run_scoped3A_85 = tpu.sem_alloc : memref<!tpu.dma_semaphore, #tpu.memory_space<semaphore_mem>>
      %dma_start3A = tpu.memref_slice %arg5[%mul3A_34] : memref<10240xf32, #tpu.memory_space<vmem_shared>> -> memref<640xf32, #tpu.memory_space<vmem_shared>>
      %dma_start3A_86 = tpu.memref_slice %arg5[%mul3A_34] : memref<10240xf32, #tpu.memory_space<vmem_shared>> -> memref<640xf32, #tpu.memory_space<vmem_shared>>
      tpu.enqueue_dma source(%arg8 : memref<640xf32, #tpu.memory_space<vmem>>) target(%dma_start3A_86 : memref<640xf32, #tpu.memory_space<vmem_shared>>) target_semaphore(%run_scoped3A_85 : memref<!tpu.dma_semaphore, #tpu.memory_space<semaphore_mem>>)
      %dma_wait3A_87 = tpu.memref_slice %arg5[%mul3A_34] : memref<10240xf32, #tpu.memory_space<vmem_shared>> -> memref<640xf32, #tpu.memory_space<vmem_shared>>
      %dma_wait3A_88 = tpu.memref_slice %arg5[%mul3A_34] : memref<10240xf32, #tpu.memory_space<vmem_shared>> -> memref<640xf32, #tpu.memory_space<vmem_shared>>
      tpu.wait_dma2 semaphore(%run_scoped3A_85 : memref<!tpu.dma_semaphore, #tpu.memory_space<semaphore_mem>>) src(%arg8 : memref<640xf32, #tpu.memory_space<vmem>>) dst(%dma_wait3A_88 : memref<640xf32, #tpu.memory_space<vmem_shared>>)
      tpu.yield
    }) : () -> ()
    %mul3A_35 = arith.constant 78 : i32
    %mul3A_36 = arith.muli %add3A, %mul3A_35 : i32
    %run_scoped3A = arith.constant 1 : i32
    "tpu.region"() ({
      %run_scoped3A_85 = tpu.sem_alloc : memref<!tpu.dma_semaphore, #tpu.memory_space<semaphore_mem>>
      %dma_start3A = arith.constant 0 : i32
      %dma_start3A_86 = arith.constant 0 : i32
      %dma_start3A_87 = tpu.memref_slice %arg6[%dma_start3A, %dma_start3A_86] : memref<79x128xi32, #tpu.memory_space<vmem>> -> memref<78x128xi32, #tpu.memory_space<vmem>>
      %dma_start3A_88 = arith.constant 0 : i32
      %dma_start3A_89 = arith.constant 0 : i32
      %dma_start3A_90 = tpu.memref_slice %arg2[%run_scoped3A, %dma_start3A_88, %dma_start3A_89] : memref<2x2500x128xi32, #tpu.memory_space<hbm>> -> memref<1x2500x128xi32, #tpu.memory_space<hbm>>
      %dma_start3A_91 = tpu.memref_squeeze %dma_start3A_90 : memref<1x2500x128xi32, #tpu.memory_space<hbm>> -> memref<2500x128xi32, #tpu.memory_space<hbm>>
      %dma_start3A_92 = arith.constant 0 : i32
      %dma_start3A_93 = tpu.memref_slice %dma_start3A_91[%mul3A_36, %dma_start3A_92] : memref<2500x128xi32, #tpu.memory_space<hbm>> -> memref<78x128xi32, #tpu.memory_space<hbm>>
      %dma_start3A_94 = arith.constant 0 : i32
      %dma_start3A_95 = arith.constant 0 : i32
      %dma_start3A_96 = tpu.memref_slice %arg6[%dma_start3A_94, %dma_start3A_95] : memref<79x128xi32, #tpu.memory_space<vmem>> -> memref<78x128xi32, #tpu.memory_space<vmem>>
      %dma_start3A_97 = arith.constant 0 : i32
      %dma_start3A_98 = arith.constant 0 : i32
      %dma_start3A_99 = tpu.memref_slice %arg2[%run_scoped3A, %dma_start3A_97, %dma_start3A_98] : memref<2x2500x128xi32, #tpu.memory_space<hbm>> -> memref<1x2500x128xi32, #tpu.memory_space<hbm>>
      %dma_start3A_100 = tpu.memref_squeeze %dma_start3A_99 : memref<1x2500x128xi32, #tpu.memory_space<hbm>> -> memref<2500x128xi32, #tpu.memory_space<hbm>>
      %dma_start3A_101 = arith.constant 0 : i32
      %dma_start3A_102 = tpu.memref_slice %dma_start3A_100[%mul3A_36, %dma_start3A_101] : memref<2500x128xi32, #tpu.memory_space<hbm>> -> memref<78x128xi32, #tpu.memory_space<hbm>>
      tpu.enqueue_dma source(%dma_start3A_102 : memref<78x128xi32, #tpu.memory_space<hbm>>) target(%dma_start3A_96 : memref<78x128xi32, #tpu.memory_space<vmem>>) target_semaphore(%run_scoped3A_85 : memref<!tpu.dma_semaphore, #tpu.memory_space<semaphore_mem>>)
      %dma_wait3A_103 = arith.constant 0 : i32
      %dma_wait3A_104 = arith.constant 0 : i32
      %dma_wait3A_105 = tpu.memref_slice %arg6[%dma_wait3A_103, %dma_wait3A_104] : memref<79x128xi32, #tpu.memory_space<vmem>> -> memref<78x128xi32, #tpu.memory_space<vmem>>
      %dma_wait3A_106 = arith.constant 0 : i32
      %dma_wait3A_107 = arith.constant 0 : i32
      %dma_wait3A_108 = tpu.memref_slice %arg2[%run_scoped3A, %dma_wait3A_106, %dma_wait3A_107] : memref<2x2500x128xi32, #tpu.memory_space<hbm>> -> memref<1x2500x128xi32, #tpu.memory_space<hbm>>
      %dma_wait3A_109 = tpu.memref_squeeze %dma_wait3A_108 : memref<1x2500x128xi32, #tpu.memory_space<hbm>> -> memref<2500x128xi32, #tpu.memory_space<hbm>>
      %dma_wait3A_110 = arith.constant 0 : i32
      %dma_wait3A_111 = tpu.memref_slice %dma_wait3A_109[%mul3A_36, %dma_wait3A_110] : memref<2500x128xi32, #tpu.memory_space<hbm>> -> memref<78x128xi32, #tpu.memory_space<hbm>>
      %dma_wait3A_112 = arith.constant 0 : i32
      %dma_wait3A_113 = arith.constant 0 : i32
      %dma_wait3A_114 = tpu.memref_slice %arg6[%dma_wait3A_112, %dma_wait3A_113] : memref<79x128xi32, #tpu.memory_space<vmem>> -> memref<78x128xi32, #tpu.memory_space<vmem>>
      %dma_wait3A_115 = arith.constant 0 : i32
      %dma_wait3A_116 = arith.constant 0 : i32
      %dma_wait3A_117 = tpu.memref_slice %arg2[%run_scoped3A, %dma_wait3A_115, %dma_wait3A_116] : memref<2x2500x128xi32, #tpu.memory_space<hbm>> -> memref<1x2500x128xi32, #tpu.memory_space<hbm>>
      %dma_wait3A_118 = tpu.memref_squeeze %dma_wait3A_117 : memref<1x2500x128xi32, #tpu.memory_space<hbm>> -> memref<2500x128xi32, #tpu.memory_space<hbm>>
      %dma_wait3A_119 = arith.constant 0 : i32
      %dma_wait3A_120 = tpu.memref_slice %dma_wait3A_118[%mul3A_36, %dma_wait3A_119] : memref<2500x128xi32, #tpu.memory_space<hbm>> -> memref<78x128xi32, #tpu.memory_space<hbm>>
      tpu.wait_dma2 semaphore(%run_scoped3A_85 : memref<!tpu.dma_semaphore, #tpu.memory_space<semaphore_mem>>) src(%dma_wait3A_120 : memref<78x128xi32, #tpu.memory_space<hbm>>) dst(%dma_wait3A_114 : memref<78x128xi32, #tpu.memory_space<vmem>>)
      tpu.yield
    }) : () -> ()
    %lt3A = arith.constant 4 : i32
    %lt3A_37 = arith.cmpi slt, %add3A, %lt3A : i32
    %convert_element_type3A = arith.extui %lt3A_37 : i1 to i32
    %cond3A = arith.constant 0 : i32
    %cond3A_38 = arith.cmpi ne, %convert_element_type3A, %cond3A : i32
    scf.if %cond3A_38 {
      %add3A_85 = arith.constant 2496 : i32
      %add3A_86 = arith.addi %add3A_85, %add3A : i32
      %run_scoped3A_87 = arith.constant 1 : i32
      %run_scoped3A_88 = arith.constant 78 : i32
      "tpu.region"() ({
        %run_scoped3A_89 = tpu.sem_alloc : memref<!tpu.dma_semaphore, #tpu.memory_space<semaphore_mem>>
        %dma_start3A = arith.constant 0 : i32
        %dma_start3A_90 = tpu.memref_slice %arg6[%run_scoped3A_88, %dma_start3A] : memref<79x128xi32, #tpu.memory_space<vmem>> -> memref<1x128xi32, #tpu.memory_space<vmem>>
        %dma_start3A_91 = tpu.memref_squeeze %dma_start3A_90 : memref<1x128xi32, #tpu.memory_space<vmem>> -> memref<128xi32, #tpu.memory_space<vmem>>
        %dma_start3A_92 = arith.constant 0 : i32
        %dma_start3A_93 = arith.constant 0 : i32
        %dma_start3A_94 = tpu.memref_slice %arg2[%run_scoped3A_87, %dma_start3A_92, %dma_start3A_93] : memref<2x2500x128xi32, #tpu.memory_space<hbm>> -> memref<1x2500x128xi32, #tpu.memory_space<hbm>>
        %dma_start3A_95 = tpu.memref_squeeze %dma_start3A_94 : memref<1x2500x128xi32, #tpu.memory_space<hbm>> -> memref<2500x128xi32, #tpu.memory_space<hbm>>
        %dma_start3A_96 = arith.constant 0 : i32
        %dma_start3A_97 = tpu.memref_slice %dma_start3A_95[%add3A_86, %dma_start3A_96] : memref<2500x128xi32, #tpu.memory_space<hbm>> -> memref<1x128xi32, #tpu.memory_space<hbm>>
        %dma_start3A_98 = tpu.memref_squeeze %dma_start3A_97 : memref<1x128xi32, #tpu.memory_space<hbm>> -> memref<128xi32, #tpu.memory_space<hbm>>
        %dma_start3A_99 = arith.constant 0 : i32
        %dma_start3A_100 = tpu.memref_slice %arg6[%run_scoped3A_88, %dma_start3A_99] : memref<79x128xi32, #tpu.memory_space<vmem>> -> memref<1x128xi32, #tpu.memory_space<vmem>>
        %dma_start3A_101 = tpu.memref_squeeze %dma_start3A_100 : memref<1x128xi32, #tpu.memory_space<vmem>> -> memref<128xi32, #tpu.memory_space<vmem>>
        %dma_start3A_102 = arith.constant 0 : i32
        %dma_start3A_103 = arith.constant 0 : i32
        %dma_start3A_104 = tpu.memref_slice %arg2[%run_scoped3A_87, %dma_start3A_102, %dma_start3A_103] : memref<2x2500x128xi32, #tpu.memory_space<hbm>> -> memref<1x2500x128xi32, #tpu.memory_space<hbm>>
        %dma_start3A_105 = tpu.memref_squeeze %dma_start3A_104 : memref<1x2500x128xi32, #tpu.memory_space<hbm>> -> memref<2500x128xi32, #tpu.memory_space<hbm>>
        %dma_start3A_106 = arith.constant 0 : i32
        %dma_start3A_107 = tpu.memref_slice %dma_start3A_105[%add3A_86, %dma_start3A_106] : memref<2500x128xi32, #tpu.memory_space<hbm>> -> memref<1x128xi32, #tpu.memory_space<hbm>>
        %dma_start3A_108 = tpu.memref_squeeze %dma_start3A_107 : memref<1x128xi32, #tpu.memory_space<hbm>> -> memref<128xi32, #tpu.memory_space<hbm>>
        tpu.enqueue_dma source(%dma_start3A_108 : memref<128xi32, #tpu.memory_space<hbm>>) target(%dma_start3A_101 : memref<128xi32, #tpu.memory_space<vmem>>) target_semaphore(%run_scoped3A_89 : memref<!tpu.dma_semaphore, #tpu.memory_space<semaphore_mem>>)
        %dma_wait3A_109 = arith.constant 0 : i32
        %dma_wait3A_110 = tpu.memref_slice %arg6[%run_scoped3A_88, %dma_wait3A_109] : memref<79x128xi32, #tpu.memory_space<vmem>> -> memref<1x128xi32, #tpu.memory_space<vmem>>
        %dma_wait3A_111 = tpu.memref_squeeze %dma_wait3A_110 : memref<1x128xi32, #tpu.memory_space<vmem>> -> memref<128xi32, #tpu.memory_space<vmem>>
        %dma_wait3A_112 = arith.constant 0 : i32
        %dma_wait3A_113 = arith.constant 0 : i32
        %dma_wait3A_114 = tpu.memref_slice %arg2[%run_scoped3A_87, %dma_wait3A_112, %dma_wait3A_113] : memref<2x2500x128xi32, #tpu.memory_space<hbm>> -> memref<1x2500x128xi32, #tpu.memory_space<hbm>>
        %dma_wait3A_115 = tpu.memref_squeeze %dma_wait3A_114 : memref<1x2500x128xi32, #tpu.memory_space<hbm>> -> memref<2500x128xi32, #tpu.memory_space<hbm>>
        %dma_wait3A_116 = arith.constant 0 : i32
        %dma_wait3A_117 = tpu.memref_slice %dma_wait3A_115[%add3A_86, %dma_wait3A_116] : memref<2500x128xi32, #tpu.memory_space<hbm>> -> memref<1x128xi32, #tpu.memory_space<hbm>>
        %dma_wait3A_118 = tpu.memref_squeeze %dma_wait3A_117 : memref<1x128xi32, #tpu.memory_space<hbm>> -> memref<128xi32, #tpu.memory_space<hbm>>
        %dma_wait3A_119 = arith.constant 0 : i32
        %dma_wait3A_120 = tpu.memref_slice %arg6[%run_scoped3A_88, %dma_wait3A_119] : memref<79x128xi32, #tpu.memory_space<vmem>> -> memref<1x128xi32, #tpu.memory_space<vmem>>
        %dma_wait3A_121 = tpu.memref_squeeze %dma_wait3A_120 : memref<1x128xi32, #tpu.memory_space<vmem>> -> memref<128xi32, #tpu.memory_space<vmem>>
        %dma_wait3A_122 = arith.constant 0 : i32
        %dma_wait3A_123 = arith.constant 0 : i32
        %dma_wait3A_124 = tpu.memref_slice %arg2[%run_scoped3A_87, %dma_wait3A_122, %dma_wait3A_123] : memref<2x2500x128xi32, #tpu.memory_space<hbm>> -> memref<1x2500x128xi32, #tpu.memory_space<hbm>>
        %dma_wait3A_125 = tpu.memref_squeeze %dma_wait3A_124 : memref<1x2500x128xi32, #tpu.memory_space<hbm>> -> memref<2500x128xi32, #tpu.memory_space<hbm>>
        %dma_wait3A_126 = arith.constant 0 : i32
        %dma_wait3A_127 = tpu.memref_slice %dma_wait3A_125[%add3A_86, %dma_wait3A_126] : memref<2500x128xi32, #tpu.memory_space<hbm>> -> memref<1x128xi32, #tpu.memory_space<hbm>>
        %dma_wait3A_128 = tpu.memref_squeeze %dma_wait3A_127 : memref<1x128xi32, #tpu.memory_space<hbm>> -> memref<128xi32, #tpu.memory_space<hbm>>
        tpu.wait_dma2 semaphore(%run_scoped3A_89 : memref<!tpu.dma_semaphore, #tpu.memory_space<semaphore_mem>>) src(%dma_wait3A_128 : memref<128xi32, #tpu.memory_space<hbm>>) dst(%dma_wait3A_121 : memref<128xi32, #tpu.memory_space<vmem>>)
        tpu.yield
      }) : () -> ()
    } else {
    }
    %lt3A_39 = arith.constant 4 : i32
    %lt3A_40 = arith.cmpi slt, %add3A, %lt3A_39 : i32
    %jit3A = arith.constant 79 : i32
    %jit3A_41 = arith.constant 78 : i32
    %select_n3A = arith.select %lt3A_40, %jit3A, %jit3A_41 : i32
    %barrier3A = arith.constant 0 : index
    tpu.barrier barrier_id(%barrier3A)
    %scan3A = arith.constant 0 : i32
    %scan3A_42 = arith.constant 0 : i32
    %scan3A_43 = arith.constant 20 : i32
    %scan3A_44 = arith.addi %scan3A_42, %scan3A_43 : i32
    %scan3A_45 = arith.constant 1 : i32
    scf.for %scan3A_85 = %scan3A_42 to %scan3A_44 step %scan3A_45  : i32 {
      %mul3A_86 = arith.constant 4 : i32
      %mul3A_87 = arith.muli %scan3A_85, %mul3A_86 : i32
      %add3A_88 = arith.constant 0 : i32
      %add3A_89 = arith.addi %mul3A_87, %add3A_88 : i32
      %lt3A_90 = arith.cmpi slt, %add3A_89, %select_n3A : i32
      %convert_element_type3A_91 = arith.extui %lt3A_90 : i1 to i32
      %cond3A_92 = arith.constant 0 : i32
      %cond3A_93 = arith.cmpi ne, %convert_element_type3A_91, %cond3A_92 : i32
      scf.if %cond3A_93 {
        %ge3A = arith.constant 4 : i32
        %ge3A_118 = arith.cmpi sge, %add3A_89, %ge3A : i32
        %convert_element_type3A_119 = arith.extui %ge3A_118 : i1 to i32
        %cond3A_120 = arith.constant 0 : i32
        %cond3A_121 = arith.cmpi ne, %convert_element_type3A_119, %cond3A_120 : i32
        scf.if %cond3A_121 {
          %dma_wait3A_126 = arith.constant 0 : i32
          %dma_wait3A_127 = arith.constant 0 : i32
          %dma_wait3A_128 = tpu.memref_slice %arg6[%dma_wait3A_126, %dma_wait3A_127] : memref<79x128xi32, #tpu.memory_space<vmem>> -> memref<1x128xi32, #tpu.memory_space<vmem>>
          %dma_wait3A_129 = tpu.memref_squeeze %dma_wait3A_128 : memref<1x128xi32, #tpu.memory_space<vmem>> -> memref<128xi32, #tpu.memory_space<vmem>>
          %dma_wait3A_130 = arith.constant 0 : i32
          %dma_wait3A_131 = tpu.memref_slice %arg5[%dma_wait3A_130] : memref<10240xf32, #tpu.memory_space<vmem_shared>> -> memref<10240xf32, #tpu.memory_space<vmem_shared>>
          tpu.wait_indirect_dma semaphore(%arg10 : memref<!tpu.dma_semaphore, #tpu.memory_space<semaphore_mem>>) src(%arg7 : memref<128xf32, #tpu.memory_space<vmem>>) dst(%dma_wait3A_131 : memref<10240xf32, #tpu.memory_space<vmem_shared>>)
        } else {
        }
        %dma_start3A = arith.constant 0 : i32
        %dma_start3A_122 = tpu.memref_slice %arg6[%add3A_89, %dma_start3A] : memref<79x128xi32, #tpu.memory_space<vmem>> -> memref<1x128xi32, #tpu.memory_space<vmem>>
        %dma_start3A_123 = tpu.memref_squeeze %dma_start3A_122 : memref<1x128xi32, #tpu.memory_space<vmem>> -> memref<128xi32, #tpu.memory_space<vmem>>
        %dma_start3A_124 = arith.constant 0 : i32
        %dma_start3A_125 = tpu.memref_slice %arg5[%dma_start3A_124] : memref<10240xf32, #tpu.memory_space<vmem_shared>> -> memref<10240xf32, #tpu.memory_space<vmem_shared>>
        tpu.enqueue_indirect_dma source(%arg7 : memref<128xf32, #tpu.memory_space<vmem>>) target(%dma_start3A_125 : memref<10240xf32, #tpu.memory_space<vmem_shared>>) offsets(%dma_start3A_123 : memref<128xi32, #tpu.memory_space<vmem>>) semaphore(%arg10 : memref<!tpu.dma_semaphore, #tpu.memory_space<semaphore_mem>>) {add = true}
      } else {
      }
      %mul3A_94 = arith.constant 4 : i32
      %mul3A_95 = arith.muli %scan3A_85, %mul3A_94 : i32
      %add3A_96 = arith.constant 1 : i32
      %add3A_97 = arith.addi %mul3A_95, %add3A_96 : i32
      %lt3A_98 = arith.cmpi slt, %add3A_97, %select_n3A : i32
      %convert_element_type3A_99 = arith.extui %lt3A_98 : i1 to i32
      %cond3A_100 = arith.constant 0 : i32
      %cond3A_101 = arith.cmpi ne, %convert_element_type3A_99, %cond3A_100 : i32
      scf.if %cond3A_101 {
        %ge3A = arith.constant 4 : i32
        %ge3A_118 = arith.cmpi sge, %add3A_97, %ge3A : i32
        %convert_element_type3A_119 = arith.extui %ge3A_118 : i1 to i32
        %cond3A_120 = arith.constant 0 : i32
        %cond3A_121 = arith.cmpi ne, %convert_element_type3A_119, %cond3A_120 : i32
        scf.if %cond3A_121 {
          %dma_wait3A_126 = arith.constant 0 : i32
          %dma_wait3A_127 = arith.constant 0 : i32
          %dma_wait3A_128 = tpu.memref_slice %arg6[%dma_wait3A_126, %dma_wait3A_127] : memref<79x128xi32, #tpu.memory_space<vmem>> -> memref<1x128xi32, #tpu.memory_space<vmem>>
          %dma_wait3A_129 = tpu.memref_squeeze %dma_wait3A_128 : memref<1x128xi32, #tpu.memory_space<vmem>> -> memref<128xi32, #tpu.memory_space<vmem>>
          %dma_wait3A_130 = arith.constant 0 : i32
          %dma_wait3A_131 = tpu.memref_slice %arg5[%dma_wait3A_130] : memref<10240xf32, #tpu.memory_space<vmem_shared>> -> memref<10240xf32, #tpu.memory_space<vmem_shared>>
          tpu.wait_indirect_dma semaphore(%arg11 : memref<!tpu.dma_semaphore, #tpu.memory_space<semaphore_mem>>) src(%arg7 : memref<128xf32, #tpu.memory_space<vmem>>) dst(%dma_wait3A_131 : memref<10240xf32, #tpu.memory_space<vmem_shared>>)
        } else {
        }
        %dma_start3A = arith.constant 0 : i32
        %dma_start3A_122 = tpu.memref_slice %arg6[%add3A_97, %dma_start3A] : memref<79x128xi32, #tpu.memory_space<vmem>> -> memref<1x128xi32, #tpu.memory_space<vmem>>
        %dma_start3A_123 = tpu.memref_squeeze %dma_start3A_122 : memref<1x128xi32, #tpu.memory_space<vmem>> -> memref<128xi32, #tpu.memory_space<vmem>>
        %dma_start3A_124 = arith.constant 0 : i32
        %dma_start3A_125 = tpu.memref_slice %arg5[%dma_start3A_124] : memref<10240xf32, #tpu.memory_space<vmem_shared>> -> memref<10240xf32, #tpu.memory_space<vmem_shared>>
        tpu.enqueue_indirect_dma source(%arg7 : memref<128xf32, #tpu.memory_space<vmem>>) target(%dma_start3A_125 : memref<10240xf32, #tpu.memory_space<vmem_shared>>) offsets(%dma_start3A_123 : memref<128xi32, #tpu.memory_space<vmem>>) semaphore(%arg11 : memref<!tpu.dma_semaphore, #tpu.memory_space<semaphore_mem>>) {add = true}
      } else {
      }
      %mul3A_102 = arith.constant 4 : i32
      %mul3A_103 = arith.muli %scan3A_85, %mul3A_102 : i32
      %add3A_104 = arith.constant 2 : i32
      %add3A_105 = arith.addi %mul3A_103, %add3A_104 : i32
      %lt3A_106 = arith.cmpi slt, %add3A_105, %select_n3A : i32
      %convert_element_type3A_107 = arith.extui %lt3A_106 : i1 to i32
      %cond3A_108 = arith.constant 0 : i32
      %cond3A_109 = arith.cmpi ne, %convert_element_type3A_107, %cond3A_108 : i32
      scf.if %cond3A_109 {
        %ge3A = arith.constant 4 : i32
        %ge3A_118 = arith.cmpi sge, %add3A_105, %ge3A : i32
        %convert_element_type3A_119 = arith.extui %ge3A_118 : i1 to i32
        %cond3A_120 = arith.constant 0 : i32
        %cond3A_121 = arith.cmpi ne, %convert_element_type3A_119, %cond3A_120 : i32
        scf.if %cond3A_121 {
          %dma_wait3A_126 = arith.constant 0 : i32
          %dma_wait3A_127 = arith.constant 0 : i32
          %dma_wait3A_128 = tpu.memref_slice %arg6[%dma_wait3A_126, %dma_wait3A_127] : memref<79x128xi32, #tpu.memory_space<vmem>> -> memref<1x128xi32, #tpu.memory_space<vmem>>
          %dma_wait3A_129 = tpu.memref_squeeze %dma_wait3A_128 : memref<1x128xi32, #tpu.memory_space<vmem>> -> memref<128xi32, #tpu.memory_space<vmem>>
          %dma_wait3A_130 = arith.constant 0 : i32
          %dma_wait3A_131 = tpu.memref_slice %arg5[%dma_wait3A_130] : memref<10240xf32, #tpu.memory_space<vmem_shared>> -> memref<10240xf32, #tpu.memory_space<vmem_shared>>
          tpu.wait_indirect_dma semaphore(%arg12 : memref<!tpu.dma_semaphore, #tpu.memory_space<semaphore_mem>>) src(%arg7 : memref<128xf32, #tpu.memory_space<vmem>>) dst(%dma_wait3A_131 : memref<10240xf32, #tpu.memory_space<vmem_shared>>)
        } else {
        }
        %dma_start3A = arith.constant 0 : i32
        %dma_start3A_122 = tpu.memref_slice %arg6[%add3A_105, %dma_start3A] : memref<79x128xi32, #tpu.memory_space<vmem>> -> memref<1x128xi32, #tpu.memory_space<vmem>>
        %dma_start3A_123 = tpu.memref_squeeze %dma_start3A_122 : memref<1x128xi32, #tpu.memory_space<vmem>> -> memref<128xi32, #tpu.memory_space<vmem>>
        %dma_start3A_124 = arith.constant 0 : i32
        %dma_start3A_125 = tpu.memref_slice %arg5[%dma_start3A_124] : memref<10240xf32, #tpu.memory_space<vmem_shared>> -> memref<10240xf32, #tpu.memory_space<vmem_shared>>
        tpu.enqueue_indirect_dma source(%arg7 : memref<128xf32, #tpu.memory_space<vmem>>) target(%dma_start3A_125 : memref<10240xf32, #tpu.memory_space<vmem_shared>>) offsets(%dma_start3A_123 : memref<128xi32, #tpu.memory_space<vmem>>) semaphore(%arg12 : memref<!tpu.dma_semaphore, #tpu.memory_space<semaphore_mem>>) {add = true}
      } else {
      }
      %mul3A_110 = arith.constant 4 : i32
      %mul3A_111 = arith.muli %scan3A_85, %mul3A_110 : i32
      %add3A_112 = arith.constant 3 : i32
      %add3A_113 = arith.addi %mul3A_111, %add3A_112 : i32
      %lt3A_114 = arith.cmpi slt, %add3A_113, %select_n3A : i32
      %convert_element_type3A_115 = arith.extui %lt3A_114 : i1 to i32
      %cond3A_116 = arith.constant 0 : i32
      %cond3A_117 = arith.cmpi ne, %convert_element_type3A_115, %cond3A_116 : i32
      scf.if %cond3A_117 {
        %ge3A = arith.constant 4 : i32
        %ge3A_118 = arith.cmpi sge, %add3A_113, %ge3A : i32
        %convert_element_type3A_119 = arith.extui %ge3A_118 : i1 to i32
        %cond3A_120 = arith.constant 0 : i32
        %cond3A_121 = arith.cmpi ne, %convert_element_type3A_119, %cond3A_120 : i32
        scf.if %cond3A_121 {
          %dma_wait3A_126 = arith.constant 0 : i32
          %dma_wait3A_127 = arith.constant 0 : i32
          %dma_wait3A_128 = tpu.memref_slice %arg6[%dma_wait3A_126, %dma_wait3A_127] : memref<79x128xi32, #tpu.memory_space<vmem>> -> memref<1x128xi32, #tpu.memory_space<vmem>>
          %dma_wait3A_129 = tpu.memref_squeeze %dma_wait3A_128 : memref<1x128xi32, #tpu.memory_space<vmem>> -> memref<128xi32, #tpu.memory_space<vmem>>
          %dma_wait3A_130 = arith.constant 0 : i32
          %dma_wait3A_131 = tpu.memref_slice %arg5[%dma_wait3A_130] : memref<10240xf32, #tpu.memory_space<vmem_shared>> -> memref<10240xf32, #tpu.memory_space<vmem_shared>>
          tpu.wait_indirect_dma semaphore(%arg13 : memref<!tpu.dma_semaphore, #tpu.memory_space<semaphore_mem>>) src(%arg7 : memref<128xf32, #tpu.memory_space<vmem>>) dst(%dma_wait3A_131 : memref<10240xf32, #tpu.memory_space<vmem_shared>>)
        } else {
        }
        %dma_start3A = arith.constant 0 : i32
        %dma_start3A_122 = tpu.memref_slice %arg6[%add3A_113, %dma_start3A] : memref<79x128xi32, #tpu.memory_space<vmem>> -> memref<1x128xi32, #tpu.memory_space<vmem>>
        %dma_start3A_123 = tpu.memref_squeeze %dma_start3A_122 : memref<1x128xi32, #tpu.memory_space<vmem>> -> memref<128xi32, #tpu.memory_space<vmem>>
        %dma_start3A_124 = arith.constant 0 : i32
        %dma_start3A_125 = tpu.memref_slice %arg5[%dma_start3A_124] : memref<10240xf32, #tpu.memory_space<vmem_shared>> -> memref<10240xf32, #tpu.memory_space<vmem_shared>>
        tpu.enqueue_indirect_dma source(%arg7 : memref<128xf32, #tpu.memory_space<vmem>>) target(%dma_start3A_125 : memref<10240xf32, #tpu.memory_space<vmem_shared>>) offsets(%dma_start3A_123 : memref<128xi32, #tpu.memory_space<vmem>>) semaphore(%arg13 : memref<!tpu.dma_semaphore, #tpu.memory_space<semaphore_mem>>) {add = true}
      } else {
      }
    }
    %scan3A_46 = arith.constant 20 : i32
    %dma_wait3A = arith.constant 0 : i32
    %dma_wait3A_47 = arith.constant 0 : i32
    %dma_wait3A_48 = tpu.memref_slice %arg6[%dma_wait3A, %dma_wait3A_47] : memref<79x128xi32, #tpu.memory_space<vmem>> -> memref<1x128xi32, #tpu.memory_space<vmem>>
    %dma_wait3A_49 = tpu.memref_squeeze %dma_wait3A_48 : memref<1x128xi32, #tpu.memory_space<vmem>> -> memref<128xi32, #tpu.memory_space<vmem>>
    %dma_wait3A_50 = arith.constant 0 : i32
    %dma_wait3A_51 = tpu.memref_slice %arg5[%dma_wait3A_50] : memref<10240xf32, #tpu.memory_space<vmem_shared>> -> memref<10240xf32, #tpu.memory_space<vmem_shared>>
    tpu.wait_indirect_dma semaphore(%arg10 : memref<!tpu.dma_semaphore, #tpu.memory_space<semaphore_mem>>) src(%arg7 : memref<128xf32, #tpu.memory_space<vmem>>) dst(%dma_wait3A_51 : memref<10240xf32, #tpu.memory_space<vmem_shared>>)
    %dma_wait3A_52 = arith.constant 0 : i32
    %dma_wait3A_53 = arith.constant 0 : i32
    %dma_wait3A_54 = tpu.memref_slice %arg6[%dma_wait3A_52, %dma_wait3A_53] : memref<79x128xi32, #tpu.memory_space<vmem>> -> memref<1x128xi32, #tpu.memory_space<vmem>>
    %dma_wait3A_55 = tpu.memref_squeeze %dma_wait3A_54 : memref<1x128xi32, #tpu.memory_space<vmem>> -> memref<128xi32, #tpu.memory_space<vmem>>
    %dma_wait3A_56 = arith.constant 0 : i32
    %dma_wait3A_57 = tpu.memref_slice %arg5[%dma_wait3A_56] : memref<10240xf32, #tpu.memory_space<vmem_shared>> -> memref<10240xf32, #tpu.memory_space<vmem_shared>>
    tpu.wait_indirect_dma semaphore(%arg11 : memref<!tpu.dma_semaphore, #tpu.memory_space<semaphore_mem>>) src(%arg7 : memref<128xf32, #tpu.memory_space<vmem>>) dst(%dma_wait3A_57 : memref<10240xf32, #tpu.memory_space<vmem_shared>>)
    %dma_wait3A_58 = arith.constant 0 : i32
    %dma_wait3A_59 = arith.constant 0 : i32
    %dma_wait3A_60 = tpu.memref_slice %arg6[%dma_wait3A_58, %dma_wait3A_59] : memref<79x128xi32, #tpu.memory_space<vmem>> -> memref<1x128xi32, #tpu.memory_space<vmem>>
    %dma_wait3A_61 = tpu.memref_squeeze %dma_wait3A_60 : memref<1x128xi32, #tpu.memory_space<vmem>> -> memref<128xi32, #tpu.memory_space<vmem>>
    %dma_wait3A_62 = arith.constant 0 : i32
    %dma_wait3A_63 = tpu.memref_slice %arg5[%dma_wait3A_62] : memref<10240xf32, #tpu.memory_space<vmem_shared>> -> memref<10240xf32, #tpu.memory_space<vmem_shared>>
    tpu.wait_indirect_dma semaphore(%arg12 : memref<!tpu.dma_semaphore, #tpu.memory_space<semaphore_mem>>) src(%arg7 : memref<128xf32, #tpu.memory_space<vmem>>) dst(%dma_wait3A_63 : memref<10240xf32, #tpu.memory_space<vmem_shared>>)
    %dma_wait3A_64 = arith.constant 0 : i32
    %dma_wait3A_65 = arith.constant 0 : i32
    %dma_wait3A_66 = tpu.memref_slice %arg6[%dma_wait3A_64, %dma_wait3A_65] : memref<79x128xi32, #tpu.memory_space<vmem>> -> memref<1x128xi32, #tpu.memory_space<vmem>>
    %dma_wait3A_67 = tpu.memref_squeeze %dma_wait3A_66 : memref<1x128xi32, #tpu.memory_space<vmem>> -> memref<128xi32, #tpu.memory_space<vmem>>
    %dma_wait3A_68 = arith.constant 0 : i32
    %dma_wait3A_69 = tpu.memref_slice %arg5[%dma_wait3A_68] : memref<10240xf32, #tpu.memory_space<vmem_shared>> -> memref<10240xf32, #tpu.memory_space<vmem_shared>>
    tpu.wait_indirect_dma semaphore(%arg13 : memref<!tpu.dma_semaphore, #tpu.memory_space<semaphore_mem>>) src(%arg7 : memref<128xf32, #tpu.memory_space<vmem>>) dst(%dma_wait3A_69 : memref<10240xf32, #tpu.memory_space<vmem_shared>>)
    %barrier3A_70 = arith.constant 0 : index
    tpu.barrier barrier_id(%barrier3A_70)
    %mul3A_71 = arith.constant 640 : i32
    %mul3A_72 = arith.muli %arg1, %mul3A_71 : i32
    "tpu.region"() ({
      %run_scoped3A_85 = tpu.sem_alloc : memref<!tpu.dma_semaphore, #tpu.memory_space<semaphore_mem>>
      %dma_start3A = tpu.memref_slice %arg5[%mul3A_72] : memref<10240xf32, #tpu.memory_space<vmem_shared>> -> memref<640xf32, #tpu.memory_space<vmem_shared>>
      %dma_start3A_86 = tpu.memref_slice %arg5[%mul3A_72] : memref<10240xf32, #tpu.memory_space<vmem_shared>> -> memref<640xf32, #tpu.memory_space<vmem_shared>>
      tpu.enqueue_dma source(%dma_start3A_86 : memref<640xf32, #tpu.memory_space<vmem_shared>>) target(%arg8 : memref<640xf32, #tpu.memory_space<vmem>>) target_semaphore(%run_scoped3A_85 : memref<!tpu.dma_semaphore, #tpu.memory_space<semaphore_mem>>)
      %dma_wait3A_87 = tpu.memref_slice %arg5[%mul3A_72] : memref<10240xf32, #tpu.memory_space<vmem_shared>> -> memref<640xf32, #tpu.memory_space<vmem_shared>>
      %dma_wait3A_88 = tpu.memref_slice %arg5[%mul3A_72] : memref<10240xf32, #tpu.memory_space<vmem_shared>> -> memref<640xf32, #tpu.memory_space<vmem_shared>>
      tpu.wait_dma2 semaphore(%run_scoped3A_85 : memref<!tpu.dma_semaphore, #tpu.memory_space<semaphore_mem>>) src(%dma_wait3A_88 : memref<640xf32, #tpu.memory_space<vmem_shared>>) dst(%arg8 : memref<640xf32, #tpu.memory_space<vmem>>)
      tpu.yield
    }) : () -> ()
    %parallel_loop3A_73 = arith.constant 0 : i32
    %parallel_loop3A_74 = arith.constant 40 : i32
    %parallel_loop3A_75 = arith.constant 1 : i32
    scf.for %parallel_loop3A_85 = %parallel_loop3A_73 to %parallel_loop3A_74 step %parallel_loop3A_75  : i32 {
      %parallel_loop3A_86 = arith.constant 16 : i32
      %parallel_loop3A_87 = arith.muli %parallel_loop3A_85, %parallel_loop3A_86 : i32
      %parallel_loop3A_88 = arith.index_cast %parallel_loop3A_87 : i32 to index
      %parallel_loop3A_89 = tpu.vector_load %arg8[%parallel_loop3A_88] {strides = array<i32>} : memref<640xf32, #tpu.memory_space<vmem>>, vector<16xf32>,
      %parallel_loop3A_90 = arith.constant 16 : i32
      %parallel_loop3A_91 = arith.muli %parallel_loop3A_85, %parallel_loop3A_90 : i32
      %parallel_loop3A_92 = arith.constant 0 : i32
      %parallel_loop3A_93 = arith.index_cast %parallel_loop3A_92 : i32 to index
      %parallel_loop3A_94 = arith.index_cast %parallel_loop3A_91 : i32 to index
      %parallel_loop3A_95 = tpu.vector_load %arg9[%parallel_loop3A_93, %parallel_loop3A_94] {strides = array<i32>} : memref<16x640xf32, #tpu.memory_space<vmem>>, vector<16xf32>,
      tpu.vector_store %arg9[%parallel_loop3A_93, %parallel_loop3A_94], %parallel_loop3A_89 {strides = array<i32>} : memref<16x640xf32, #tpu.memory_space<vmem>>, vector<16xf32>,
      %parallel_loop3A_96 = arith.constant 16 : i32
      %parallel_loop3A_97 = arith.muli %parallel_loop3A_85, %parallel_loop3A_96 : i32
      %parallel_loop3A_98 = arith.constant 1 : i32
      %parallel_loop3A_99 = arith.index_cast %parallel_loop3A_98 : i32 to index
      %parallel_loop3A_100 = arith.index_cast %parallel_loop3A_97 : i32 to index
      %parallel_loop3A_101 = tpu.vector_load %arg9[%parallel_loop3A_99, %parallel_loop3A_100] {strides = array<i32>} : memref<16x640xf32, #tpu.memory_space<vmem>>, vector<16xf32>,
      tpu.vector_store %arg9[%parallel_loop3A_99, %parallel_loop3A_100], %parallel_loop3A_89 {strides = array<i32>} : memref<16x640xf32, #tpu.memory_space<vmem>>, vector<16xf32>,
      %parallel_loop3A_102 = arith.constant 16 : i32
      %parallel_loop3A_103 = arith.muli %parallel_loop3A_85, %parallel_loop3A_102 : i32
      %parallel_loop3A_104 = arith.constant 2 : i32
      %parallel_loop3A_105 = arith.index_cast %parallel_loop3A_104 : i32 to index
      %parallel_loop3A_106 = arith.index_cast %parallel_loop3A_103 : i32 to index
      %parallel_loop3A_107 = tpu.vector_load %arg9[%parallel_loop3A_105, %parallel_loop3A_106] {strides = array<i32>} : memref<16x640xf32, #tpu.memory_space<vmem>>, vector<16xf32>,
      tpu.vector_store %arg9[%parallel_loop3A_105, %parallel_loop3A_106], %parallel_loop3A_89 {strides = array<i32>} : memref<16x640xf32, #tpu.memory_space<vmem>>, vector<16xf32>,
      %parallel_loop3A_108 = arith.constant 16 : i32
      %parallel_loop3A_109 = arith.muli %parallel_loop3A_85, %parallel_loop3A_108 : i32
      %parallel_loop3A_110 = arith.constant 3 : i32
      %parallel_loop3A_111 = arith.index_cast %parallel_loop3A_110 : i32 to index
      %parallel_loop3A_112 = arith.index_cast %parallel_loop3A_109 : i32 to index
      %parallel_loop3A_113 = tpu.vector_load %arg9[%parallel_loop3A_111, %parallel_loop3A_112] {strides = array<i32>} : memref<16x640xf32, #tpu.memory_space<vmem>>, vector<16xf32>,
      tpu.vector_store %arg9[%parallel_loop3A_111, %parallel_loop3A_112], %parallel_loop3A_89 {strides = array<i32>} : memref<16x640xf32, #tpu.memory_space<vmem>>, vector<16xf32>,
      %parallel_loop3A_114 = arith.constant 16 : i32
      %parallel_loop3A_115 = arith.muli %parallel_loop3A_85, %parallel_loop3A_114 : i32
      %parallel_loop3A_116 = arith.constant 4 : i32
      %parallel_loop3A_117 = arith.index_cast %parallel_loop3A_116 : i32 to index
      %parallel_loop3A_118 = arith.index_cast %parallel_loop3A_115 : i32 to index
      %parallel_loop3A_119 = tpu.vector_load %arg9[%parallel_loop3A_117, %parallel_loop3A_118] {strides = array<i32>} : memref<16x640xf32, #tpu.memory_space<vmem>>, vector<16xf32>,
      tpu.vector_store %arg9[%parallel_loop3A_117, %parallel_loop3A_118], %parallel_loop3A_89 {strides = array<i32>} : memref<16x640xf32, #tpu.memory_space<vmem>>, vector<16xf32>,
      %parallel_loop3A_120 = arith.constant 16 : i32
      %parallel_loop3A_121 = arith.muli %parallel_loop3A_85, %parallel_loop3A_120 : i32
      %parallel_loop3A_122 = arith.constant 5 : i32
      %parallel_loop3A_123 = arith.index_cast %parallel_loop3A_122 : i32 to index
      %parallel_loop3A_124 = arith.index_cast %parallel_loop3A_121 : i32 to index
      %parallel_loop3A_125 = tpu.vector_load %arg9[%parallel_loop3A_123, %parallel_loop3A_124] {strides = array<i32>} : memref<16x640xf32, #tpu.memory_space<vmem>>, vector<16xf32>,
      tpu.vector_store %arg9[%parallel_loop3A_123, %parallel_loop3A_124], %parallel_loop3A_89 {strides = array<i32>} : memref<16x640xf32, #tpu.memory_space<vmem>>, vector<16xf32>,
      %parallel_loop3A_126 = arith.constant 16 : i32
      %parallel_loop3A_127 = arith.muli %parallel_loop3A_85, %parallel_loop3A_126 : i32
      %parallel_loop3A_128 = arith.constant 6 : i32
      %parallel_loop3A_129 = arith.index_cast %parallel_loop3A_128 : i32 to index
      %parallel_loop3A_130 = arith.index_cast %parallel_loop3A_127 : i32 to index
      %parallel_loop3A_131 = tpu.vector_load %arg9[%parallel_loop3A_129, %parallel_loop3A_130] {strides = array<i32>} : memref<16x640xf32, #tpu.memory_space<vmem>>, vector<16xf32>,
      tpu.vector_store %arg9[%parallel_loop3A_129, %parallel_loop3A_130], %parallel_loop3A_89 {strides = array<i32>} : memref<16x640xf32, #tpu.memory_space<vmem>>, vector<16xf32>,
      %parallel_loop3A_132 = arith.constant 16 : i32
      %parallel_loop3A_133 = arith.muli %parallel_loop3A_85, %parallel_loop3A_132 : i32
      %parallel_loop3A_134 = arith.constant 7 : i32
      %parallel_loop3A_135 = arith.index_cast %parallel_loop3A_134 : i32 to index
      %parallel_loop3A_136 = arith.index_cast %parallel_loop3A_133 : i32 to index
      %parallel_loop3A_137 = tpu.vector_load %arg9[%parallel_loop3A_135, %parallel_loop3A_136] {strides = array<i32>} : memref<16x640xf32, #tpu.memory_space<vmem>>, vector<16xf32>,
      tpu.vector_store %arg9[%parallel_loop3A_135, %parallel_loop3A_136], %parallel_loop3A_89 {strides = array<i32>} : memref<16x640xf32, #tpu.memory_space<vmem>>, vector<16xf32>,
      %parallel_loop3A_138 = arith.constant 16 : i32
      %parallel_loop3A_139 = arith.muli %parallel_loop3A_85, %parallel_loop3A_138 : i32
      %parallel_loop3A_140 = arith.constant 8 : i32
      %parallel_loop3A_141 = arith.index_cast %parallel_loop3A_140 : i32 to index
      %parallel_loop3A_142 = arith.index_cast %parallel_loop3A_139 : i32 to index
      %parallel_loop3A_143 = tpu.vector_load %arg9[%parallel_loop3A_141, %parallel_loop3A_142] {strides = array<i32>} : memref<16x640xf32, #tpu.memory_space<vmem>>, vector<16xf32>,
      tpu.vector_store %arg9[%parallel_loop3A_141, %parallel_loop3A_142], %parallel_loop3A_89 {strides = array<i32>} : memref<16x640xf32, #tpu.memory_space<vmem>>, vector<16xf32>,
      %parallel_loop3A_144 = arith.constant 16 : i32
      %parallel_loop3A_145 = arith.muli %parallel_loop3A_85, %parallel_loop3A_144 : i32
      %parallel_loop3A_146 = arith.constant 9 : i32
      %parallel_loop3A_147 = arith.index_cast %parallel_loop3A_146 : i32 to index
      %parallel_loop3A_148 = arith.index_cast %parallel_loop3A_145 : i32 to index
      %parallel_loop3A_149 = tpu.vector_load %arg9[%parallel_loop3A_147, %parallel_loop3A_148] {strides = array<i32>} : memref<16x640xf32, #tpu.memory_space<vmem>>, vector<16xf32>,
      tpu.vector_store %arg9[%parallel_loop3A_147, %parallel_loop3A_148], %parallel_loop3A_89 {strides = array<i32>} : memref<16x640xf32, #tpu.memory_space<vmem>>, vector<16xf32>,
      %parallel_loop3A_150 = arith.constant 16 : i32
      %parallel_loop3A_151 = arith.muli %parallel_loop3A_85, %parallel_loop3A_150 : i32
      %parallel_loop3A_152 = arith.constant 10 : i32
      %parallel_loop3A_153 = arith.index_cast %parallel_loop3A_152 : i32 to index
      %parallel_loop3A_154 = arith.index_cast %parallel_loop3A_151 : i32 to index
      %parallel_loop3A_155 = tpu.vector_load %arg9[%parallel_loop3A_153, %parallel_loop3A_154] {strides = array<i32>} : memref<16x640xf32, #tpu.memory_space<vmem>>, vector<16xf32>,
      tpu.vector_store %arg9[%parallel_loop3A_153, %parallel_loop3A_154], %parallel_loop3A_89 {strides = array<i32>} : memref<16x640xf32, #tpu.memory_space<vmem>>, vector<16xf32>,
      %parallel_loop3A_156 = arith.constant 16 : i32
      %parallel_loop3A_157 = arith.muli %parallel_loop3A_85, %parallel_loop3A_156 : i32
      %parallel_loop3A_158 = arith.constant 11 : i32
      %parallel_loop3A_159 = arith.index_cast %parallel_loop3A_158 : i32 to index
      %parallel_loop3A_160 = arith.index_cast %parallel_loop3A_157 : i32 to index
      %parallel_loop3A_161 = tpu.vector_load %arg9[%parallel_loop3A_159, %parallel_loop3A_160] {strides = array<i32>} : memref<16x640xf32, #tpu.memory_space<vmem>>, vector<16xf32>,
      tpu.vector_store %arg9[%parallel_loop3A_159, %parallel_loop3A_160], %parallel_loop3A_89 {strides = array<i32>} : memref<16x640xf32, #tpu.memory_space<vmem>>, vector<16xf32>,
      %parallel_loop3A_162 = arith.constant 16 : i32
      %parallel_loop3A_163 = arith.muli %parallel_loop3A_85, %parallel_loop3A_162 : i32
      %parallel_loop3A_164 = arith.constant 12 : i32
      %parallel_loop3A_165 = arith.index_cast %parallel_loop3A_164 : i32 to index
      %parallel_loop3A_166 = arith.index_cast %parallel_loop3A_163 : i32 to index
      %parallel_loop3A_167 = tpu.vector_load %arg9[%parallel_loop3A_165, %parallel_loop3A_166] {strides = array<i32>} : memref<16x640xf32, #tpu.memory_space<vmem>>, vector<16xf32>,
      tpu.vector_store %arg9[%parallel_loop3A_165, %parallel_loop3A_166], %parallel_loop3A_89 {strides = array<i32>} : memref<16x640xf32, #tpu.memory_space<vmem>>, vector<16xf32>,
      %parallel_loop3A_168 = arith.constant 16 : i32
      %parallel_loop3A_169 = arith.muli %parallel_loop3A_85, %parallel_loop3A_168 : i32
      %parallel_loop3A_170 = arith.constant 13 : i32
      %parallel_loop3A_171 = arith.index_cast %parallel_loop3A_170 : i32 to index
      %parallel_loop3A_172 = arith.index_cast %parallel_loop3A_169 : i32 to index
      %parallel_loop3A_173 = tpu.vector_load %arg9[%parallel_loop3A_171, %parallel_loop3A_172] {strides = array<i32>} : memref<16x640xf32, #tpu.memory_space<vmem>>, vector<16xf32>,
      tpu.vector_store %arg9[%parallel_loop3A_171, %parallel_loop3A_172], %parallel_loop3A_89 {strides = array<i32>} : memref<16x640xf32, #tpu.memory_space<vmem>>, vector<16xf32>,
      %parallel_loop3A_174 = arith.constant 16 : i32
      %parallel_loop3A_175 = arith.muli %parallel_loop3A_85, %parallel_loop3A_174 : i32
      %parallel_loop3A_176 = arith.constant 14 : i32
      %parallel_loop3A_177 = arith.index_cast %parallel_loop3A_176 : i32 to index
      %parallel_loop3A_178 = arith.index_cast %parallel_loop3A_175 : i32 to index
      %parallel_loop3A_179 = tpu.vector_load %arg9[%parallel_loop3A_177, %parallel_loop3A_178] {strides = array<i32>} : memref<16x640xf32, #tpu.memory_space<vmem>>, vector<16xf32>,
      tpu.vector_store %arg9[%parallel_loop3A_177, %parallel_loop3A_178], %parallel_loop3A_89 {strides = array<i32>} : memref<16x640xf32, #tpu.memory_space<vmem>>, vector<16xf32>,
      %parallel_loop3A_180 = arith.constant 16 : i32
      %parallel_loop3A_181 = arith.muli %parallel_loop3A_85, %parallel_loop3A_180 : i32
      %parallel_loop3A_182 = arith.constant 15 : i32
      %parallel_loop3A_183 = arith.index_cast %parallel_loop3A_182 : i32 to index
      %parallel_loop3A_184 = arith.index_cast %parallel_loop3A_181 : i32 to index
      %parallel_loop3A_185 = tpu.vector_load %arg9[%parallel_loop3A_183, %parallel_loop3A_184] {strides = array<i32>} : memref<16x640xf32, #tpu.memory_space<vmem>>, vector<16xf32>,
      tpu.vector_store %arg9[%parallel_loop3A_183, %parallel_loop3A_184], %parallel_loop3A_89 {strides = array<i32>} : memref<16x640xf32, #tpu.memory_space<vmem>>, vector<16xf32>,
    } {sc.loop_unroll_factor = 4 : i64, sc.parallel_access}
    %eq3A = arith.constant 0 : i32
    %eq3A_76 = arith.cmpi eq, %arg0, %eq3A : i32
    %convert_element_type3A_77 = arith.extui %eq3A_76 : i1 to i32
    %cond3A_78 = arith.constant 0 : i32
    %cond3A_79 = arith.cmpi ne, %convert_element_type3A_77, %cond3A_78 : i32
    scf.if %cond3A_79 {
      %mul3A_85 = arith.constant 640 : i32
      %mul3A_86 = arith.muli %arg1, %mul3A_85 : i32
      "tpu.region"() ({
        %run_scoped3A_87 = tpu.sem_alloc : memref<!tpu.dma_semaphore, #tpu.memory_space<semaphore_mem>>
        %dma_start3A = arith.constant 0 : i32
        %dma_start3A_88 = tpu.memref_slice %arg3[%dma_start3A, %mul3A_86] : memref<16x10240xf32, #tpu.memory_space<hbm>> -> memref<16x640xf32, #tpu.memory_space<hbm>>
        %dma_start3A_89 = arith.constant 0 : i32
        %dma_start3A_90 = tpu.memref_slice %arg3[%dma_start3A_89, %mul3A_86] : memref<16x10240xf32, #tpu.memory_space<hbm>> -> memref<16x640xf32, #tpu.memory_space<hbm>>
        tpu.enqueue_dma source(%arg9 : memref<16x640xf32, #tpu.memory_space<vmem>>) target(%dma_start3A_90 : memref<16x640xf32, #tpu.memory_space<hbm>>) target_semaphore(%run_scoped3A_87 : memref<!tpu.dma_semaphore, #tpu.memory_space<semaphore_mem>>)
        %dma_wait3A_91 = arith.constant 0 : i32
        %dma_wait3A_92 = tpu.memref_slice %arg3[%dma_wait3A_91, %mul3A_86] : memref<16x10240xf32, #tpu.memory_space<hbm>> -> memref<16x640xf32, #tpu.memory_space<hbm>>
        %dma_wait3A_93 = arith.constant 0 : i32
        %dma_wait3A_94 = tpu.memref_slice %arg3[%dma_wait3A_93, %mul3A_86] : memref<16x10240xf32, #tpu.memory_space<hbm>> -> memref<16x640xf32, #tpu.memory_space<hbm>>
        tpu.wait_dma2 semaphore(%run_scoped3A_87 : memref<!tpu.dma_semaphore, #tpu.memory_space<semaphore_mem>>) src(%arg9 : memref<16x640xf32, #tpu.memory_space<vmem>>) dst(%dma_wait3A_94 : memref<16x640xf32, #tpu.memory_space<hbm>>)
        tpu.yield
      }) : () -> ()
    } else {
    }
    %eq3A_80 = arith.constant 1 : i32
    %eq3A_81 = arith.cmpi eq, %arg0, %eq3A_80 : i32
    %convert_element_type3A_82 = arith.extui %eq3A_81 : i1 to i32
    %cond3A_83 = arith.constant 0 : i32
    %cond3A_84 = arith.cmpi ne, %convert_element_type3A_82, %cond3A_83 : i32
    scf.if %cond3A_84 {
      %mul3A_85 = arith.constant 640 : i32
      %mul3A_86 = arith.muli %arg1, %mul3A_85 : i32
      "tpu.region"() ({
        %run_scoped3A_87 = tpu.sem_alloc : memref<!tpu.dma_semaphore, #tpu.memory_space<semaphore_mem>>
        %dma_start3A = arith.constant 0 : i32
        %dma_start3A_88 = tpu.memref_slice %arg4[%dma_start3A, %mul3A_86] : memref<16x10240xf32, #tpu.memory_space<hbm>> -> memref<16x640xf32, #tpu.memory_space<hbm>>
        %dma_start3A_89 = arith.constant 0 : i32
        %dma_start3A_90 = tpu.memref_slice %arg4[%dma_start3A_89, %mul3A_86] : memref<16x10240xf32, #tpu.memory_space<hbm>> -> memref<16x640xf32, #tpu.memory_space<hbm>>
        tpu.enqueue_dma source(%arg9 : memref<16x640xf32, #tpu.memory_space<vmem>>) target(%dma_start3A_90 : memref<16x640xf32, #tpu.memory_space<hbm>>) target_semaphore(%run_scoped3A_87 : memref<!tpu.dma_semaphore, #tpu.memory_space<semaphore_mem>>)
        %dma_wait3A_91 = arith.constant 0 : i32
        %dma_wait3A_92 = tpu.memref_slice %arg4[%dma_wait3A_91, %mul3A_86] : memref<16x10240xf32, #tpu.memory_space<hbm>> -> memref<16x640xf32, #tpu.memory_space<hbm>>
        %dma_wait3A_93 = arith.constant 0 : i32
        %dma_wait3A_94 = tpu.memref_slice %arg4[%dma_wait3A_93, %mul3A_86] : memref<16x10240xf32, #tpu.memory_space<hbm>> -> memref<16x640xf32, #tpu.memory_space<hbm>>
        tpu.wait_dma2 semaphore(%run_scoped3A_87 : memref<!tpu.dma_semaphore, #tpu.memory_space<semaphore_mem>>) src(%arg9 : memref<16x640xf32, #tpu.memory_space<vmem>>) dst(%dma_wait3A_94 : memref<16x640xf32, #tpu.memory_space<hbm>>)
        tpu.yield
      }) : () -> ()
    } else {
    }
    return
  }
}

module attributes {stable_mosaic.version = 14 : i64} {
  func.func @_mm1_body(%arg0: memref<10000x128xf32, #tpu.memory_space<vmem>>, %arg1: memref<128x16xf32, #tpu.memory_space<vmem>>, %arg2: memref<16x10240xf32, #tpu.memory_space<vmem>>, %arg3: memref<16x10240xf32, #tpu.memory_space<vmem>>, %arg4: memref<16x10240xf32, #tpu.memory_space<vmem>>, %arg5: memref<16x10240xf32, #tpu.memory_space<vmem>>) attributes {dimension_semantics = [], scalar_prefetch = 0 : i64, scratch_operands = 0 : i64, tpu.core_type = #tpu.core_type<tc>} {
    %get3A = arith.constant 0 : index
    %get3A_0 = arith.constant 0 : index
    %get3A_1 = vector.load %arg2[%get3A, %get3A_0] : memref<16x10240xf32, #tpu.memory_space<vmem>>, vector<16x10240xf32>
    %get3A_2 = arith.constant 0 : index
    %get3A_3 = arith.constant 0 : index
    %get3A_4 = vector.load %arg3[%get3A_2, %get3A_3] : memref<16x10240xf32, #tpu.memory_space<vmem>>, vector<16x10240xf32>
    %add3A = arith.addf %get3A_1, %get3A_4 : vector<16x10240xf32>
    %add3A_5 = arith.constant 1.000000e+00 : f32
    %add3A_6 = vector.broadcast %add3A_5 : f32 to vector<16x10240xf32>
    %add3A_7 = arith.addf %add3A, %add3A_6 : vector<16x10240xf32>
    %max3A = arith.constant 1.000000e+00 : f32
    %max3A_8 = vector.broadcast %max3A : f32 to vector<16x10240xf32>
    %max3A_9 = arith.maximumf %add3A_7, %max3A_8 : vector<16x10240xf32>
    %rsqrt3A = math.rsqrt %max3A_9 : vector<16x10240xf32>
    %get3A_10 = arith.constant 0 : index
    %get3A_11 = arith.constant 0 : index
    %get3A_12 = vector.load %arg1[%get3A_10, %get3A_11] : memref<128x16xf32, #tpu.memory_space<vmem>>, vector<128x16xf32>
    %get3A_13 = arith.constant 0 : index
    %get3A_14 = arith.constant 0 : index
    %get3A_15 = vector.load %arg0[%get3A_13, %get3A_14] : memref<10000x128xf32, #tpu.memory_space<vmem>>, vector<10000x128xf32>
    %dot_general3A = arith.constant dense<0.000000e+00> : vector<16x10000xf32>
    %dot_general3A_16 = tpu.matmul %get3A_12, %get3A_15, %dot_general3A {dimension_numbers = #tpu.dot_dimension_numbers<[0], [1], [1], [0], [0, 1, 1, 0], [], []>, transpose_lhs_hint = false} : vector<128x16xf32>, vector<10000x128xf32>, vector<16x10000xf32> -> vector<16x10000xf32>
    %broadcast_in_dim3A = arith.constant 0.000000e+00 : f32
    %broadcast_in_dim3A_17 = vector.broadcast %broadcast_in_dim3A : f32 to vector<16x240xf32>
    %concatenate3A = tpu.concatenate %dot_general3A_16, %broadcast_in_dim3A_17 in 1 : vector<16x10000xf32>, vector<16x240xf32> -> vector<16x10240xf32>
    %mul3A = arith.mulf %concatenate3A, %rsqrt3A : vector<16x10240xf32>
    %swap3A = arith.constant 0 : index
    %swap3A_18 = arith.constant 0 : index
    %swap3A_19 = vector.load %arg4[%swap3A, %swap3A_18] : memref<16x10240xf32, #tpu.memory_space<vmem>>, vector<16x10240xf32>
    tpu.vector_store %arg4[%swap3A, %swap3A_18], %mul3A {strides = array<i32>} : memref<16x10240xf32, #tpu.memory_space<vmem>>, vector<16x10240xf32>,
    %swap3A_20 = arith.constant 0 : index
    %swap3A_21 = arith.constant 0 : index
    %swap3A_22 = vector.load %arg5[%swap3A_20, %swap3A_21] : memref<16x10240xf32, #tpu.memory_space<vmem>>, vector<16x10240xf32>
    tpu.vector_store %arg5[%swap3A_20, %swap3A_21], %rsqrt3A {strides = array<i32>} : memref<16x10240xf32, #tpu.memory_space<vmem>>, vector<16x10240xf32>,
    return
  }
}

module attributes {stable_mosaic.version = 14 : i64} {
  func.func @_comb1_body(%arg0: memref<16x10240xf32, #tpu.memory_space<vmem>>, %arg1: memref<16x10240xf32, #tpu.memory_space<vmem>>, %arg2: memref<16x10240xf32, #tpu.memory_space<vmem>>, %arg3: memref<16x10240xf32, #tpu.memory_space<vmem>>, %arg4: memref<16x16xf32, #tpu.memory_space<vmem>>, %arg5: memref<16x1xf32, #tpu.memory_space<vmem>>, %arg6: memref<16x10240xf32, #tpu.memory_space<vmem>>) attributes {dimension_semantics = [], scalar_prefetch = 0 : i64, scratch_operands = 0 : i64, tpu.core_type = #tpu.core_type<tc>} {
    %get3A = arith.constant 0 : index
    %get3A_0 = arith.constant 0 : index
    %get3A_1 = vector.load %arg0[%get3A, %get3A_0] : memref<16x10240xf32, #tpu.memory_space<vmem>>, vector<16x10240xf32>
    %get3A_2 = arith.constant 0 : index
    %get3A_3 = arith.constant 0 : index
    %get3A_4 = vector.load %arg1[%get3A_2, %get3A_3] : memref<16x10240xf32, #tpu.memory_space<vmem>>, vector<16x10240xf32>
    %add3A = arith.addf %get3A_1, %get3A_4 : vector<16x10240xf32>
    %get3A_5 = arith.constant 0 : index
    %get3A_6 = arith.constant 0 : index
    %get3A_7 = vector.load %arg2[%get3A_5, %get3A_6] : memref<16x10240xf32, #tpu.memory_space<vmem>>, vector<16x10240xf32>
    %add3A_8 = arith.addf %add3A, %get3A_7 : vector<16x10240xf32>
    %get3A_9 = arith.constant 0 : index
    %get3A_10 = arith.constant 0 : index
    %get3A_11 = vector.load %arg3[%get3A_9, %get3A_10] : memref<16x10240xf32, #tpu.memory_space<vmem>>, vector<16x10240xf32>
    %mul3A = arith.mulf %add3A_8, %get3A_11 : vector<16x10240xf32>
    %get3A_12 = arith.constant 0 : index
    %get3A_13 = arith.constant 0 : index
    %get3A_14 = vector.load %arg5[%get3A_12, %get3A_13] : memref<16x1xf32, #tpu.memory_space<vmem>>, vector<16x1xf32>
    %add3A_15 = vector.broadcast %get3A_14 : vector<16x1xf32> to vector<16x10240xf32>
    %add3A_16 = arith.addf %mul3A, %add3A_15 : vector<16x10240xf32>
    %max3A = arith.constant 0.000000e+00 : f32
    %max3A_17 = vector.broadcast %max3A : f32 to vector<16x10240xf32>
    %max3A_18 = arith.maximumf %add3A_16, %max3A_17 : vector<16x10240xf32>
    %get3A_19 = arith.constant 0 : index
    %get3A_20 = arith.constant 0 : index
    %get3A_21 = vector.load %arg4[%get3A_19, %get3A_20] : memref<16x16xf32, #tpu.memory_space<vmem>>, vector<16x16xf32>
    %dot_general3A = arith.constant dense<0.000000e+00> : vector<16x10240xf32>
    %dot_general3A_22 = tpu.matmul %get3A_21, %max3A_18, %dot_general3A {dimension_numbers = #tpu.dot_dimension_numbers<[0], [0], [1], [1], [0, 1, 1, 1], [], []>, transpose_lhs_hint = false} : vector<16x16xf32>, vector<16x10240xf32>, vector<16x10240xf32> -> vector<16x10240xf32>
    %get3A_23 = arith.constant 0 : index
    %get3A_24 = arith.constant 0 : index
    %get3A_25 = vector.load %arg3[%get3A_23, %get3A_24] : memref<16x10240xf32, #tpu.memory_space<vmem>>, vector<16x10240xf32>
    %mul3A_26 = arith.mulf %dot_general3A_22, %get3A_25 : vector<16x10240xf32>
    %swap3A = arith.constant 0 : index
    %swap3A_27 = arith.constant 0 : index
    %swap3A_28 = vector.load %arg6[%swap3A, %swap3A_27] : memref<16x10240xf32, #tpu.memory_space<vmem>>, vector<16x10240xf32>
    tpu.vector_store %arg6[%swap3A, %swap3A_27], %mul3A_26 {strides = array<i32>} : memref<16x10240xf32, #tpu.memory_space<vmem>>, vector<16x10240xf32>,
    return
  }
}

module attributes {stable_mosaic.version = 14 : i64} {
  func.func @_comb2_body(%arg0: memref<16x10240xf32, #tpu.memory_space<vmem>>, %arg1: memref<16x10240xf32, #tpu.memory_space<vmem>>, %arg2: memref<16x10240xf32, #tpu.memory_space<vmem>>, %arg3: memref<16x10240xf32, #tpu.memory_space<vmem>>, %arg4: memref<16x1xf32, #tpu.memory_space<vmem>>, %arg5: memref<1x10240xi32, #tpu.memory_space<vmem>>, %arg6: memref<16x1xf32, #tpu.memory_space<vmem>>, %arg7: memref<1x1xf32, #tpu.memory_space<vmem>>, %arg8: memref<64x1xf32, #tpu.memory_space<vmem>>) attributes {dimension_semantics = [], scalar_prefetch = 0 : i64, scratch_operands = 0 : i64, tpu.core_type = #tpu.core_type<tc>} {
    %get3A = arith.constant 0 : index
    %get3A_0 = arith.constant 0 : index
    %get3A_1 = vector.load %arg0[%get3A, %get3A_0] : memref<16x10240xf32, #tpu.memory_space<vmem>>, vector<16x10240xf32>
    %get3A_2 = arith.constant 0 : index
    %get3A_3 = arith.constant 0 : index
    %get3A_4 = vector.load %arg1[%get3A_2, %get3A_3] : memref<16x10240xf32, #tpu.memory_space<vmem>>, vector<16x10240xf32>
    %add3A = arith.addf %get3A_1, %get3A_4 : vector<16x10240xf32>
    %get3A_5 = arith.constant 0 : index
    %get3A_6 = arith.constant 0 : index
    %get3A_7 = vector.load %arg2[%get3A_5, %get3A_6] : memref<16x10240xf32, #tpu.memory_space<vmem>>, vector<16x10240xf32>
    %add3A_8 = arith.addf %add3A, %get3A_7 : vector<16x10240xf32>
    %get3A_9 = arith.constant 0 : index
    %get3A_10 = arith.constant 0 : index
    %get3A_11 = vector.load %arg3[%get3A_9, %get3A_10] : memref<16x10240xf32, #tpu.memory_space<vmem>>, vector<16x10240xf32>
    %mul3A = arith.mulf %add3A_8, %get3A_11 : vector<16x10240xf32>
    %get3A_12 = arith.constant 0 : index
    %get3A_13 = arith.constant 0 : index
    %get3A_14 = vector.load %arg4[%get3A_12, %get3A_13] : memref<16x1xf32, #tpu.memory_space<vmem>>, vector<16x1xf32>
    %add3A_15 = vector.broadcast %get3A_14 : vector<16x1xf32> to vector<16x10240xf32>
    %add3A_16 = arith.addf %mul3A, %add3A_15 : vector<16x10240xf32>
    %max3A = arith.constant 0.000000e+00 : f32
    %max3A_17 = vector.broadcast %max3A : f32 to vector<16x10240xf32>
    %max3A_18 = arith.maximumf %add3A_16, %max3A_17 : vector<16x10240xf32>
    %iota3A = tpu.iota {dimensions = array<i32: 0>} : vector<64x10240xi32>
    %get3A_19 = arith.constant 0 : index
    %get3A_20 = arith.constant 0 : index
    %get3A_21 = vector.load %arg5[%get3A_19, %get3A_20] : memref<1x10240xi32, #tpu.memory_space<vmem>>, vector<1x10240xi32>
    %eq3A = vector.broadcast %get3A_21 : vector<1x10240xi32> to vector<64x10240xi32>
    %eq3A_22 = arith.cmpi eq, %iota3A, %eq3A : vector<64x10240xi32>
    %convert_element_type3A = arith.extui %eq3A_22 : vector<64x10240xi1> to vector<64x10240xi32>
    %convert_element_type3A_23 = arith.sitofp %convert_element_type3A : vector<64x10240xi32> to vector<64x10240xf32>
    %dot_general3A = arith.constant dense<0.000000e+00> : vector<64x16xf32>
    %dot_general3A_24 = tpu.matmul %convert_element_type3A_23, %max3A_18, %dot_general3A {dimension_numbers = #tpu.dot_dimension_numbers<[1], [1], [0], [0], [0, 0, 1, 0], [], []>, transpose_lhs_hint = false} : vector<64x10240xf32>, vector<16x10240xf32>, vector<64x16xf32> -> vector<64x16xf32>
    %broadcast_in_dim3A = arith.constant 1.000000e+00 : f32
    %broadcast_in_dim3A_25 = vector.broadcast %broadcast_in_dim3A : f32 to vector<1x10240xf32>
    %dot_general3A_26 = arith.constant dense<0.000000e+00> : vector<64x1xf32>
    %dot_general3A_27 = tpu.matmul %convert_element_type3A_23, %broadcast_in_dim3A_25, %dot_general3A_26 {dimension_numbers = #tpu.dot_dimension_numbers<[1], [1], [0], [0], [0, 0, 1, 0], [], []>, transpose_lhs_hint = false} : vector<64x10240xf32>, vector<1x10240xf32>, vector<64x1xf32> -> vector<64x1xf32>
    %max3A_28 = arith.constant 1.000000e+00 : f32
    %max3A_29 = vector.broadcast %max3A_28 : f32 to vector<64x1xf32>
    %max3A_30 = arith.maximumf %dot_general3A_27, %max3A_29 : vector<64x1xf32>
    %div3A = vector.broadcast %max3A_30 : vector<64x1xf32> to vector<64x16xf32>
    %div3A_31 = arith.divf %dot_general3A_24, %div3A : vector<64x16xf32>
    %get3A_32 = arith.constant 0 : index
    %get3A_33 = arith.constant 0 : index
    %get3A_34 = vector.load %arg6[%get3A_32, %get3A_33] : memref<16x1xf32, #tpu.memory_space<vmem>>, vector<16x1xf32>
    %dot_general3A_35 = arith.constant dense<0.000000e+00> : vector<64x1xf32>
    %dot_general3A_36 = tpu.matmul %div3A_31, %get3A_34, %dot_general3A_35 {dimension_numbers = #tpu.dot_dimension_numbers<[1], [0], [0], [1], [0, 0, 1, 1], [], []>, transpose_lhs_hint = false} : vector<64x16xf32>, vector<16x1xf32>, vector<64x1xf32> -> vector<64x1xf32>
    %get3A_37 = arith.constant 0 : index
    %get3A_38 = arith.constant 0 : index
    %get3A_39 = vector.load %arg7[%get3A_37, %get3A_38] : memref<1x1xf32, #tpu.memory_space<vmem>>, vector<1x1xf32>
    %add3A_40 = vector.broadcast %get3A_39 : vector<1x1xf32> to vector<64x1xf32>
    %add3A_41 = arith.addf %dot_general3A_36, %add3A_40 : vector<64x1xf32>
    %logistic3A = arith.negf %add3A_41 : vector<64x1xf32>
    %logistic3A_42 = math.exp %logistic3A : vector<64x1xf32>
    %logistic3A_43 = arith.constant 1.000000e+00 : f32
    %logistic3A_44 = vector.broadcast %logistic3A_43 : f32 to vector<64x1xf32>
    %logistic3A_45 = arith.addf %logistic3A_44, %logistic3A_42 : vector<64x1xf32>
    %logistic3A_46 = arith.divf %logistic3A_44, %logistic3A_45 : vector<64x1xf32>
    %swap3A = arith.constant 0 : index
    %swap3A_47 = arith.constant 0 : index
    %swap3A_48 = vector.load %arg8[%swap3A, %swap3A_47] : memref<64x1xf32, #tpu.memory_space<vmem>>, vector<64x1xf32>
    tpu.vector_store %arg8[%swap3A, %swap3A_47], %logistic3A_46 {strides = array<i32>} : memref<64x1xf32, #tpu.memory_space<vmem>>, vector<64x1xf32>,
    return
  }
}

</mosaic_0001>

<sc_bundles>
// kernel: kernel.11.cloned.1.call-start
scs
__scs_entry_jumppad:
0x0: {  	(pc) =	sbr.rel $0x88, $3  }
0x1: {  	(tag) =	ssettag $0x0;
	lr =	simm.s32 $0x1  }
0x2: {  	[smem:$0x3F98] =	sst lr;
	_ =	strace $0xD0000000  }
0x3: {  	_ = 	snop  }
0x4: {  	_ = 	snop  }
0x5: {  	_ = 	snop  }
0x6: {  	_ = 	snop  }
0x7: {  	_ = 	snop  }
__scs_overlays_trampoline_lowered:
0x8: {  	[smem:$0x3FA7] =	sst s0  }
0x9: {  	[smem:$0x3FA8] =	sst s1  }
0xa: {  	[smem:$0x3FA9] =	sst s2  }
0xb: {  	[smem:$0x3FAA] =	sst s3  }
0xc: {  	[smem:$0x3FAB] =	sst s4  }
0xd: {  	[smem:$0x3FAC] =	sst s5  }
0xe: {  	[smem:$0x3FAD] =	sst s6  }
0xf: {  	[smem:$0x3FAE] =	sst s7  }
0x10: {  	[smem:$0x3FAF] =	sst s8  }
0x11: {  	[smem:$0x3FB0] =	sst s9;
	s0 =	simm.s32 @!p0 $0x0  }
0x12: {  	s1 =	sld [smem:$0x3F96];
	s0 =	simm.s32 @p0 $0x1  }
0x13: {  	[smem:$0x3FB1] =	sst s0;
	s0 =	simm.s32 @!p1 $0x0  }
0x14: {  	s2 =	sld [smem:$0x3F95];
	s0 =	simm.s32 @p1 $0x1  }
0x15: {  	[smem:$0x3FB2] =	sst s0;
	s0 =	simm.s32 @!p2 $0x0  }
0x16: {  	s3 =	sld [smem:$0x3FDB];
	s0 =	simm.s32 @p2 $0x1  }
0x17: {  	s4 =	simm.s32 $0x1BF5;
	[smem:$0x3FB4] =	sst s0  }
0x18: {  	s0 =	sld [smem:$0x3F97];
	_ =	swait.ge [sflag:s4], $0x0  }
0x19: {  	s7 =	sld [smem:$0x3F98]  }
0x1a: {  	s8 =	sadd.s32 $0xFFFFE003, lr  }
0x1b: {  	s9 =	sadd.s32 $0xFFFFFEF7, lr;
	s5 =	simm.s32 $0xFFFFFFFF;
	p2 =	slt.u32 s8, $0xFFFFF086  }
0x1c: {  	p1 =	slt.u32 s9, $0xF7A;
	s5 =	simm.s32 @!p2 $0x0  }
0x1d: {  	s5 =	simm.s32 @p1 $0x1;
	p0 =	seq.s32 s7, s2  }
0x1e: {  	s7 =	smul.u32 @!p0 $0xF7A, s2;
	p2 =	seq.s32 @!p0 s5, $0x0  }
0x1f: {  	s9 =	smul.u32 $0xF7A, s1;
	s8 =	simm.s32 @!p0 $0x1BF5;
	p2 =	por !p2, p0  }
0x20: {  	[sflag:s8] =	ssyncset.s32 @!p0 $0xFFFFF086;
	s6 =	sadd.s32 @!p0 s3, s7;
	s7 =	simm.s32 @!p0 $0x108  }
0x21: {  	s3 =	sadd.s32 s3, s9;
	s6 =	sadd.s32 @!p0 $0x88, s6;
	s7 =	simm.s32 @p2 $0x1082  }
0x22: {  	[simem:s7], [sflag:s8] =	dma.local @!p0 [hbm:s6], $0xF7A  }
0x23: {  	s9 =	sor.u32 $0xD0000000, s2;
	s6 =	simm.s32 $0x108;
	_ =	swait.ge @!p0 [sflag:s8], $0x0  }
0x24: {  	s3 =	sadd.s32 $0x88, s3;
	s6 =	simm.s32 @!p1 $0x1082;
	[sflag:s4] =	ssyncset.s32 $0xFFFFF086  }
0x25: {  	[simem:s6], [sflag:s4] =	dma.local [hbm:s3], $0xF7A  }
0x26: {  	[smem:$0x3F98] =	sst s1;
	(tag) =	ssettag s2;
	_ =	strace s9  }
0x27: {  	s1 =	sld [smem:$0x3FA8]  }
0x28: {  	s2 =	sld [smem:$0x3FA9]  }
0x29: {  	s4 =	sld [smem:$0x3FAB]  }
0x2a: {  	p0 =	seq.s32 s5, $0x0;
	s5 =	sld [smem:$0x3FAC]  }
0x2b: {  	s6 =	sld [smem:$0x3FAD]  }
0x2c: {  	s7 =	sld [smem:$0x3FAE]  }
0x2d: {  	s3 =	simm.s32 $0x108;
	s8 =	sld [smem:$0x3FAF]  }
0x2e: {  	s3 =	simm.s32 @!p0 $0x1082;
	s9 =	sld [smem:$0x3FB0]  }
0x2f: {  	lr =	sadd.s32 s0, s3;
	s0 =	sld [smem:$0x3FA7]  }
0x30: {  	s3 =	sld [smem:$0x3FAA]  }
0x31: {  	[smem:$0x3FB3] =	sst s10  }
0x32: {  	s10 =	sld [smem:$0x3FB1];
	_ =	sdelay $0x3  }
0x33: {  	p0 =	seq.s32 s10, $0x1;
	s10 =	sld [smem:$0x3FB3];
	_ =	sdelay $0x3  }
0x34: {  	[smem:$0x3FB3] =	sst s10  }
0x35: {  	s10 =	sld [smem:$0x3FB2];
	_ =	sdelay $0x3  }
0x36: {  	p1 =	seq.s32 s10, $0x1;
	s10 =	sld [smem:$0x3FB3];
	_ =	sdelay $0x3  }
0x37: {  	[smem:$0x3FB3] =	sst s10  }
0x38: {  	s10 =	sld [smem:$0x3FB4]  }
0x39: {  	_ = 	snop;
	(pc) =	sbr.ind lr, $3  }
0x3a: {  	_ = 	snop  }
0x3b: {  	_ = 	snop  }
0x3c: {  	p2 =	seq.s32 s10, $0x1;
	s10 =	sld [smem:$0x3FB3]  }
0x3d: {  	_ =	shalt  }
0x3e: {  	_ =	shalt  }
0x3f: {  	_ =	shalt  }
0x40: {  	_ =	shalt  }
0x41: {  	_ =	shalt  }
0x42: {  	_ =	shalt  }
0x43: {  	_ =	shalt  }
0x44: {  	_ =	shalt  }
0x45: {  	_ =	shalt  }
0x46: {  	_ =	shalt  }
0x47: {  	_ =	shalt  }
0x48: {  	_ =	shalt  }
0x49: {  	_ =	shalt  }
0x4a: {  	_ =	shalt  }
0x4b: {  	_ =	shalt  }
0x4c: {  	_ =	shalt  }
0x4d: {  	_ =	shalt  }
0x4e: {  	_ =	shalt  }
0x4f: {  	_ =	shalt  }
0x50: {  	_ =	shalt  }
0x51: {  	_ =	shalt  }
0x52: {  	_ =	shalt  }
0x53: {  	_ =	shalt  }
0x54: {  	_ =	shalt  }
0x55: {  	_ =	shalt  }
0x56: {  	_ =	shalt  }
0x57: {  	_ =	shalt  }
0x58: {  	_ =	shalt  }
0x59: {  	_ =	shalt  }
0x5a: {  	_ =	shalt  }
0x5b: {  	_ =	shalt  }
0x5c: {  	_ =	shalt  }
0x5d: {  	_ =	shalt  }
0x5e: {  	_ =	shalt  }
0x5f: {  	_ =	shalt  }
0x60: {  	_ =	shalt  }
0x61: {  	_ =	shalt  }
0x62: {  	_ =	shalt  }
0x63: {  	_ =	shalt  }
0x64: {  	_ =	shalt  }
0x65: {  	_ =	shalt  }
0x66: {  	_ =	shalt  }
0x67: {  	_ =	shalt  }
0x68: {  	_ =	shalt  }
0x69: {  	_ =	shalt  }
0x6a: {  	_ =	shalt  }
0x6b: {  	_ =	shalt  }
0x6c: {  	_ =	shalt  }
0x6d: {  	_ =	shalt  }
0x6e: {  	_ =	shalt  }
0x6f: {  	_ =	shalt  }
0x70: {  	_ =	shalt  }
0x71: {  	_ =	shalt  }
0x72: {  	_ =	shalt  }
0x73: {  	_ =	shalt  }
0x74: {  	_ =	shalt  }
0x75: {  	_ =	shalt  }
0x76: {  	_ =	shalt  }
0x77: {  	_ =	shalt  }
0x78: {  	_ =	shalt  }
0x79: {  	_ =	shalt  }
0x7a: {  	_ =	shalt  }
0x7b: {  	_ =	shalt  }
0x7c: {  	_ =	shalt  }
0x7d: {  	_ =	shalt  }
0x7e: {  	_ =	shalt  }
0x7f: {  	_ =	shalt  }
0x80: {  	_ =	shalt  }
0x81: {  	_ =	shalt  }
0x82: {  	_ =	shalt  }
0x83: {  	_ =	shalt  }
0x84: {  	_ =	shalt  }
0x85: {  	_ =	shalt  }
0x86: {  	_ =	shalt  }
0x87: {  	_ =	shalt  }
.Lfunc_end0:
.L_simem_size_0:
called_computation.1_lowered:
.L_overlay_start_0:
0x88: {  	s2 =	sld [smem:$0x3FD9]  }
0x89: {  	s3 =	sld [smem:$0x3FFE];
	_ =	sdelay $0x1  }
0x8a: {  	s1 =	srdreg.scid  }
0x8b: {  	s0 =	sand.u32 $0x1, s1  }
0x8c: {  	s16 =	sshll.u32 s0, $0xA;
	s2 =	sadd.s32 s3, s2  }
0x8d: {  	s2 =	sadd.s32 s2, s16  }
0x8e: {  	[smem:$0x3FBF] =	sst s2  }
0x8f: {  	_ = 	snop  }
0x90: {  	(tm) =	ssettm $0x1  }
0x91: {  	s17 =	sld [smem:$0x3FFB];
	_ =	sdelay $0x3  }
0x92: {  	_ =	strace s17  }
0x93: {  	s2 =	sld [smem:$0x3FFC];
	_ =	sdelay $0x3  }
0x94: {  	_ =	strace s2  }
0x95: {  	s2 =	sld [smem:$0x3FFD];
	_ =	sdelay $0x3  }
0x96: {  	_ =	strace s2  }
0x97: {  	_ =	strace $0x8FFFFFFF  }
0x98: {  	s18 =	sld [smem:$0x3FDB];
	_ =	sdelay $0x1  }
0x99: {  	s19 =	simm.s32 $_scs_section_size  }
0x9a: {  	s4 =	simm.s32 $_size__tile_overlayer_lowered;
	s5 =	simm.s32 $_tile_overlayer_lowered  }
0x9b: {  	s22 =	simm.s32 $0x1BFF;
	s21 =	sshll.u32 s5, $0x1;
	s2 =	sadd.s32 s19, s18  }
0x9c: {  	s6 =	simm.s32 $0x0;
	s20 =	sshll.u32 s4, $0x1;
	s4 =	sadd.s32 s21, s2  }
0x9d: {  	[timem:s6], [sflag:s22] =	dma.local [hbm:s4], s20  }
0x9e: {  	_ =	swait.ge [sflag:s22], s20  }
0x9f: {  	s3 =	ssub.s32 $0x0, s20;
	[sflag:s22] =	ssyncset.done $0x0  }
0xa0: {  	[sflag:s22] =	ssyncadd.s32 s3;
	_ =	sdelay $0x1  }
0xa1: {  	s23 =	simm.s32 $0x1B8B  }
0xa2: {  	_ =	swait.ge [sflag:s23], $0x1  }
0xa3: {  	[sflag:s23] =	ssyncset.done $0x0  }
0xa4: {  	s25 =	simm.s32 $0x1B8E;
	s24 =	sld [smem:$0x3FFE];
	[sflag:s23] =	ssyncadd.s32 $0xFFFFFFFF  }
0xa5: {  	s26 =	simm.s32 $execute0_lowered;
	[smem:$0x3FD2] =	sst s25  }
0xa6: {  	s4 =	sshll.u32 s26, $0x1;
	_ =	strace $0x80000049;
	[dreg:$0x1] =	wrdreg $0xFFFFFFFF  }
0xa7: {  	s28 =	simm.s32 $_size_execute0_lowered;
	s2 =	sadd.s32 s2, s4;
	[dreg:$0x0] =	wrdreg $0x0  }
0xa8: {  	s4 =	sshll.u32 s28, $0x1;
	[dreg:$0x2] =	wrdreg s2  }
0xa9: {  	[dreg:$0x3] =	wrdreg s4  }
0xaa: {  	[dreg:$0x4] =	wrdreg $0xC0  }
0xab: {  	_ =	task [dreg:s6], $0x5FFFF  }
0xac: {  	[dreg:$0x1] =	wrdreg $0xFFFFFFFF  }
0xad: {  	[dreg:$0x0] =	wrdreg $0x60  }
0xae: {  	[dreg:$0x2] =	wrdreg s24  }
0xaf: {  	[dreg:$0x3] =	wrdreg $0x0  }
0xb0: {  	[dreg:$0x4] =	wrdreg $0x9  }
0xb1: {  	_ =	task.clear_ibuf [dreg:s6], $0x5FFFF;
	_ =	strace $0x90000049  }
0xb2: {  	s29 =	simm.s32 $0x9;
	_ =	strace $0x8000004B  }
0xb3: {  	_ =	swait.ge [sflag:s29], $0x1  }
0xb4: {  	[sflag:s29] =	ssyncadd.s32 $0xFFFFFFFF  }
0xb5: {  	_ =	strace $0x9000004B  }
0xb6: {  	_ =	sfence  }
0xb7: {  	s30 =	sld [smem:$0x0];
	_ =	sdelay $0x2  }
0xb8: {  	s31 =	sshll.u32 s1, $0xD;
	s1 =	sshrl.u32 s1, $0x2  }
0xb9: {  	s3 =	sand.u32 $0x4000, s31;
	s1 =	sadd.s32 s1, s30  }
0xba: {  	s0 =	sor.u32 s3, s0;
	s1 =	sshll.u32 s1, $0x11  }
0xbb: {  	s0 =	sor.u32 s1, s0  }
0xbc: {  	s0 =	sadd.s32 $0x8F2B, s0  }
0xbd: {  	[sflag:s0] =	ssyncadd.remote.s32 $0x1  }
0xbe: {  	_ =	sfence.sel $0xFFFF  }
0xbf: {  	[dreg:$0x0] =	wrdreg $0xFFFFFFFF;
	(pc) =	sbr.abs _section_cstart, $3  }
0xc0: {  	[dreg:$0x1] =	wrdreg $0xFFFFFFFF  }
0xc1: {  	_ =	task.clear_ibuf [dreg:s6], $0x2FFFF;
	_ =	strace $0x9FFFFFFF  }
0xc2: {  	(tm) =	ssettm $0x7FFFFFFF  }
0xc3: {  	_ =	shalt  }
tec
execute0_lowered:
.L_overlay_start_1:
0x0: {  	(tag) =	ssettag $0x1  }
0x1: {  	s0 =	rddreg [dreg:$0x0]  }
0x2: {  	s2 =	rddreg [dreg:$0x1];
	s13 =	simm.s32 $0x0;
	s3 =	stileid.u32  }
0x3: {  	s4 =	srdreg.scid;
	s16 =	simm.s32 $0x2800;
	s17 =	simm.s32 $0x7700  }
0x4: {  	s18 =	simm.s32 $0x9;
	s19 =	simm.s32 $0x9F00;
	s29 =	simm.s32 $0xDF00  }
0x5: {  	s30 =	simm.s32 $0x1;
	s31 =	simm.s32 $0x5;
	s20 =	simm.s32 $0x3  }
0x6: {  	s28 =	simm.s32 $0x8;
	s15 =	simm.s32 $0x0;
	[smem:$0x7FF] =	sst s13  }
0x7: {  	s1 =	smul.u32 $0x50, s3;
	s6 =	sadd.s32 $0x2A00, s0;
	s7 =	sand.u32 $0x1, s4  }
0x8: {  	s8 =	sshll.u32 s3, $0x1;
	s9 =	smul.u32 $0x2800, s3;
	s4 =	sadd.s32 $0x1B400, s0  }
0x9: {  	_ =	strace $0x8000004A;
	s5 =	ssub.s32 $0x2, s7;
	s11 =	sor.u32 s7, s8  }
0xa: {  	p0 =	seq.s32 s7, $0x1;
	s1 =	sadd.s32 s1, s0;
	s10 =	sshrl.u32 s5, $0x1  }
0xb: {  	v10 =	vlaneseq.u32;
	s21 =	sshrl.u32 s9, $0x3;
	s22 =	smul.u32 $0x4E0, s11;
	s24 =	sshll.u32 s11, $0x4  }
0xc: {  	v0 =	vmul.u32 $0x280, v10;
	s12 =	ssub.s32 s5, s10;
	s23 =	sadd.s32 $0x16400, s1;
	s8 =	sadd.s32 s4, s21  }
0xd: {  	s10 =	sadd.s32 $0xC640, s0;
	s25 =	sor.u32 $0x9C00, s24;
	[dreg:$0x4] =	wrdreg s23  }
0xe: {  	v2 =	vor.u32 $0x1, v0;
	[tilespmem:$0x1FF80] =	vst v0;
	s0 =	simm.s32 $0x20400;
	s21 =	simm.s32 $0x80;
	[dreg:$0x5] =	wrdreg s8  }
0xf: {  	v3 =	vor.u32 $0x2, v0;
	s24 =	simm.s32 $0xCF00;
	[tilespmem:$0x1FF90] =	vst v2;
	s8 =	sadd.s32 s9, s2;
	[dreg:$0x3] =	wrdreg s22  }
0x10: {  	v4 =	vor.u32 $0x3, v0;
	[tilespmem:$0x1FFA0] =	vst v3;
	s5 =	sadd.s32 s6, s22;
	[dreg:$0x7] =	wrdreg s25;
	s26 =	smax.u32 s12, $0x1  }
0x11: {  	v5 =	vor.u32 $0x4, v0;
	[tilespmem:$0x1FFB0] =	vst v4;
	s0 =	simm.s32 @!p0 $0x25400;
	p0 =	sgt.u32 s3, $0x1;
	s22 =	simm.s32 $0xC700  }
0x12: {  	v6 =	vor.u32 $0x5, v0;
	[tilespmem:$0x1FFC0] =	vst v5;
	s23 =	simm.s32 $0x7;
	[dreg:$0x6] =	wrdreg s5;
	s5 =	sadd.s32 s6, s25  }
0x13: {  	v7 =	vor.u32 $0x6, v0;
	[tilespmem:$0x1FFD0] =	vst v6;
	[dreg:$0x9] =	wrdreg s26;
	s0 =	sadd.s32 s0, s1;
	s26 =	simm.s32 $0xD700  }
0x14: {  	v1 =	vimm.s32 $0x0;
	vm0 =	vcmask $0x300;
	v8 =	vor.u32 $0x7, v0;
	[tilespmem:$0x1FFE0] =	vst v7;
	s1 =	simm.s32 $0x6;
	s25 =	simm.s32 $0x4;
	[dreg:$0x8] =	wrdreg s5  }
0x15: {  	v9 =	vimm.f32 $0.0e+00;
	v1 =	vsel vm0, $0x3, v1;
	v10 =	vmul.u32 $0x10, v10;
	[tilespmem:$0x1FFF0] =	vst v8;
	[dreg:$0xa] =	wrdreg s0;
	s5 =	simm.s32 $0x280;
	s0 =	simm.s32 $0x2  }
.LBB2_1:
0x16: {  	s6 =	simm.s32 $0x1;
	s7 =	simm.s32 $0x2;
	s9 =	simm.s32 $0x3;
	v26 =	vmov s13  }
0x17: {  	s11 =	simm.s32 $0x4;
	s12 =	simm.s32 $0x5;
	s14 =	simm.s32 $0x7;
	v11 =	vmov s6;
	v12 =	vmov s7;
	v13 =	vmov s9  }
0x18: {  	s3 =	simm.s32 $0x8;
	v14 =	vmov s11;
	v15 =	vmov s12;
	v16 =	vmov s14  }
0x19: {  	v17 =	vmov s3;
	s7 =	simm.s32 $0xA;
	s9 =	simm.s32 $0xB;
	s14 =	simm.s32 $0xD;
	v26 =	vshrl.u32 v26, $0x3;
	v12 =	vshrl.u32 v12, $0x3  }
0x1a: {  	s11 =	simm.s32 $0xF;
	s3 =	simm.s32 $0xE;
	v18 =	vmov s7;
	v19 =	vmov s9;
	v20 =	vmov s14  }
0x1b: {  	s12 =	simm.s32 $0x9;
	v21 =	vmov s3;
	v22 =	vmov s11;
	v16 =	vshrl.u32 v16, $0x3  }
0x1c: {  	v23 =	vmov s12;
	v14 =	vshrl.u32 v14, $0x3;
	v26 =	vshll.u32 v26, v1  }
0x1d: {  	s11 =	simm.s32 $0x6;
	v13 =	vshrl.u32 v13, $0x3;
	v15 =	vshrl.u32 v15, $0x3;
	v17 =	vshrl.u32 v17, $0x3  }
0x1e: {  	s14 =	simm.s32 $0xC;
	v11 =	vshrl.u32 v11, $0x3;
	v21 =	vshrl.u32 v21, $0x3;
	v24 =	vmov s11  }
0x1f: {  	v14 =	vshll.u32 v14, v1;
	v25 =	vmov s14;
	v18 =	vshrl.u32 v18, $0x3  }
0x20: {  	v22 =	vshrl.u32 v22, $0x3;
	v23 =	vshrl.u32 v23, $0x3;
	v19 =	vshrl.u32 v19, $0x3  }
0x21: {  	v26 =	vbroadcast v26, $0x0;
	v21 =	vshll.u32 v21, v1;
	v14 =	vbroadcast v14, $0x0  }
0x22: {  	v16 =	vshll.u32 v16, v1;
	v18 =	vshll.u32 v18, v1;
	v21 =	vbroadcast v21, $0x0  }
0x23: {  	s3 =	rddreg [dreg:$0x4];
	v20 =	vshrl.u32 v20, $0x3;
	v18 =	vbroadcast v18, $0x0;
	v14 =	vadd.s32 v5, v14  }
0x24: {  	[tilespmem:s17], [sflag:$0x9] =	stream.strided.gather [hbm4b:s3+s5], $0x2800, s16, s5, $0x38;
	v12 =	vshll.u32 v12, v1;
	v13 =	vshll.u32 v13, v1;
	v21 =	vadd.s32 v7, v21;
	[tilespmem:$0xE700] =	vst v63  }
0x25: {  	v27 =	vshll.u32 v15, v1;
	v28 =	vshll.u32 v17, v1;
	_ =	swait.ge [sflag:s18], $0x2800;
	v18 =	vadd.s32 v3, v18  }
0x26: {  	v11 =	vshll.u32 v11, v1;
	v24 =	vshrl.u32 v24, $0x3;
	v16 =	vbroadcast v16, $0x0;
	[sflag:s18] =	ssyncset.done $0x0  }
0x27: {  	v20 =	vshll.u32 v20, v1;
	v24 =	vshll.u32 v24, v1;
	v26 =	vadd.s32 v0, v26;
	[sflag:s18] =	ssyncadd.s32 $0xFFFFD800  }
0x28: {  	v24 =	vbroadcast v24, $0x0;
	v15 =	vadd.s32 v8, v16;
	v16 =	vbroadcast v20, $0x0;
	v20 =	vld.idx.msk [tilespmem:v14+s17+$0x0], $0xffff  }
0x29: {  	v25 =	vshrl.u32 v25, $0x3;
	v19 =	vshll.u32 v19, v1;
	v12 =	vbroadcast v12, $0x0;
	v21 =	vld.idx.msk [tilespmem:v21+s17+$0x0], $0xffff  }
0x2a: {  	v13 =	vbroadcast v13, $0x0;
	v25 =	vshll.u32 v25, v1;
	v24 =	vadd.s32 v7, v24;
	v17 =	vld.idx.msk [tilespmem:v18+s17+$0x0], $0xffff  }
0x2b: {  	v14 =	vshll.u32 v22, v1;
	v18 =	vadd.s32 v6, v16;
	v16 =	vbroadcast v19, $0x0  }
0x2c: {  	s6 =	simm.s32 $0x9F80;
	v22 =	vbroadcast v14, $0x0;
	v19 =	vadd.s32 v3, v12;
	v12 =	vshll.u32 v23, v1  }
0x2d: {  	v13 =	vadd.s32 v4, v13;
	v14 =	vld.idx.msk [tilespmem:v26+s17+$0x0], $0xffff;
	v63 =	vbroadcast v12, $0x0;
	v16 =	vadd.s32 v4, v16;
	[tilespmem:s6+$0xFFFFFFC0] =	vst v20  }
0x2e: {  	v15 =	vld.idx.msk [tilespmem:v15+s17+$0x0], $0xffff;
	v12 =	vadd.s32 v8, v22;
	v22 =	vbroadcast v25, $0x0;
	[tilespmem:s6+$0x60] =	vst v21;
	v21 =	vbroadcast v27, $0x0  }
0x2f: {  	s7 =	simm.s32 $0x10;
	s9 =	simm.s32 $0xA080;
	v23 =	vbroadcast v28, $0x0;
	v20 =	vbroadcast v11, $0x0;
	v11 =	vadd.s32 v2, v63;
	[tilespmem:s6+$0x20] =	vst v17;
	v17 =	vld.idx.msk [tilespmem:v24+s17+$0x0], $0xffff  }
.LBB2_2:
0x30: {  	s12 =	sadd.s32 $0x1, s7;
	s13 =	sadd.s32 $0x2, s7;
	s14 =	sadd.s32 $0x3, s7;
	v21 =	vadd.s32 v6, v21;
	v22 =	vadd.s32 v5, v22;
	v18 =	vld.idx.msk [tilespmem:v18+s17+$0x0], $0xffff  }
0x31: {  	s5 =	sadd.s32 $0x9, s7;
	v24 =	vmov s12;
	v25 =	vmov s13;
	s12 =	sadd.s32 $0x4, s7;
	s13 =	sadd.s32 $0x5, s7;
	v19 =	vld.idx.msk [tilespmem:v19+s17+$0x0], $0xffff;
	v23 =	vadd.s32 v0, v23  }
0x32: {  	v26 =	vmov s14;
	s14 =	sadd.s32 $0xF, s7;
	v27 =	vmov s12;
	v28 =	vmov s13;
	s12 =	sadd.s32 $0x7, s7;
	s13 =	sadd.s32 $0x8, s7;
	[tilespmem:s6+$0xFFFFFF80] =	vst v14  }
0x33: {  	s11 =	sadd.s32 $0x6, s7;
	v20 =	vadd.s32 v2, v20;
	v14 =	vmov s12;
	v29 =	vmov s13;
	s12 =	sadd.s32 $0xA, s7;
	s13 =	sadd.s32 $0xB, s7;
	[tilespmem:s6+$0xFFFFFFF0] =	vst v15;
	v15 =	vld.idx.msk [tilespmem:v16+s17+$0x0], $0xffff  }
0x34: {  	s3 =	sadd.s32 $0xE, s7;
	v16 =	vshrl.u32 v25, $0x3;
	v25 =	vmov s12;
	v30 =	vmov s13;
	s12 =	sadd.s32 $0xC, s7;
	s13 =	sadd.s32 $0xD, s7;
	v13 =	vld.idx.msk [tilespmem:v13+s17+$0x0], $0xffff  }
0x35: {  	p1 =	slt.u32 s7, $0x270;
	v32 =	vmov s3;
	s3 =	smov.u32 s7;
	v33 =	vmov s14;
	s7 =	sadd.s32 $0x10, s7;
	v31 =	vmov s13;
	[tilespmem:s6+$0xFFFFFFE0] =	vst v17  }
0x36: {  	v32 =	vshrl.u32 v32, $0x3;
	v14 =	vshrl.u32 v14, $0x3;
	v17 =	vmov s5;
	[tilespmem:s6+$0x50] =	vst v18;
	v12 =	vld.idx.msk [tilespmem:v12+s17+$0x0], $0xffff  }
0x37: {  	v32 =	vshll.u32 v32, v1;
	v18 =	vshrl.u32 v27, $0x3;
	v27 =	vmov s11;
	[tilespmem:s6+$0xFFFFFFA0] =	vst v19;
	v19 =	vld.idx.msk [tilespmem:v23+s17+$0x0], $0xffff  }
0x38: {  	v32 =	vbroadcast v32, $0x0;
	v18 =	vshll.u32 v18, v1;
	v23 =	vmov s12;
	v22 =	vld.idx.msk [tilespmem:v22+s17+$0x0], $0xffff  }
0x39: {  	v33 =	vshrl.u32 v33, $0x3;
	v25 =	vshrl.u32 v25, $0x3;
	v18 =	vbroadcast v18, $0x0;
	v20 =	vld.idx.msk [tilespmem:v20+s17+$0x0], $0xffff;
	[tilespmem:s6+$0x30] =	vst v15  }
0x3a: {  	v23 =	vshrl.u32 v23, $0x3;
	v15 =	vshll.u32 v25, v1;
	v25 =	vadd.s32 v7, v32;
	[tilespmem:s6+$0xFFFFFFB0] =	vst v13;
	v13 =	vld.idx.msk [tilespmem:v21+s17+$0x0], $0xffff  }
0x3b: {  	v23 =	vshll.u32 v23, v1;
	v21 =	vmov s3;
	v18 =	vadd.s32 v5, v18;
	v11 =	vld.idx.msk [tilespmem:v11+s17+$0x0], $0xffff  }
0x3c: {  	v17 =	vshrl.u32 v17, $0x3;
	v15 =	vbroadcast v15, $0x0;
	v21 =	vshrl.u32 v21, $0x3;
	[tilespmem:s6+$0x70] =	vst v12  }
0x3d: {  	v12 =	vshll.u32 v21, v1;
	v21 =	vshrl.u32 v27, $0x3;
	v27 =	vshrl.u32 v30, $0x3;
	[tilespmem:s6+$0x0] =	vst v19  }
0x3e: {  	v15 =	vadd.s32 v3, v15;
	v12 =	vbroadcast v12, $0x0;
	v19 =	vshrl.u32 v26, $0x3;
	[tilespmem:s6+$0x40] =	vst v22  }
0x3f: {  	v14 =	vshll.u32 v14, v1;
	v21 =	vshll.u32 v21, v1;
	v22 =	vshrl.u32 v28, $0x3;
	v25 =	vld.idx.msk [tilespmem:v25+s17+$0x0], $0xffff;
	[tilespmem:s6+$0xFFFFFF90] =	vst v20  }
0x40: {  	v14 =	vbroadcast v14, $0x0;
	v12 =	vadd.s32 v0, v12;
	v20 =	vld.idx.msk [tilespmem:v18+s17+$0x0], $0xffff;
	v18 =	vbroadcast v21, $0x0;
	[tilespmem:s6+$0xFFFFFFD0] =	vst v13  }
0x41: {  	v26 =	vshrl.u32 v31, $0x3;
	v13 =	vshrl.u32 v29, $0x3;
	v21 =	vshll.u32 v27, v1;
	[tilespmem:s6+$0x10] =	vst v11;
	s6 =	smov.u32 s9  }
0x42: {  	v11 =	vshll.u32 v16, v1;
	v16 =	vshll.u32 v19, v1;
	v19 =	vshll.u32 v26, v1  }
0x43: {  	v22 =	vshll.u32 v22, v1;
	v26 =	vadd.s32 v8, v14;
	v14 =	vbroadcast v19, $0x0;
	v27 =	vld.idx.msk [tilespmem:v15+s17+$0x0], $0xffff  }
0x44: {  	v29 =	vshll.u32 v13, v1;
	v11 =	vbroadcast v11, $0x0;
	v28 =	vadd.s32 v7, v18  }
0x45: {  	v13 =	vbroadcast v16, $0x0;
	v15 =	vshll.u32 v33, v1;
	v18 =	vadd.s32 v6, v14;
	[tilespmem:s9+$0x60] =	vst v25  }
.Ltmp0:
0x46: {  	v24 =	vshrl.u32 v24, $0x3;
	v14 =	vld.idx.msk [tilespmem:v12+s17+$0x0], $0xffff;
	[tilespmem:s9+$0xFFFFFFC0] =	vst v20;
	v12 =	vbroadcast v21, $0x0;
	v20 =	vbroadcast v15, $0x0;
	(pc) =	sbr.rel @p1 .LBB2_2-.Ltmp0, $4  }
0x47: {  	v19 =	vadd.s32 v3, v11;
	v13 =	vadd.s32 v4, v13;
	v11 =	vshll.u32 v17, v1  }
0x48: {  	v11 =	vbroadcast v11, $0x0;
	v15 =	vld.idx.msk [tilespmem:v26+s17+$0x0], $0xffff;
	v16 =	vadd.s32 v4, v12;
	v12 =	vadd.s32 v8, v20  }
0x49: {  	v17 =	vshll.u32 v24, v1;
	v21 =	vbroadcast v22, $0x0;
	v22 =	vbroadcast v23, $0x0;
	[tilespmem:s9+$0x20] =	vst v27  }
0x4a: {  	v23 =	vbroadcast v29, $0x0;
	v11 =	vadd.s32 v2, v11;
	v20 =	vbroadcast v17, $0x0;
	s9 =	sadd.s32 $0x100, s9;
	v17 =	vld.idx.msk [tilespmem:v28+s17+$0x0], $0xffff  }
0x4b: {  	_ =	sdelay $0x3  }
0x4c: {  	v18 =	vld.idx.msk [tilespmem:v18+s17+$0x0], $0xffff  }
0x4d: {  	v22 =	vadd.s32 v5, v22;
	v19 =	vld.idx.msk [tilespmem:v19+s17+$0x0], $0xffff  }
0x4e: {  	[tilespmem:s6+$0xFFFFFF80] =	vst v14;
	v16 =	vld.idx.msk [tilespmem:v16+s17+$0x0], $0xffff;
	v60 =	vadd.s32 v6, v21  }
0x4f: {  	v13 =	vld.idx.msk [tilespmem:v13+s17+$0x0], $0xffff;
	v23 =	vadd.s32 v0, v23;
	[tilespmem:s6+$0xFFFFFFF0] =	vst v15  }
0x50: {  	v12 =	vld.idx.msk [tilespmem:v12+s17+$0x0], $0xffff;
	v59 =	vadd.s32 v2, v20;
	[tilespmem:s6+$0xFFFFFFE0] =	vst v17  }
0x51: {  	v11 =	vld.idx.msk [tilespmem:v11+s17+$0x0], $0xffff;
	[tilespmem:s6+$0x50] =	vst v18  }
0x52: {  	[tilespmem:s6+$0xFFFFFFA0] =	vst v19;
	v62 =	vld.idx.msk [tilespmem:v22+s17+$0x0], $0xffff  }
0x53: {  	[tilespmem:s6+$0x30] =	vst v16;
	v63 =	vld.idx.msk [tilespmem:v60+s17+$0x0], $0xffff  }
0x54: {  	[tilespmem:s6+$0xFFFFFFB0] =	vst v13;
	v61 =	vld.idx.msk [tilespmem:v23+s17+$0x0], $0xffff  }
0x55: {  	[tilespmem:s6+$0x70] =	vst v12;
	v14 =	vld.idx.msk [tilespmem:v59+s17+$0x0], $0xffff  }
0x56: {  	[tilespmem:s6+$0x10] =	vst v11  }
0x57: {  	[tilespmem:s6+$0x40] =	vst v62  }
0x58: {  	[tilespmem:s6+$0xFFFFFFD0] =	vst v63  }
0x59: {  	[tilespmem:s6+$0x0] =	vst v61  }
0x5a: {  	[tilespmem:s6+$0xFFFFFF90] =	vst v14  }
0x5b: {  	s13 =	simm.s32 $0x0;
	s3 =	rddreg [dreg:$0x5]  }
0x5c: {  	[hbm4b:s3+s13] =	stream.linear.scatter [tilespmem:s19], [sflag:$0x9], $0x2800, $0x38;
	[tilespmem:$0xE700] =	vst v63  }
0x5d: {  	_ =	swait.ge [sflag:s18], $0x2800  }
0x5e: {  	[sflag:s18] =	ssyncset.done $0x0  }
0x5f: {  	s6 =	simm.s32 $0x9F80;
	[sflag:s18] =	ssyncadd.s32 $0xFFFFD800  }
0x60: {  	[tilespmem:s6+$0xFFFFFF80] =	vst v9  }
0x61: {  	[tilespmem:s6+$0x70] =	vst v9  }
0x62: {  	[tilespmem:s6+$0x60] =	vst v9  }
0x63: {  	[tilespmem:s6+$0x50] =	vst v9  }
0x64: {  	[tilespmem:s6+$0x40] =	vst v9  }
0x65: {  	[tilespmem:s6+$0x30] =	vst v9  }
0x66: {  	[tilespmem:s6+$0x20] =	vst v9  }
0x67: {  	[tilespmem:s6+$0x10] =	vst v9  }
0x68: {  	[tilespmem:s6+$0x0] =	vst v9  }
0x69: {  	[tilespmem:s6+$0xFFFFFFF0] =	vst v9  }
0x6a: {  	[tilespmem:s6+$0xFFFFFFE0] =	vst v9  }
0x6b: {  	[tilespmem:s6+$0xFFFFFFD0] =	vst v9  }
0x6c: {  	[tilespmem:s6+$0xFFFFFFC0] =	vst v9  }
0x6d: {  	[tilespmem:s6+$0xFFFFFFB0] =	vst v9  }
0x6e: {  	s7 =	simm.s32 $0x0;
	[tilespmem:s6+$0xFFFFFFA0] =	vst v9  }
.LBB2_4:
0x6f: {  	s7 =	sadd.s32 $0x10, s7;
	[tilespmem:s6+$0xFFFFFF90] =	vst v9;
	s6 =	sadd.s32 $0x100, s6  }
0x70: {  	[tilespmem:s6+$0xFFFFFF80] =	vst v9;
	p1 =	slt.u32 s7, $0x270  }
0x71: {  	[tilespmem:s6+$0x70] =	vst v9  }
0x72: {  	[tilespmem:s6+$0x60] =	vst v9  }
0x73: {  	[tilespmem:s6+$0x50] =	vst v9  }
0x74: {  	[tilespmem:s6+$0x40] =	vst v9  }
0x75: {  	[tilespmem:s6+$0x30] =	vst v9  }
0x76: {  	[tilespmem:s6+$0x20] =	vst v9  }
0x77: {  	[tilespmem:s6+$0x10] =	vst v9  }
0x78: {  	[tilespmem:s6+$0x0] =	vst v9  }
0x79: {  	[tilespmem:s6+$0xFFFFFFF0] =	vst v9  }
.Ltmp1:
0x7a: {  	[tilespmem:s6+$0xFFFFFFE0] =	vst v9;
	(pc) =	sbr.rel @p1 .LBB2_4-.Ltmp1, $4  }
0x7b: {  	[tilespmem:s6+$0xFFFFFFD0] =	vst v9  }
0x7c: {  	[tilespmem:s6+$0xFFFFFFC0] =	vst v9  }
0x7d: {  	[tilespmem:s6+$0xFFFFFFB0] =	vst v9  }
0x7e: {  	[tilespmem:s6+$0xFFFFFFA0] =	vst v9  }
0x7f: {  	[tilespmem:s6+$0xFFFFFF90] =	vst v9  }
0x80: {  	[spmem:s8] =	stream.linear.scatter [tilespmem:s19], [sflag:$0x9], $0x2800, $0x38;
	[tilespmem:$0xE700] =	vst v63  }
0x81: {  	_ =	swait.ge [sflag:s18], $0x2800  }
0x82: {  	[sflag:s18] =	ssyncset.done $0x0  }
0x83: {  	s3 =	rddreg [dreg:$0x6];
	[sflag:s18] =	ssyncadd.s32 $0xFFFFD800  }
0x84: {  	[tilespmem:s16], [sflag:$0x9] =	stream.linear.gather [hbm4b:s3+s13], $0x2700, $0x38;
	[tilespmem:$0xE700] =	vst v63  }
0x85: {  	_ =	swait.ge [sflag:s18], $0x2700  }
0x86: {  	[sflag:s18] =	ssyncset.done $0x0;
	s9 =	rddreg [dreg:$0x3]  }
0x87: {  	s5 =	simm.s32 $0x4F80;
	[sflag:s18] =	ssyncadd.s32 $0xFFFFD900;
	s3 =	sadd.s32 s9, s10  }
0x88: {  	[tilespmem:s5], [sflag:$0x9] =	stream.linear.gather [hbm4b:s3+s13], $0x2700, $0x38;
	[tilespmem:$0xE700] =	vst v63  }
0x89: {  	_ =	swait.ge [sflag:s18], $0x2700  }
0x8a: {  	s3 =	simm.s32 @!p0 $0x0;
	[sflag:s18] =	ssyncset.done $0x0  }
0x8b: {  	s5 =	simm.s32 @!p0 $0x4F00;
	s6 =	rddreg [dreg:$0x8];
	[sflag:s18] =	ssyncadd.s32 $0xFFFFD900  }
0x8c: {  	[tilespmem:s5], [sflag:$0x9] =	stream.linear.gather @!p0 [hbm4b:s6+s3], $0x80, $0x38;
	[tilespmem:$0xE700] =	vst v63  }
0x8d: {  	s5 =	simm.s32 @!p0 $0x9  }
0x8e: {  	_ =	swait.ge @!p0 [sflag:s5], $0x80  }
0x8f: {  	[sflag:s5] =	ssyncset.done @!p0 $0x0;
	s6 =	rddreg [dreg:$0x7]  }
0x90: {  	s7 =	simm.s32 @!p0 $0x7680;
	[sflag:s5] =	ssyncadd.s32 @!p0 $0xFFFFFF80;
	s6 =	sadd.s32 @!p0 s6, s10  }
0x91: {  	[tilespmem:s7], [sflag:$0x9] =	stream.linear.gather @!p0 [hbm4b:s6+s3], $0x80, $0x38;
	[tilespmem:$0xE700] =	vst v63  }
0x92: {  	_ =	swait.ge @!p0 [sflag:s5], $0x80  }
0x93: {  	[sflag:s5] =	ssyncset.done @!p0 $0x0  }
0x94: {  	[sflag:s5] =	ssyncadd.s32 @!p0 $0xFFFFFF80  }
0x95: {  	[bflag:$0x0] =	sbarrier.arrive $0xFFFF  }
0x96: {  	[tilespmem:s22], [sflag:$0x1] =	stream.indirect.gather [hbm4b:s4+s21], $0x10, s16, s21, $0xb8;
	[tilespmem:$0xE700] =	vst v63  }
0x97: {  	s11 =	simm.s32 $0x2880  }
0x98: {  	[tilespmem:s24], [sflag:$0x2] =	stream.indirect.gather [hbm4b:s4+s21], $0x10, s11, s21, $0xb8;
	[tilespmem:$0xE700] =	vst v63  }
0x99: {  	s12 =	simm.s32 $0x2900  }
0x9a: {  	[tilespmem:s26], [sflag:$0x3] =	stream.indirect.gather [hbm4b:s4+s21], $0x10, s12, s21, $0xb8;
	[tilespmem:$0xE700] =	vst v63  }
0x9b: {  	s14 =	simm.s32 $0x2980  }
0x9c: {  	[tilespmem:s29], [sflag:$0x4] =	stream.indirect.gather [hbm4b:s4+s21], $0x10, s14, s21, $0xb8;
	[tilespmem:$0xE700] =	vst v63  }
0x9d: {  	_ =	swait.ge [sflag:s30], $0x800  }
0x9e: {  	[sflag:s30] =	ssyncset.done $0x0  }
0x9f: {  	s5 =	simm.s32 $0x4F80;
	[sflag:s30] =	ssyncadd.s32 $0xFFFFF800  }
0xa0: {  	[spmem:s2] =	stream.indirect.scatter.add.f32 [tilespmem:s22], [sflag:$0x5], $0x10, s5, s21, $0xb8;
	[tilespmem:$0xE700] =	vst v63  }
0xa1: {  	_ =	swait.ge [sflag:s31], $0x800  }
0xa2: {  	[sflag:s31] =	ssyncset.done $0x0  }
0xa3: {  	s6 =	simm.s32 $0x2A00;
	[sflag:s31] =	ssyncadd.s32 $0xFFFFF800  }
0xa4: {  	[tilespmem:s22], [sflag:$0x1] =	stream.indirect.gather [hbm4b:s4+s21], $0x10, s6, s21, $0xb8;
	[tilespmem:$0xE700] =	vst v63  }
0xa5: {  	_ =	swait.ge [sflag:s0], $0x800  }
0xa6: {  	[sflag:s0] =	ssyncset.done $0x0  }
0xa7: {  	s7 =	simm.s32 $0x5000;
	[sflag:s0] =	ssyncadd.s32 $0xFFFFF800  }
0xa8: {  	[spmem:s2] =	stream.indirect.scatter.add.f32 [tilespmem:s24], [sflag:$0x6], $0x10, s7, s21, $0xb8;
	[tilespmem:$0xE700] =	vst v63  }
0xa9: {  	_ =	swait.ge [sflag:s1], $0x800  }
0xaa: {  	[sflag:s1] =	ssyncset.done $0x0  }
0xab: {  	s9 =	simm.s32 $0x2A80;
	[sflag:s1] =	ssyncadd.s32 $0xFFFFF800  }
0xac: {  	[tilespmem:s24], [sflag:$0x2] =	stream.indirect.gather [hbm4b:s4+s21], $0x10, s9, s21, $0xb8;
	[tilespmem:$0xE700] =	vst v63  }
0xad: {  	_ =	swait.ge [sflag:s20], $0x800  }
0xae: {  	[sflag:s20] =	ssyncset.done $0x0  }
0xaf: {  	s11 =	simm.s32 $0x5080;
	[sflag:s20] =	ssyncadd.s32 $0xFFFFF800  }
0xb0: {  	[spmem:s2] =	stream.indirect.scatter.add.f32 [tilespmem:s26], [sflag:$0x7], $0x10, s11, s21, $0xb8;
	[tilespmem:$0xE700] =	vst v63  }
0xb1: {  	_ =	swait.ge [sflag:s23], $0x800  }
0xb2: {  	[sflag:s23] =	ssyncset.done $0x0  }
0xb3: {  	s12 =	simm.s32 $0x2B00;
	[sflag:s23] =	ssyncadd.s32 $0xFFFFF800  }
0xb4: {  	[tilespmem:s26], [sflag:$0x3] =	stream.indirect.gather [hbm4b:s4+s21], $0x10, s12, s21, $0xb8;
	[tilespmem:$0xE700] =	vst v63  }
0xb5: {  	_ =	swait.ge [sflag:s25], $0x800  }
0xb6: {  	[sflag:s25] =	ssyncset.done $0x0  }
0xb7: {  	s14 =	simm.s32 $0x5100;
	[sflag:s25] =	ssyncadd.s32 $0xFFFFF800  }
0xb8: {  	[spmem:s2] =	stream.indirect.scatter.add.f32 [tilespmem:s29], [sflag:$0x8], $0x10, s14, s21, $0xb8;
	[tilespmem:$0xE700] =	vst v63  }
0xb9: {  	_ =	swait.ge [sflag:s28], $0x800  }
0xba: {  	[sflag:s28] =	ssyncset.done $0x0  }
0xbb: {  	s6 =	simm.s32 $0x800;
	s7 =	simm.s32 $0x2B80;
	[sflag:s28] =	ssyncadd.s32 $0xFFFFF800  }
.LBB2_6:
0xbc: {  	[tilespmem:s29], [sflag:$0x4] =	stream.indirect.gather [hbm4b:s4+s21], $0x10, s7, s21, $0xb8;
	[tilespmem:$0xE700] =	vst v63  }
0xbd: {  	s3 =	smov.u32 s6  }
0xbe: {  	p1 =	sne.s32 s6, $0x8800;
	s6 =	sadd.s32 $0x800, s6;
	_ =	swait.ge [sflag:s30], $0x800  }
0xbf: {  	s7 =	sshra.s32 s3, $0x2;
	[sflag:s30] =	ssyncset.done $0x0  }
0xc0: {  	s3 =	sadd.s32 $0x4F80, s7;
	[sflag:s30] =	ssyncadd.s32 $0xFFFFF800  }
0xc1: {  	[spmem:s2] =	stream.indirect.scatter.add.f32 [tilespmem:s22], [sflag:$0x5], $0x10, s3, s21, $0xb8;
	[tilespmem:$0xE700] =	vst v63  }
0xc2: {  	_ =	swait.ge [sflag:s31], $0x800  }
0xc3: {  	[sflag:s31] =	ssyncset.done $0x0  }
0xc4: {  	s3 =	sadd.s32 $0x2A00, s7;
	[sflag:s31] =	ssyncadd.s32 $0xFFFFF800  }
0xc5: {  	[tilespmem:s22], [sflag:$0x1] =	stream.indirect.gather [hbm4b:s4+s21], $0x10, s3, s21, $0xb8;
	[tilespmem:$0xE700] =	vst v63  }
0xc6: {  	_ =	swait.ge [sflag:s0], $0x800  }
0xc7: {  	[sflag:s0] =	ssyncset.done $0x0  }
0xc8: {  	s3 =	sadd.s32 $0x5000, s7;
	[sflag:s0] =	ssyncadd.s32 $0xFFFFF800  }
0xc9: {  	[spmem:s2] =	stream.indirect.scatter.add.f32 [tilespmem:s24], [sflag:$0x6], $0x10, s3, s21, $0xb8;
	[tilespmem:$0xE700] =	vst v63  }
0xca: {  	_ =	swait.ge [sflag:s1], $0x800  }
0xcb: {  	[sflag:s1] =	ssyncset.done $0x0  }
0xcc: {  	s3 =	sadd.s32 $0x2A80, s7;
	[sflag:s1] =	ssyncadd.s32 $0xFFFFF800  }
0xcd: {  	[tilespmem:s24], [sflag:$0x2] =	stream.indirect.gather [hbm4b:s4+s21], $0x10, s3, s21, $0xb8;
	[tilespmem:$0xE700] =	vst v63  }
0xce: {  	_ =	swait.ge [sflag:s20], $0x800  }
0xcf: {  	[sflag:s20] =	ssyncset.done $0x0  }
0xd0: {  	s3 =	sadd.s32 $0x5080, s7;
	[sflag:s20] =	ssyncadd.s32 $0xFFFFF800  }
0xd1: {  	[spmem:s2] =	stream.indirect.scatter.add.f32 [tilespmem:s26], [sflag:$0x7], $0x10, s3, s21, $0xb8;
	[tilespmem:$0xE700] =	vst v63  }
0xd2: {  	_ =	swait.ge [sflag:s23], $0x800  }
0xd3: {  	[sflag:s23] =	ssyncset.done $0x0  }
0xd4: {  	s3 =	sadd.s32 $0x2B00, s7;
	[sflag:s23] =	ssyncadd.s32 $0xFFFFF800  }
0xd5: {  	[tilespmem:s26], [sflag:$0x3] =	stream.indirect.gather [hbm4b:s4+s21], $0x10, s3, s21, $0xb8;
	[tilespmem:$0xE700] =	vst v63  }
0xd6: {  	_ =	swait.ge [sflag:s25], $0x800  }
0xd7: {  	[sflag:s25] =	ssyncset.done $0x0  }
.Ltmp2:
0xd8: {  	s3 =	sadd.s32 $0x5100, s7;
	[sflag:s25] =	ssyncadd.s32 $0xFFFFF800;
	(pc) =	sbr.rel @p1 .LBB2_6-.Ltmp2, $4  }
0xd9: {  	[spmem:s2] =	stream.indirect.scatter.add.f32 [tilespmem:s29], [sflag:$0x8], $0x10, s3, s21, $0xb8;
	[tilespmem:$0xE700] =	vst v63  }
0xda: {  	_ =	swait.ge [sflag:s28], $0x800  }
0xdb: {  	[sflag:s28] =	ssyncset.done $0x0  }
0xdc: {  	s7 =	sadd.s32 $0x2B80, s7;
	[sflag:s28] =	ssyncadd.s32 $0xFFFFF800  }
0xdd: {  	[tilespmem:s29], [sflag:$0x4] =	stream.indirect.gather [hbm4b:s4+s21], $0x10, s7, s21, $0xb8;
	[tilespmem:$0xE700] =	vst v63  }
0xde: {  	_ =	swait.ge [sflag:s30], $0x800  }
0xdf: {  	[sflag:s30] =	ssyncset.done $0x0  }
0xe0: {  	s3 =	simm.s32 $0x7380;
	[sflag:s30] =	ssyncadd.s32 $0xFFFFF800  }
0xe1: {  	[spmem:s2] =	stream.indirect.scatter.add.f32 [tilespmem:s22], [sflag:$0x5], $0x10, s3, s21, $0xb8;
	[tilespmem:$0xE700] =	vst v63  }
0xe2: {  	_ =	swait.ge [sflag:s31], $0x800  }
0xe3: {  	[sflag:s31] =	ssyncset.done $0x0  }
0xe4: {  	s12 =	simm.s32 $0x4E00;
	[sflag:s31] =	ssyncadd.s32 $0xFFFFF800  }
0xe5: {  	[tilespmem:s22], [sflag:$0x1] =	stream.indirect.gather [hbm4b:s4+s21], $0x10, s12, s21, $0xb8;
	[tilespmem:$0xE700] =	vst v63  }
0xe6: {  	_ =	swait.ge [sflag:s0], $0x800  }
0xe7: {  	[sflag:s0] =	ssyncset.done $0x0  }
0xe8: {  	s14 =	simm.s32 $0x7400;
	[sflag:s0] =	ssyncadd.s32 $0xFFFFF800  }
0xe9: {  	[spmem:s2] =	stream.indirect.scatter.add.f32 [tilespmem:s24], [sflag:$0x6], $0x10, s14, s21, $0xb8;
	[tilespmem:$0xE700] =	vst v63  }
0xea: {  	_ =	swait.ge [sflag:s1], $0x800  }
0xeb: {  	[sflag:s1] =	ssyncset.done $0x0  }
0xec: {  	s5 =	simm.s32 $0x4E80;
	[sflag:s1] =	ssyncadd.s32 $0xFFFFF800  }
0xed: {  	[tilespmem:s24], [sflag:$0x2] =	stream.indirect.gather [hbm4b:s4+s21], $0x10, s5, s21, $0xb8;
	[tilespmem:$0xE700] =	vst v63  }
0xee: {  	_ =	swait.ge [sflag:s20], $0x800  }
0xef: {  	[sflag:s20] =	ssyncset.done $0x0  }
0xf0: {  	s6 =	simm.s32 $0x7480;
	s3 =	simm.s32 @!p0 $0x7;
	[sflag:s20] =	ssyncadd.s32 $0xFFFFF800  }
0xf1: {  	[spmem:s2] =	stream.indirect.scatter.add.f32 [tilespmem:s26], [sflag:$0x7], $0x10, s6, s21, $0xb8;
	[tilespmem:$0xE700] =	vst v63  }
0xf2: {  	_ =	swait.ge @!p0 [sflag:s3], $0x800  }
0xf3: {  	s5 =	simm.s32 @!p0 $0x4F00;
	[sflag:s3] =	ssyncset.done @!p0 $0x0  }
0xf4: {  	s6 =	simm.s32 @!p0 $0xD700;
	[sflag:s3] =	ssyncadd.s32 @!p0 $0xFFFFF800;
	s3 =	simm.s32 @!p0 $0x80  }
0xf5: {  	[tilespmem:s6], [sflag:$0x3] =	stream.indirect.gather @!p0 [hbm4b:s4+s3], $0x10, s5, s3, $0xb8;
	[tilespmem:$0xE700] =	vst v63  }
0xf6: {  	_ =	swait.ge [sflag:s25], $0x800  }
0xf7: {  	[sflag:s25] =	ssyncset.done $0x0  }
0xf8: {  	s7 =	simm.s32 $0x7500;
	[sflag:s25] =	ssyncadd.s32 $0xFFFFF800  }
0xf9: {  	[spmem:s2] =	stream.indirect.scatter.add.f32 [tilespmem:s29], [sflag:$0x8], $0x10, s7, s21, $0xb8;
	[tilespmem:$0xE700] =	vst v63  }
0xfa: {  	_ =	swait.ge [sflag:s30], $0x800  }
0xfb: {  	[sflag:s30] =	ssyncset.done $0x0  }
0xfc: {  	s9 =	simm.s32 $0x7580;
	[sflag:s30] =	ssyncadd.s32 $0xFFFFF800  }
0xfd: {  	[spmem:s2] =	stream.indirect.scatter.add.f32 [tilespmem:s22], [sflag:$0x5], $0x10, s9, s21, $0xb8;
	[tilespmem:$0xE700] =	vst v63  }
0xfe: {  	_ =	swait.ge [sflag:s0], $0x800  }
0xff: {  	[sflag:s0] =	ssyncset.done $0x0  }
0x100: {  	s11 =	simm.s32 $0x7600;
	s5 =	simm.s32 @!p0 $0x3;
	[sflag:s0] =	ssyncadd.s32 $0xFFFFF800  }
0x101: {  	[spmem:s2] =	stream.indirect.scatter.add.f32 [tilespmem:s24], [sflag:$0x6], $0x10, s11, s21, $0xb8;
	[tilespmem:$0xE700] =	vst v63  }
0x102: {  	_ =	swait.ge @!p0 [sflag:s5], $0x800  }
0x103: {  	[sflag:s5] =	ssyncset.done @!p0 $0x0  }
0x104: {  	[sflag:s5] =	ssyncadd.s32 @!p0 $0xFFFFF800;
	s5 =	simm.s32 @!p0 $0x7680  }
0x105: {  	[spmem:s2] =	stream.indirect.scatter.add.f32 @!p0 [tilespmem:s6], [sflag:$0x7], $0x10, s5, s3, $0xb8;
	[tilespmem:$0xE700] =	vst v63  }
0x106: {  	_ =	swait.ge [sflag:s31], $0x800  }
0x107: {  	[sflag:s31] =	ssyncset.done $0x0  }
0x108: {  	[sflag:s31] =	ssyncadd.s32 $0xFFFFF800  }
0x109: {  	_ =	swait.ge [sflag:s1], $0x800  }
0x10a: {  	[sflag:s1] =	ssyncset.done $0x0  }
0x10b: {  	[sflag:s1] =	ssyncadd.s32 $0xFFFFF800  }
0x10c: {  	_ =	swait.ge [sflag:s23], $0x800  }
0x10d: {  	[sflag:s23] =	ssyncset.done $0x0  }
0x10e: {  	[sflag:s23] =	ssyncadd.s32 $0xFFFFF800  }
0x10f: {  	s12 =	simm.s32 $0x30;
	_ =	swait.ge [sflag:s28], $0x800  }
0x110: {  	v11 =	vmov s12;
	s14 =	simm.s32 $0x10;
	[sflag:s28] =	ssyncset.done $0x0  }
0x111: {  	v11 =	vshll.u32 v11, $0x4;
	v12 =	vmov s14;
	[sflag:s28] =	ssyncadd.s32 $0xFFFFF800  }
0x112: {  	v15 =	vor.u32 v10, v11;
	v12 =	vshll.u32 v12, $0x4;
	s6 =	simm.s32 $0x20;
	[bflag:$0x0] =	sbarrier.arrive $0xFFFF  }
0x113: {  	v12 =	vor.u32 v10, v12;
	[tilespmem:s19], [sflag:$0x9] =	stream.linear.gather [spmem:s8], $0x2800, $0x38;
	[tilespmem:$0xE700] =	vst v63  }
0x114: {  	s7 =	simm.s32 $0x0;
	v11 =	vmov s6;
	_ =	swait.ge [sflag:s18], $0x2800  }
0x115: {  	v13 =	vmov s7;
	v11 =	vshll.u32 v11, $0x4;
	[sflag:s18] =	ssyncset.done $0x0  }
0x116: {  	v13 =	vshll.u32 v13, $0x4;
	v14 =	vor.u32 v10, v11;
	[sflag:s18] =	ssyncadd.s32 $0xFFFFD800  }
0x117: {  	v13 =	vor.u32 v10, v13;
	v11 =	vld.idx.msk [tilespmem:v15+s19+$0x0], $0xffff  }
0x118: {  	v17 =	vor.u32 $0x1, v15;
	v16 =	vld.idx.msk [tilespmem:v12+s19+$0x0], $0xffff  }
0x119: {  	v18 =	vor.u32 $0x1, v12;
	_ =	sdelay $0x1  }
0x11a: {  	s6 =	simm.s32 $0x8B00;
	v19 =	vld.idx.msk [tilespmem:v14+s19+$0x0], $0xffff  }
0x11b: {  	v20 =	vor.u32 $0x1, v14;
	v21 =	vld.idx.msk [tilespmem:v13+s19+$0x0], $0xffff;
	[tilespmem:s6+$0xFFFFEC30] =	vst v11  }
0x11c: {  	v11 =	vor.u32 $0x1, v13;
	[tilespmem:s6+$0xFFFFEC10] =	vst v16;
	v56 =	vld.idx.msk [tilespmem:v17+s19+$0x0], $0xffff  }
0x11d: {  	v58 =	vor.u32 $0x2, v15;
	v57 =	vld.idx.msk [tilespmem:v18+s19+$0x0], $0xffff  }
0x11e: {  	v22 =	vor.u32 $0x2, v12  }
0x11f: {  	[tilespmem:s6+$0xFFFFEC20] =	vst v19  }
0x120: {  	[tilespmem:s6+$0xFFFFEC00] =	vst v21;
	v19 =	vld.idx.msk [tilespmem:v20+s19+$0x0], $0xffff  }
0x121: {  	v20 =	vor.u32 $0x2, v14;
	v11 =	vld.idx.msk [tilespmem:v11+s19+$0x0], $0xffff;
	[tilespmem:s6+$0xFFFFEEB0] =	vst v56  }
0x122: {  	v59 =	vor.u32 $0x2, v13;
	[tilespmem:s6+$0xFFFFEE90] =	vst v57;
	v60 =	vld.idx.msk [tilespmem:v58+s19+$0x0], $0xffff  }
0x123: {  	v21 =	vor.u32 $0x3, v15;
	v61 =	vld.idx.msk [tilespmem:v22+s19+$0x0], $0xffff  }
0x124: {  	v22 =	vor.u32 $0x3, v12  }
0x125: {  	[tilespmem:s6+$0xFFFFEEA0] =	vst v19  }
0x126: {  	[tilespmem:s6+$0xFFFFEE80] =	vst v11;
	v11 =	vld.idx.msk [tilespmem:v20+s19+$0x0], $0xffff  }
0x127: {  	v62 =	vor.u32 $0x3, v14;
	v16 =	vld.idx.msk [tilespmem:v59+s19+$0x0], $0xffff;
	[tilespmem:s6+$0xFFFFF130] =	vst v60  }
0x128: {  	v63 =	vor.u32 $0x3, v13;
	[tilespmem:s6+$0xFFFFF110] =	vst v61;
	v32 =	vld.idx.msk [tilespmem:v21+s19+$0x0], $0xffff  }
0x129: {  	v20 =	vld.idx.msk [tilespmem:v22+s19+$0x0], $0xffff;
	v21 =	vor.u32 $0x4, v15  }
0x12a: {  	v22 =	vor.u32 $0x4, v12  }
0x12b: {  	[tilespmem:s6+$0xFFFFF120] =	vst v11  }
0x12c: {  	[tilespmem:s6+$0xFFFFF100] =	vst v16;
	v11 =	vld.idx.msk [tilespmem:v62+s19+$0x0], $0xffff  }
0x12d: {  	v33 =	vor.u32 $0x4, v14;
	v17 =	vld.idx.msk [tilespmem:v63+s19+$0x0], $0xffff;
	[tilespmem:s6+$0xFFFFF3B0] =	vst v32  }
0x12e: {  	v34 =	vor.u32 $0x4, v13;
	[tilespmem:s6+$0xFFFFF390] =	vst v20;
	v35 =	vld.idx.msk [tilespmem:v21+s19+$0x0], $0xffff  }
0x12f: {  	v20 =	vld.idx.msk [tilespmem:v22+s19+$0x0], $0xffff;
	v21 =	vor.u32 $0x5, v15  }
0x130: {  	v22 =	vor.u32 $0x5, v12  }
0x131: {  	[tilespmem:s6+$0xFFFFF3A0] =	vst v11  }
0x132: {  	[tilespmem:s6+$0xFFFFF380] =	vst v17;
	v11 =	vld.idx.msk [tilespmem:v33+s19+$0x0], $0xffff  }
0x133: {  	v36 =	vor.u32 $0x5, v14;
	v17 =	vld.idx.msk [tilespmem:v34+s19+$0x0], $0xffff;
	[tilespmem:s6+$0xFFFFF630] =	vst v35  }
0x134: {  	v37 =	vor.u32 $0x5, v13;
	[tilespmem:s6+$0xFFFFF610] =	vst v20;
	v19 =	vld.idx.msk [tilespmem:v21+s19+$0x0], $0xffff  }
0x135: {  	v20 =	vld.idx.msk [tilespmem:v22+s19+$0x0], $0xffff;
	v21 =	vor.u32 $0x6, v15  }
0x136: {  	v22 =	vor.u32 $0x6, v12  }
0x137: {  	[tilespmem:s6+$0xFFFFF620] =	vst v11  }
0x138: {  	[tilespmem:s6+$0xFFFFF600] =	vst v17;
	v11 =	vld.idx.msk [tilespmem:v36+s19+$0x0], $0xffff  }
0x139: {  	v38 =	vor.u32 $0x6, v14;
	v17 =	vld.idx.msk [tilespmem:v37+s19+$0x0], $0xffff;
	[tilespmem:s6+$0xFFFFF8B0] =	vst v19  }
0x13a: {  	v39 =	vor.u32 $0x6, v13;
	[tilespmem:s6+$0xFFFFF890] =	vst v20;
	v19 =	vld.idx.msk [tilespmem:v21+s19+$0x0], $0xffff  }
0x13b: {  	s11 =	simm.s32 $0x50;
	v20 =	vld.idx.msk [tilespmem:v22+s19+$0x0], $0xffff;
	v21 =	vor.u32 $0x7, v15  }
0x13c: {  	v24 =	vmov s11;
	v22 =	vor.u32 $0x7, v12  }
0x13d: {  	v24 =	vshll.u32 v24, $0x4;
	[tilespmem:s6+$0xFFFFF8A0] =	vst v11  }
0x13e: {  	v34 =	vor.u32 v10, v24;
	[tilespmem:s6+$0xFFFFF880] =	vst v17;
	v11 =	vld.idx.msk [tilespmem:v38+s19+$0x0], $0xffff  }
0x13f: {  	v40 =	vor.u32 $0x7, v14;
	v17 =	vld.idx.msk [tilespmem:v39+s19+$0x0], $0xffff;
	[tilespmem:s6+$0xFFFFFB30] =	vst v19  }
0x140: {  	s12 =	simm.s32 $0x60;
	v41 =	vor.u32 $0x7, v13;
	[tilespmem:s6+$0xFFFFFB10] =	vst v20;
	v19 =	vld.idx.msk [tilespmem:v21+s19+$0x0], $0xffff  }
0x141: {  	v25 =	vmov s12;
	v20 =	vld.idx.msk [tilespmem:v22+s19+$0x0], $0xffff;
	v21 =	vor.u32 $0x8, v15  }
0x142: {  	v44 =	vshll.u32 v25, $0x4;
	v22 =	vor.u32 $0x8, v12  }
0x143: {  	v35 =	vor.u32 v10, v44;
	v24 =	vld.idx.msk [tilespmem:v34+s19+$0x0], $0xffff;
	[tilespmem:s6+$0xFFFFFB20] =	vst v11  }
0x144: {  	v26 =	vor.u32 $0x1, v34;
	[tilespmem:s6+$0xFFFFFB00] =	vst v17;
	v11 =	vld.idx.msk [tilespmem:v40+s19+$0x0], $0xffff  }
0x145: {  	v42 =	vor.u32 $0x8, v14;
	v17 =	vld.idx.msk [tilespmem:v41+s19+$0x0], $0xffff;
	[tilespmem:s6+$0xFFFFFDB0] =	vst v19  }
0x146: {  	v43 =	vor.u32 $0x8, v13;
	s9 =	simm.s32 $0x70;
	[tilespmem:s6+$0xFFFFFD90] =	vst v20;
	v19 =	vld.idx.msk [tilespmem:v21+s19+$0x0], $0xffff  }
0x147: {  	s7 =	simm.s32 $0x8B40;
	v20 =	vld.idx.msk [tilespmem:v22+s19+$0x0], $0xffff;
	v21 =	vmov s9;
	v22 =	vor.u32 $0x9, v15  }
0x148: {  	s14 =	simm.s32 $0x40;
	v23 =	vor.u32 $0x9, v12;
	v47 =	vld.idx.msk [tilespmem:v35+s19+$0x0], $0xffff;
	[tilespmem:s7+$0xFFFFEC10] =	vst v24;
	v21 =	vshll.u32 v21, $0x4  }
0x149: {  	v26 =	vld.idx.msk [tilespmem:v26+s19+$0x0], $0xffff;
	[tilespmem:s6+$0xFFFFFDA0] =	vst v11;
	v11 =	vor.u32 v10, v21;
	v21 =	vmov s14  }
0x14a: {  	v27 =	vor.u32 $0x1, v35;
	[tilespmem:s6+$0xFFFFFD80] =	vst v17;
	v16 =	vld.idx.msk [tilespmem:v42+s19+$0x0], $0xffff;
	v21 =	vshll.u32 v21, $0x4  }
0x14b: {  	v18 =	vld.idx.msk [tilespmem:v43+s19+$0x0], $0xffff;
	v38 =	vor.u32 v10, v21;
	[tilespmem:s6+$0x30] =	vst v19  }
0x14c: {  	v46 =	vor.u32 $0x9, v14;
	[tilespmem:s6+$0x10] =	vst v20;
	v45 =	vld.idx.msk [tilespmem:v22+s19+$0x0], $0xffff  }
0x14d: {  	v20 =	vld.idx.msk [tilespmem:v23+s19+$0x0], $0xffff;
	v22 =	vor.u32 $0xA, v15  }
0x14e: {  	[tilespmem:s7+$0xFFFFEC20] =	vst v47;
	v23 =	vor.u32 $0x9, v13;
	v21 =	vld.idx.msk [tilespmem:v11+s19+$0x0], $0xffff  }
0x14f: {  	v25 =	vor.u32 $0x1, v11;
	[tilespmem:s6+$0x20] =	vst v16;
	v16 =	vld.idx.msk [tilespmem:v27+s19+$0x0], $0xffff  }
0x150: {  	v27 =	vor.u32 $0x2, v34;
	[tilespmem:s6+$0x0] =	vst v18;
	v48 =	vld.idx.msk [tilespmem:v38+s19+$0x0], $0xffff  }
0x151: {  	v51 =	vor.u32 $0x2, v35;
	v19 =	vld.idx.msk [tilespmem:v46+s19+$0x0], $0xffff;
	[tilespmem:s6+$0x2B0] =	vst v45  }
0x152: {  	v49 =	vor.u32 $0x1, v38;
	[tilespmem:s6+$0x290] =	vst v20;
	v20 =	vld.idx.msk [tilespmem:v22+s19+$0x0], $0xffff  }
0x153: {  	v22 =	vor.u32 $0xA, v12;
	[tilespmem:s7+$0xFFFFEC30] =	vst v21;
	v21 =	vld.idx.msk [tilespmem:v23+s19+$0x0], $0xffff  }
0x154: {  	v24 =	vor.u32 $0xB, v15;
	[tilespmem:s7+$0xFFFFEE90] =	vst v26;
	v23 =	vld.idx.msk [tilespmem:v25+s19+$0x0], $0xffff  }
0x155: {  	v25 =	vor.u32 $0xA, v14;
	v27 =	vld.idx.msk [tilespmem:v27+s19+$0x0], $0xffff;
	[tilespmem:s7+$0xFFFFEEA0] =	vst v16  }
0x156: {  	v50 =	vor.u32 $0x2, v11;
	[tilespmem:s7+$0xFFFFEC00] =	vst v48;
	v16 =	vld.idx.msk [tilespmem:v51+s19+$0x0], $0xffff  }
0x157: {  	v53 =	vor.u32 $0x3, v34;
	[tilespmem:s6+$0x2A0] =	vst v19;
	v17 =	vld.idx.msk [tilespmem:v49+s19+$0x0], $0xffff  }
0x158: {  	v22 =	vld.idx.msk [tilespmem:v22+s19+$0x0], $0xffff;
	[tilespmem:s6+$0x530] =	vst v20;
	v20 =	vor.u32 $0x2, v38  }
0x159: {  	[tilespmem:s6+$0x280] =	vst v21;
	v21 =	vld.idx.msk [tilespmem:v24+s19+$0x0], $0xffff;
	v24 =	vor.u32 $0xA, v13  }
0x15a: {  	v26 =	vor.u32 $0xB, v12;
	[tilespmem:s7+$0xFFFFEEB0] =	vst v23;
	v23 =	vld.idx.msk [tilespmem:v25+s19+$0x0], $0xffff  }
0x15b: {  	v25 =	vor.u32 $0xC, v15;
	[tilespmem:s7+$0xFFFFF110] =	vst v27;
	v18 =	vld.idx.msk [tilespmem:v50+s19+$0x0], $0xffff  }
0x15c: {  	v19 =	vld.idx.msk [tilespmem:v53+s19+$0x0], $0xffff;
	[tilespmem:s7+$0xFFFFEE80] =	vst v17  }
0x15d: {  	v52 =	vor.u32 $0x3, v11;
	[tilespmem:s7+$0xFFFFF120] =	vst v16;
	v20 =	vld.idx.msk [tilespmem:v20+s19+$0x0], $0xffff  }
0x15e: {  	[tilespmem:s6+$0x510] =	vst v22;
	v22 =	vor.u32 $0x3, v35;
	v24 =	vld.idx.msk [tilespmem:v24+s19+$0x0], $0xffff  }
0x15f: {  	[tilespmem:s6+$0x7B0] =	vst v21;
	v21 =	vor.u32 $0x3, v38;
	v54 =	vld.idx.msk [tilespmem:v26+s19+$0x0], $0xffff  }
0x160: {  	[tilespmem:s6+$0x520] =	vst v23;
	v23 =	vld.idx.msk [tilespmem:v25+s19+$0x0], $0xffff;
	v25 =	vor.u32 $0xB, v14  }
0x161: {  	v27 =	vor.u32 $0xB, v13;
	[tilespmem:s7+$0xFFFFF130] =	vst v18  }
0x162: {  	v26 =	vor.u32 $0xD, v15;
	[tilespmem:s7+$0xFFFFF390] =	vst v19;
	v17 =	vld.idx.msk [tilespmem:v52+s19+$0x0], $0xffff  }
0x163: {  	[tilespmem:s7+$0xFFFFF100] =	vst v20;
	v16 =	vld.idx.msk [tilespmem:v22+s19+$0x0], $0xffff;
	v20 =	vor.u32 $0x4, v11  }
0x164: {  	v22 =	vor.u32 $0x4, v34;
	v21 =	vld.idx.msk [tilespmem:v21+s19+$0x0], $0xffff;
	[tilespmem:s6+$0x500] =	vst v24  }
0x165: {  	v24 =	vor.u32 $0x4, v35;
	[tilespmem:s6+$0x790] =	vst v54;
	v25 =	vld.idx.msk [tilespmem:v25+s19+$0x0], $0xffff  }
0x166: {  	[tilespmem:s6+$0xA30] =	vst v23;
	v23 =	vor.u32 $0x4, v38;
	v56 =	vld.idx.msk [tilespmem:v27+s19+$0x0], $0xffff  }
0x167: {  	v55 =	vld.idx.msk [tilespmem:v26+s19+$0x0], $0xffff;
	v26 =	vor.u32 $0xC, v12;
	[tilespmem:s7+$0xFFFFF3B0] =	vst v17  }
0x168: {  	v27 =	vor.u32 $0xC, v14;
	v57 =	vld.idx.msk [tilespmem:v20+s19+$0x0], $0xffff;
	[tilespmem:s7+$0xFFFFF3A0] =	vst v16  }
0x169: {  	v20 =	vor.u32 $0xE, v15;
	v22 =	vld.idx.msk [tilespmem:v22+s19+$0x0], $0xffff;
	[tilespmem:s7+$0xFFFFF380] =	vst v21  }
0x16a: {  	v16 =	vld.idx.msk [tilespmem:v24+s19+$0x0], $0xffff;
	v21 =	vor.u32 $0x5, v11;
	[tilespmem:s6+$0x7A0] =	vst v25  }
0x16b: {  	v24 =	vor.u32 $0x5, v34;
	v23 =	vld.idx.msk [tilespmem:v23+s19+$0x0], $0xffff;
	[tilespmem:s6+$0x780] =	vst v56  }
0x16c: {  	v25 =	vor.u32 $0x5, v35;
	v26 =	vld.idx.msk [tilespmem:v26+s19+$0x0], $0xffff;
	[tilespmem:s6+$0xCB0] =	vst v55  }
0x16d: {  	v58 =	vor.u32 $0x5, v38;
	v60 =	vld.idx.msk [tilespmem:v27+s19+$0x0], $0xffff;
	[tilespmem:s7+$0xFFFFF630] =	vst v57  }
0x16e: {  	v59 =	vld.idx.msk [tilespmem:v20+s19+$0x0], $0xffff;
	v20 =	vor.u32 $0xC, v13;
	[tilespmem:s7+$0xFFFFF610] =	vst v22  }
0x16f: {  	v15 =	vor.u32 $0xF, v15;
	v21 =	vld.idx.msk [tilespmem:v21+s19+$0x0], $0xffff;
	[tilespmem:s7+$0xFFFFF620] =	vst v16  }
0x170: {  	v22 =	vor.u32 $0xD, v12;
	v24 =	vld.idx.msk [tilespmem:v24+s19+$0x0], $0xffff;
	[tilespmem:s7+$0xFFFFF600] =	vst v23  }
0x171: {  	v16 =	vld.idx.msk [tilespmem:v25+s19+$0x0], $0xffff;
	v23 =	vor.u32 $0x6, v11;
	[tilespmem:s6+$0xA10] =	vst v26  }
0x172: {  	v25 =	vor.u32 $0x6, v34;
	v18 =	vld.idx.msk [tilespmem:v58+s19+$0x0], $0xffff;
	[tilespmem:s6+$0xA20] =	vst v60  }
0x173: {  	v62 =	vor.u32 $0xD, v14;
	v20 =	vld.idx.msk [tilespmem:v20+s19+$0x0], $0xffff;
	[tilespmem:s6+$0xF30] =	vst v59  }
0x174: {  	v26 =	vor.u32 $0x6, v35;
	v15 =	vld.idx.msk [tilespmem:v15+s19+$0x0], $0xffff;
	[tilespmem:s7+$0xFFFFF8B0] =	vst v21  }
0x175: {  	v61 =	vor.u32 $0x6, v38;
	v21 =	vld.idx.msk [tilespmem:v22+s19+$0x0], $0xffff;
	[tilespmem:s7+$0xFFFFF890] =	vst v24  }
0x176: {  	v22 =	vor.u32 $0xD, v13;
	v23 =	vld.idx.msk [tilespmem:v23+s19+$0x0], $0xffff;
	[tilespmem:s7+$0xFFFFF8A0] =	vst v16  }
0x177: {  	v24 =	vor.u32 $0xE, v12;
	v25 =	vld.idx.msk [tilespmem:v25+s19+$0x0], $0xffff;
	[tilespmem:s7+$0xFFFFF880] =	vst v18  }
0x178: {  	v63 =	vor.u32 $0x7, v11;
	v19 =	vld.idx.msk [tilespmem:v62+s19+$0x0], $0xffff;
	[tilespmem:s6+$0xA00] =	vst v20  }
0x179: {  	v16 =	vld.idx.msk [tilespmem:v26+s19+$0x0], $0xffff;
	[tilespmem:s6+$0x11B0] =	vst v15  }
0x17a: {  	v26 =	vor.u32 $0x7, v34;
	v17 =	vld.idx.msk [tilespmem:v61+s19+$0x0], $0xffff;
	[tilespmem:s6+$0xC90] =	vst v21  }
0x17b: {  	v6 =	vor.u32 $0xF, v14;
	v27 =	vor.u32 $0x7, v35;
	v41 =	vld.idx.msk [tilespmem:v22+s19+$0x0], $0xffff;
	[tilespmem:s7+$0xFFFFFB30] =	vst v23  }
0x17c: {  	v0 =	vor.u32 $0xA, v34;
	v40 =	vor.u32 $0x7, v38;
	v20 =	vor.u32 $0xE, v14;
	v14 =	vld.idx.msk [tilespmem:v24+s19+$0x0], $0xffff;
	[tilespmem:s7+$0xFFFFFB10] =	vst v25  }
0x17d: {  	v7 =	vor.u32 $0xF, v13;
	v32 =	vor.u32 $0x9, v34;
	v28 =	vor.u32 $0xC, v34;
	v44 =	vld.idx.msk [tilespmem:v63+s19+$0x0], $0xffff;
	[tilespmem:$0x1FF60] =	vst v0  }
0x17e: {  	v8 =	vor.u32 $0xF, v34;
	v15 =	vor.u32 $0xE, v13;
	v0 =	vor.u32 $0xA, v35;
	[tilespmem:s7+$0xFFFFFB20] =	vst v16  }
0x17f: {  	v30 =	vor.u32 $0xB, v35;
	v9 =	vor.u32 $0xE, v35;
	v39 =	vor.u32 $0xF, v12;
	v45 =	vld.idx.msk [tilespmem:v26+s19+$0x0], $0xffff;
	[tilespmem:$0x1FF70] =	vst v0  }
0x180: {  	v36 =	vor.u32 $0x8, v34;
	v37 =	vor.u32 $0x8, v35;
	v46 =	vor.u32 $0x8, v11;
	[tilespmem:s7+$0xFFFFFB00] =	vst v17;
	v42 =	vld.idx.msk [tilespmem:v27+s19+$0x0], $0xffff  }
0x181: {  	v33 =	vor.u32 $0x8, v38;
	v31 =	vor.u32 $0xA, v38;
	v48 =	vor.u32 $0x9, v35;
	[tilespmem:s6+$0xCA0] =	vst v19;
	v43 =	vld.idx.msk [tilespmem:v40+s19+$0x0], $0xffff  }
0x182: {  	v57 =	vor.u32 $0xB, v38;
	v58 =	vor.u32 $0xB, v34;
	v12 =	vor.u32 $0xE, v38;
	[tilespmem:s6+$0xC80] =	vst v41;
	v41 =	vld.idx.msk [tilespmem:v20+s19+$0x0], $0xffff  }
0x183: {  	v22 =	vor.u32 $0x9, v38;
	v13 =	vor.u32 $0xE, v34;
	v23 =	vor.u32 $0xD, v34;
	v40 =	vld.idx.msk [tilespmem:v15+s19+$0x0], $0xffff;
	[tilespmem:s6+$0xF10] =	vst v14  }
0x184: {  	v24 =	vor.u32 $0xD, v35;
	v25 =	vor.u32 $0xD, v38;
	v34 =	vor.u32 $0xF, v38;
	[tilespmem:s7+$0xFFFFFDB0] =	vst v44;
	v39 =	vld.idx.msk [tilespmem:v39+s19+$0x0], $0xffff  }
0x185: {  	s12 =	simm.s32 $0x80;
	s9 =	simm.s32 $0x4;
	v26 =	vor.u32 $0xC, v35;
	v35 =	vor.u32 $0xF, v35;
	v27 =	vor.u32 $0xC, v38;
	[tilespmem:s7+$0xFFFFFD90] =	vst v45;
	v38 =	vld.idx.msk [tilespmem:v46+s19+$0x0], $0xffff  }
.LBB2_8:
0x186: {  	[tilespmem:$0x1FEE0] =	vst v28  }
0x187: {  	[tilespmem:$0x1FF40] =	vst v12  }
0x188: {  	[tilespmem:$0x1FF50] =	vst v8  }
0x189: {  	[tilespmem:s7+$0xFFFFFDA0] =	vst v42  }
0x18a: {  	v36 =	vld.idx.msk [tilespmem:v36+s19+$0x0], $0xffff;
	[tilespmem:s7+$0xFFFFFD80] =	vst v43  }
0x18b: {  	s3 =	sadd.s32 $0x10, s12;
	v37 =	vld.idx.msk [tilespmem:v37+s19+$0x0], $0xffff;
	[tilespmem:s6+$0xF20] =	vst v41  }
0x18c: {  	v44 =	vmov s12;
	s5 =	sadd.s32 $0x30, s12;
	v17 =	vor.u32 $0x9, v11;
	v2 =	vmovc v35;
	v16 =	vmov s3;
	v33 =	vld.idx.msk [tilespmem:v33+s19+$0x0], $0xffff;
	[tilespmem:s6+$0xF00] =	vst v40  }
0x18d: {  	v45 =	vmov s5;
	v44 =	vshll.u32 v44, $0x4;
	[tilespmem:$0x1FEF0] =	vst v2;
	v42 =	vshll.u32 v16, $0x4  }
0x18e: {  	s14 =	sadd.s32 $0x20, s12;
	v28 =	vmovc v57;
	v45 =	vshll.u32 v45, $0x4;
	v57 =	vor.u32 v10, v44;
	v35 =	vor.u32 v10, v42;
	[tilespmem:s7+$0x30] =	vst v38  }
0x18f: {  	v46 =	vmov s14;
	v41 =	vor.u32 v10, v45;
	v47 =	vld.idx.msk [tilespmem:v7+s19+$0x0], $0xffff;
	v7 =	vor.u32 $0x7, v35;
	[tilespmem:s7+$0x10] =	vst v36  }
0x190: {  	v46 =	vshll.u32 v46, $0x4;
	v18 =	vld.idx.msk [tilespmem:v6+s19+$0x0], $0xffff;
	[tilespmem:$0x1FF00] =	vst v7  }
0x191: {  	v29 =	vmov v58;
	v58 =	vor.u32 v10, v46;
	v19 =	vld.idx.msk [tilespmem:v17+s19+$0x0], $0xffff;
	[tilespmem:s7+$0x20] =	vst v37  }
0x192: {  	v7 =	vor.u32 $0x7, v57;
	v55 =	vld.idx.msk [tilespmem:v32+s19+$0x0], $0xffff;
	[tilespmem:s7+$0x0] =	vst v33  }
0x193: {  	v2 =	vor.u32 $0xA, v11;
	[tilespmem:$0x1FF30] =	vst v7;
	v7 =	vor.u32 $0x7, v58;
	v6 =	vld.idx.msk [tilespmem:v57+s19+$0x0], $0xffff  }
0x194: {  	[tilespmem:$0x1FF20] =	vst v7;
	v56 =	vld.idx.msk [tilespmem:v41+s19+$0x0], $0xffff  }
0x195: {  	v5 =	vor.u32 $0x1, v41;
	v3 =	vld.idx.msk [tilespmem:v35+s19+$0x0], $0xffff;
	[tilespmem:s6+$0x1190] =	vst v39  }
0x196: {  	v4 =	vld.idx.msk [tilespmem:v58+s19+$0x0], $0xffff;
	[tilespmem:s6+$0x11A0] =	vst v18  }
0x197: {  	[tilespmem:s7+$0x2B0] =	vst v19  }
0x198: {  	v49 =	vor.u32 $0x1, v57;
	[tilespmem:s6+$0x1180] =	vst v47;
	s6 =	smov.u32 s7;
	s7 =	sadd.s32 $0x40, s7;
	v2 =	vld.idx.msk [tilespmem:v2+s19+$0x0], $0xffff  }
0x199: {  	v21 =	vmov v10;
	v20 =	vld [tilespmem:$0x1FF60];
	v10 =	vor.u32 $0xB, v11;
	[tilespmem:s7+$0xFFFFEC30] =	vst v56  }
0x19a: {  	[tilespmem:s6+$0x290] =	vst v55;
	v5 =	vld.idx.msk [tilespmem:v5+s19+$0x0], $0xffff  }
0x19b: {  	v50 =	vor.u32 $0x1, v35;
	v7 =	vld.idx.msk [tilespmem:v22+s19+$0x0], $0xffff;
	[tilespmem:s7+$0xFFFFEC00] =	vst v6  }
0x19c: {  	v0 =	vmov v34;
	v34 =	vor.u32 $0xA, v35;
	v47 =	vld.idx.msk [tilespmem:v48+s19+$0x0], $0xffff;
	[tilespmem:s7+$0xFFFFEC10] =	vst v3  }
0x19d: {  	v53 =	vor.u32 $0x1, v58;
	v17 =	vld.idx.msk [tilespmem:v49+s19+$0x0], $0xffff;
	[tilespmem:s6+$0x530] =	vst v2;
	v2 =	vmov v34  }
0x19e: {  	[tilespmem:$0x1FF60] =	vst v2;
	v2 =	vld.idx.msk [tilespmem:v10+s19+$0x0], $0xffff  }
0x19f: {  	[tilespmem:s7+$0xFFFFEEB0] =	vst v5;
	v5 =	vld [tilespmem:$0x1FF70]  }
0x1a0: {  	v16 =	vor.u32 $0x2, v41;
	[tilespmem:s7+$0xFFFFEC20] =	vst v4;
	v12 =	vld.idx.msk [tilespmem:v50+s19+$0x0], $0xffff  }
0x1a1: {  	v60 =	vor.u32 $0x2, v35;
	v3 =	vor.u32 $0xA, v58;
	[tilespmem:s6+$0x280] =	vst v7  }
0x1a2: {  	v14 =	vld.idx.msk [tilespmem:v53+s19+$0x0], $0xffff;
	v7 =	vmov v3;
	[tilespmem:s7+$0xFFFFEE80] =	vst v17  }
0x1a3: {  	v20 =	vld.idx.msk [tilespmem:v20+s19+$0x0], $0xffff;
	[tilespmem:$0x1FF70] =	vst v7;
	v7 =	vor.u32 $0xC, v11  }
0x1a4: {  	[tilespmem:$0x1FF10] =	vst v0;
	v61 =	vor.u32 $0x2, v58;
	v17 =	vld.idx.msk [tilespmem:v31+s19+$0x0], $0xffff  }
0x1a5: {  	v59 =	vor.u32 $0x2, v57;
	[tilespmem:s7+$0xFFFFEE90] =	vst v12;
	v3 =	vld.idx.msk [tilespmem:v16+s19+$0x0], $0xffff  }
0x1a6: {  	[tilespmem:s6+$0x2A0] =	vst v47;
	v10 =	vld.idx.msk [tilespmem:v60+s19+$0x0], $0xffff  }
0x1a7: {  	v63 =	vor.u32 $0x3, v35;
	[tilespmem:s6+$0x7B0] =	vst v2;
	v5 =	vld.idx.msk [tilespmem:v5+s19+$0x0], $0xffff  }
0x1a8: {  	v2 =	vld.idx.msk [tilespmem:v7+s19+$0x0], $0xffff;
	[tilespmem:s7+$0xFFFFEEA0] =	vst v14;
	v14 =	vor.u32 $0x3, v41  }
0x1a9: {  	[tilespmem:s6+$0x510] =	vst v20;
	v7 =	vor.u32 $0xD, v11;
	v12 =	vld.idx.msk [tilespmem:v61+s19+$0x0], $0xffff  }
0x1aa: {  	v62 =	vor.u32 $0x3, v57;
	v8 =	vor.u32 $0xA, v57;
	v0 =	vor.u32 $0x3, v58;
	[tilespmem:s7+$0xFFFFF130] =	vst v3;
	v61 =	vld.idx.msk [tilespmem:v59+s19+$0x0], $0xffff  }
0x1ab: {  	v54 =	vor.u32 $0x4, v35;
	v51 =	vor.u32 $0x4, v58;
	v38 =	vor.u32 $0x5, v35;
	v3 =	vld.idx.msk [tilespmem:v29+s19+$0x0], $0xffff;
	[tilespmem:s7+$0xFFFFF110] =	vst v10  }
0x1ac: {  	v46 =	vor.u32 $0x5, v58;
	v43 =	vor.u32 $0x6, v35;
	v44 =	vor.u32 $0x6, v58;
	v31 =	vmovc v8;
	v8 =	vld.idx.msk [tilespmem:v63+s19+$0x0], $0xffff;
	[tilespmem:s6+$0x520] =	vst v5  }
0x1ad: {  	v15 =	vor.u32 $0xC, v58;
	v36 =	vor.u32 $0x8, v35;
	v32 =	vor.u32 $0x9, v35;
	v5 =	vld.idx.msk [tilespmem:v14+s19+$0x0], $0xffff;
	[tilespmem:s6+$0xA30] =	vst v2  }
0x1ae: {  	v37 =	vor.u32 $0x8, v58;
	v48 =	vor.u32 $0x9, v58;
	v10 =	vor.u32 $0x4, v41;
	[tilespmem:s7+$0xFFFFF120] =	vst v12;
	v2 =	vld.idx.msk [tilespmem:v7+s19+$0x0], $0xffff  }
0x1af: {  	v22 =	vmovc v13;
	v13 =	vor.u32 $0xB, v35;
	v19 =	vor.u32 $0xD, v35;
	v6 =	vor.u32 $0xC, v35;
	[tilespmem:s7+$0xFFFFF100] =	vst v61;
	v0 =	vld.idx.msk [tilespmem:v0+s19+$0x0], $0xffff  }
0x1b0: {  	v4 =	vor.u32 $0xB, v58;
	v56 =	vor.u32 $0xD, v58;
	v49 =	vor.u32 $0xE, v58;
	[tilespmem:s6+$0x790] =	vst v3;
	v12 =	vld.idx.msk [tilespmem:v62+s19+$0x0], $0xffff  }
0x1b1: {  	v53 =	vor.u32 $0xE, v35;
	v47 =	vor.u32 $0xF, v35;
	v35 =	vor.u32 $0xF, v58;
	v58 =	vmovc v13;
	[tilespmem:s6+$0x500] =	vst v17;
	v13 =	vld.idx.msk [tilespmem:v30+s19+$0x0], $0xffff  }
0x1b2: {  	v52 =	vor.u32 $0x4, v57;
	v3 =	vld.idx.msk [tilespmem:v28+s19+$0x0], $0xffff;
	[tilespmem:s7+$0xFFFFF3B0] =	vst v5  }
0x1b3: {  	v30 =	vmov v4;
	v4 =	vld.idx.msk [tilespmem:v10+s19+$0x0], $0xffff  }
0x1b4: {  	v45 =	vor.u32 $0x5, v57;
	v42 =	vor.u32 $0x6, v57;
	[tilespmem:s7+$0xFFFFF390] =	vst v8;
	v10 =	vld [tilespmem:$0x1FEE0]  }
0x1b5: {  	v40 =	vmovc v9;
	v9 =	vor.u32 $0xB, v57;
	v33 =	vor.u32 $0x8, v57;
	v5 =	vor.u32 $0xE, v11;
	[tilespmem:s7+$0xFFFFF3A0] =	vst v0  }
0x1b6: {  	v39 =	vor.u32 $0x9, v57;
	v18 =	vor.u32 $0xC, v57;
	v8 =	vor.u32 $0x5, v41;
	[tilespmem:s7+$0xFFFFF380] =	vst v12;
	v0 =	vld.idx.msk [tilespmem:v51+s19+$0x0], $0xffff  }
0x1b7: {  	v55 =	vor.u32 $0xD, v57;
	v50 =	vor.u32 $0xE, v57;
	v34 =	vor.u32 $0xF, v57;
	v57 =	vmovc v9;
	[tilespmem:s6+$0xCB0] =	vst v2;
	v9 =	vld.idx.msk [tilespmem:v52+s19+$0x0], $0xffff  }
0x1b8: {  	v7 =	vld.idx.msk [tilespmem:v54+s19+$0x0], $0xffff;
	[tilespmem:s6+$0x7A0] =	vst v13  }
0x1b9: {  	[tilespmem:s6+$0x780] =	vst v3;
	v3 =	vld.idx.msk [tilespmem:v26+s19+$0x0], $0xffff  }
0x1ba: {  	v2 =	vld.idx.msk [tilespmem:v5+s19+$0x0], $0xffff;
	[tilespmem:s7+$0xFFFFF630] =	vst v4  }
0x1bb: {  	v4 =	vld.idx.msk [tilespmem:v8+s19+$0x0], $0xffff;
	[tilespmem:s7+$0xFFFFF620] =	vst v0  }
0x1bc: {  	v5 =	vor.u32 $0xF, v11;
	v11 =	vmov v41;
	[tilespmem:s7+$0xFFFFF600] =	vst v9;
	v10 =	vld.idx.msk [tilespmem:v10+s19+$0x0], $0xffff  }
0x1bd: {  	[tilespmem:s7+$0xFFFFF610] =	vst v7;
	v7 =	vor.u32 $0x6, v11;
	v8 =	vld.idx.msk [tilespmem:v45+s19+$0x0], $0xffff  }
0x1be: {  	v0 =	vld.idx.msk [tilespmem:v46+s19+$0x0], $0xffff  }
0x1bf: {  	v9 =	vld.idx.msk [tilespmem:v27+s19+$0x0], $0xffff;
	[tilespmem:s6+$0xA20] =	vst v3  }
0x1c0: {  	v28 =	vmov v6;
	v6 =	vld.idx.msk [tilespmem:v38+s19+$0x0], $0xffff;
	[tilespmem:s6+$0xF30] =	vst v2  }
0x1c1: {  	v2 =	vld.idx.msk [tilespmem:v5+s19+$0x0], $0xffff;
	[tilespmem:s7+$0xFFFFF8B0] =	vst v4  }
0x1c2: {  	v4 =	vld.idx.msk [tilespmem:v7+s19+$0x0], $0xffff;
	[tilespmem:s7+$0xFFFFF880] =	vst v8  }
0x1c3: {  	[tilespmem:s7+$0xFFFFF8A0] =	vst v0;
	v7 =	vld.idx.msk [tilespmem:v42+s19+$0x0], $0xffff  }
0x1c4: {  	[tilespmem:s6+$0xA00] =	vst v9;
	v9 =	vld [tilespmem:$0x1FF30]  }
0x1c5: {  	v0 =	vld.idx.msk [tilespmem:v44+s19+$0x0], $0xffff  }
0x1c6: {  	[tilespmem:s6+$0xA10] =	vst v10  }
0x1c7: {  	v3 =	vld.idx.msk [tilespmem:v23+s19+$0x0], $0xffff  }
0x1c8: {  	[tilespmem:s6+$0x11B0] =	vst v2;
	v2 =	vld.idx.msk [tilespmem:v25+s19+$0x0], $0xffff  }
0x1c9: {  	[tilespmem:s7+$0xFFFFF890] =	vst v6;
	v8 =	vld.idx.msk [tilespmem:v24+s19+$0x0], $0xffff  }
0x1ca: {  	v5 =	vld.idx.msk [tilespmem:v43+s19+$0x0], $0xffff;
	[tilespmem:s7+$0xFFFFFB20] =	vst v0  }
0x1cb: {  	[tilespmem:s7+$0xFFFFFB00] =	vst v7;
	v0 =	vld [tilespmem:$0x1FF20]  }
0x1cc: {  	v43 =	vld.idx.msk [tilespmem:v9+s19+$0x0], $0xffff  }
0x1cd: {  	[tilespmem:s6+$0xC80] =	vst v2;
	v2 =	vld [tilespmem:$0x1FF40];
	_ =	sdelay $0x1  }
0x1ce: {  	[tilespmem:s6+$0xC90] =	vst v3  }
0x1cf: {  	v3 =	vld.idx.msk [tilespmem:v22+s19+$0x0], $0xffff  }
0x1d0: {  	[tilespmem:s7+$0xFFFFFB10] =	vst v5;
	v5 =	vld [tilespmem:$0x1FF00]  }
0x1d1: {  	v6 =	vor.u32 $0x7, v11  }
0x1d2: {  	v42 =	vld.idx.msk [tilespmem:v0+s19+$0x0], $0xffff;
	[tilespmem:s6+$0xCA0] =	vst v8  }
0x1d3: {  	v41 =	vld.idx.msk [tilespmem:v40+s19+$0x0], $0xffff  }
0x1d4: {  	v40 =	vld.idx.msk [tilespmem:v2+s19+$0x0], $0xffff  }
0x1d5: {  	[tilespmem:s7+$0xFFFFFB30] =	vst v4;
	v2 =	vld [tilespmem:$0x1FF50]  }
0x1d6: {  	v4 =	vld.idx.msk [tilespmem:v6+s19+$0x0], $0xffff  }
0x1d7: {  	s9 =	sadd.s32 $0x4, s9;
	v0 =	vor.u32 $0x8, v11  }
0x1d8: {  	p1 =	slt.u32 s9, $0x24;
	v5 =	vld.idx.msk [tilespmem:v5+s19+$0x0], $0xffff  }
.Ltmp3:
0x1d9: {  	_ = 	snop;
	(pc) =	sbr.rel @p1 .LBB2_8-.Ltmp3, $4  }
0x1da: {  	v6 =	vld [tilespmem:$0x1FEF0]  }
0x1db: {  	v12 =	vmov v50;
	v7 =	vld [tilespmem:$0x1FF10];
	[tilespmem:s7+$0xFFFFFDB0] =	vst v4  }
0x1dc: {  	v13 =	vmovc v53;
	v26 =	vmovc v15;
	v27 =	vmov v18;
	v10 =	vmov v21;
	v23 =	vmov v19;
	[tilespmem:s6+$0xF10] =	vst v3;
	v38 =	vld.idx.msk [tilespmem:v0+s19+$0x0], $0xffff  }
0x1dd: {  	s12 =	sadd.s32 $0x40, s12;
	v24 =	vmovc v56;
	v25 =	vmovc v55;
	v22 =	vmov v39;
	v9 =	vmov v49;
	v8 =	vmov v47;
	v39 =	vld.idx.msk [tilespmem:v2+s19+$0x0], $0xffff;
	[tilespmem:s7+$0xFFFFFD90] =	vst v5  }
0x1de: {  	_ =	sdelay $0x3  }
0x1df: {  	v0 =	vld.idx.msk [tilespmem:v36+s19+$0x0], $0xffff;
	[tilespmem:s7+$0xFFFFFDA0] =	vst v42;
	v2 =	vor.u32 $0x9, v11  }
0x1e0: {  	[tilespmem:s7+$0xFFFFFD80] =	vst v43;
	v3 =	vld.idx.msk [tilespmem:v37+s19+$0x0], $0xffff  }
0x1e1: {  	v4 =	vld.idx.msk [tilespmem:v33+s19+$0x0], $0xffff;
	_ =	sdelay $0x1  }
0x1e2: {  	[tilespmem:s7+$0x30] =	vst v38  }
0x1e3: {  	[tilespmem:s7+$0x10] =	vst v0;
	v0 =	vld.idx.msk [tilespmem:v2+s19+$0x0], $0xffff  }
0x1e4: {  	v2 =	vld.idx.msk [tilespmem:v32+s19+$0x0], $0xffff;
	[tilespmem:s7+$0x20] =	vst v3  }
0x1e5: {  	v3 =	vor.u32 $0xA, v11;
	[tilespmem:s7+$0x0] =	vst v4;
	v4 =	vld.idx.msk [tilespmem:v48+s19+$0x0], $0xffff;
	_ =	sdelay $0x1  }
0x1e6: {  	v5 =	vld.idx.msk [tilespmem:v22+s19+$0x0], $0xffff  }
0x1e7: {  	[tilespmem:s7+$0x2B0] =	vst v0  }
0x1e8: {  	[tilespmem:s7+$0x290] =	vst v2  }
0x1e9: {  	v0 =	vld.idx.msk [tilespmem:v3+s19+$0x0], $0xffff;
	[tilespmem:s7+$0x2A0] =	vst v4  }
0x1ea: {  	v3 =	vld [tilespmem:$0x1FF60]  }
0x1eb: {  	[tilespmem:s7+$0x280] =	vst v5  }
0x1ec: {  	v4 =	vld [tilespmem:$0x1FF70];
	_ =	sdelay $0x5  }
0x1ed: {  	v2 =	vor.u32 $0xB, v11;
	v3 =	vld.idx.msk [tilespmem:v3+s19+$0x0], $0xffff  }
0x1ee: {  	v5 =	vld.idx.msk [tilespmem:v31+s19+$0x0], $0xffff  }
0x1ef: {  	v4 =	vld.idx.msk [tilespmem:v4+s19+$0x0], $0xffff;
	_ =	sdelay $0x1  }
0x1f0: {  	[tilespmem:s7+$0x530] =	vst v0  }
0x1f1: {  	v0 =	vld.idx.msk [tilespmem:v2+s19+$0x0], $0xffff;
	[tilespmem:s7+$0x510] =	vst v3  }
0x1f2: {  	v2 =	vor.u32 $0xC, v11;
	[tilespmem:s7+$0x500] =	vst v5;
	v3 =	vld.idx.msk [tilespmem:v58+s19+$0x0], $0xffff  }
0x1f3: {  	v5 =	vld.idx.msk [tilespmem:v57+s19+$0x0], $0xffff;
	[tilespmem:s7+$0x520] =	vst v4  }
0x1f4: {  	v4 =	vld.idx.msk [tilespmem:v30+s19+$0x0], $0xffff;
	_ =	sdelay $0x1  }
0x1f5: {  	[tilespmem:s7+$0x7B0] =	vst v0  }
0x1f6: {  	v0 =	vld.idx.msk [tilespmem:v2+s19+$0x0], $0xffff;
	[tilespmem:s7+$0x790] =	vst v3  }
0x1f7: {  	v2 =	vor.u32 $0xD, v11;
	[tilespmem:s7+$0x780] =	vst v5;
	v3 =	vld.idx.msk [tilespmem:v28+s19+$0x0], $0xffff  }
0x1f8: {  	v5 =	vld.idx.msk [tilespmem:v27+s19+$0x0], $0xffff;
	[tilespmem:s7+$0x7A0] =	vst v4  }
0x1f9: {  	v4 =	vld.idx.msk [tilespmem:v26+s19+$0x0], $0xffff;
	_ =	sdelay $0x1  }
0x1fa: {  	[tilespmem:s7+$0xA30] =	vst v0  }
0x1fb: {  	v0 =	vld.idx.msk [tilespmem:v2+s19+$0x0], $0xffff;
	[tilespmem:s7+$0xA10] =	vst v3  }
0x1fc: {  	v2 =	vor.u32 $0xE, v11;
	[tilespmem:s7+$0xA00] =	vst v5;
	v3 =	vld.idx.msk [tilespmem:v23+s19+$0x0], $0xffff  }
0x1fd: {  	v5 =	vld.idx.msk [tilespmem:v25+s19+$0x0], $0xffff;
	[tilespmem:s7+$0xA20] =	vst v4  }
0x1fe: {  	v4 =	vld.idx.msk [tilespmem:v24+s19+$0x0], $0xffff  }
0x1ff: {  	[tilespmem:s6+$0xF20] =	vst v41  }
0x200: {  	[tilespmem:s7+$0xCB0] =	vst v0  }
0x201: {  	v0 =	vld.idx.msk [tilespmem:v2+s19+$0x0], $0xffff;
	[tilespmem:s7+$0xC90] =	vst v3  }
0x202: {  	v2 =	vor.u32 $0xF, v11;
	[tilespmem:s7+$0xC80] =	vst v5;
	v3 =	vld.idx.msk [tilespmem:v13+s19+$0x0], $0xffff  }
0x203: {  	v5 =	vld.idx.msk [tilespmem:v12+s19+$0x0], $0xffff;
	[tilespmem:s7+$0xCA0] =	vst v4  }
0x204: {  	[tilespmem:s6+$0xF00] =	vst v40;
	v4 =	vld.idx.msk [tilespmem:v9+s19+$0x0], $0xffff  }
0x205: {  	[tilespmem:s6+$0x1190] =	vst v39;
	v6 =	vld.idx.msk [tilespmem:v6+s19+$0x0], $0xffff  }
0x206: {  	v7 =	vld.idx.msk [tilespmem:v7+s19+$0x0], $0xffff;
	[tilespmem:s7+$0xF30] =	vst v0  }
0x207: {  	v0 =	vld.idx.msk [tilespmem:v2+s19+$0x0], $0xffff;
	[tilespmem:s7+$0xF10] =	vst v3  }
0x208: {  	[tilespmem:s7+$0xF00] =	vst v5;
	v2 =	vld.idx.msk [tilespmem:v8+s19+$0x0], $0xffff  }
0x209: {  	[tilespmem:s7+$0xF20] =	vst v4;
	v4 =	vld.idx.msk [tilespmem:v34+s19+$0x0], $0xffff  }
0x20a: {  	[tilespmem:s6+$0x11A0] =	vst v6;
	v3 =	vld.idx.msk [tilespmem:v35+s19+$0x0], $0xffff  }
0x20b: {  	[tilespmem:s6+$0x1180] =	vst v7  }
0x20c: {  	[tilespmem:s7+$0x11B0] =	vst v0  }
0x20d: {  	[tilespmem:s7+$0x1190] =	vst v2  }
0x20e: {  	[tilespmem:s7+$0x1180] =	vst v4  }
0x20f: {  	[tilespmem:s7+$0x11A0] =	vst v3  }
0x210: {  	s5 =	simm.s32 $0x280;
	s3 =	rddreg [dreg:$0xa]  }
0x211: {  	[hbm4b:s3+s5] =	stream.strided.scatter [tilespmem:s17], [sflag:$0x9], $0x2800, s16, s5, $0x38;
	[tilespmem:$0xE700] =	vst v63  }
0x212: {  	_ =	swait.ge [sflag:s18], $0x2800  }
0x213: {  	v0 =	vld [tilespmem:$0x1FF80]  }
0x214: {  	s15 =	sadd.s32 $0x1, s15;
	s14 =	rddreg [dreg:$0x9];
	v2 =	vld [tilespmem:$0x1FF90]  }
0x215: {  	v5 =	vld [tilespmem:$0x1FFC0];
	p1 =	sne.s32 s15, s14  }
.Ltmp4:
0x216: {  	v6 =	vld [tilespmem:$0x1FFD0];
	(pc) =	sbr.rel @p1 .LBB2_1-.Ltmp4, $4  }
0x217: {  	v3 =	vld [tilespmem:$0x1FFA0]  }
0x218: {  	v4 =	vld [tilespmem:$0x1FFB0]  }
0x219: {  	[sflag:s18] =	ssyncset.done $0x0;
	v7 =	vld [tilespmem:$0x1FFE0]  }
0x21a: {  	v9 =	vimm.f32 $0.0e+00;
	v8 =	vld [tilespmem:$0x1FFF0];
	[sflag:s18] =	ssyncadd.s32 $0xFFFFD800  }
0x21b: {  	_ =	sfence.sel $0x180000  }
0x21c: {  	[bflag:$0x0] =	sbarrier.arrive $0xFFFF  }
0x21d: {  	_ =	strace $0x9000004A  }
0x21e: {  	s0 =	stileid.u32;
	[bflag:$0x2] =	sbarrier.arrive $0xFFFF  }
0x21f: {  	p0 =	sne.s32 s0, $0x0;
	s0 =	rddreg [dreg:$0x2]  }
0x220: {  	s0 =	sadd.s32 @!p0 $0x100000, s0  }
0x221: {  	[sflag:s0] =	ssyncadd.tile.s32 @!p0 $0x1;
	_ =	shalt  }
.Lfunc_end2:
_tile_overlayer_lowered:
.L_overlay_start_2:
0x222: {  	(tag) =	ssettag $0x2  }
0x223: {  	s0 =	rddreg [dreg:$0x0];
	s2 =	stileid.u32  }
0x224: {  	s1 =	rddreg [dreg:$0x1];
	p0 =	sne.s32 s2, $0x0  }
0x225: {  	s3 =	rddreg [dreg:$0x2];
	[bflag:$0x3] =	sbarrier.arrive $0xFFFF;
	s2 =	simm.s32 @!p0 $0x1C09  }
0x226: {  	[timem:s3], [sflag:s2] =	dma.local @!p0 [hbm:s0], s1  }
0x227: {  	s0 =	simm.s32 @!p0 $0x9  }
0x228: {  	_ =	swait.ge @!p0 [sflag:s0], s1  }
0x229: {  	s1 =	ssub.s32 @!p0 $0x0, s1;
	[sflag:s0] =	ssyncset.done @!p0 $0x0  }
0x22a: {  	[sflag:s0] =	ssyncadd.s32 @!p0 s1  }
0x22b: {  	[bflag:$0x3] =	sbarrier.arrive $0xFFFF  }
0x22c: {  	_ =	shalt  }

// kernel: kernel.14.cloned.1.call-start
scs
__scs_entry_jumppad:
0x0: {  	(pc) =	sbr.rel $0x88, $3  }
0x1: {  	(tag) =	ssettag $0x0;
	lr =	simm.s32 $0x1  }
0x2: {  	[smem:$0x3F98] =	sst lr;
	_ =	strace $0xD0000000  }
0x3: {  	_ = 	snop  }
0x4: {  	_ = 	snop  }
0x5: {  	_ = 	snop  }
0x6: {  	_ = 	snop  }
0x7: {  	_ = 	snop  }
__scs_overlays_trampoline_lowered:
0x8: {  	[smem:$0x3FA7] =	sst s0  }
0x9: {  	[smem:$0x3FA8] =	sst s1  }
0xa: {  	[smem:$0x3FA9] =	sst s2  }
0xb: {  	[smem:$0x3FAA] =	sst s3  }
0xc: {  	[smem:$0x3FAB] =	sst s4  }
0xd: {  	[smem:$0x3FAC] =	sst s5  }
0xe: {  	[smem:$0x3FAD] =	sst s6  }
0xf: {  	[smem:$0x3FAE] =	sst s7  }
0x10: {  	[smem:$0x3FAF] =	sst s8  }
0x11: {  	[smem:$0x3FB0] =	sst s9;
	s0 =	simm.s32 @!p0 $0x0  }
0x12: {  	s1 =	sld [smem:$0x3F96];
	s0 =	simm.s32 @p0 $0x1  }
0x13: {  	[smem:$0x3FB1] =	sst s0;
	s0 =	simm.s32 @!p1 $0x0  }
0x14: {  	s2 =	sld [smem:$0x3F95];
	s0 =	simm.s32 @p1 $0x1  }
0x15: {  	[smem:$0x3FB2] =	sst s0;
	s0 =	simm.s32 @!p2 $0x0  }
0x16: {  	s3 =	sld [smem:$0x3FDB];
	s0 =	simm.s32 @p2 $0x1  }
0x17: {  	s4 =	simm.s32 $0x1BF5;
	[smem:$0x3FB4] =	sst s0  }
0x18: {  	s0 =	sld [smem:$0x3F97];
	_ =	swait.ge [sflag:s4], $0x0  }
0x19: {  	s7 =	sld [smem:$0x3F98]  }
0x1a: {  	s8 =	sadd.s32 $0xFFFFE003, lr  }
0x1b: {  	s9 =	sadd.s32 $0xFFFFFEF7, lr;
	s5 =	simm.s32 $0xFFFFFFFF;
	p2 =	slt.u32 s8, $0xFFFFF086  }
0x1c: {  	p1 =	slt.u32 s9, $0xF7A;
	s5 =	simm.s32 @!p2 $0x0  }
0x1d: {  	s5 =	simm.s32 @p1 $0x1;
	p0 =	seq.s32 s7, s2  }
0x1e: {  	s7 =	smul.u32 @!p0 $0xF7A, s2;
	p2 =	seq.s32 @!p0 s5, $0x0  }
0x1f: {  	s9 =	smul.u32 $0xF7A, s1;
	s8 =	simm.s32 @!p0 $0x1BF5;
	p2 =	por !p2, p0  }
0x20: {  	[sflag:s8] =	ssyncset.s32 @!p0 $0xFFFFF086;
	s6 =	sadd.s32 @!p0 s3, s7;
	s7 =	simm.s32 @!p0 $0x108  }
0x21: {  	s3 =	sadd.s32 s3, s9;
	s6 =	sadd.s32 @!p0 $0x88, s6;
	s7 =	simm.s32 @p2 $0x1082  }
0x22: {  	[simem:s7], [sflag:s8] =	dma.local @!p0 [hbm:s6], $0xF7A  }
0x23: {  	s9 =	sor.u32 $0xD0000000, s2;
	s6 =	simm.s32 $0x108;
	_ =	swait.ge @!p0 [sflag:s8], $0x0  }
0x24: {  	s3 =	sadd.s32 $0x88, s3;
	s6 =	simm.s32 @!p1 $0x1082;
	[sflag:s4] =	ssyncset.s32 $0xFFFFF086  }
0x25: {  	[simem:s6], [sflag:s4] =	dma.local [hbm:s3], $0xF7A  }
0x26: {  	[smem:$0x3F98] =	sst s1;
	(tag) =	ssettag s2;
	_ =	strace s9  }
0x27: {  	s1 =	sld [smem:$0x3FA8]  }
0x28: {  	s2 =	sld [smem:$0x3FA9]  }
0x29: {  	s4 =	sld [smem:$0x3FAB]  }
0x2a: {  	p0 =	seq.s32 s5, $0x0;
	s5 =	sld [smem:$0x3FAC]  }
0x2b: {  	s6 =	sld [smem:$0x3FAD]  }
0x2c: {  	s7 =	sld [smem:$0x3FAE]  }
0x2d: {  	s3 =	simm.s32 $0x108;
	s8 =	sld [smem:$0x3FAF]  }
0x2e: {  	s3 =	simm.s32 @!p0 $0x1082;
	s9 =	sld [smem:$0x3FB0]  }
0x2f: {  	lr =	sadd.s32 s0, s3;
	s0 =	sld [smem:$0x3FA7]  }
0x30: {  	s3 =	sld [smem:$0x3FAA]  }
0x31: {  	[smem:$0x3FB3] =	sst s10  }
0x32: {  	s10 =	sld [smem:$0x3FB1];
	_ =	sdelay $0x3  }
0x33: {  	p0 =	seq.s32 s10, $0x1;
	s10 =	sld [smem:$0x3FB3];
	_ =	sdelay $0x3  }
0x34: {  	[smem:$0x3FB3] =	sst s10  }
0x35: {  	s10 =	sld [smem:$0x3FB2];
	_ =	sdelay $0x3  }
0x36: {  	p1 =	seq.s32 s10, $0x1;
	s10 =	sld [smem:$0x3FB3];
	_ =	sdelay $0x3  }
0x37: {  	[smem:$0x3FB3] =	sst s10  }
0x38: {  	s10 =	sld [smem:$0x3FB4]  }
0x39: {  	_ = 	snop;
	(pc) =	sbr.ind lr, $3  }
0x3a: {  	_ = 	snop  }
0x3b: {  	_ = 	snop  }
0x3c: {  	p2 =	seq.s32 s10, $0x1;
	s10 =	sld [smem:$0x3FB3]  }
0x3d: {  	_ =	shalt  }
0x3e: {  	_ =	shalt  }
0x3f: {  	_ =	shalt  }
0x40: {  	_ =	shalt  }
0x41: {  	_ =	shalt  }
0x42: {  	_ =	shalt  }
0x43: {  	_ =	shalt  }
0x44: {  	_ =	shalt  }
0x45: {  	_ =	shalt  }
0x46: {  	_ =	shalt  }
0x47: {  	_ =	shalt  }
0x48: {  	_ =	shalt  }
0x49: {  	_ =	shalt  }
0x4a: {  	_ =	shalt  }
0x4b: {  	_ =	shalt  }
0x4c: {  	_ =	shalt  }
0x4d: {  	_ =	shalt  }
0x4e: {  	_ =	shalt  }
0x4f: {  	_ =	shalt  }
0x50: {  	_ =	shalt  }
0x51: {  	_ =	shalt  }
0x52: {  	_ =	shalt  }
0x53: {  	_ =	shalt  }
0x54: {  	_ =	shalt  }
0x55: {  	_ =	shalt  }
0x56: {  	_ =	shalt  }
0x57: {  	_ =	shalt  }
0x58: {  	_ =	shalt  }
0x59: {  	_ =	shalt  }
0x5a: {  	_ =	shalt  }
0x5b: {  	_ =	shalt  }
0x5c: {  	_ =	shalt  }
0x5d: {  	_ =	shalt  }
0x5e: {  	_ =	shalt  }
0x5f: {  	_ =	shalt  }
0x60: {  	_ =	shalt  }
0x61: {  	_ =	shalt  }
0x62: {  	_ =	shalt  }
0x63: {  	_ =	shalt  }
0x64: {  	_ =	shalt  }
0x65: {  	_ =	shalt  }
0x66: {  	_ =	shalt  }
0x67: {  	_ =	shalt  }
0x68: {  	_ =	shalt  }
0x69: {  	_ =	shalt  }
0x6a: {  	_ =	shalt  }
0x6b: {  	_ =	shalt  }
0x6c: {  	_ =	shalt  }
0x6d: {  	_ =	shalt  }
0x6e: {  	_ =	shalt  }
0x6f: {  	_ =	shalt  }
0x70: {  	_ =	shalt  }
0x71: {  	_ =	shalt  }
0x72: {  	_ =	shalt  }
0x73: {  	_ =	shalt  }
0x74: {  	_ =	shalt  }
0x75: {  	_ =	shalt  }
0x76: {  	_ =	shalt  }
0x77: {  	_ =	shalt  }
0x78: {  	_ =	shalt  }
0x79: {  	_ =	shalt  }
0x7a: {  	_ =	shalt  }
0x7b: {  	_ =	shalt  }
0x7c: {  	_ =	shalt  }
0x7d: {  	_ =	shalt  }
0x7e: {  	_ =	shalt  }
0x7f: {  	_ =	shalt  }
0x80: {  	_ =	shalt  }
0x81: {  	_ =	shalt  }
0x82: {  	_ =	shalt  }
0x83: {  	_ =	shalt  }
0x84: {  	_ =	shalt  }
0x85: {  	_ =	shalt  }
0x86: {  	_ =	shalt  }
0x87: {  	_ =	shalt  }
.Lfunc_end0:
.L_simem_size_0:
called_computation.2_lowered:
.L_overlay_start_0:
0x88: {  	s2 =	sld [smem:$0x3FD9]  }
0x89: {  	s3 =	sld [smem:$0x3FFE];
	_ =	sdelay $0x1  }
0x8a: {  	s1 =	srdreg.scid  }
0x8b: {  	s0 =	sand.u32 $0x1, s1  }
0x8c: {  	s16 =	sshll.u32 s0, $0xA;
	s2 =	sadd.s32 s3, s2  }
0x8d: {  	s2 =	sadd.s32 s2, s16  }
0x8e: {  	[smem:$0x3FBF] =	sst s2  }
0x8f: {  	_ = 	snop  }
0x90: {  	(tm) =	ssettm $0x1  }
0x91: {  	s17 =	sld [smem:$0x3FFB];
	_ =	sdelay $0x3  }
0x92: {  	_ =	strace s17  }
0x93: {  	s2 =	sld [smem:$0x3FFC];
	_ =	sdelay $0x3  }
0x94: {  	_ =	strace s2  }
0x95: {  	s2 =	sld [smem:$0x3FFD];
	_ =	sdelay $0x3  }
0x96: {  	_ =	strace s2  }
0x97: {  	_ =	strace $0x8FFFFFFF  }
0x98: {  	s18 =	sld [smem:$0x3FDB];
	_ =	sdelay $0x1  }
0x99: {  	s19 =	simm.s32 $_scs_section_size  }
0x9a: {  	s4 =	simm.s32 $_size__tile_overlayer_lowered;
	s5 =	simm.s32 $_tile_overlayer_lowered  }
0x9b: {  	s22 =	simm.s32 $0x1BFF;
	s21 =	sshll.u32 s5, $0x1;
	s2 =	sadd.s32 s19, s18  }
0x9c: {  	s6 =	simm.s32 $0x0;
	s20 =	sshll.u32 s4, $0x1;
	s4 =	sadd.s32 s21, s2  }
0x9d: {  	[timem:s6], [sflag:s22] =	dma.local [hbm:s4], s20  }
0x9e: {  	_ =	swait.ge [sflag:s22], s20  }
0x9f: {  	s3 =	ssub.s32 $0x0, s20;
	[sflag:s22] =	ssyncset.done $0x0  }
0xa0: {  	[sflag:s22] =	ssyncadd.s32 s3;
	_ =	sdelay $0x1  }
0xa1: {  	s23 =	simm.s32 $0x1B8B  }
0xa2: {  	_ =	swait.ge [sflag:s23], $0x1  }
0xa3: {  	[sflag:s23] =	ssyncset.done $0x0  }
0xa4: {  	s25 =	simm.s32 $0x1B8E;
	s24 =	sld [smem:$0x3FFE];
	[sflag:s23] =	ssyncadd.s32 $0xFFFFFFFF  }
0xa5: {  	s26 =	simm.s32 $execute0_lowered;
	[smem:$0x3FD2] =	sst s25  }
0xa6: {  	s4 =	sshll.u32 s26, $0x1;
	_ =	strace $0x8000004C;
	[dreg:$0x1] =	wrdreg $0xFFFFFFFF  }
0xa7: {  	s28 =	simm.s32 $_size_execute0_lowered;
	s2 =	sadd.s32 s2, s4;
	[dreg:$0x0] =	wrdreg $0x0  }
0xa8: {  	s4 =	sshll.u32 s28, $0x1;
	[dreg:$0x2] =	wrdreg s2  }
0xa9: {  	[dreg:$0x3] =	wrdreg s4  }
0xaa: {  	[dreg:$0x4] =	wrdreg $0xC0  }
0xab: {  	_ =	task [dreg:s6], $0x5FFFF  }
0xac: {  	[dreg:$0x1] =	wrdreg $0xFFFFFFFF  }
0xad: {  	[dreg:$0x0] =	wrdreg $0x60  }
0xae: {  	[dreg:$0x2] =	wrdreg s24  }
0xaf: {  	[dreg:$0x3] =	wrdreg $0x0  }
0xb0: {  	[dreg:$0x4] =	wrdreg $0x9  }
0xb1: {  	_ =	task.clear_ibuf [dreg:s6], $0x5FFFF;
	_ =	strace $0x9000004C  }
0xb2: {  	s29 =	simm.s32 $0x9;
	_ =	strace $0x8000004E  }
0xb3: {  	_ =	swait.ge [sflag:s29], $0x1  }
0xb4: {  	[sflag:s29] =	ssyncadd.s32 $0xFFFFFFFF  }
0xb5: {  	_ =	strace $0x9000004E  }
0xb6: {  	_ =	sfence  }
0xb7: {  	s30 =	sld [smem:$0x0];
	_ =	sdelay $0x2  }
0xb8: {  	s31 =	sshll.u32 s1, $0xD;
	s1 =	sshrl.u32 s1, $0x2  }
0xb9: {  	s3 =	sand.u32 $0x4000, s31;
	s1 =	sadd.s32 s1, s30  }
0xba: {  	s0 =	sor.u32 s3, s0;
	s1 =	sshll.u32 s1, $0x11  }
0xbb: {  	s0 =	sor.u32 s1, s0  }
0xbc: {  	s0 =	sadd.s32 $0x8F2B, s0  }
0xbd: {  	[sflag:s0] =	ssyncadd.remote.s32 $0x1  }
0xbe: {  	_ =	sfence.sel $0xFFFF  }
0xbf: {  	[dreg:$0x0] =	wrdreg $0xFFFFFFFF;
	(pc) =	sbr.abs _section_cstart, $3  }
0xc0: {  	[dreg:$0x1] =	wrdreg $0xFFFFFFFF  }
0xc1: {  	_ =	task.clear_ibuf [dreg:s6], $0x2FFFF;
	_ =	strace $0x9FFFFFFF  }
0xc2: {  	(tm) =	ssettm $0x7FFFFFFF  }
0xc3: {  	_ =	shalt  }
tec
execute0_lowered:
.L_overlay_start_1:
0x0: {  	(tag) =	ssettag $0x1  }
0x1: {  	s0 =	rddreg [dreg:$0x0]  }
0x2: {  	s2 =	rddreg [dreg:$0x1];
	s13 =	simm.s32 $0x0;
	s3 =	stileid.u32  }
0x3: {  	s4 =	srdreg.scid;
	s16 =	simm.s32 $0x2800;
	s17 =	simm.s32 $0x7700  }
0x4: {  	s18 =	simm.s32 $0x9;
	s19 =	simm.s32 $0x9F00;
	s29 =	simm.s32 $0xDF00  }
0x5: {  	s30 =	simm.s32 $0x1;
	s31 =	simm.s32 $0x5;
	s20 =	simm.s32 $0x3  }
0x6: {  	s28 =	simm.s32 $0x8;
	s15 =	simm.s32 $0x0;
	[smem:$0x7FF] =	sst s13  }
0x7: {  	s1 =	smul.u32 $0x50, s3;
	s6 =	sadd.s32 $0x2A00, s0;
	s7 =	sand.u32 $0x1, s4  }
0x8: {  	s8 =	sshll.u32 s3, $0x1;
	s9 =	smul.u32 $0x2800, s3;
	s4 =	sadd.s32 $0x1B400, s0  }
0x9: {  	_ =	strace $0x8000004D;
	s5 =	ssub.s32 $0x2, s7;
	s11 =	sor.u32 s7, s8  }
0xa: {  	p0 =	seq.s32 s7, $0x1;
	s1 =	sadd.s32 s1, s0;
	s10 =	sshrl.u32 s5, $0x1  }
0xb: {  	v10 =	vlaneseq.u32;
	s21 =	sshrl.u32 s9, $0x3;
	s22 =	smul.u32 $0x4E0, s11;
	s24 =	sshll.u32 s11, $0x4  }
0xc: {  	v0 =	vmul.u32 $0x280, v10;
	s12 =	ssub.s32 s5, s10;
	s23 =	sadd.s32 $0x16400, s1;
	s8 =	sadd.s32 s4, s21  }
0xd: {  	s10 =	sadd.s32 $0xC640, s0;
	s25 =	sor.u32 $0x9C00, s24;
	[dreg:$0x4] =	wrdreg s23  }
0xe: {  	v2 =	vor.u32 $0x1, v0;
	[tilespmem:$0x1FF80] =	vst v0;
	s0 =	simm.s32 $0x20400;
	s21 =	simm.s32 $0x80;
	[dreg:$0x5] =	wrdreg s8  }
0xf: {  	v3 =	vor.u32 $0x2, v0;
	s24 =	simm.s32 $0xCF00;
	[tilespmem:$0x1FF90] =	vst v2;
	s8 =	sadd.s32 s9, s2;
	[dreg:$0x3] =	wrdreg s22  }
0x10: {  	v4 =	vor.u32 $0x3, v0;
	[tilespmem:$0x1FFA0] =	vst v3;
	s5 =	sadd.s32 s6, s22;
	[dreg:$0x7] =	wrdreg s25;
	s26 =	smax.u32 s12, $0x1  }
0x11: {  	v5 =	vor.u32 $0x4, v0;
	[tilespmem:$0x1FFB0] =	vst v4;
	s0 =	simm.s32 @!p0 $0x25400;
	p0 =	sgt.u32 s3, $0x1;
	s22 =	simm.s32 $0xC700  }
0x12: {  	v6 =	vor.u32 $0x5, v0;
	[tilespmem:$0x1FFC0] =	vst v5;
	s23 =	simm.s32 $0x7;
	[dreg:$0x6] =	wrdreg s5;
	s5 =	sadd.s32 s6, s25  }
0x13: {  	v7 =	vor.u32 $0x6, v0;
	[tilespmem:$0x1FFD0] =	vst v6;
	[dreg:$0x9] =	wrdreg s26;
	s0 =	sadd.s32 s0, s1;
	s26 =	simm.s32 $0xD700  }
0x14: {  	v1 =	vimm.s32 $0x0;
	vm0 =	vcmask $0x300;
	v8 =	vor.u32 $0x7, v0;
	[tilespmem:$0x1FFE0] =	vst v7;
	s1 =	simm.s32 $0x6;
	s25 =	simm.s32 $0x4;
	[dreg:$0x8] =	wrdreg s5  }
0x15: {  	v9 =	vimm.f32 $0.0e+00;
	v1 =	vsel vm0, $0x3, v1;
	v10 =	vmul.u32 $0x10, v10;
	[tilespmem:$0x1FFF0] =	vst v8;
	[dreg:$0xa] =	wrdreg s0;
	s5 =	simm.s32 $0x280;
	s0 =	simm.s32 $0x2  }
.LBB2_1:
0x16: {  	s6 =	simm.s32 $0x1;
	s7 =	simm.s32 $0x2;
	s9 =	simm.s32 $0x3;
	v26 =	vmov s13  }
0x17: {  	s11 =	simm.s32 $0x4;
	s12 =	simm.s32 $0x5;
	s14 =	simm.s32 $0x7;
	v11 =	vmov s6;
	v12 =	vmov s7;
	v13 =	vmov s9  }
0x18: {  	s3 =	simm.s32 $0x8;
	v14 =	vmov s11;
	v15 =	vmov s12;
	v16 =	vmov s14  }
0x19: {  	v17 =	vmov s3;
	s7 =	simm.s32 $0xA;
	s9 =	simm.s32 $0xB;
	s14 =	simm.s32 $0xD;
	v26 =	vshrl.u32 v26, $0x3;
	v12 =	vshrl.u32 v12, $0x3  }
0x1a: {  	s11 =	simm.s32 $0xF;
	s3 =	simm.s32 $0xE;
	v18 =	vmov s7;
	v19 =	vmov s9;
	v20 =	vmov s14  }
0x1b: {  	s12 =	simm.s32 $0x9;
	v21 =	vmov s3;
	v22 =	vmov s11;
	v16 =	vshrl.u32 v16, $0x3  }
0x1c: {  	v23 =	vmov s12;
	v14 =	vshrl.u32 v14, $0x3;
	v26 =	vshll.u32 v26, v1  }
0x1d: {  	s11 =	simm.s32 $0x6;
	v13 =	vshrl.u32 v13, $0x3;
	v15 =	vshrl.u32 v15, $0x3;
	v17 =	vshrl.u32 v17, $0x3  }
0x1e: {  	s14 =	simm.s32 $0xC;
	v11 =	vshrl.u32 v11, $0x3;
	v21 =	vshrl.u32 v21, $0x3;
	v24 =	vmov s11  }
0x1f: {  	v14 =	vshll.u32 v14, v1;
	v25 =	vmov s14;
	v18 =	vshrl.u32 v18, $0x3  }
0x20: {  	v22 =	vshrl.u32 v22, $0x3;
	v23 =	vshrl.u32 v23, $0x3;
	v19 =	vshrl.u32 v19, $0x3  }
0x21: {  	v26 =	vbroadcast v26, $0x0;
	v21 =	vshll.u32 v21, v1;
	v14 =	vbroadcast v14, $0x0  }
0x22: {  	v16 =	vshll.u32 v16, v1;
	v18 =	vshll.u32 v18, v1;
	v21 =	vbroadcast v21, $0x0  }
0x23: {  	s3 =	rddreg [dreg:$0x4];
	v20 =	vshrl.u32 v20, $0x3;
	v18 =	vbroadcast v18, $0x0;
	v14 =	vadd.s32 v5, v14  }
0x24: {  	[tilespmem:s17], [sflag:$0x9] =	stream.strided.gather [hbm4b:s3+s5], $0x2800, s16, s5, $0x38;
	v12 =	vshll.u32 v12, v1;
	v13 =	vshll.u32 v13, v1;
	v21 =	vadd.s32 v7, v21;
	[tilespmem:$0xE700] =	vst v63  }
0x25: {  	v27 =	vshll.u32 v15, v1;
	v28 =	vshll.u32 v17, v1;
	_ =	swait.ge [sflag:s18], $0x2800;
	v18 =	vadd.s32 v3, v18  }
0x26: {  	v11 =	vshll.u32 v11, v1;
	v24 =	vshrl.u32 v24, $0x3;
	v16 =	vbroadcast v16, $0x0;
	[sflag:s18] =	ssyncset.done $0x0  }
0x27: {  	v20 =	vshll.u32 v20, v1;
	v24 =	vshll.u32 v24, v1;
	v26 =	vadd.s32 v0, v26;
	[sflag:s18] =	ssyncadd.s32 $0xFFFFD800  }
0x28: {  	v24 =	vbroadcast v24, $0x0;
	v15 =	vadd.s32 v8, v16;
	v16 =	vbroadcast v20, $0x0;
	v20 =	vld.idx.msk [tilespmem:v14+s17+$0x0], $0xffff  }
0x29: {  	v25 =	vshrl.u32 v25, $0x3;
	v19 =	vshll.u32 v19, v1;
	v12 =	vbroadcast v12, $0x0;
	v21 =	vld.idx.msk [tilespmem:v21+s17+$0x0], $0xffff  }
0x2a: {  	v13 =	vbroadcast v13, $0x0;
	v25 =	vshll.u32 v25, v1;
	v24 =	vadd.s32 v7, v24;
	v17 =	vld.idx.msk [tilespmem:v18+s17+$0x0], $0xffff  }
0x2b: {  	v14 =	vshll.u32 v22, v1;
	v18 =	vadd.s32 v6, v16;
	v16 =	vbroadcast v19, $0x0  }
0x2c: {  	s6 =	simm.s32 $0x9F80;
	v22 =	vbroadcast v14, $0x0;
	v19 =	vadd.s32 v3, v12;
	v12 =	vshll.u32 v23, v1  }
0x2d: {  	v13 =	vadd.s32 v4, v13;
	v14 =	vld.idx.msk [tilespmem:v26+s17+$0x0], $0xffff;
	v63 =	vbroadcast v12, $0x0;
	v16 =	vadd.s32 v4, v16;
	[tilespmem:s6+$0xFFFFFFC0] =	vst v20  }
0x2e: {  	v15 =	vld.idx.msk [tilespmem:v15+s17+$0x0], $0xffff;
	v12 =	vadd.s32 v8, v22;
	v22 =	vbroadcast v25, $0x0;
	[tilespmem:s6+$0x60] =	vst v21;
	v21 =	vbroadcast v27, $0x0  }
0x2f: {  	s7 =	simm.s32 $0x10;
	s9 =	simm.s32 $0xA080;
	v23 =	vbroadcast v28, $0x0;
	v20 =	vbroadcast v11, $0x0;
	v11 =	vadd.s32 v2, v63;
	[tilespmem:s6+$0x20] =	vst v17;
	v17 =	vld.idx.msk [tilespmem:v24+s17+$0x0], $0xffff  }
.LBB2_2:
0x30: {  	s12 =	sadd.s32 $0x1, s7;
	s13 =	sadd.s32 $0x2, s7;
	s14 =	sadd.s32 $0x3, s7;
	v21 =	vadd.s32 v6, v21;
	v22 =	vadd.s32 v5, v22;
	v18 =	vld.idx.msk [tilespmem:v18+s17+$0x0], $0xffff  }
0x31: {  	s5 =	sadd.s32 $0x9, s7;
	v24 =	vmov s12;
	v25 =	vmov s13;
	s12 =	sadd.s32 $0x4, s7;
	s13 =	sadd.s32 $0x5, s7;
	v19 =	vld.idx.msk [tilespmem:v19+s17+$0x0], $0xffff;
	v23 =	vadd.s32 v0, v23  }
0x32: {  	v26 =	vmov s14;
	s14 =	sadd.s32 $0xF, s7;
	v27 =	vmov s12;
	v28 =	vmov s13;
	s12 =	sadd.s32 $0x7, s7;
	s13 =	sadd.s32 $0x8, s7;
	[tilespmem:s6+$0xFFFFFF80] =	vst v14  }
0x33: {  	s11 =	sadd.s32 $0x6, s7;
	v20 =	vadd.s32 v2, v20;
	v14 =	vmov s12;
	v29 =	vmov s13;
	s12 =	sadd.s32 $0xA, s7;
	s13 =	sadd.s32 $0xB, s7;
	[tilespmem:s6+$0xFFFFFFF0] =	vst v15;
	v15 =	vld.idx.msk [tilespmem:v16+s17+$0x0], $0xffff  }
0x34: {  	s3 =	sadd.s32 $0xE, s7;
	v16 =	vshrl.u32 v25, $0x3;
	v25 =	vmov s12;
	v30 =	vmov s13;
	s12 =	sadd.s32 $0xC, s7;
	s13 =	sadd.s32 $0xD, s7;
	v13 =	vld.idx.msk [tilespmem:v13+s17+$0x0], $0xffff  }
0x35: {  	p1 =	slt.u32 s7, $0x270;
	v32 =	vmov s3;
	s3 =	smov.u32 s7;
	v33 =	vmov s14;
	s7 =	sadd.s32 $0x10, s7;
	v31 =	vmov s13;
	[tilespmem:s6+$0xFFFFFFE0] =	vst v17  }
0x36: {  	v32 =	vshrl.u32 v32, $0x3;
	v14 =	vshrl.u32 v14, $0x3;
	v17 =	vmov s5;
	[tilespmem:s6+$0x50] =	vst v18;
	v12 =	vld.idx.msk [tilespmem:v12+s17+$0x0], $0xffff  }
0x37: {  	v32 =	vshll.u32 v32, v1;
	v18 =	vshrl.u32 v27, $0x3;
	v27 =	vmov s11;
	[tilespmem:s6+$0xFFFFFFA0] =	vst v19;
	v19 =	vld.idx.msk [tilespmem:v23+s17+$0x0], $0xffff  }
0x38: {  	v32 =	vbroadcast v32, $0x0;
	v18 =	vshll.u32 v18, v1;
	v23 =	vmov s12;
	v22 =	vld.idx.msk [tilespmem:v22+s17+$0x0], $0xffff  }
0x39: {  	v33 =	vshrl.u32 v33, $0x3;
	v25 =	vshrl.u32 v25, $0x3;
	v18 =	vbroadcast v18, $0x0;
	v20 =	vld.idx.msk [tilespmem:v20+s17+$0x0], $0xffff;
	[tilespmem:s6+$0x30] =	vst v15  }
0x3a: {  	v23 =	vshrl.u32 v23, $0x3;
	v15 =	vshll.u32 v25, v1;
	v25 =	vadd.s32 v7, v32;
	[tilespmem:s6+$0xFFFFFFB0] =	vst v13;
	v13 =	vld.idx.msk [tilespmem:v21+s17+$0x0], $0xffff  }
0x3b: {  	v23 =	vshll.u32 v23, v1;
	v21 =	vmov s3;
	v18 =	vadd.s32 v5, v18;
	v11 =	vld.idx.msk [tilespmem:v11+s17+$0x0], $0xffff  }
0x3c: {  	v17 =	vshrl.u32 v17, $0x3;
	v15 =	vbroadcast v15, $0x0;
	v21 =	vshrl.u32 v21, $0x3;
	[tilespmem:s6+$0x70] =	vst v12  }
0x3d: {  	v12 =	vshll.u32 v21, v1;
	v21 =	vshrl.u32 v27, $0x3;
	v27 =	vshrl.u32 v30, $0x3;
	[tilespmem:s6+$0x0] =	vst v19  }
0x3e: {  	v15 =	vadd.s32 v3, v15;
	v12 =	vbroadcast v12, $0x0;
	v19 =	vshrl.u32 v26, $0x3;
	[tilespmem:s6+$0x40] =	vst v22  }
0x3f: {  	v14 =	vshll.u32 v14, v1;
	v21 =	vshll.u32 v21, v1;
	v22 =	vshrl.u32 v28, $0x3;
	v25 =	vld.idx.msk [tilespmem:v25+s17+$0x0], $0xffff;
	[tilespmem:s6+$0xFFFFFF90] =	vst v20  }
0x40: {  	v14 =	vbroadcast v14, $0x0;
	v12 =	vadd.s32 v0, v12;
	v20 =	vld.idx.msk [tilespmem:v18+s17+$0x0], $0xffff;
	v18 =	vbroadcast v21, $0x0;
	[tilespmem:s6+$0xFFFFFFD0] =	vst v13  }
0x41: {  	v26 =	vshrl.u32 v31, $0x3;
	v13 =	vshrl.u32 v29, $0x3;
	v21 =	vshll.u32 v27, v1;
	[tilespmem:s6+$0x10] =	vst v11;
	s6 =	smov.u32 s9  }
0x42: {  	v11 =	vshll.u32 v16, v1;
	v16 =	vshll.u32 v19, v1;
	v19 =	vshll.u32 v26, v1  }
0x43: {  	v22 =	vshll.u32 v22, v1;
	v26 =	vadd.s32 v8, v14;
	v14 =	vbroadcast v19, $0x0;
	v27 =	vld.idx.msk [tilespmem:v15+s17+$0x0], $0xffff  }
0x44: {  	v29 =	vshll.u32 v13, v1;
	v11 =	vbroadcast v11, $0x0;
	v28 =	vadd.s32 v7, v18  }
0x45: {  	v13 =	vbroadcast v16, $0x0;
	v15 =	vshll.u32 v33, v1;
	v18 =	vadd.s32 v6, v14;
	[tilespmem:s9+$0x60] =	vst v25  }
.Ltmp0:
0x46: {  	v24 =	vshrl.u32 v24, $0x3;
	v14 =	vld.idx.msk [tilespmem:v12+s17+$0x0], $0xffff;
	[tilespmem:s9+$0xFFFFFFC0] =	vst v20;
	v12 =	vbroadcast v21, $0x0;
	v20 =	vbroadcast v15, $0x0;
	(pc) =	sbr.rel @p1 .LBB2_2-.Ltmp0, $4  }
0x47: {  	v19 =	vadd.s32 v3, v11;
	v13 =	vadd.s32 v4, v13;
	v11 =	vshll.u32 v17, v1  }
0x48: {  	v11 =	vbroadcast v11, $0x0;
	v15 =	vld.idx.msk [tilespmem:v26+s17+$0x0], $0xffff;
	v16 =	vadd.s32 v4, v12;
	v12 =	vadd.s32 v8, v20  }
0x49: {  	v17 =	vshll.u32 v24, v1;
	v21 =	vbroadcast v22, $0x0;
	v22 =	vbroadcast v23, $0x0;
	[tilespmem:s9+$0x20] =	vst v27  }
0x4a: {  	v23 =	vbroadcast v29, $0x0;
	v11 =	vadd.s32 v2, v11;
	v20 =	vbroadcast v17, $0x0;
	s9 =	sadd.s32 $0x100, s9;
	v17 =	vld.idx.msk [tilespmem:v28+s17+$0x0], $0xffff  }
0x4b: {  	_ =	sdelay $0x3  }
0x4c: {  	v18 =	vld.idx.msk [tilespmem:v18+s17+$0x0], $0xffff  }
0x4d: {  	v22 =	vadd.s32 v5, v22;
	v19 =	vld.idx.msk [tilespmem:v19+s17+$0x0], $0xffff  }
0x4e: {  	[tilespmem:s6+$0xFFFFFF80] =	vst v14;
	v16 =	vld.idx.msk [tilespmem:v16+s17+$0x0], $0xffff;
	v60 =	vadd.s32 v6, v21  }
0x4f: {  	v13 =	vld.idx.msk [tilespmem:v13+s17+$0x0], $0xffff;
	v23 =	vadd.s32 v0, v23;
	[tilespmem:s6+$0xFFFFFFF0] =	vst v15  }
0x50: {  	v12 =	vld.idx.msk [tilespmem:v12+s17+$0x0], $0xffff;
	v59 =	vadd.s32 v2, v20;
	[tilespmem:s6+$0xFFFFFFE0] =	vst v17  }
0x51: {  	v11 =	vld.idx.msk [tilespmem:v11+s17+$0x0], $0xffff;
	[tilespmem:s6+$0x50] =	vst v18  }
0x52: {  	[tilespmem:s6+$0xFFFFFFA0] =	vst v19;
	v62 =	vld.idx.msk [tilespmem:v22+s17+$0x0], $0xffff  }
0x53: {  	[tilespmem:s6+$0x30] =	vst v16;
	v63 =	vld.idx.msk [tilespmem:v60+s17+$0x0], $0xffff  }
0x54: {  	[tilespmem:s6+$0xFFFFFFB0] =	vst v13;
	v61 =	vld.idx.msk [tilespmem:v23+s17+$0x0], $0xffff  }
0x55: {  	[tilespmem:s6+$0x70] =	vst v12;
	v14 =	vld.idx.msk [tilespmem:v59+s17+$0x0], $0xffff  }
0x56: {  	[tilespmem:s6+$0x10] =	vst v11  }
0x57: {  	[tilespmem:s6+$0x40] =	vst v62  }
0x58: {  	[tilespmem:s6+$0xFFFFFFD0] =	vst v63  }
0x59: {  	[tilespmem:s6+$0x0] =	vst v61  }
0x5a: {  	[tilespmem:s6+$0xFFFFFF90] =	vst v14  }
0x5b: {  	s13 =	simm.s32 $0x0;
	s3 =	rddreg [dreg:$0x5]  }
0x5c: {  	[hbm4b:s3+s13] =	stream.linear.scatter [tilespmem:s19], [sflag:$0x9], $0x2800, $0x38;
	[tilespmem:$0xE700] =	vst v63  }
0x5d: {  	_ =	swait.ge [sflag:s18], $0x2800  }
0x5e: {  	[sflag:s18] =	ssyncset.done $0x0  }
0x5f: {  	s6 =	simm.s32 $0x9F80;
	[sflag:s18] =	ssyncadd.s32 $0xFFFFD800  }
0x60: {  	[tilespmem:s6+$0xFFFFFF80] =	vst v9  }
0x61: {  	[tilespmem:s6+$0x70] =	vst v9  }
0x62: {  	[tilespmem:s6+$0x60] =	vst v9  }
0x63: {  	[tilespmem:s6+$0x50] =	vst v9  }
0x64: {  	[tilespmem:s6+$0x40] =	vst v9  }
0x65: {  	[tilespmem:s6+$0x30] =	vst v9  }
0x66: {  	[tilespmem:s6+$0x20] =	vst v9  }
0x67: {  	[tilespmem:s6+$0x10] =	vst v9  }
0x68: {  	[tilespmem:s6+$0x0] =	vst v9  }
0x69: {  	[tilespmem:s6+$0xFFFFFFF0] =	vst v9  }
0x6a: {  	[tilespmem:s6+$0xFFFFFFE0] =	vst v9  }
0x6b: {  	[tilespmem:s6+$0xFFFFFFD0] =	vst v9  }
0x6c: {  	[tilespmem:s6+$0xFFFFFFC0] =	vst v9  }
0x6d: {  	[tilespmem:s6+$0xFFFFFFB0] =	vst v9  }
0x6e: {  	s7 =	simm.s32 $0x0;
	[tilespmem:s6+$0xFFFFFFA0] =	vst v9  }
.LBB2_4:
0x6f: {  	s7 =	sadd.s32 $0x10, s7;
	[tilespmem:s6+$0xFFFFFF90] =	vst v9;
	s6 =	sadd.s32 $0x100, s6  }
0x70: {  	[tilespmem:s6+$0xFFFFFF80] =	vst v9;
	p1 =	slt.u32 s7, $0x270  }
0x71: {  	[tilespmem:s6+$0x70] =	vst v9  }
0x72: {  	[tilespmem:s6+$0x60] =	vst v9  }
0x73: {  	[tilespmem:s6+$0x50] =	vst v9  }
0x74: {  	[tilespmem:s6+$0x40] =	vst v9  }
0x75: {  	[tilespmem:s6+$0x30] =	vst v9  }
0x76: {  	[tilespmem:s6+$0x20] =	vst v9  }
0x77: {  	[tilespmem:s6+$0x10] =	vst v9  }
0x78: {  	[tilespmem:s6+$0x0] =	vst v9  }
0x79: {  	[tilespmem:s6+$0xFFFFFFF0] =	vst v9  }
.Ltmp1:
0x7a: {  	[tilespmem:s6+$0xFFFFFFE0] =	vst v9;
	(pc) =	sbr.rel @p1 .LBB2_4-.Ltmp1, $4  }
0x7b: {  	[tilespmem:s6+$0xFFFFFFD0] =	vst v9  }
0x7c: {  	[tilespmem:s6+$0xFFFFFFC0] =	vst v9  }
0x7d: {  	[tilespmem:s6+$0xFFFFFFB0] =	vst v9  }
0x7e: {  	[tilespmem:s6+$0xFFFFFFA0] =	vst v9  }
0x7f: {  	[tilespmem:s6+$0xFFFFFF90] =	vst v9  }
0x80: {  	[spmem:s8] =	stream.linear.scatter [tilespmem:s19], [sflag:$0x9], $0x2800, $0x38;
	[tilespmem:$0xE700] =	vst v63  }
0x81: {  	_ =	swait.ge [sflag:s18], $0x2800  }
0x82: {  	[sflag:s18] =	ssyncset.done $0x0  }
0x83: {  	s3 =	rddreg [dreg:$0x6];
	[sflag:s18] =	ssyncadd.s32 $0xFFFFD800  }
0x84: {  	[tilespmem:s16], [sflag:$0x9] =	stream.linear.gather [hbm4b:s3+s13], $0x2700, $0x38;
	[tilespmem:$0xE700] =	vst v63  }
0x85: {  	_ =	swait.ge [sflag:s18], $0x2700  }
0x86: {  	[sflag:s18] =	ssyncset.done $0x0;
	s9 =	rddreg [dreg:$0x3]  }
0x87: {  	s5 =	simm.s32 $0x4F80;
	[sflag:s18] =	ssyncadd.s32 $0xFFFFD900;
	s3 =	sadd.s32 s9, s10  }
0x88: {  	[tilespmem:s5], [sflag:$0x9] =	stream.linear.gather [hbm4b:s3+s13], $0x2700, $0x38;
	[tilespmem:$0xE700] =	vst v63  }
0x89: {  	_ =	swait.ge [sflag:s18], $0x2700  }
0x8a: {  	s3 =	simm.s32 @!p0 $0x0;
	[sflag:s18] =	ssyncset.done $0x0  }
0x8b: {  	s5 =	simm.s32 @!p0 $0x4F00;
	s6 =	rddreg [dreg:$0x8];
	[sflag:s18] =	ssyncadd.s32 $0xFFFFD900  }
0x8c: {  	[tilespmem:s5], [sflag:$0x9] =	stream.linear.gather @!p0 [hbm4b:s6+s3], $0x80, $0x38;
	[tilespmem:$0xE700] =	vst v63  }
0x8d: {  	s5 =	simm.s32 @!p0 $0x9  }
0x8e: {  	_ =	swait.ge @!p0 [sflag:s5], $0x80  }
0x8f: {  	[sflag:s5] =	ssyncset.done @!p0 $0x0;
	s6 =	rddreg [dreg:$0x7]  }
0x90: {  	s7 =	simm.s32 @!p0 $0x7680;
	[sflag:s5] =	ssyncadd.s32 @!p0 $0xFFFFFF80;
	s6 =	sadd.s32 @!p0 s6, s10  }
0x91: {  	[tilespmem:s7], [sflag:$0x9] =	stream.linear.gather @!p0 [hbm4b:s6+s3], $0x80, $0x38;
	[tilespmem:$0xE700] =	vst v63  }
0x92: {  	_ =	swait.ge @!p0 [sflag:s5], $0x80  }
0x93: {  	[sflag:s5] =	ssyncset.done @!p0 $0x0  }
0x94: {  	[sflag:s5] =	ssyncadd.s32 @!p0 $0xFFFFFF80  }
0x95: {  	[bflag:$0x0] =	sbarrier.arrive $0xFFFF  }
0x96: {  	[tilespmem:s22], [sflag:$0x1] =	stream.indirect.gather [hbm4b:s4+s21], $0x10, s16, s21, $0xb8;
	[tilespmem:$0xE700] =	vst v63  }
0x97: {  	s11 =	simm.s32 $0x2880  }
0x98: {  	[tilespmem:s24], [sflag:$0x2] =	stream.indirect.gather [hbm4b:s4+s21], $0x10, s11, s21, $0xb8;
	[tilespmem:$0xE700] =	vst v63  }
0x99: {  	s12 =	simm.s32 $0x2900  }
0x9a: {  	[tilespmem:s26], [sflag:$0x3] =	stream.indirect.gather [hbm4b:s4+s21], $0x10, s12, s21, $0xb8;
	[tilespmem:$0xE700] =	vst v63  }
0x9b: {  	s14 =	simm.s32 $0x2980  }
0x9c: {  	[tilespmem:s29], [sflag:$0x4] =	stream.indirect.gather [hbm4b:s4+s21], $0x10, s14, s21, $0xb8;
	[tilespmem:$0xE700] =	vst v63  }
0x9d: {  	_ =	swait.ge [sflag:s30], $0x800  }
0x9e: {  	[sflag:s30] =	ssyncset.done $0x0  }
0x9f: {  	s5 =	simm.s32 $0x4F80;
	[sflag:s30] =	ssyncadd.s32 $0xFFFFF800  }
0xa0: {  	[spmem:s2] =	stream.indirect.scatter.add.f32 [tilespmem:s22], [sflag:$0x5], $0x10, s5, s21, $0xb8;
	[tilespmem:$0xE700] =	vst v63  }
0xa1: {  	_ =	swait.ge [sflag:s31], $0x800  }
0xa2: {  	[sflag:s31] =	ssyncset.done $0x0  }
0xa3: {  	s6 =	simm.s32 $0x2A00;
	[sflag:s31] =	ssyncadd.s32 $0xFFFFF800  }
0xa4: {  	[tilespmem:s22], [sflag:$0x1] =	stream.indirect.gather [hbm4b:s4+s21], $0x10, s6, s21, $0xb8;
	[tilespmem:$0xE700] =	vst v63  }
0xa5: {  	_ =	swait.ge [sflag:s0], $0x800  }
0xa6: {  	[sflag:s0] =	ssyncset.done $0x0  }
0xa7: {  	s7 =	simm.s32 $0x5000;
	[sflag:s0] =	ssyncadd.s32 $0xFFFFF800  }
0xa8: {  	[spmem:s2] =	stream.indirect.scatter.add.f32 [tilespmem:s24], [sflag:$0x6], $0x10, s7, s21, $0xb8;
	[tilespmem:$0xE700] =	vst v63  }
0xa9: {  	_ =	swait.ge [sflag:s1], $0x800  }
0xaa: {  	[sflag:s1] =	ssyncset.done $0x0  }
0xab: {  	s9 =	simm.s32 $0x2A80;
	[sflag:s1] =	ssyncadd.s32 $0xFFFFF800  }
0xac: {  	[tilespmem:s24], [sflag:$0x2] =	stream.indirect.gather [hbm4b:s4+s21], $0x10, s9, s21, $0xb8;
	[tilespmem:$0xE700] =	vst v63  }
0xad: {  	_ =	swait.ge [sflag:s20], $0x800  }
0xae: {  	[sflag:s20] =	ssyncset.done $0x0  }
0xaf: {  	s11 =	simm.s32 $0x5080;
	[sflag:s20] =	ssyncadd.s32 $0xFFFFF800  }
0xb0: {  	[spmem:s2] =	stream.indirect.scatter.add.f32 [tilespmem:s26], [sflag:$0x7], $0x10, s11, s21, $0xb8;
	[tilespmem:$0xE700] =	vst v63  }
0xb1: {  	_ =	swait.ge [sflag:s23], $0x800  }
0xb2: {  	[sflag:s23] =	ssyncset.done $0x0  }
0xb3: {  	s12 =	simm.s32 $0x2B00;
	[sflag:s23] =	ssyncadd.s32 $0xFFFFF800  }
0xb4: {  	[tilespmem:s26], [sflag:$0x3] =	stream.indirect.gather [hbm4b:s4+s21], $0x10, s12, s21, $0xb8;
	[tilespmem:$0xE700] =	vst v63  }
0xb5: {  	_ =	swait.ge [sflag:s25], $0x800  }
0xb6: {  	[sflag:s25] =	ssyncset.done $0x0  }
0xb7: {  	s14 =	simm.s32 $0x5100;
	[sflag:s25] =	ssyncadd.s32 $0xFFFFF800  }
0xb8: {  	[spmem:s2] =	stream.indirect.scatter.add.f32 [tilespmem:s29], [sflag:$0x8], $0x10, s14, s21, $0xb8;
	[tilespmem:$0xE700] =	vst v63  }
0xb9: {  	_ =	swait.ge [sflag:s28], $0x800  }
0xba: {  	[sflag:s28] =	ssyncset.done $0x0  }
0xbb: {  	s6 =	simm.s32 $0x800;
	s7 =	simm.s32 $0x2B80;
	[sflag:s28] =	ssyncadd.s32 $0xFFFFF800  }
.LBB2_6:
0xbc: {  	[tilespmem:s29], [sflag:$0x4] =	stream.indirect.gather [hbm4b:s4+s21], $0x10, s7, s21, $0xb8;
	[tilespmem:$0xE700] =	vst v63  }
0xbd: {  	s3 =	smov.u32 s6  }
0xbe: {  	p1 =	sne.s32 s6, $0x8800;
	s6 =	sadd.s32 $0x800, s6;
	_ =	swait.ge [sflag:s30], $0x800  }
0xbf: {  	s7 =	sshra.s32 s3, $0x2;
	[sflag:s30] =	ssyncset.done $0x0  }
0xc0: {  	s3 =	sadd.s32 $0x4F80, s7;
	[sflag:s30] =	ssyncadd.s32 $0xFFFFF800  }
0xc1: {  	[spmem:s2] =	stream.indirect.scatter.add.f32 [tilespmem:s22], [sflag:$0x5], $0x10, s3, s21, $0xb8;
	[tilespmem:$0xE700] =	vst v63  }
0xc2: {  	_ =	swait.ge [sflag:s31], $0x800  }
0xc3: {  	[sflag:s31] =	ssyncset.done $0x0  }
0xc4: {  	s3 =	sadd.s32 $0x2A00, s7;
	[sflag:s31] =	ssyncadd.s32 $0xFFFFF800  }
0xc5: {  	[tilespmem:s22], [sflag:$0x1] =	stream.indirect.gather [hbm4b:s4+s21], $0x10, s3, s21, $0xb8;
	[tilespmem:$0xE700] =	vst v63  }
0xc6: {  	_ =	swait.ge [sflag:s0], $0x800  }
0xc7: {  	[sflag:s0] =	ssyncset.done $0x0  }
0xc8: {  	s3 =	sadd.s32 $0x5000, s7;
	[sflag:s0] =	ssyncadd.s32 $0xFFFFF800  }
0xc9: {  	[spmem:s2] =	stream.indirect.scatter.add.f32 [tilespmem:s24], [sflag:$0x6], $0x10, s3, s21, $0xb8;
	[tilespmem:$0xE700] =	vst v63  }
0xca: {  	_ =	swait.ge [sflag:s1], $0x800  }
0xcb: {  	[sflag:s1] =	ssyncset.done $0x0  }
0xcc: {  	s3 =	sadd.s32 $0x2A80, s7;
	[sflag:s1] =	ssyncadd.s32 $0xFFFFF800  }
0xcd: {  	[tilespmem:s24], [sflag:$0x2] =	stream.indirect.gather [hbm4b:s4+s21], $0x10, s3, s21, $0xb8;
	[tilespmem:$0xE700] =	vst v63  }
0xce: {  	_ =	swait.ge [sflag:s20], $0x800  }
0xcf: {  	[sflag:s20] =	ssyncset.done $0x0  }
0xd0: {  	s3 =	sadd.s32 $0x5080, s7;
	[sflag:s20] =	ssyncadd.s32 $0xFFFFF800  }
0xd1: {  	[spmem:s2] =	stream.indirect.scatter.add.f32 [tilespmem:s26], [sflag:$0x7], $0x10, s3, s21, $0xb8;
	[tilespmem:$0xE700] =	vst v63  }
0xd2: {  	_ =	swait.ge [sflag:s23], $0x800  }
0xd3: {  	[sflag:s23] =	ssyncset.done $0x0  }
0xd4: {  	s3 =	sadd.s32 $0x2B00, s7;
	[sflag:s23] =	ssyncadd.s32 $0xFFFFF800  }
0xd5: {  	[tilespmem:s26], [sflag:$0x3] =	stream.indirect.gather [hbm4b:s4+s21], $0x10, s3, s21, $0xb8;
	[tilespmem:$0xE700] =	vst v63  }
0xd6: {  	_ =	swait.ge [sflag:s25], $0x800  }
0xd7: {  	[sflag:s25] =	ssyncset.done $0x0  }
.Ltmp2:
0xd8: {  	s3 =	sadd.s32 $0x5100, s7;
	[sflag:s25] =	ssyncadd.s32 $0xFFFFF800;
	(pc) =	sbr.rel @p1 .LBB2_6-.Ltmp2, $4  }
0xd9: {  	[spmem:s2] =	stream.indirect.scatter.add.f32 [tilespmem:s29], [sflag:$0x8], $0x10, s3, s21, $0xb8;
	[tilespmem:$0xE700] =	vst v63  }
0xda: {  	_ =	swait.ge [sflag:s28], $0x800  }
0xdb: {  	[sflag:s28] =	ssyncset.done $0x0  }
0xdc: {  	s7 =	sadd.s32 $0x2B80, s7;
	[sflag:s28] =	ssyncadd.s32 $0xFFFFF800  }
0xdd: {  	[tilespmem:s29], [sflag:$0x4] =	stream.indirect.gather [hbm4b:s4+s21], $0x10, s7, s21, $0xb8;
	[tilespmem:$0xE700] =	vst v63  }
0xde: {  	_ =	swait.ge [sflag:s30], $0x800  }
0xdf: {  	[sflag:s30] =	ssyncset.done $0x0  }
0xe0: {  	s3 =	simm.s32 $0x7380;
	[sflag:s30] =	ssyncadd.s32 $0xFFFFF800  }
0xe1: {  	[spmem:s2] =	stream.indirect.scatter.add.f32 [tilespmem:s22], [sflag:$0x5], $0x10, s3, s21, $0xb8;
	[tilespmem:$0xE700] =	vst v63  }
0xe2: {  	_ =	swait.ge [sflag:s31], $0x800  }
0xe3: {  	[sflag:s31] =	ssyncset.done $0x0  }
0xe4: {  	s12 =	simm.s32 $0x4E00;
	[sflag:s31] =	ssyncadd.s32 $0xFFFFF800  }
0xe5: {  	[tilespmem:s22], [sflag:$0x1] =	stream.indirect.gather [hbm4b:s4+s21], $0x10, s12, s21, $0xb8;
	[tilespmem:$0xE700] =	vst v63  }
0xe6: {  	_ =	swait.ge [sflag:s0], $0x800  }
0xe7: {  	[sflag:s0] =	ssyncset.done $0x0  }
0xe8: {  	s14 =	simm.s32 $0x7400;
	[sflag:s0] =	ssyncadd.s32 $0xFFFFF800  }
0xe9: {  	[spmem:s2] =	stream.indirect.scatter.add.f32 [tilespmem:s24], [sflag:$0x6], $0x10, s14, s21, $0xb8;
	[tilespmem:$0xE700] =	vst v63  }
0xea: {  	_ =	swait.ge [sflag:s1], $0x800  }
0xeb: {  	[sflag:s1] =	ssyncset.done $0x0  }
0xec: {  	s5 =	simm.s32 $0x4E80;
	[sflag:s1] =	ssyncadd.s32 $0xFFFFF800  }
0xed: {  	[tilespmem:s24], [sflag:$0x2] =	stream.indirect.gather [hbm4b:s4+s21], $0x10, s5, s21, $0xb8;
	[tilespmem:$0xE700] =	vst v63  }
0xee: {  	_ =	swait.ge [sflag:s20], $0x800  }
0xef: {  	[sflag:s20] =	ssyncset.done $0x0  }
0xf0: {  	s6 =	simm.s32 $0x7480;
	s3 =	simm.s32 @!p0 $0x7;
	[sflag:s20] =	ssyncadd.s32 $0xFFFFF800  }
0xf1: {  	[spmem:s2] =	stream.indirect.scatter.add.f32 [tilespmem:s26], [sflag:$0x7], $0x10, s6, s21, $0xb8;
	[tilespmem:$0xE700] =	vst v63  }
0xf2: {  	_ =	swait.ge @!p0 [sflag:s3], $0x800  }
0xf3: {  	s5 =	simm.s32 @!p0 $0x4F00;
	[sflag:s3] =	ssyncset.done @!p0 $0x0  }
0xf4: {  	s6 =	simm.s32 @!p0 $0xD700;
	[sflag:s3] =	ssyncadd.s32 @!p0 $0xFFFFF800;
	s3 =	simm.s32 @!p0 $0x80  }
0xf5: {  	[tilespmem:s6], [sflag:$0x3] =	stream.indirect.gather @!p0 [hbm4b:s4+s3], $0x10, s5, s3, $0xb8;
	[tilespmem:$0xE700] =	vst v63  }
0xf6: {  	_ =	swait.ge [sflag:s25], $0x800  }
0xf7: {  	[sflag:s25] =	ssyncset.done $0x0  }
0xf8: {  	s7 =	simm.s32 $0x7500;
	[sflag:s25] =	ssyncadd.s32 $0xFFFFF800  }
0xf9: {  	[spmem:s2] =	stream.indirect.scatter.add.f32 [tilespmem:s29], [sflag:$0x8], $0x10, s7, s21, $0xb8;
	[tilespmem:$0xE700] =	vst v63  }
0xfa: {  	_ =	swait.ge [sflag:s30], $0x800  }
0xfb: {  	[sflag:s30] =	ssyncset.done $0x0  }
0xfc: {  	s9 =	simm.s32 $0x7580;
	[sflag:s30] =	ssyncadd.s32 $0xFFFFF800  }
0xfd: {  	[spmem:s2] =	stream.indirect.scatter.add.f32 [tilespmem:s22], [sflag:$0x5], $0x10, s9, s21, $0xb8;
	[tilespmem:$0xE700] =	vst v63  }
0xfe: {  	_ =	swait.ge [sflag:s0], $0x800  }
0xff: {  	[sflag:s0] =	ssyncset.done $0x0  }
0x100: {  	s11 =	simm.s32 $0x7600;
	s5 =	simm.s32 @!p0 $0x3;
	[sflag:s0] =	ssyncadd.s32 $0xFFFFF800  }
0x101: {  	[spmem:s2] =	stream.indirect.scatter.add.f32 [tilespmem:s24], [sflag:$0x6], $0x10, s11, s21, $0xb8;
	[tilespmem:$0xE700] =	vst v63  }
0x102: {  	_ =	swait.ge @!p0 [sflag:s5], $0x800  }
0x103: {  	[sflag:s5] =	ssyncset.done @!p0 $0x0  }
0x104: {  	[sflag:s5] =	ssyncadd.s32 @!p0 $0xFFFFF800;
	s5 =	simm.s32 @!p0 $0x7680  }
0x105: {  	[spmem:s2] =	stream.indirect.scatter.add.f32 @!p0 [tilespmem:s6], [sflag:$0x7], $0x10, s5, s3, $0xb8;
	[tilespmem:$0xE700] =	vst v63  }
0x106: {  	_ =	swait.ge [sflag:s31], $0x800  }
0x107: {  	[sflag:s31] =	ssyncset.done $0x0  }
0x108: {  	[sflag:s31] =	ssyncadd.s32 $0xFFFFF800  }
0x109: {  	_ =	swait.ge [sflag:s1], $0x800  }
0x10a: {  	[sflag:s1] =	ssyncset.done $0x0  }
0x10b: {  	[sflag:s1] =	ssyncadd.s32 $0xFFFFF800  }
0x10c: {  	_ =	swait.ge [sflag:s23], $0x800  }
0x10d: {  	[sflag:s23] =	ssyncset.done $0x0  }
0x10e: {  	[sflag:s23] =	ssyncadd.s32 $0xFFFFF800  }
0x10f: {  	s12 =	simm.s32 $0x30;
	_ =	swait.ge [sflag:s28], $0x800  }
0x110: {  	v11 =	vmov s12;
	s14 =	simm.s32 $0x10;
	[sflag:s28] =	ssyncset.done $0x0  }
0x111: {  	v11 =	vshll.u32 v11, $0x4;
	v12 =	vmov s14;
	[sflag:s28] =	ssyncadd.s32 $0xFFFFF800  }
0x112: {  	v15 =	vor.u32 v10, v11;
	v12 =	vshll.u32 v12, $0x4;
	s6 =	simm.s32 $0x20;
	[bflag:$0x0] =	sbarrier.arrive $0xFFFF  }
0x113: {  	v12 =	vor.u32 v10, v12;
	[tilespmem:s19], [sflag:$0x9] =	stream.linear.gather [spmem:s8], $0x2800, $0x38;
	[tilespmem:$0xE700] =	vst v63  }
0x114: {  	s7 =	simm.s32 $0x0;
	v11 =	vmov s6;
	_ =	swait.ge [sflag:s18], $0x2800  }
0x115: {  	v13 =	vmov s7;
	v11 =	vshll.u32 v11, $0x4;
	[sflag:s18] =	ssyncset.done $0x0  }
0x116: {  	v13 =	vshll.u32 v13, $0x4;
	v14 =	vor.u32 v10, v11;
	[sflag:s18] =	ssyncadd.s32 $0xFFFFD800  }
0x117: {  	v13 =	vor.u32 v10, v13;
	v11 =	vld.idx.msk [tilespmem:v15+s19+$0x0], $0xffff  }
0x118: {  	v17 =	vor.u32 $0x1, v15;
	v16 =	vld.idx.msk [tilespmem:v12+s19+$0x0], $0xffff  }
0x119: {  	v18 =	vor.u32 $0x1, v12;
	_ =	sdelay $0x1  }
0x11a: {  	s6 =	simm.s32 $0x8B00;
	v19 =	vld.idx.msk [tilespmem:v14+s19+$0x0], $0xffff  }
0x11b: {  	v20 =	vor.u32 $0x1, v14;
	v21 =	vld.idx.msk [tilespmem:v13+s19+$0x0], $0xffff;
	[tilespmem:s6+$0xFFFFEC30] =	vst v11  }
0x11c: {  	v11 =	vor.u32 $0x1, v13;
	[tilespmem:s6+$0xFFFFEC10] =	vst v16;
	v56 =	vld.idx.msk [tilespmem:v17+s19+$0x0], $0xffff  }
0x11d: {  	v58 =	vor.u32 $0x2, v15;
	v57 =	vld.idx.msk [tilespmem:v18+s19+$0x0], $0xffff  }
0x11e: {  	v22 =	vor.u32 $0x2, v12  }
0x11f: {  	[tilespmem:s6+$0xFFFFEC20] =	vst v19  }
0x120: {  	[tilespmem:s6+$0xFFFFEC00] =	vst v21;
	v19 =	vld.idx.msk [tilespmem:v20+s19+$0x0], $0xffff  }
0x121: {  	v20 =	vor.u32 $0x2, v14;
	v11 =	vld.idx.msk [tilespmem:v11+s19+$0x0], $0xffff;
	[tilespmem:s6+$0xFFFFEEB0] =	vst v56  }
0x122: {  	v59 =	vor.u32 $0x2, v13;
	[tilespmem:s6+$0xFFFFEE90] =	vst v57;
	v60 =	vld.idx.msk [tilespmem:v58+s19+$0x0], $0xffff  }
0x123: {  	v21 =	vor.u32 $0x3, v15;
	v61 =	vld.idx.msk [tilespmem:v22+s19+$0x0], $0xffff  }
0x124: {  	v22 =	vor.u32 $0x3, v12  }
0x125: {  	[tilespmem:s6+$0xFFFFEEA0] =	vst v19  }
0x126: {  	[tilespmem:s6+$0xFFFFEE80] =	vst v11;
	v11 =	vld.idx.msk [tilespmem:v20+s19+$0x0], $0xffff  }
0x127: {  	v62 =	vor.u32 $0x3, v14;
	v16 =	vld.idx.msk [tilespmem:v59+s19+$0x0], $0xffff;
	[tilespmem:s6+$0xFFFFF130] =	vst v60  }
0x128: {  	v63 =	vor.u32 $0x3, v13;
	[tilespmem:s6+$0xFFFFF110] =	vst v61;
	v32 =	vld.idx.msk [tilespmem:v21+s19+$0x0], $0xffff  }
0x129: {  	v20 =	vld.idx.msk [tilespmem:v22+s19+$0x0], $0xffff;
	v21 =	vor.u32 $0x4, v15  }
0x12a: {  	v22 =	vor.u32 $0x4, v12  }
0x12b: {  	[tilespmem:s6+$0xFFFFF120] =	vst v11  }
0x12c: {  	[tilespmem:s6+$0xFFFFF100] =	vst v16;
	v11 =	vld.idx.msk [tilespmem:v62+s19+$0x0], $0xffff  }
0x12d: {  	v33 =	vor.u32 $0x4, v14;
	v17 =	vld.idx.msk [tilespmem:v63+s19+$0x0], $0xffff;
	[tilespmem:s6+$0xFFFFF3B0] =	vst v32  }
0x12e: {  	v34 =	vor.u32 $0x4, v13;
	[tilespmem:s6+$0xFFFFF390] =	vst v20;
	v35 =	vld.idx.msk [tilespmem:v21+s19+$0x0], $0xffff  }
0x12f: {  	v20 =	vld.idx.msk [tilespmem:v22+s19+$0x0], $0xffff;
	v21 =	vor.u32 $0x5, v15  }
0x130: {  	v22 =	vor.u32 $0x5, v12  }
0x131: {  	[tilespmem:s6+$0xFFFFF3A0] =	vst v11  }
0x132: {  	[tilespmem:s6+$0xFFFFF380] =	vst v17;
	v11 =	vld.idx.msk [tilespmem:v33+s19+$0x0], $0xffff  }
0x133: {  	v36 =	vor.u32 $0x5, v14;
	v17 =	vld.idx.msk [tilespmem:v34+s19+$0x0], $0xffff;
	[tilespmem:s6+$0xFFFFF630] =	vst v35  }
0x134: {  	v37 =	vor.u32 $0x5, v13;
	[tilespmem:s6+$0xFFFFF610] =	vst v20;
	v19 =	vld.idx.msk [tilespmem:v21+s19+$0x0], $0xffff  }
0x135: {  	v20 =	vld.idx.msk [tilespmem:v22+s19+$0x0], $0xffff;
	v21 =	vor.u32 $0x6, v15  }
0x136: {  	v22 =	vor.u32 $0x6, v12  }
0x137: {  	[tilespmem:s6+$0xFFFFF620] =	vst v11  }
0x138: {  	[tilespmem:s6+$0xFFFFF600] =	vst v17;
	v11 =	vld.idx.msk [tilespmem:v36+s19+$0x0], $0xffff  }
0x139: {  	v38 =	vor.u32 $0x6, v14;
	v17 =	vld.idx.msk [tilespmem:v37+s19+$0x0], $0xffff;
	[tilespmem:s6+$0xFFFFF8B0] =	vst v19  }
0x13a: {  	v39 =	vor.u32 $0x6, v13;
	[tilespmem:s6+$0xFFFFF890] =	vst v20;
	v19 =	vld.idx.msk [tilespmem:v21+s19+$0x0], $0xffff  }
0x13b: {  	s11 =	simm.s32 $0x50;
	v20 =	vld.idx.msk [tilespmem:v22+s19+$0x0], $0xffff;
	v21 =	vor.u32 $0x7, v15  }
0x13c: {  	v24 =	vmov s11;
	v22 =	vor.u32 $0x7, v12  }
0x13d: {  	v24 =	vshll.u32 v24, $0x4;
	[tilespmem:s6+$0xFFFFF8A0] =	vst v11  }
0x13e: {  	v34 =	vor.u32 v10, v24;
	[tilespmem:s6+$0xFFFFF880] =	vst v17;
	v11 =	vld.idx.msk [tilespmem:v38+s19+$0x0], $0xffff  }
0x13f: {  	v40 =	vor.u32 $0x7, v14;
	v17 =	vld.idx.msk [tilespmem:v39+s19+$0x0], $0xffff;
	[tilespmem:s6+$0xFFFFFB30] =	vst v19  }
0x140: {  	s12 =	simm.s32 $0x60;
	v41 =	vor.u32 $0x7, v13;
	[tilespmem:s6+$0xFFFFFB10] =	vst v20;
	v19 =	vld.idx.msk [tilespmem:v21+s19+$0x0], $0xffff  }
0x141: {  	v25 =	vmov s12;
	v20 =	vld.idx.msk [tilespmem:v22+s19+$0x0], $0xffff;
	v21 =	vor.u32 $0x8, v15  }
0x142: {  	v44 =	vshll.u32 v25, $0x4;
	v22 =	vor.u32 $0x8, v12  }
0x143: {  	v35 =	vor.u32 v10, v44;
	v24 =	vld.idx.msk [tilespmem:v34+s19+$0x0], $0xffff;
	[tilespmem:s6+$0xFFFFFB20] =	vst v11  }
0x144: {  	v26 =	vor.u32 $0x1, v34;
	[tilespmem:s6+$0xFFFFFB00] =	vst v17;
	v11 =	vld.idx.msk [tilespmem:v40+s19+$0x0], $0xffff  }
0x145: {  	v42 =	vor.u32 $0x8, v14;
	v17 =	vld.idx.msk [tilespmem:v41+s19+$0x0], $0xffff;
	[tilespmem:s6+$0xFFFFFDB0] =	vst v19  }
0x146: {  	v43 =	vor.u32 $0x8, v13;
	s9 =	simm.s32 $0x70;
	[tilespmem:s6+$0xFFFFFD90] =	vst v20;
	v19 =	vld.idx.msk [tilespmem:v21+s19+$0x0], $0xffff  }
0x147: {  	s7 =	simm.s32 $0x8B40;
	v20 =	vld.idx.msk [tilespmem:v22+s19+$0x0], $0xffff;
	v21 =	vmov s9;
	v22 =	vor.u32 $0x9, v15  }
0x148: {  	s14 =	simm.s32 $0x40;
	v23 =	vor.u32 $0x9, v12;
	v47 =	vld.idx.msk [tilespmem:v35+s19+$0x0], $0xffff;
	[tilespmem:s7+$0xFFFFEC10] =	vst v24;
	v21 =	vshll.u32 v21, $0x4  }
0x149: {  	v26 =	vld.idx.msk [tilespmem:v26+s19+$0x0], $0xffff;
	[tilespmem:s6+$0xFFFFFDA0] =	vst v11;
	v11 =	vor.u32 v10, v21;
	v21 =	vmov s14  }
0x14a: {  	v27 =	vor.u32 $0x1, v35;
	[tilespmem:s6+$0xFFFFFD80] =	vst v17;
	v16 =	vld.idx.msk [tilespmem:v42+s19+$0x0], $0xffff;
	v21 =	vshll.u32 v21, $0x4  }
0x14b: {  	v18 =	vld.idx.msk [tilespmem:v43+s19+$0x0], $0xffff;
	v38 =	vor.u32 v10, v21;
	[tilespmem:s6+$0x30] =	vst v19  }
0x14c: {  	v46 =	vor.u32 $0x9, v14;
	[tilespmem:s6+$0x10] =	vst v20;
	v45 =	vld.idx.msk [tilespmem:v22+s19+$0x0], $0xffff  }
0x14d: {  	v20 =	vld.idx.msk [tilespmem:v23+s19+$0x0], $0xffff;
	v22 =	vor.u32 $0xA, v15  }
0x14e: {  	[tilespmem:s7+$0xFFFFEC20] =	vst v47;
	v23 =	vor.u32 $0x9, v13;
	v21 =	vld.idx.msk [tilespmem:v11+s19+$0x0], $0xffff  }
0x14f: {  	v25 =	vor.u32 $0x1, v11;
	[tilespmem:s6+$0x20] =	vst v16;
	v16 =	vld.idx.msk [tilespmem:v27+s19+$0x0], $0xffff  }
0x150: {  	v27 =	vor.u32 $0x2, v34;
	[tilespmem:s6+$0x0] =	vst v18;
	v48 =	vld.idx.msk [tilespmem:v38+s19+$0x0], $0xffff  }
0x151: {  	v51 =	vor.u32 $0x2, v35;
	v19 =	vld.idx.msk [tilespmem:v46+s19+$0x0], $0xffff;
	[tilespmem:s6+$0x2B0] =	vst v45  }
0x152: {  	v49 =	vor.u32 $0x1, v38;
	[tilespmem:s6+$0x290] =	vst v20;
	v20 =	vld.idx.msk [tilespmem:v22+s19+$0x0], $0xffff  }
0x153: {  	v22 =	vor.u32 $0xA, v12;
	[tilespmem:s7+$0xFFFFEC30] =	vst v21;
	v21 =	vld.idx.msk [tilespmem:v23+s19+$0x0], $0xffff  }
0x154: {  	v24 =	vor.u32 $0xB, v15;
	[tilespmem:s7+$0xFFFFEE90] =	vst v26;
	v23 =	vld.idx.msk [tilespmem:v25+s19+$0x0], $0xffff  }
0x155: {  	v25 =	vor.u32 $0xA, v14;
	v27 =	vld.idx.msk [tilespmem:v27+s19+$0x0], $0xffff;
	[tilespmem:s7+$0xFFFFEEA0] =	vst v16  }
0x156: {  	v50 =	vor.u32 $0x2, v11;
	[tilespmem:s7+$0xFFFFEC00] =	vst v48;
	v16 =	vld.idx.msk [tilespmem:v51+s19+$0x0], $0xffff  }
0x157: {  	v53 =	vor.u32 $0x3, v34;
	[tilespmem:s6+$0x2A0] =	vst v19;
	v17 =	vld.idx.msk [tilespmem:v49+s19+$0x0], $0xffff  }
0x158: {  	v22 =	vld.idx.msk [tilespmem:v22+s19+$0x0], $0xffff;
	[tilespmem:s6+$0x530] =	vst v20;
	v20 =	vor.u32 $0x2, v38  }
0x159: {  	[tilespmem:s6+$0x280] =	vst v21;
	v21 =	vld.idx.msk [tilespmem:v24+s19+$0x0], $0xffff;
	v24 =	vor.u32 $0xA, v13  }
0x15a: {  	v26 =	vor.u32 $0xB, v12;
	[tilespmem:s7+$0xFFFFEEB0] =	vst v23;
	v23 =	vld.idx.msk [tilespmem:v25+s19+$0x0], $0xffff  }
0x15b: {  	v25 =	vor.u32 $0xC, v15;
	[tilespmem:s7+$0xFFFFF110] =	vst v27;
	v18 =	vld.idx.msk [tilespmem:v50+s19+$0x0], $0xffff  }
0x15c: {  	v19 =	vld.idx.msk [tilespmem:v53+s19+$0x0], $0xffff;
	[tilespmem:s7+$0xFFFFEE80] =	vst v17  }
0x15d: {  	v52 =	vor.u32 $0x3, v11;
	[tilespmem:s7+$0xFFFFF120] =	vst v16;
	v20 =	vld.idx.msk [tilespmem:v20+s19+$0x0], $0xffff  }
0x15e: {  	[tilespmem:s6+$0x510] =	vst v22;
	v22 =	vor.u32 $0x3, v35;
	v24 =	vld.idx.msk [tilespmem:v24+s19+$0x0], $0xffff  }
0x15f: {  	[tilespmem:s6+$0x7B0] =	vst v21;
	v21 =	vor.u32 $0x3, v38;
	v54 =	vld.idx.msk [tilespmem:v26+s19+$0x0], $0xffff  }
0x160: {  	[tilespmem:s6+$0x520] =	vst v23;
	v23 =	vld.idx.msk [tilespmem:v25+s19+$0x0], $0xffff;
	v25 =	vor.u32 $0xB, v14  }
0x161: {  	v27 =	vor.u32 $0xB, v13;
	[tilespmem:s7+$0xFFFFF130] =	vst v18  }
0x162: {  	v26 =	vor.u32 $0xD, v15;
	[tilespmem:s7+$0xFFFFF390] =	vst v19;
	v17 =	vld.idx.msk [tilespmem:v52+s19+$0x0], $0xffff  }
0x163: {  	[tilespmem:s7+$0xFFFFF100] =	vst v20;
	v16 =	vld.idx.msk [tilespmem:v22+s19+$0x0], $0xffff;
	v20 =	vor.u32 $0x4, v11  }
0x164: {  	v22 =	vor.u32 $0x4, v34;
	v21 =	vld.idx.msk [tilespmem:v21+s19+$0x0], $0xffff;
	[tilespmem:s6+$0x500] =	vst v24  }
0x165: {  	v24 =	vor.u32 $0x4, v35;
	[tilespmem:s6+$0x790] =	vst v54;
	v25 =	vld.idx.msk [tilespmem:v25+s19+$0x0], $0xffff  }
0x166: {  	[tilespmem:s6+$0xA30] =	vst v23;
	v23 =	vor.u32 $0x4, v38;
	v56 =	vld.idx.msk [tilespmem:v27+s19+$0x0], $0xffff  }
0x167: {  	v55 =	vld.idx.msk [tilespmem:v26+s19+$0x0], $0xffff;
	v26 =	vor.u32 $0xC, v12;
	[tilespmem:s7+$0xFFFFF3B0] =	vst v17  }
0x168: {  	v27 =	vor.u32 $0xC, v14;
	v57 =	vld.idx.msk [tilespmem:v20+s19+$0x0], $0xffff;
	[tilespmem:s7+$0xFFFFF3A0] =	vst v16  }
0x169: {  	v20 =	vor.u32 $0xE, v15;
	v22 =	vld.idx.msk [tilespmem:v22+s19+$0x0], $0xffff;
	[tilespmem:s7+$0xFFFFF380] =	vst v21  }
0x16a: {  	v16 =	vld.idx.msk [tilespmem:v24+s19+$0x0], $0xffff;
	v21 =	vor.u32 $0x5, v11;
	[tilespmem:s6+$0x7A0] =	vst v25  }
0x16b: {  	v24 =	vor.u32 $0x5, v34;
	v23 =	vld.idx.msk [tilespmem:v23+s19+$0x0], $0xffff;
	[tilespmem:s6+$0x780] =	vst v56  }
0x16c: {  	v25 =	vor.u32 $0x5, v35;
	v26 =	vld.idx.msk [tilespmem:v26+s19+$0x0], $0xffff;
	[tilespmem:s6+$0xCB0] =	vst v55  }
0x16d: {  	v58 =	vor.u32 $0x5, v38;
	v60 =	vld.idx.msk [tilespmem:v27+s19+$0x0], $0xffff;
	[tilespmem:s7+$0xFFFFF630] =	vst v57  }
0x16e: {  	v59 =	vld.idx.msk [tilespmem:v20+s19+$0x0], $0xffff;
	v20 =	vor.u32 $0xC, v13;
	[tilespmem:s7+$0xFFFFF610] =	vst v22  }
0x16f: {  	v15 =	vor.u32 $0xF, v15;
	v21 =	vld.idx.msk [tilespmem:v21+s19+$0x0], $0xffff;
	[tilespmem:s7+$0xFFFFF620] =	vst v16  }
0x170: {  	v22 =	vor.u32 $0xD, v12;
	v24 =	vld.idx.msk [tilespmem:v24+s19+$0x0], $0xffff;
	[tilespmem:s7+$0xFFFFF600] =	vst v23  }
0x171: {  	v16 =	vld.idx.msk [tilespmem:v25+s19+$0x0], $0xffff;
	v23 =	vor.u32 $0x6, v11;
	[tilespmem:s6+$0xA10] =	vst v26  }
0x172: {  	v25 =	vor.u32 $0x6, v34;
	v18 =	vld.idx.msk [tilespmem:v58+s19+$0x0], $0xffff;
	[tilespmem:s6+$0xA20] =	vst v60  }
0x173: {  	v62 =	vor.u32 $0xD, v14;
	v20 =	vld.idx.msk [tilespmem:v20+s19+$0x0], $0xffff;
	[tilespmem:s6+$0xF30] =	vst v59  }
0x174: {  	v26 =	vor.u32 $0x6, v35;
	v15 =	vld.idx.msk [tilespmem:v15+s19+$0x0], $0xffff;
	[tilespmem:s7+$0xFFFFF8B0] =	vst v21  }
0x175: {  	v61 =	vor.u32 $0x6, v38;
	v21 =	vld.idx.msk [tilespmem:v22+s19+$0x0], $0xffff;
	[tilespmem:s7+$0xFFFFF890] =	vst v24  }
0x176: {  	v22 =	vor.u32 $0xD, v13;
	v23 =	vld.idx.msk [tilespmem:v23+s19+$0x0], $0xffff;
	[tilespmem:s7+$0xFFFFF8A0] =	vst v16  }
0x177: {  	v24 =	vor.u32 $0xE, v12;
	v25 =	vld.idx.msk [tilespmem:v25+s19+$0x0], $0xffff;
	[tilespmem:s7+$0xFFFFF880] =	vst v18  }
0x178: {  	v63 =	vor.u32 $0x7, v11;
	v19 =	vld.idx.msk [tilespmem:v62+s19+$0x0], $0xffff;
	[tilespmem:s6+$0xA00] =	vst v20  }
0x179: {  	v16 =	vld.idx.msk [tilespmem:v26+s19+$0x0], $0xffff;
	[tilespmem:s6+$0x11B0] =	vst v15  }
0x17a: {  	v26 =	vor.u32 $0x7, v34;
	v17 =	vld.idx.msk [tilespmem:v61+s19+$0x0], $0xffff;
	[tilespmem:s6+$0xC90] =	vst v21  }
0x17b: {  	v6 =	vor.u32 $0xF, v14;
	v27 =	vor.u32 $0x7, v35;
	v41 =	vld.idx.msk [tilespmem:v22+s19+$0x0], $0xffff;
	[tilespmem:s7+$0xFFFFFB30] =	vst v23  }
0x17c: {  	v0 =	vor.u32 $0xA, v34;
	v40 =	vor.u32 $0x7, v38;
	v20 =	vor.u32 $0xE, v14;
	v14 =	vld.idx.msk [tilespmem:v24+s19+$0x0], $0xffff;
	[tilespmem:s7+$0xFFFFFB10] =	vst v25  }
0x17d: {  	v7 =	vor.u32 $0xF, v13;
	v32 =	vor.u32 $0x9, v34;
	v28 =	vor.u32 $0xC, v34;
	v44 =	vld.idx.msk [tilespmem:v63+s19+$0x0], $0xffff;
	[tilespmem:$0x1FF60] =	vst v0  }
0x17e: {  	v8 =	vor.u32 $0xF, v34;
	v15 =	vor.u32 $0xE, v13;
	v0 =	vor.u32 $0xA, v35;
	[tilespmem:s7+$0xFFFFFB20] =	vst v16  }
0x17f: {  	v30 =	vor.u32 $0xB, v35;
	v9 =	vor.u32 $0xE, v35;
	v39 =	vor.u32 $0xF, v12;
	v45 =	vld.idx.msk [tilespmem:v26+s19+$0x0], $0xffff;
	[tilespmem:$0x1FF70] =	vst v0  }
0x180: {  	v36 =	vor.u32 $0x8, v34;
	v37 =	vor.u32 $0x8, v35;
	v46 =	vor.u32 $0x8, v11;
	[tilespmem:s7+$0xFFFFFB00] =	vst v17;
	v42 =	vld.idx.msk [tilespmem:v27+s19+$0x0], $0xffff  }
0x181: {  	v33 =	vor.u32 $0x8, v38;
	v31 =	vor.u32 $0xA, v38;
	v48 =	vor.u32 $0x9, v35;
	[tilespmem:s6+$0xCA0] =	vst v19;
	v43 =	vld.idx.msk [tilespmem:v40+s19+$0x0], $0xffff  }
0x182: {  	v57 =	vor.u32 $0xB, v38;
	v58 =	vor.u32 $0xB, v34;
	v12 =	vor.u32 $0xE, v38;
	[tilespmem:s6+$0xC80] =	vst v41;
	v41 =	vld.idx.msk [tilespmem:v20+s19+$0x0], $0xffff  }
0x183: {  	v22 =	vor.u32 $0x9, v38;
	v13 =	vor.u32 $0xE, v34;
	v23 =	vor.u32 $0xD, v34;
	v40 =	vld.idx.msk [tilespmem:v15+s19+$0x0], $0xffff;
	[tilespmem:s6+$0xF10] =	vst v14  }
0x184: {  	v24 =	vor.u32 $0xD, v35;
	v25 =	vor.u32 $0xD, v38;
	v34 =	vor.u32 $0xF, v38;
	[tilespmem:s7+$0xFFFFFDB0] =	vst v44;
	v39 =	vld.idx.msk [tilespmem:v39+s19+$0x0], $0xffff  }
0x185: {  	s12 =	simm.s32 $0x80;
	s9 =	simm.s32 $0x4;
	v26 =	vor.u32 $0xC, v35;
	v35 =	vor.u32 $0xF, v35;
	v27 =	vor.u32 $0xC, v38;
	[tilespmem:s7+$0xFFFFFD90] =	vst v45;
	v38 =	vld.idx.msk [tilespmem:v46+s19+$0x0], $0xffff  }
.LBB2_8:
0x186: {  	[tilespmem:$0x1FEE0] =	vst v28  }
0x187: {  	[tilespmem:$0x1FF40] =	vst v12  }
0x188: {  	[tilespmem:$0x1FF50] =	vst v8  }
0x189: {  	[tilespmem:s7+$0xFFFFFDA0] =	vst v42  }
0x18a: {  	v36 =	vld.idx.msk [tilespmem:v36+s19+$0x0], $0xffff;
	[tilespmem:s7+$0xFFFFFD80] =	vst v43  }
0x18b: {  	s3 =	sadd.s32 $0x10, s12;
	v37 =	vld.idx.msk [tilespmem:v37+s19+$0x0], $0xffff;
	[tilespmem:s6+$0xF20] =	vst v41  }
0x18c: {  	v44 =	vmov s12;
	s5 =	sadd.s32 $0x30, s12;
	v17 =	vor.u32 $0x9, v11;
	v2 =	vmovc v35;
	v16 =	vmov s3;
	v33 =	vld.idx.msk [tilespmem:v33+s19+$0x0], $0xffff;
	[tilespmem:s6+$0xF00] =	vst v40  }
0x18d: {  	v45 =	vmov s5;
	v44 =	vshll.u32 v44, $0x4;
	[tilespmem:$0x1FEF0] =	vst v2;
	v42 =	vshll.u32 v16, $0x4  }
0x18e: {  	s14 =	sadd.s32 $0x20, s12;
	v28 =	vmovc v57;
	v45 =	vshll.u32 v45, $0x4;
	v57 =	vor.u32 v10, v44;
	v35 =	vor.u32 v10, v42;
	[tilespmem:s7+$0x30] =	vst v38  }
0x18f: {  	v46 =	vmov s14;
	v41 =	vor.u32 v10, v45;
	v47 =	vld.idx.msk [tilespmem:v7+s19+$0x0], $0xffff;
	v7 =	vor.u32 $0x7, v35;
	[tilespmem:s7+$0x10] =	vst v36  }
0x190: {  	v46 =	vshll.u32 v46, $0x4;
	v18 =	vld.idx.msk [tilespmem:v6+s19+$0x0], $0xffff;
	[tilespmem:$0x1FF00] =	vst v7  }
0x191: {  	v29 =	vmov v58;
	v58 =	vor.u32 v10, v46;
	v19 =	vld.idx.msk [tilespmem:v17+s19+$0x0], $0xffff;
	[tilespmem:s7+$0x20] =	vst v37  }
0x192: {  	v7 =	vor.u32 $0x7, v57;
	v55 =	vld.idx.msk [tilespmem:v32+s19+$0x0], $0xffff;
	[tilespmem:s7+$0x0] =	vst v33  }
0x193: {  	v2 =	vor.u32 $0xA, v11;
	[tilespmem:$0x1FF30] =	vst v7;
	v7 =	vor.u32 $0x7, v58;
	v6 =	vld.idx.msk [tilespmem:v57+s19+$0x0], $0xffff  }
0x194: {  	[tilespmem:$0x1FF20] =	vst v7;
	v56 =	vld.idx.msk [tilespmem:v41+s19+$0x0], $0xffff  }
0x195: {  	v5 =	vor.u32 $0x1, v41;
	v3 =	vld.idx.msk [tilespmem:v35+s19+$0x0], $0xffff;
	[tilespmem:s6+$0x1190] =	vst v39  }
0x196: {  	v4 =	vld.idx.msk [tilespmem:v58+s19+$0x0], $0xffff;
	[tilespmem:s6+$0x11A0] =	vst v18  }
0x197: {  	[tilespmem:s7+$0x2B0] =	vst v19  }
0x198: {  	v49 =	vor.u32 $0x1, v57;
	[tilespmem:s6+$0x1180] =	vst v47;
	s6 =	smov.u32 s7;
	s7 =	sadd.s32 $0x40, s7;
	v2 =	vld.idx.msk [tilespmem:v2+s19+$0x0], $0xffff  }
0x199: {  	v21 =	vmov v10;
	v20 =	vld [tilespmem:$0x1FF60];
	v10 =	vor.u32 $0xB, v11;
	[tilespmem:s7+$0xFFFFEC30] =	vst v56  }
0x19a: {  	[tilespmem:s6+$0x290] =	vst v55;
	v5 =	vld.idx.msk [tilespmem:v5+s19+$0x0], $0xffff  }
0x19b: {  	v50 =	vor.u32 $0x1, v35;
	v7 =	vld.idx.msk [tilespmem:v22+s19+$0x0], $0xffff;
	[tilespmem:s7+$0xFFFFEC00] =	vst v6  }
0x19c: {  	v0 =	vmov v34;
	v34 =	vor.u32 $0xA, v35;
	v47 =	vld.idx.msk [tilespmem:v48+s19+$0x0], $0xffff;
	[tilespmem:s7+$0xFFFFEC10] =	vst v3  }
0x19d: {  	v53 =	vor.u32 $0x1, v58;
	v17 =	vld.idx.msk [tilespmem:v49+s19+$0x0], $0xffff;
	[tilespmem:s6+$0x530] =	vst v2;
	v2 =	vmov v34  }
0x19e: {  	[tilespmem:$0x1FF60] =	vst v2;
	v2 =	vld.idx.msk [tilespmem:v10+s19+$0x0], $0xffff  }
0x19f: {  	[tilespmem:s7+$0xFFFFEEB0] =	vst v5;
	v5 =	vld [tilespmem:$0x1FF70]  }
0x1a0: {  	v16 =	vor.u32 $0x2, v41;
	[tilespmem:s7+$0xFFFFEC20] =	vst v4;
	v12 =	vld.idx.msk [tilespmem:v50+s19+$0x0], $0xffff  }
0x1a1: {  	v60 =	vor.u32 $0x2, v35;
	v3 =	vor.u32 $0xA, v58;
	[tilespmem:s6+$0x280] =	vst v7  }
0x1a2: {  	v14 =	vld.idx.msk [tilespmem:v53+s19+$0x0], $0xffff;
	v7 =	vmov v3;
	[tilespmem:s7+$0xFFFFEE80] =	vst v17  }
0x1a3: {  	v20 =	vld.idx.msk [tilespmem:v20+s19+$0x0], $0xffff;
	[tilespmem:$0x1FF70] =	vst v7;
	v7 =	vor.u32 $0xC, v11  }
0x1a4: {  	[tilespmem:$0x1FF10] =	vst v0;
	v61 =	vor.u32 $0x2, v58;
	v17 =	vld.idx.msk [tilespmem:v31+s19+$0x0], $0xffff  }
0x1a5: {  	v59 =	vor.u32 $0x2, v57;
	[tilespmem:s7+$0xFFFFEE90] =	vst v12;
	v3 =	vld.idx.msk [tilespmem:v16+s19+$0x0], $0xffff  }
0x1a6: {  	[tilespmem:s6+$0x2A0] =	vst v47;
	v10 =	vld.idx.msk [tilespmem:v60+s19+$0x0], $0xffff  }
0x1a7: {  	v63 =	vor.u32 $0x3, v35;
	[tilespmem:s6+$0x7B0] =	vst v2;
	v5 =	vld.idx.msk [tilespmem:v5+s19+$0x0], $0xffff  }
0x1a8: {  	v2 =	vld.idx.msk [tilespmem:v7+s19+$0x0], $0xffff;
	[tilespmem:s7+$0xFFFFEEA0] =	vst v14;
	v14 =	vor.u32 $0x3, v41  }
0x1a9: {  	[tilespmem:s6+$0x510] =	vst v20;
	v7 =	vor.u32 $0xD, v11;
	v12 =	vld.idx.msk [tilespmem:v61+s19+$0x0], $0xffff  }
0x1aa: {  	v62 =	vor.u32 $0x3, v57;
	v8 =	vor.u32 $0xA, v57;
	v0 =	vor.u32 $0x3, v58;
	[tilespmem:s7+$0xFFFFF130] =	vst v3;
	v61 =	vld.idx.msk [tilespmem:v59+s19+$0x0], $0xffff  }
0x1ab: {  	v54 =	vor.u32 $0x4, v35;
	v51 =	vor.u32 $0x4, v58;
	v38 =	vor.u32 $0x5, v35;
	v3 =	vld.idx.msk [tilespmem:v29+s19+$0x0], $0xffff;
	[tilespmem:s7+$0xFFFFF110] =	vst v10  }
0x1ac: {  	v46 =	vor.u32 $0x5, v58;
	v43 =	vor.u32 $0x6, v35;
	v44 =	vor.u32 $0x6, v58;
	v31 =	vmovc v8;
	v8 =	vld.idx.msk [tilespmem:v63+s19+$0x0], $0xffff;
	[tilespmem:s6+$0x520] =	vst v5  }
0x1ad: {  	v15 =	vor.u32 $0xC, v58;
	v36 =	vor.u32 $0x8, v35;
	v32 =	vor.u32 $0x9, v35;
	v5 =	vld.idx.msk [tilespmem:v14+s19+$0x0], $0xffff;
	[tilespmem:s6+$0xA30] =	vst v2  }
0x1ae: {  	v37 =	vor.u32 $0x8, v58;
	v48 =	vor.u32 $0x9, v58;
	v10 =	vor.u32 $0x4, v41;
	[tilespmem:s7+$0xFFFFF120] =	vst v12;
	v2 =	vld.idx.msk [tilespmem:v7+s19+$0x0], $0xffff  }
0x1af: {  	v22 =	vmovc v13;
	v13 =	vor.u32 $0xB, v35;
	v19 =	vor.u32 $0xD, v35;
	v6 =	vor.u32 $0xC, v35;
	[tilespmem:s7+$0xFFFFF100] =	vst v61;
	v0 =	vld.idx.msk [tilespmem:v0+s19+$0x0], $0xffff  }
0x1b0: {  	v4 =	vor.u32 $0xB, v58;
	v56 =	vor.u32 $0xD, v58;
	v49 =	vor.u32 $0xE, v58;
	[tilespmem:s6+$0x790] =	vst v3;
	v12 =	vld.idx.msk [tilespmem:v62+s19+$0x0], $0xffff  }
0x1b1: {  	v53 =	vor.u32 $0xE, v35;
	v47 =	vor.u32 $0xF, v35;
	v35 =	vor.u32 $0xF, v58;
	v58 =	vmovc v13;
	[tilespmem:s6+$0x500] =	vst v17;
	v13 =	vld.idx.msk [tilespmem:v30+s19+$0x0], $0xffff  }
0x1b2: {  	v52 =	vor.u32 $0x4, v57;
	v3 =	vld.idx.msk [tilespmem:v28+s19+$0x0], $0xffff;
	[tilespmem:s7+$0xFFFFF3B0] =	vst v5  }
0x1b3: {  	v30 =	vmov v4;
	v4 =	vld.idx.msk [tilespmem:v10+s19+$0x0], $0xffff  }
0x1b4: {  	v45 =	vor.u32 $0x5, v57;
	v42 =	vor.u32 $0x6, v57;
	[tilespmem:s7+$0xFFFFF390] =	vst v8;
	v10 =	vld [tilespmem:$0x1FEE0]  }
0x1b5: {  	v40 =	vmovc v9;
	v9 =	vor.u32 $0xB, v57;
	v33 =	vor.u32 $0x8, v57;
	v5 =	vor.u32 $0xE, v11;
	[tilespmem:s7+$0xFFFFF3A0] =	vst v0  }
0x1b6: {  	v39 =	vor.u32 $0x9, v57;
	v18 =	vor.u32 $0xC, v57;
	v8 =	vor.u32 $0x5, v41;
	[tilespmem:s7+$0xFFFFF380] =	vst v12;
	v0 =	vld.idx.msk [tilespmem:v51+s19+$0x0], $0xffff  }
0x1b7: {  	v55 =	vor.u32 $0xD, v57;
	v50 =	vor.u32 $0xE, v57;
	v34 =	vor.u32 $0xF, v57;
	v57 =	vmovc v9;
	[tilespmem:s6+$0xCB0] =	vst v2;
	v9 =	vld.idx.msk [tilespmem:v52+s19+$0x0], $0xffff  }
0x1b8: {  	v7 =	vld.idx.msk [tilespmem:v54+s19+$0x0], $0xffff;
	[tilespmem:s6+$0x7A0] =	vst v13  }
0x1b9: {  	[tilespmem:s6+$0x780] =	vst v3;
	v3 =	vld.idx.msk [tilespmem:v26+s19+$0x0], $0xffff  }
0x1ba: {  	v2 =	vld.idx.msk [tilespmem:v5+s19+$0x0], $0xffff;
	[tilespmem:s7+$0xFFFFF630] =	vst v4  }
0x1bb: {  	v4 =	vld.idx.msk [tilespmem:v8+s19+$0x0], $0xffff;
	[tilespmem:s7+$0xFFFFF620] =	vst v0  }
0x1bc: {  	v5 =	vor.u32 $0xF, v11;
	v11 =	vmov v41;
	[tilespmem:s7+$0xFFFFF600] =	vst v9;
	v10 =	vld.idx.msk [tilespmem:v10+s19+$0x0], $0xffff  }
0x1bd: {  	[tilespmem:s7+$0xFFFFF610] =	vst v7;
	v7 =	vor.u32 $0x6, v11;
	v8 =	vld.idx.msk [tilespmem:v45+s19+$0x0], $0xffff  }
0x1be: {  	v0 =	vld.idx.msk [tilespmem:v46+s19+$0x0], $0xffff  }
0x1bf: {  	v9 =	vld.idx.msk [tilespmem:v27+s19+$0x0], $0xffff;
	[tilespmem:s6+$0xA20] =	vst v3  }
0x1c0: {  	v28 =	vmov v6;
	v6 =	vld.idx.msk [tilespmem:v38+s19+$0x0], $0xffff;
	[tilespmem:s6+$0xF30] =	vst v2  }
0x1c1: {  	v2 =	vld.idx.msk [tilespmem:v5+s19+$0x0], $0xffff;
	[tilespmem:s7+$0xFFFFF8B0] =	vst v4  }
0x1c2: {  	v4 =	vld.idx.msk [tilespmem:v7+s19+$0x0], $0xffff;
	[tilespmem:s7+$0xFFFFF880] =	vst v8  }
0x1c3: {  	[tilespmem:s7+$0xFFFFF8A0] =	vst v0;
	v7 =	vld.idx.msk [tilespmem:v42+s19+$0x0], $0xffff  }
0x1c4: {  	[tilespmem:s6+$0xA00] =	vst v9;
	v9 =	vld [tilespmem:$0x1FF30]  }
0x1c5: {  	v0 =	vld.idx.msk [tilespmem:v44+s19+$0x0], $0xffff  }
0x1c6: {  	[tilespmem:s6+$0xA10] =	vst v10  }
0x1c7: {  	v3 =	vld.idx.msk [tilespmem:v23+s19+$0x0], $0xffff  }
0x1c8: {  	[tilespmem:s6+$0x11B0] =	vst v2;
	v2 =	vld.idx.msk [tilespmem:v25+s19+$0x0], $0xffff  }
0x1c9: {  	[tilespmem:s7+$0xFFFFF890] =	vst v6;
	v8 =	vld.idx.msk [tilespmem:v24+s19+$0x0], $0xffff  }
0x1ca: {  	v5 =	vld.idx.msk [tilespmem:v43+s19+$0x0], $0xffff;
	[tilespmem:s7+$0xFFFFFB20] =	vst v0  }
0x1cb: {  	[tilespmem:s7+$0xFFFFFB00] =	vst v7;
	v0 =	vld [tilespmem:$0x1FF20]  }
0x1cc: {  	v43 =	vld.idx.msk [tilespmem:v9+s19+$0x0], $0xffff  }
0x1cd: {  	[tilespmem:s6+$0xC80] =	vst v2;
	v2 =	vld [tilespmem:$0x1FF40];
	_ =	sdelay $0x1  }
0x1ce: {  	[tilespmem:s6+$0xC90] =	vst v3  }
0x1cf: {  	v3 =	vld.idx.msk [tilespmem:v22+s19+$0x0], $0xffff  }
0x1d0: {  	[tilespmem:s7+$0xFFFFFB10] =	vst v5;
	v5 =	vld [tilespmem:$0x1FF00]  }
0x1d1: {  	v6 =	vor.u32 $0x7, v11  }
0x1d2: {  	v42 =	vld.idx.msk [tilespmem:v0+s19+$0x0], $0xffff;
	[tilespmem:s6+$0xCA0] =	vst v8  }
0x1d3: {  	v41 =	vld.idx.msk [tilespmem:v40+s19+$0x0], $0xffff  }
0x1d4: {  	v40 =	vld.idx.msk [tilespmem:v2+s19+$0x0], $0xffff  }
0x1d5: {  	[tilespmem:s7+$0xFFFFFB30] =	vst v4;
	v2 =	vld [tilespmem:$0x1FF50]  }
0x1d6: {  	v4 =	vld.idx.msk [tilespmem:v6+s19+$0x0], $0xffff  }
0x1d7: {  	s9 =	sadd.s32 $0x4, s9;
	v0 =	vor.u32 $0x8, v11  }
0x1d8: {  	p1 =	slt.u32 s9, $0x24;
	v5 =	vld.idx.msk [tilespmem:v5+s19+$0x0], $0xffff  }
.Ltmp3:
0x1d9: {  	_ = 	snop;
	(pc) =	sbr.rel @p1 .LBB2_8-.Ltmp3, $4  }
0x1da: {  	v6 =	vld [tilespmem:$0x1FEF0]  }
0x1db: {  	v12 =	vmov v50;
	v7 =	vld [tilespmem:$0x1FF10];
	[tilespmem:s7+$0xFFFFFDB0] =	vst v4  }
0x1dc: {  	v13 =	vmovc v53;
	v26 =	vmovc v15;
	v27 =	vmov v18;
	v10 =	vmov v21;
	v23 =	vmov v19;
	[tilespmem:s6+$0xF10] =	vst v3;
	v38 =	vld.idx.msk [tilespmem:v0+s19+$0x0], $0xffff  }
0x1dd: {  	s12 =	sadd.s32 $0x40, s12;
	v24 =	vmovc v56;
	v25 =	vmovc v55;
	v22 =	vmov v39;
	v9 =	vmov v49;
	v8 =	vmov v47;
	v39 =	vld.idx.msk [tilespmem:v2+s19+$0x0], $0xffff;
	[tilespmem:s7+$0xFFFFFD90] =	vst v5  }
0x1de: {  	_ =	sdelay $0x3  }
0x1df: {  	v0 =	vld.idx.msk [tilespmem:v36+s19+$0x0], $0xffff;
	[tilespmem:s7+$0xFFFFFDA0] =	vst v42;
	v2 =	vor.u32 $0x9, v11  }
0x1e0: {  	[tilespmem:s7+$0xFFFFFD80] =	vst v43;
	v3 =	vld.idx.msk [tilespmem:v37+s19+$0x0], $0xffff  }
0x1e1: {  	v4 =	vld.idx.msk [tilespmem:v33+s19+$0x0], $0xffff;
	_ =	sdelay $0x1  }
0x1e2: {  	[tilespmem:s7+$0x30] =	vst v38  }
0x1e3: {  	[tilespmem:s7+$0x10] =	vst v0;
	v0 =	vld.idx.msk [tilespmem:v2+s19+$0x0], $0xffff  }
0x1e4: {  	v2 =	vld.idx.msk [tilespmem:v32+s19+$0x0], $0xffff;
	[tilespmem:s7+$0x20] =	vst v3  }
0x1e5: {  	v3 =	vor.u32 $0xA, v11;
	[tilespmem:s7+$0x0] =	vst v4;
	v4 =	vld.idx.msk [tilespmem:v48+s19+$0x0], $0xffff;
	_ =	sdelay $0x1  }
0x1e6: {  	v5 =	vld.idx.msk [tilespmem:v22+s19+$0x0], $0xffff  }
0x1e7: {  	[tilespmem:s7+$0x2B0] =	vst v0  }
0x1e8: {  	[tilespmem:s7+$0x290] =	vst v2  }
0x1e9: {  	v0 =	vld.idx.msk [tilespmem:v3+s19+$0x0], $0xffff;
	[tilespmem:s7+$0x2A0] =	vst v4  }
0x1ea: {  	v3 =	vld [tilespmem:$0x1FF60]  }
0x1eb: {  	[tilespmem:s7+$0x280] =	vst v5  }
0x1ec: {  	v4 =	vld [tilespmem:$0x1FF70];
	_ =	sdelay $0x5  }
0x1ed: {  	v2 =	vor.u32 $0xB, v11;
	v3 =	vld.idx.msk [tilespmem:v3+s19+$0x0], $0xffff  }
0x1ee: {  	v5 =	vld.idx.msk [tilespmem:v31+s19+$0x0], $0xffff  }
0x1ef: {  	v4 =	vld.idx.msk [tilespmem:v4+s19+$0x0], $0xffff;
	_ =	sdelay $0x1  }
0x1f0: {  	[tilespmem:s7+$0x530] =	vst v0  }
0x1f1: {  	v0 =	vld.idx.msk [tilespmem:v2+s19+$0x0], $0xffff;
	[tilespmem:s7+$0x510] =	vst v3  }
0x1f2: {  	v2 =	vor.u32 $0xC, v11;
	[tilespmem:s7+$0x500] =	vst v5;
	v3 =	vld.idx.msk [tilespmem:v58+s19+$0x0], $0xffff  }
0x1f3: {  	v5 =	vld.idx.msk [tilespmem:v57+s19+$0x0], $0xffff;
	[tilespmem:s7+$0x520] =	vst v4  }
0x1f4: {  	v4 =	vld.idx.msk [tilespmem:v30+s19+$0x0], $0xffff;
	_ =	sdelay $0x1  }
0x1f5: {  	[tilespmem:s7+$0x7B0] =	vst v0  }
0x1f6: {  	v0 =	vld.idx.msk [tilespmem:v2+s19+$0x0], $0xffff;
	[tilespmem:s7+$0x790] =	vst v3  }
0x1f7: {  	v2 =	vor.u32 $0xD, v11;
	[tilespmem:s7+$0x780] =	vst v5;
	v3 =	vld.idx.msk [tilespmem:v28+s19+$0x0], $0xffff  }
0x1f8: {  	v5 =	vld.idx.msk [tilespmem:v27+s19+$0x0], $0xffff;
	[tilespmem:s7+$0x7A0] =	vst v4  }
0x1f9: {  	v4 =	vld.idx.msk [tilespmem:v26+s19+$0x0], $0xffff;
	_ =	sdelay $0x1  }
0x1fa: {  	[tilespmem:s7+$0xA30] =	vst v0  }
0x1fb: {  	v0 =	vld.idx.msk [tilespmem:v2+s19+$0x0], $0xffff;
	[tilespmem:s7+$0xA10] =	vst v3  }
0x1fc: {  	v2 =	vor.u32 $0xE, v11;
	[tilespmem:s7+$0xA00] =	vst v5;
	v3 =	vld.idx.msk [tilespmem:v23+s19+$0x0], $0xffff  }
0x1fd: {  	v5 =	vld.idx.msk [tilespmem:v25+s19+$0x0], $0xffff;
	[tilespmem:s7+$0xA20] =	vst v4  }
0x1fe: {  	v4 =	vld.idx.msk [tilespmem:v24+s19+$0x0], $0xffff  }
0x1ff: {  	[tilespmem:s6+$0xF20] =	vst v41  }
0x200: {  	[tilespmem:s7+$0xCB0] =	vst v0  }
0x201: {  	v0 =	vld.idx.msk [tilespmem:v2+s19+$0x0], $0xffff;
	[tilespmem:s7+$0xC90] =	vst v3  }
0x202: {  	v2 =	vor.u32 $0xF, v11;
	[tilespmem:s7+$0xC80] =	vst v5;
	v3 =	vld.idx.msk [tilespmem:v13+s19+$0x0], $0xffff  }
0x203: {  	v5 =	vld.idx.msk [tilespmem:v12+s19+$0x0], $0xffff;
	[tilespmem:s7+$0xCA0] =	vst v4  }
0x204: {  	[tilespmem:s6+$0xF00] =	vst v40;
	v4 =	vld.idx.msk [tilespmem:v9+s19+$0x0], $0xffff  }
0x205: {  	[tilespmem:s6+$0x1190] =	vst v39;
	v6 =	vld.idx.msk [tilespmem:v6+s19+$0x0], $0xffff  }
0x206: {  	v7 =	vld.idx.msk [tilespmem:v7+s19+$0x0], $0xffff;
	[tilespmem:s7+$0xF30] =	vst v0  }
0x207: {  	v0 =	vld.idx.msk [tilespmem:v2+s19+$0x0], $0xffff;
	[tilespmem:s7+$0xF10] =	vst v3  }
0x208: {  	[tilespmem:s7+$0xF00] =	vst v5;
	v2 =	vld.idx.msk [tilespmem:v8+s19+$0x0], $0xffff  }
0x209: {  	[tilespmem:s7+$0xF20] =	vst v4;
	v4 =	vld.idx.msk [tilespmem:v34+s19+$0x0], $0xffff  }
0x20a: {  	[tilespmem:s6+$0x11A0] =	vst v6;
	v3 =	vld.idx.msk [tilespmem:v35+s19+$0x0], $0xffff  }
0x20b: {  	[tilespmem:s6+$0x1180] =	vst v7  }
0x20c: {  	[tilespmem:s7+$0x11B0] =	vst v0  }
0x20d: {  	[tilespmem:s7+$0x1190] =	vst v2  }
0x20e: {  	[tilespmem:s7+$0x1180] =	vst v4  }
0x20f: {  	[tilespmem:s7+$0x11A0] =	vst v3  }
0x210: {  	s5 =	simm.s32 $0x280;
	s3 =	rddreg [dreg:$0xa]  }
0x211: {  	[hbm4b:s3+s5] =	stream.strided.scatter [tilespmem:s17], [sflag:$0x9], $0x2800, s16, s5, $0x38;
	[tilespmem:$0xE700] =	vst v63  }
0x212: {  	_ =	swait.ge [sflag:s18], $0x2800  }
0x213: {  	v0 =	vld [tilespmem:$0x1FF80]  }
0x214: {  	s15 =	sadd.s32 $0x1, s15;
	s14 =	rddreg [dreg:$0x9];
	v2 =	vld [tilespmem:$0x1FF90]  }
0x215: {  	v5 =	vld [tilespmem:$0x1FFC0];
	p1 =	sne.s32 s15, s14  }
.Ltmp4:
0x216: {  	v6 =	vld [tilespmem:$0x1FFD0];
	(pc) =	sbr.rel @p1 .LBB2_1-.Ltmp4, $4  }
0x217: {  	v3 =	vld [tilespmem:$0x1FFA0]  }
0x218: {  	v4 =	vld [tilespmem:$0x1FFB0]  }
0x219: {  	[sflag:s18] =	ssyncset.done $0x0;
	v7 =	vld [tilespmem:$0x1FFE0]  }
0x21a: {  	v9 =	vimm.f32 $0.0e+00;
	v8 =	vld [tilespmem:$0x1FFF0];
	[sflag:s18] =	ssyncadd.s32 $0xFFFFD800  }
0x21b: {  	_ =	sfence.sel $0x180000  }
0x21c: {  	[bflag:$0x0] =	sbarrier.arrive $0xFFFF  }
0x21d: {  	_ =	strace $0x9000004D  }
0x21e: {  	s0 =	stileid.u32;
	[bflag:$0x2] =	sbarrier.arrive $0xFFFF  }
0x21f: {  	p0 =	sne.s32 s0, $0x0;
	s0 =	rddreg [dreg:$0x2]  }
0x220: {  	s0 =	sadd.s32 @!p0 $0x100000, s0  }
0x221: {  	[sflag:s0] =	ssyncadd.tile.s32 @!p0 $0x1;
	_ =	shalt  }
.Lfunc_end2:
_tile_overlayer_lowered:
.L_overlay_start_2:
0x222: {  	(tag) =	ssettag $0x2  }
0x223: {  	s0 =	rddreg [dreg:$0x0];
	s2 =	stileid.u32  }
0x224: {  	s1 =	rddreg [dreg:$0x1];
	p0 =	sne.s32 s2, $0x0  }
0x225: {  	s3 =	rddreg [dreg:$0x2];
	[bflag:$0x3] =	sbarrier.arrive $0xFFFF;
	s2 =	simm.s32 @!p0 $0x1C09  }
0x226: {  	[timem:s3], [sflag:s2] =	dma.local @!p0 [hbm:s0], s1  }
0x227: {  	s0 =	simm.s32 @!p0 $0x9  }
0x228: {  	_ =	swait.ge @!p0 [sflag:s0], s1  }
0x229: {  	s1 =	ssub.s32 @!p0 $0x0, s1;
	[sflag:s0] =	ssyncset.done @!p0 $0x0  }
0x22a: {  	[sflag:s0] =	ssyncadd.s32 @!p0 s1  }
0x22b: {  	[bflag:$0x3] =	sbarrier.arrive $0xFFFF  }
0x22c: {  	_ =	shalt  }

// kernel: kernel.8.cloned.1.call-start
scs
__scs_entry_jumppad:
0x0: {  	(pc) =	sbr.rel $0x88, $3  }
0x1: {  	(tag) =	ssettag $0x0;
	lr =	simm.s32 $0x1  }
0x2: {  	[smem:$0x3F98] =	sst lr;
	_ =	strace $0xD0000000  }
0x3: {  	_ = 	snop  }
0x4: {  	_ = 	snop  }
0x5: {  	_ = 	snop  }
0x6: {  	_ = 	snop  }
0x7: {  	_ = 	snop  }
__scs_overlays_trampoline_lowered:
0x8: {  	[smem:$0x3FA7] =	sst s0  }
0x9: {  	[smem:$0x3FA8] =	sst s1  }
0xa: {  	[smem:$0x3FA9] =	sst s2  }
0xb: {  	[smem:$0x3FAA] =	sst s3  }
0xc: {  	[smem:$0x3FAB] =	sst s4  }
0xd: {  	[smem:$0x3FAC] =	sst s5  }
0xe: {  	[smem:$0x3FAD] =	sst s6  }
0xf: {  	[smem:$0x3FAE] =	sst s7  }
0x10: {  	[smem:$0x3FAF] =	sst s8  }
0x11: {  	[smem:$0x3FB0] =	sst s9;
	s0 =	simm.s32 @!p0 $0x0  }
0x12: {  	s1 =	sld [smem:$0x3F96];
	s0 =	simm.s32 @p0 $0x1  }
0x13: {  	[smem:$0x3FB1] =	sst s0;
	s0 =	simm.s32 @!p1 $0x0  }
0x14: {  	s2 =	sld [smem:$0x3F95];
	s0 =	simm.s32 @p1 $0x1  }
0x15: {  	[smem:$0x3FB2] =	sst s0;
	s0 =	simm.s32 @!p2 $0x0  }
0x16: {  	s3 =	sld [smem:$0x3FDB];
	s0 =	simm.s32 @p2 $0x1  }
0x17: {  	s4 =	simm.s32 $0x1BF5;
	[smem:$0x3FB4] =	sst s0  }
0x18: {  	s0 =	sld [smem:$0x3F97];
	_ =	swait.ge [sflag:s4], $0x0  }
0x19: {  	s7 =	sld [smem:$0x3F98]  }
0x1a: {  	s8 =	sadd.s32 $0xFFFFE003, lr  }
0x1b: {  	s9 =	sadd.s32 $0xFFFFFEF7, lr;
	s5 =	simm.s32 $0xFFFFFFFF;
	p2 =	slt.u32 s8, $0xFFFFF086  }
0x1c: {  	p1 =	slt.u32 s9, $0xF7A;
	s5 =	simm.s32 @!p2 $0x0  }
0x1d: {  	s5 =	simm.s32 @p1 $0x1;
	p0 =	seq.s32 s7, s2  }
0x1e: {  	s7 =	smul.u32 @!p0 $0xF7A, s2;
	p2 =	seq.s32 @!p0 s5, $0x0  }
0x1f: {  	s9 =	smul.u32 $0xF7A, s1;
	s8 =	simm.s32 @!p0 $0x1BF5;
	p2 =	por !p2, p0  }
0x20: {  	[sflag:s8] =	ssyncset.s32 @!p0 $0xFFFFF086;
	s6 =	sadd.s32 @!p0 s3, s7;
	s7 =	simm.s32 @!p0 $0x108  }
0x21: {  	s3 =	sadd.s32 s3, s9;
	s6 =	sadd.s32 @!p0 $0x88, s6;
	s7 =	simm.s32 @p2 $0x1082  }
0x22: {  	[simem:s7], [sflag:s8] =	dma.local @!p0 [hbm:s6], $0xF7A  }
0x23: {  	s9 =	sor.u32 $0xD0000000, s2;
	s6 =	simm.s32 $0x108;
	_ =	swait.ge @!p0 [sflag:s8], $0x0  }
0x24: {  	s3 =	sadd.s32 $0x88, s3;
	s6 =	simm.s32 @!p1 $0x1082;
	[sflag:s4] =	ssyncset.s32 $0xFFFFF086  }
0x25: {  	[simem:s6], [sflag:s4] =	dma.local [hbm:s3], $0xF7A  }
0x26: {  	[smem:$0x3F98] =	sst s1;
	(tag) =	ssettag s2;
	_ =	strace s9  }
0x27: {  	s1 =	sld [smem:$0x3FA8]  }
0x28: {  	s2 =	sld [smem:$0x3FA9]  }
0x29: {  	s4 =	sld [smem:$0x3FAB]  }
0x2a: {  	p0 =	seq.s32 s5, $0x0;
	s5 =	sld [smem:$0x3FAC]  }
0x2b: {  	s6 =	sld [smem:$0x3FAD]  }
0x2c: {  	s7 =	sld [smem:$0x3FAE]  }
0x2d: {  	s3 =	simm.s32 $0x108;
	s8 =	sld [smem:$0x3FAF]  }
0x2e: {  	s3 =	simm.s32 @!p0 $0x1082;
	s9 =	sld [smem:$0x3FB0]  }
0x2f: {  	lr =	sadd.s32 s0, s3;
	s0 =	sld [smem:$0x3FA7]  }
0x30: {  	s3 =	sld [smem:$0x3FAA]  }
0x31: {  	[smem:$0x3FB3] =	sst s10  }
0x32: {  	s10 =	sld [smem:$0x3FB1];
	_ =	sdelay $0x3  }
0x33: {  	p0 =	seq.s32 s10, $0x1;
	s10 =	sld [smem:$0x3FB3];
	_ =	sdelay $0x3  }
0x34: {  	[smem:$0x3FB3] =	sst s10  }
0x35: {  	s10 =	sld [smem:$0x3FB2];
	_ =	sdelay $0x3  }
0x36: {  	p1 =	seq.s32 s10, $0x1;
	s10 =	sld [smem:$0x3FB3];
	_ =	sdelay $0x3  }
0x37: {  	[smem:$0x3FB3] =	sst s10  }
0x38: {  	s10 =	sld [smem:$0x3FB4]  }
0x39: {  	_ = 	snop;
	(pc) =	sbr.ind lr, $3  }
0x3a: {  	_ = 	snop  }
0x3b: {  	_ = 	snop  }
0x3c: {  	p2 =	seq.s32 s10, $0x1;
	s10 =	sld [smem:$0x3FB3]  }
0x3d: {  	_ =	shalt  }
0x3e: {  	_ =	shalt  }
0x3f: {  	_ =	shalt  }
0x40: {  	_ =	shalt  }
0x41: {  	_ =	shalt  }
0x42: {  	_ =	shalt  }
0x43: {  	_ =	shalt  }
0x44: {  	_ =	shalt  }
0x45: {  	_ =	shalt  }
0x46: {  	_ =	shalt  }
0x47: {  	_ =	shalt  }
0x48: {  	_ =	shalt  }
0x49: {  	_ =	shalt  }
0x4a: {  	_ =	shalt  }
0x4b: {  	_ =	shalt  }
0x4c: {  	_ =	shalt  }
0x4d: {  	_ =	shalt  }
0x4e: {  	_ =	shalt  }
0x4f: {  	_ =	shalt  }
0x50: {  	_ =	shalt  }
0x51: {  	_ =	shalt  }
0x52: {  	_ =	shalt  }
0x53: {  	_ =	shalt  }
0x54: {  	_ =	shalt  }
0x55: {  	_ =	shalt  }
0x56: {  	_ =	shalt  }
0x57: {  	_ =	shalt  }
0x58: {  	_ =	shalt  }
0x59: {  	_ =	shalt  }
0x5a: {  	_ =	shalt  }
0x5b: {  	_ =	shalt  }
0x5c: {  	_ =	shalt  }
0x5d: {  	_ =	shalt  }
0x5e: {  	_ =	shalt  }
0x5f: {  	_ =	shalt  }
0x60: {  	_ =	shalt  }
0x61: {  	_ =	shalt  }
0x62: {  	_ =	shalt  }
0x63: {  	_ =	shalt  }
0x64: {  	_ =	shalt  }
0x65: {  	_ =	shalt  }
0x66: {  	_ =	shalt  }
0x67: {  	_ =	shalt  }
0x68: {  	_ =	shalt  }
0x69: {  	_ =	shalt  }
0x6a: {  	_ =	shalt  }
0x6b: {  	_ =	shalt  }
0x6c: {  	_ =	shalt  }
0x6d: {  	_ =	shalt  }
0x6e: {  	_ =	shalt  }
0x6f: {  	_ =	shalt  }
0x70: {  	_ =	shalt  }
0x71: {  	_ =	shalt  }
0x72: {  	_ =	shalt  }
0x73: {  	_ =	shalt  }
0x74: {  	_ =	shalt  }
0x75: {  	_ =	shalt  }
0x76: {  	_ =	shalt  }
0x77: {  	_ =	shalt  }
0x78: {  	_ =	shalt  }
0x79: {  	_ =	shalt  }
0x7a: {  	_ =	shalt  }
0x7b: {  	_ =	shalt  }
0x7c: {  	_ =	shalt  }
0x7d: {  	_ =	shalt  }
0x7e: {  	_ =	shalt  }
0x7f: {  	_ =	shalt  }
0x80: {  	_ =	shalt  }
0x81: {  	_ =	shalt  }
0x82: {  	_ =	shalt  }
0x83: {  	_ =	shalt  }
0x84: {  	_ =	shalt  }
0x85: {  	_ =	shalt  }
0x86: {  	_ =	shalt  }
0x87: {  	_ =	shalt  }
.Lfunc_end0:
.L_simem_size_0:
called_computation_lowered:
.L_overlay_start_0:
0x88: {  	s2 =	sld [smem:$0x3FD9]  }
0x89: {  	s3 =	sld [smem:$0x3FFE];
	_ =	sdelay $0x1  }
0x8a: {  	s1 =	srdreg.scid  }
0x8b: {  	s0 =	sand.u32 $0x1, s1  }
0x8c: {  	s16 =	sshll.u32 s0, $0xA;
	s2 =	sadd.s32 s3, s2  }
0x8d: {  	s2 =	sadd.s32 s2, s16  }
0x8e: {  	[smem:$0x3FBF] =	sst s2  }
0x8f: {  	_ = 	snop  }
0x90: {  	(tm) =	ssettm $0x1  }
0x91: {  	s17 =	sld [smem:$0x3FFB];
	_ =	sdelay $0x3  }
0x92: {  	_ =	strace s17  }
0x93: {  	s2 =	sld [smem:$0x3FFC];
	_ =	sdelay $0x3  }
0x94: {  	_ =	strace s2  }
0x95: {  	s2 =	sld [smem:$0x3FFD];
	_ =	sdelay $0x3  }
0x96: {  	_ =	strace s2  }
0x97: {  	_ =	strace $0x8FFFFFFF  }
0x98: {  	s18 =	sld [smem:$0x3FDB];
	_ =	sdelay $0x1  }
0x99: {  	s19 =	simm.s32 $_scs_section_size  }
0x9a: {  	s4 =	simm.s32 $_size__tile_overlayer_lowered;
	s5 =	simm.s32 $_tile_overlayer_lowered  }
0x9b: {  	s22 =	simm.s32 $0x1BFF;
	s21 =	sshll.u32 s5, $0x1;
	s2 =	sadd.s32 s19, s18  }
0x9c: {  	s6 =	simm.s32 $0x0;
	s20 =	sshll.u32 s4, $0x1;
	s4 =	sadd.s32 s21, s2  }
0x9d: {  	[timem:s6], [sflag:s22] =	dma.local [hbm:s4], s20  }
0x9e: {  	_ =	swait.ge [sflag:s22], s20  }
0x9f: {  	s3 =	ssub.s32 $0x0, s20;
	[sflag:s22] =	ssyncset.done $0x0  }
0xa0: {  	[sflag:s22] =	ssyncadd.s32 s3;
	_ =	sdelay $0x1  }
0xa1: {  	s23 =	simm.s32 $0x1B8B  }
0xa2: {  	_ =	swait.ge [sflag:s23], $0x1  }
0xa3: {  	[sflag:s23] =	ssyncset.done $0x0  }
0xa4: {  	s25 =	simm.s32 $0x1B8E;
	s24 =	sld [smem:$0x3FFE];
	[sflag:s23] =	ssyncadd.s32 $0xFFFFFFFF  }
0xa5: {  	s26 =	simm.s32 $execute0_lowered;
	[smem:$0x3FD2] =	sst s25  }
0xa6: {  	s4 =	sshll.u32 s26, $0x1;
	_ =	strace $0x80000046;
	[dreg:$0x1] =	wrdreg $0xFFFFFFFF  }
0xa7: {  	s28 =	simm.s32 $_size_execute0_lowered;
	s2 =	sadd.s32 s2, s4;
	[dreg:$0x0] =	wrdreg $0x0  }
0xa8: {  	s4 =	sshll.u32 s28, $0x1;
	[dreg:$0x2] =	wrdreg s2  }
0xa9: {  	[dreg:$0x3] =	wrdreg s4  }
0xaa: {  	[dreg:$0x4] =	wrdreg $0xC0  }
0xab: {  	_ =	task [dreg:s6], $0x5FFFF  }
0xac: {  	[dreg:$0x1] =	wrdreg $0xFFFFFFFF  }
0xad: {  	[dreg:$0x0] =	wrdreg $0x60  }
0xae: {  	[dreg:$0x2] =	wrdreg s24  }
0xaf: {  	[dreg:$0x3] =	wrdreg $0x0  }
0xb0: {  	[dreg:$0x4] =	wrdreg $0x9  }
0xb1: {  	_ =	task.clear_ibuf [dreg:s6], $0x5FFFF;
	_ =	strace $0x90000046  }
0xb2: {  	s29 =	simm.s32 $0x9;
	_ =	strace $0x80000048  }
0xb3: {  	_ =	swait.ge [sflag:s29], $0x1  }
0xb4: {  	[sflag:s29] =	ssyncadd.s32 $0xFFFFFFFF  }
0xb5: {  	_ =	strace $0x90000048  }
0xb6: {  	_ =	sfence  }
0xb7: {  	s30 =	sld [smem:$0x0];
	_ =	sdelay $0x2  }
0xb8: {  	s31 =	sshll.u32 s1, $0xD;
	s1 =	sshrl.u32 s1, $0x2  }
0xb9: {  	s3 =	sand.u32 $0x4000, s31;
	s1 =	sadd.s32 s1, s30  }
0xba: {  	s0 =	sor.u32 s3, s0;
	s1 =	sshll.u32 s1, $0x11  }
0xbb: {  	s0 =	sor.u32 s1, s0  }
0xbc: {  	s0 =	sadd.s32 $0x8F2B, s0  }
0xbd: {  	[sflag:s0] =	ssyncadd.remote.s32 $0x1  }
0xbe: {  	_ =	sfence.sel $0xFFFF  }
0xbf: {  	[dreg:$0x0] =	wrdreg $0xFFFFFFFF;
	(pc) =	sbr.abs _section_cstart, $3  }
0xc0: {  	[dreg:$0x1] =	wrdreg $0xFFFFFFFF  }
0xc1: {  	_ =	task.clear_ibuf [dreg:s6], $0x2FFFF;
	_ =	strace $0x9FFFFFFF  }
0xc2: {  	(tm) =	ssettm $0x7FFFFFFF  }
0xc3: {  	_ =	shalt  }
tec
execute0_lowered:
.L_overlay_start_1:
0x0: {  	(tag) =	ssettag $0x1  }
0x1: {  	s6 =	rddreg [dreg:$0x0]  }
0x2: {  	s1 =	rddreg [dreg:$0x1]  }
0x3: {  	s2 =	srdreg.scid;
	s0 =	rddreg [dreg:$0x2];
	s3 =	simm.s32 $0x0  }
0x4: {  	s12 =	simm.s32 $0x16400;
	s14 =	simm.s32 $0x300;
	s15 =	simm.s32 $0x380  }
0x5: {  	s16 =	simm.s32 $0x400;
	s17 =	simm.s32 $0x1;
	s18 =	simm.s32 $0x2  }
0x6: {  	s19 =	simm.s32 $0x3;
	s20 =	simm.s32 $0x4;
	s21 =	simm.s32 $0x2880  }
0x7: {  	s22 =	simm.s32 $0x2900;
	s23 =	simm.s32 $0x2800;
	s24 =	simm.s32 $0x2D00  }
0x8: {  	s25 =	simm.s32 $0x0;
	s5 =	sand.u32 $0x1, s2;
	s2 =	stileid.u32  }
0x9: {  	[smem:$0x7FF] =	sst s3;
	s11 =	sadd.s32 $0xC640, s6;
	s4 =	ssub.s32 $0x2, s5  }
0xa: {  	s8 =	smul.u32 $0x280, s2;
	_ =	strace $0x80000047;
	s31 =	sshll.u32 s2, $0x1  }
0xb: {  	p0 =	seq.s32 s5, $0x1;
	s7 =	sshrl.u32 s4, $0x1;
	s9 =	sor.u32 s5, s31  }
0xc: {  	s12 =	simm.s32 @!p0 $0x1B400;
	p0 =	sgt.u32 s2, $0x1;
	s7 =	ssub.s32 s4, s7  }
0xd: {  	s4 =	sadd.s32 s8, s1;
	s10 =	sshll.u32 s9, $0x4;
	s9 =	smul.u32 $0x4E0, s9  }
0xe: {  	s8 =	sshrl.u32 s8, $0x3;
	s6 =	sadd.s32 s12, s6;
	s12 =	simm.s32 $0x80  }
0xf: {  	s13 =	sor.u32 $0x9C00, s10;
	s5 =	smax.u32 s7, $0x1;
	s6 =	sadd.s32 s6, s8  }
0x10: {  	s7 =	simm.s32 $0x2A80;
	s8 =	simm.s32 $0x5;
	s10 =	simm.s32 $0x280  }
0x11: {  	v0 =	vimm.f32 $1.000000000e+00;
	v1 =	vimm.f32 $0.0e+00;
	s9 =	sadd.s32 s9, s11;
	s11 =	sadd.s32 @!p0 s11, s13;
	s13 =	simm.s32 $0x2A00  }
.LBB2_1:
0x12: {  	[tilespmem:$0x2A00] =	vst v0  }
0x13: {  	[tilespmem:$0x2A10] =	vst v0  }
0x14: {  	[tilespmem:$0x2A20] =	vst v0  }
0x15: {  	[tilespmem:$0x2A30] =	vst v0  }
0x16: {  	[tilespmem:$0x2A40] =	vst v0  }
0x17: {  	[tilespmem:$0x2A50] =	vst v0  }
0x18: {  	[tilespmem:$0x2A60] =	vst v0  }
0x19: {  	[tilespmem:$0x2A70] =	vst v0;
	s26 =	simm.s32 $0x2AA0  }
0x1a: {  	[tilespmem:s26+$0xFFFFFFE0] =	vst v1  }
0x1b: {  	[tilespmem:s26+$0x10] =	vst v1  }
0x1c: {  	s28 =	simm.s32 $0x0;
	[tilespmem:s26+$0x0] =	vst v1  }
.LBB2_2:
0x1d: {  	s28 =	sadd.s32 $0x4, s28  }
0x1e: {  	[tilespmem:s26+$0xFFFFFFF0] =	vst v1;
	s26 =	sadd.s32 $0x40, s26;
	p1 =	slt.u32 s28, $0x24  }
.Ltmp0:
0x1f: {  	[tilespmem:s26+$0xFFFFFFE0] =	vst v1;
	(pc) =	sbr.rel @p1 .LBB2_2-.Ltmp0, $3  }
0x20: {  	_ =	sdelay $0x1  }
0x21: {  	[tilespmem:s26+$0x10] =	vst v1  }
0x22: {  	[tilespmem:s26+$0x0] =	vst v1  }
0x23: {  	[tilespmem:s26+$0xFFFFFFF0] =	vst v1  }
0x24: {  	[spmem:s4] =	stream.linear.scatter [tilespmem:s7], [sflag:$0x5], $0x280, $0x38;
	[tilespmem:$0x5500] =	vst v63  }
0x25: {  	_ =	swait.ge [sflag:s8], $0x280  }
0x26: {  	[sflag:s8] =	ssyncset.done $0x0  }
0x27: {  	[sflag:s8] =	ssyncadd.s32 $0xFFFFFD80  }
0x28: {  	[tilespmem:s10], [sflag:$0x5] =	stream.linear.gather [hbm4b:s9+s3], $0x2700, $0x38;
	[tilespmem:$0x5500] =	vst v63  }
0x29: {  	_ =	swait.ge [sflag:s8], $0x2700  }
0x2a: {  	[sflag:s8] =	ssyncset.done $0x0  }
0x2b: {  	s26 =	simm.s32 @!p0 $0x0;
	s28 =	simm.s32 @!p0 $0x2980;
	[sflag:s8] =	ssyncadd.s32 $0xFFFFD900  }
0x2c: {  	[tilespmem:s28], [sflag:$0x5] =	stream.linear.gather @!p0 [hbm4b:s11+s26], $0x80, $0x38;
	[tilespmem:$0x5500] =	vst v63  }
0x2d: {  	s26 =	simm.s32 @!p0 $0x5  }
0x2e: {  	_ =	swait.ge @!p0 [sflag:s26], $0x80  }
0x2f: {  	[sflag:s26] =	ssyncset.done @!p0 $0x0  }
0x30: {  	[sflag:s26] =	ssyncadd.s32 @!p0 $0xFFFFFF80  }
0x31: {  	[bflag:$0x0] =	sbarrier.arrive $0xFFFF  }
0x32: {  	[spmem:s1] =	stream.indirect.scatter.add.f32 [tilespmem:s13], [sflag:$0x1], $0x1, s10, s12, $0xb8;
	[tilespmem:$0x5500] =	vst v63  }
0x33: {  	_ = 	snop  }
0x34: {  	[spmem:s1] =	stream.indirect.scatter.add.f32 [tilespmem:s13], [sflag:$0x2], $0x1, s14, s12, $0xb8;
	[tilespmem:$0x5500] =	vst v63  }
0x35: {  	_ = 	snop  }
0x36: {  	[spmem:s1] =	stream.indirect.scatter.add.f32 [tilespmem:s13], [sflag:$0x3], $0x1, s15, s12, $0xb8;
	[tilespmem:$0x5500] =	vst v63  }
0x37: {  	_ = 	snop  }
0x38: {  	[spmem:s1] =	stream.indirect.scatter.add.f32 [tilespmem:s13], [sflag:$0x4], $0x1, s16, s12, $0xb8;
	[tilespmem:$0x5500] =	vst v63  }
0x39: {  	_ =	swait.ge [sflag:s17], $0x80  }
0x3a: {  	[sflag:s17] =	ssyncset.done $0x0  }
0x3b: {  	s29 =	simm.s32 $0x480;
	[sflag:s17] =	ssyncadd.s32 $0xFFFFFF80  }
0x3c: {  	[spmem:s1] =	stream.indirect.scatter.add.f32 [tilespmem:s13], [sflag:$0x1], $0x1, s29, s12, $0xb8;
	[tilespmem:$0x5500] =	vst v63  }
0x3d: {  	_ =	swait.ge [sflag:s18], $0x80  }
0x3e: {  	[sflag:s18] =	ssyncset.done $0x0  }
0x3f: {  	s30 =	simm.s32 $0x500;
	[sflag:s18] =	ssyncadd.s32 $0xFFFFFF80  }
0x40: {  	[spmem:s1] =	stream.indirect.scatter.add.f32 [tilespmem:s13], [sflag:$0x2], $0x1, s30, s12, $0xb8;
	[tilespmem:$0x5500] =	vst v63  }
0x41: {  	_ =	swait.ge [sflag:s19], $0x80  }
0x42: {  	[sflag:s19] =	ssyncset.done $0x0  }
0x43: {  	s31 =	simm.s32 $0x580;
	[sflag:s19] =	ssyncadd.s32 $0xFFFFFF80  }
0x44: {  	[spmem:s1] =	stream.indirect.scatter.add.f32 [tilespmem:s13], [sflag:$0x3], $0x1, s31, s12, $0xb8;
	[tilespmem:$0x5500] =	vst v63  }
0x45: {  	_ =	swait.ge [sflag:s20], $0x80  }
0x46: {  	[sflag:s20] =	ssyncset.done $0x0  }
0x47: {  	s28 =	simm.s32 $0x600;
	s26 =	simm.s32 $0xFFFF7800;
	[sflag:s20] =	ssyncadd.s32 $0xFFFFFF80  }
.LBB2_4:
0x48: {  	[spmem:s1] =	stream.indirect.scatter.add.f32 [tilespmem:s13], [sflag:$0x4], $0x1, s28, s12, $0xb8;
	[tilespmem:$0x5500] =	vst v63  }
0x49: {  	s28 =	smov.u32 s26  }
0x4a: {  	p1 =	sne.s32 s26, $0xFFFFF800;
	s26 =	sadd.s32 $0x800, s26;
	_ =	swait.ge [sflag:s17], $0x80  }
0x4b: {  	s28 =	sshra.s32 s28, $0x2;
	[sflag:s17] =	ssyncset.done $0x0  }
0x4c: {  	s29 =	sadd.s32 $0x2880, s28;
	[sflag:s17] =	ssyncadd.s32 $0xFFFFFF80  }
0x4d: {  	[spmem:s1] =	stream.indirect.scatter.add.f32 [tilespmem:s13], [sflag:$0x1], $0x1, s29, s12, $0xb8;
	[tilespmem:$0x5500] =	vst v63  }
0x4e: {  	_ =	swait.ge [sflag:s18], $0x80  }
0x4f: {  	[sflag:s18] =	ssyncset.done $0x0  }
0x50: {  	s29 =	sadd.s32 $0x2900, s28;
	[sflag:s18] =	ssyncadd.s32 $0xFFFFFF80  }
0x51: {  	[spmem:s1] =	stream.indirect.scatter.add.f32 [tilespmem:s13], [sflag:$0x2], $0x1, s29, s12, $0xb8;
	[tilespmem:$0x5500] =	vst v63  }
0x52: {  	_ =	swait.ge [sflag:s19], $0x80  }
0x53: {  	[sflag:s19] =	ssyncset.done $0x0  }
.Ltmp1:
0x54: {  	s29 =	sadd.s32 $0x2980, s28;
	[sflag:s19] =	ssyncadd.s32 $0xFFFFFF80;
	(pc) =	sbr.rel @p1 .LBB2_4-.Ltmp1, $4  }
0x55: {  	[spmem:s1] =	stream.indirect.scatter.add.f32 [tilespmem:s13], [sflag:$0x3], $0x1, s29, s12, $0xb8;
	[tilespmem:$0x5500] =	vst v63  }
0x56: {  	_ =	swait.ge [sflag:s20], $0x80  }
0x57: {  	[sflag:s20] =	ssyncset.done $0x0  }
0x58: {  	s28 =	sadd.s32 $0x2A00, s28;
	[sflag:s20] =	ssyncadd.s32 $0xFFFFFF80  }
0x59: {  	[spmem:s1] =	stream.indirect.scatter.add.f32 [tilespmem:s13], [sflag:$0x4], $0x1, s28, s12, $0xb8;
	[tilespmem:$0x5500] =	vst v63  }
0x5a: {  	_ =	swait.ge [sflag:s17], $0x80  }
0x5b: {  	[sflag:s17] =	ssyncset.done $0x0  }
0x5c: {  	[sflag:s17] =	ssyncadd.s32 $0xFFFFFF80  }
0x5d: {  	[spmem:s1] =	stream.indirect.scatter.add.f32 [tilespmem:s13], [sflag:$0x1], $0x1, s21, s12, $0xb8;
	[tilespmem:$0x5500] =	vst v63  }
0x5e: {  	_ =	swait.ge [sflag:s18], $0x80  }
0x5f: {  	[sflag:s18] =	ssyncset.done $0x0  }
0x60: {  	s26 =	simm.s32 @!p0 $0x3;
	[sflag:s18] =	ssyncadd.s32 $0xFFFFFF80  }
0x61: {  	[spmem:s1] =	stream.indirect.scatter.add.f32 [tilespmem:s13], [sflag:$0x2], $0x1, s22, s12, $0xb8;
	[tilespmem:$0x5500] =	vst v63  }
0x62: {  	_ =	swait.ge @!p0 [sflag:s26], $0x80  }
0x63: {  	s28 =	simm.s32 @!p0 $0x2980;
	[sflag:s26] =	ssyncset.done @!p0 $0x0  }
0x64: {  	s29 =	simm.s32 @!p0 $0x2A00;
	[sflag:s26] =	ssyncadd.s32 @!p0 $0xFFFFFF80;
	s26 =	simm.s32 @!p0 $0x80  }
0x65: {  	[spmem:s1] =	stream.indirect.scatter.add.f32 @!p0 [tilespmem:s29], [sflag:$0x3], $0x1, s28, s26, $0xb8;
	[tilespmem:$0x5500] =	vst v63  }
0x66: {  	_ =	swait.ge [sflag:s17], $0x80  }
0x67: {  	[sflag:s17] =	ssyncset.done $0x0  }
0x68: {  	[sflag:s17] =	ssyncadd.s32 $0xFFFFFF80  }
0x69: {  	_ =	swait.ge [sflag:s18], $0x80  }
0x6a: {  	[sflag:s18] =	ssyncset.done $0x0  }
0x6b: {  	[sflag:s18] =	ssyncadd.s32 $0xFFFFFF80  }
0x6c: {  	_ =	swait.ge [sflag:s19], $0x80  }
0x6d: {  	[sflag:s19] =	ssyncset.done $0x0  }
0x6e: {  	[sflag:s19] =	ssyncadd.s32 $0xFFFFFF80  }
0x6f: {  	_ =	swait.ge [sflag:s20], $0x80  }
0x70: {  	[sflag:s20] =	ssyncset.done $0x0  }
0x71: {  	[sflag:s20] =	ssyncadd.s32 $0xFFFFFF80  }
0x72: {  	[bflag:$0x0] =	sbarrier.arrive $0xFFFF  }
0x73: {  	[tilespmem:s7], [sflag:$0x5] =	stream.linear.gather [spmem:s4], $0x280, $0x38;
	[tilespmem:$0x5500] =	vst v63  }
0x74: {  	_ =	swait.ge [sflag:s8], $0x280  }
0x75: {  	[sflag:s8] =	ssyncset.done $0x0  }
0x76: {  	s28 =	simm.s32 $0x2AA0;
	[sflag:s8] =	ssyncadd.s32 $0xFFFFFD80  }
0x77: {  	v2 =	vld [tilespmem:s28+$0x10]  }
0x78: {  	v3 =	vld [tilespmem:s28+$0xFFFFFFF0];
	_ =	sdelay $0x1  }
0x79: {  	v4 =	vld [tilespmem:s28+$0xFFFFFFE0]  }
0x7a: {  	s26 =	simm.s32 $0x4100  }
0x7b: {  	[tilespmem:s26+$0x11B0] =	vst v2  }
0x7c: {  	[tilespmem:s26+$0xFFFFEC10] =	vst v3  }
0x7d: {  	[tilespmem:s26+$0xFFFFEE90] =	vst v3  }
0x7e: {  	[tilespmem:s26+$0xFFFFEC00] =	vst v4  }
0x7f: {  	[tilespmem:s26+$0xFFFFEE80] =	vst v4  }
0x80: {  	[tilespmem:s26+$0xFFFFF100] =	vst v4  }
0x81: {  	[tilespmem:s26+$0xFFFFF380] =	vst v4  }
0x82: {  	[tilespmem:s26+$0xFFFFF600] =	vst v4  }
0x83: {  	[tilespmem:s26+$0xFFFFF880] =	vst v4  }
0x84: {  	[tilespmem:s26+$0xFFFFFB00] =	vst v4  }
0x85: {  	[tilespmem:s26+$0xFFFFFD80] =	vst v4  }
0x86: {  	[tilespmem:s26+$0x0] =	vst v4  }
0x87: {  	[tilespmem:s26+$0x280] =	vst v4  }
0x88: {  	[tilespmem:s26+$0x500] =	vst v4  }
0x89: {  	[tilespmem:s26+$0x780] =	vst v4  }
0x8a: {  	[tilespmem:s26+$0xA00] =	vst v4  }
0x8b: {  	[tilespmem:s26+$0xC80] =	vst v4  }
0x8c: {  	[tilespmem:s26+$0xF00] =	vst v4  }
0x8d: {  	[tilespmem:s26+$0x1180] =	vst v4  }
0x8e: {  	[tilespmem:s26+$0xFFFFF110] =	vst v3  }
0x8f: {  	[tilespmem:s26+$0xFFFFF390] =	vst v3  }
0x90: {  	[tilespmem:s26+$0xFFFFF610] =	vst v3  }
0x91: {  	[tilespmem:s26+$0xFFFFF890] =	vst v3  }
0x92: {  	[tilespmem:s26+$0xFFFFFB10] =	vst v3  }
0x93: {  	[tilespmem:s26+$0xFFFFFD90] =	vst v3  }
0x94: {  	[tilespmem:s26+$0x10] =	vst v3  }
0x95: {  	[tilespmem:s26+$0x290] =	vst v3  }
0x96: {  	[tilespmem:s26+$0x510] =	vst v3  }
0x97: {  	v63 =	vld [tilespmem:s28+$0x0];
	[tilespmem:s26+$0x790] =	vst v3  }
0x98: {  	[tilespmem:s26+$0xA10] =	vst v3  }
0x99: {  	[tilespmem:s26+$0xC90] =	vst v3  }
0x9a: {  	[tilespmem:s26+$0xF10] =	vst v3  }
0x9b: {  	[tilespmem:s26+$0x1190] =	vst v3  }
0x9c: {  	[tilespmem:s26+$0xFFFFEC20] =	vst v63  }
0x9d: {  	[tilespmem:s26+$0xFFFFEEA0] =	vst v63  }
0x9e: {  	[tilespmem:s26+$0xFFFFF120] =	vst v63  }
0x9f: {  	[tilespmem:s26+$0xFFFFF3A0] =	vst v63  }
0xa0: {  	[tilespmem:s26+$0xFFFFF620] =	vst v63  }
0xa1: {  	[tilespmem:s26+$0xFFFFF8A0] =	vst v63  }
0xa2: {  	[tilespmem:s26+$0xFFFFFB20] =	vst v63  }
0xa3: {  	[tilespmem:s26+$0xFFFFFDA0] =	vst v63  }
0xa4: {  	[tilespmem:s26+$0x20] =	vst v63  }
0xa5: {  	[tilespmem:s26+$0x2A0] =	vst v63  }
0xa6: {  	[tilespmem:s26+$0x520] =	vst v63  }
0xa7: {  	[tilespmem:s26+$0x7A0] =	vst v63  }
0xa8: {  	[tilespmem:s26+$0xA20] =	vst v63  }
0xa9: {  	[tilespmem:s26+$0xCA0] =	vst v63  }
0xaa: {  	[tilespmem:s26+$0xF20] =	vst v63  }
0xab: {  	[tilespmem:s26+$0x11A0] =	vst v63  }
0xac: {  	[tilespmem:s26+$0xFFFFEC30] =	vst v2  }
0xad: {  	[tilespmem:s26+$0xFFFFEEB0] =	vst v2  }
0xae: {  	[tilespmem:s26+$0xFFFFF130] =	vst v2  }
0xaf: {  	[tilespmem:s26+$0xFFFFF3B0] =	vst v2  }
0xb0: {  	[tilespmem:s26+$0xFFFFF630] =	vst v2  }
0xb1: {  	[tilespmem:s26+$0xFFFFF8B0] =	vst v2  }
0xb2: {  	[tilespmem:s26+$0xFFFFFB30] =	vst v2  }
0xb3: {  	[tilespmem:s26+$0xFFFFFDB0] =	vst v2  }
0xb4: {  	[tilespmem:s26+$0x30] =	vst v2  }
0xb5: {  	s29 =	simm.s32 $0x2AE0;
	s28 =	simm.s32 $0x0;
	[tilespmem:s26+$0x2B0] =	vst v2  }
.LBB2_6:
0xb6: {  	v3 =	vld [tilespmem:s29+$0x10];
	s28 =	sadd.s32 $0x4, s28;
	[tilespmem:s26+$0x530] =	vst v2  }
0xb7: {  	v4 =	vld [tilespmem:s29+$0xFFFFFFF0];
	p1 =	slt.u32 s28, $0x24;
	[tilespmem:s26+$0x7B0] =	vst v2  }
0xb8: {  	v5 =	vld [tilespmem:s29+$0x0];
	[tilespmem:s26+$0xA30] =	vst v2  }
0xb9: {  	v6 =	vld [tilespmem:s29+$0xFFFFFFE0];
	[tilespmem:s26+$0xCB0] =	vst v2  }
0xba: {  	[tilespmem:s26+$0xF30] =	vst v2;
	s26 =	sadd.s32 $0x40, s26  }
0xbb: {  	[tilespmem:s26+$0x11B0] =	vst v3;
	v2 =	vmov v3  }
0xbc: {  	[tilespmem:s26+$0xFFFFEC10] =	vst v4  }
0xbd: {  	[tilespmem:s26+$0xFFFFEE90] =	vst v4  }
0xbe: {  	[tilespmem:s26+$0xFFFFEC00] =	vst v6  }
0xbf: {  	[tilespmem:s26+$0xFFFFEE80] =	vst v6  }
0xc0: {  	[tilespmem:s26+$0xFFFFF100] =	vst v6  }
0xc1: {  	[tilespmem:s26+$0xFFFFF380] =	vst v6  }
0xc2: {  	[tilespmem:s26+$0xFFFFF600] =	vst v6  }
0xc3: {  	[tilespmem:s26+$0xFFFFF880] =	vst v6  }
0xc4: {  	[tilespmem:s26+$0xFFFFFB00] =	vst v6  }
0xc5: {  	[tilespmem:s26+$0xFFFFFD80] =	vst v6  }
0xc6: {  	[tilespmem:s26+$0x0] =	vst v6  }
0xc7: {  	[tilespmem:s26+$0x280] =	vst v6  }
0xc8: {  	[tilespmem:s26+$0x500] =	vst v6  }
0xc9: {  	[tilespmem:s26+$0x780] =	vst v6  }
0xca: {  	[tilespmem:s26+$0xA00] =	vst v6  }
0xcb: {  	[tilespmem:s26+$0xC80] =	vst v6  }
0xcc: {  	[tilespmem:s26+$0xF00] =	vst v6  }
0xcd: {  	[tilespmem:s26+$0x1180] =	vst v6  }
0xce: {  	[tilespmem:s26+$0xFFFFF110] =	vst v4  }
0xcf: {  	[tilespmem:s26+$0xFFFFF390] =	vst v4  }
0xd0: {  	[tilespmem:s26+$0xFFFFF610] =	vst v4  }
0xd1: {  	[tilespmem:s26+$0xFFFFF890] =	vst v4  }
0xd2: {  	[tilespmem:s26+$0xFFFFFB10] =	vst v4  }
0xd3: {  	[tilespmem:s26+$0xFFFFFD90] =	vst v4  }
0xd4: {  	[tilespmem:s26+$0x10] =	vst v4  }
0xd5: {  	[tilespmem:s26+$0x290] =	vst v4  }
0xd6: {  	[tilespmem:s26+$0x510] =	vst v4  }
0xd7: {  	[tilespmem:s26+$0x790] =	vst v4  }
0xd8: {  	[tilespmem:s26+$0xA10] =	vst v4  }
0xd9: {  	[tilespmem:s26+$0xC90] =	vst v4  }
0xda: {  	[tilespmem:s26+$0xF10] =	vst v4  }
0xdb: {  	[tilespmem:s26+$0x1190] =	vst v4  }
0xdc: {  	[tilespmem:s26+$0xFFFFEC20] =	vst v5  }
0xdd: {  	[tilespmem:s26+$0xFFFFEEA0] =	vst v5  }
0xde: {  	[tilespmem:s26+$0xFFFFF120] =	vst v5  }
0xdf: {  	[tilespmem:s26+$0xFFFFF3A0] =	vst v5  }
0xe0: {  	[tilespmem:s26+$0xFFFFF620] =	vst v5  }
0xe1: {  	[tilespmem:s26+$0xFFFFF8A0] =	vst v5  }
0xe2: {  	[tilespmem:s26+$0xFFFFFB20] =	vst v5  }
0xe3: {  	[tilespmem:s26+$0xFFFFFDA0] =	vst v5  }
0xe4: {  	[tilespmem:s26+$0x20] =	vst v5  }
0xe5: {  	[tilespmem:s26+$0x2A0] =	vst v5  }
0xe6: {  	[tilespmem:s26+$0x520] =	vst v5  }
0xe7: {  	[tilespmem:s26+$0x7A0] =	vst v5  }
0xe8: {  	[tilespmem:s26+$0xA20] =	vst v5  }
0xe9: {  	[tilespmem:s26+$0xCA0] =	vst v5  }
0xea: {  	[tilespmem:s26+$0xF20] =	vst v5  }
0xeb: {  	[tilespmem:s26+$0x11A0] =	vst v5  }
0xec: {  	[tilespmem:s26+$0xFFFFEC30] =	vst v2  }
0xed: {  	[tilespmem:s26+$0xFFFFEEB0] =	vst v2  }
0xee: {  	[tilespmem:s26+$0xFFFFF130] =	vst v2  }
0xef: {  	[tilespmem:s26+$0xFFFFF3B0] =	vst v2  }
0xf0: {  	[tilespmem:s26+$0xFFFFF630] =	vst v2  }
.Ltmp2:
0xf1: {  	[tilespmem:s26+$0xFFFFF8B0] =	vst v2;
	(pc) =	sbr.rel @p1 .LBB2_6-.Ltmp2, $4  }
0xf2: {  	[tilespmem:s26+$0xFFFFFB30] =	vst v2  }
0xf3: {  	[tilespmem:s26+$0xFFFFFDB0] =	vst v2  }
0xf4: {  	[tilespmem:s26+$0x30] =	vst v2  }
0xf5: {  	s29 =	sadd.s32 $0x40, s29;
	[tilespmem:s26+$0x2B0] =	vst v2  }
0xf6: {  	[tilespmem:s26+$0x530] =	vst v2  }
0xf7: {  	[tilespmem:s26+$0x7B0] =	vst v2  }
0xf8: {  	[tilespmem:s26+$0xA30] =	vst v2;
	s25 =	sadd.s32 $0x1, s25  }
0xf9: {  	[tilespmem:s26+$0xCB0] =	vst v2;
	p1 =	sne.s32 s25, s5  }
.Ltmp3:
0xfa: {  	[tilespmem:s26+$0xF30] =	vst v2;
	(pc) =	sbr.rel @p1 .LBB2_1-.Ltmp3, $4  }
0xfb: {  	[hbm4b:s6+s10] =	stream.strided.scatter [tilespmem:s24], [sflag:$0x5], $0x2800, s23, s10, $0x38;
	[tilespmem:$0x5500] =	vst v63  }
0xfc: {  	_ =	swait.ge [sflag:s8], $0x2800  }
0xfd: {  	[sflag:s8] =	ssyncset.done $0x0  }
0xfe: {  	[sflag:s8] =	ssyncadd.s32 $0xFFFFD800  }
0xff: {  	_ =	sfence.sel $0x180000  }
0x100: {  	[bflag:$0x0] =	sbarrier.arrive $0xFFFF  }
0x101: {  	p0 =	sne.s32 s2, $0x0;
	_ =	strace $0x90000047  }
0x102: {  	s0 =	sadd.s32 @!p0 $0x100000, s0;
	[bflag:$0x2] =	sbarrier.arrive $0xFFFF  }
0x103: {  	[sflag:s0] =	ssyncadd.tile.s32 @!p0 $0x1;
	_ =	shalt  }
.Lfunc_end2:
_tile_overlayer_lowered:
.L_overlay_start_2:
0x104: {  	(tag) =	ssettag $0x2  }
0x105: {  	s0 =	rddreg [dreg:$0x0];
	s2 =	stileid.u32  }
0x106: {  	s1 =	rddreg [dreg:$0x1];
	p0 =	sne.s32 s2, $0x0  }
0x107: {  	s3 =	rddreg [dreg:$0x2];
	[bflag:$0x3] =	sbarrier.arrive $0xFFFF;
	s2 =	simm.s32 @!p0 $0x1C05  }
0x108: {  	[timem:s3], [sflag:s2] =	dma.local @!p0 [hbm:s0], s1  }
0x109: {  	s0 =	simm.s32 @!p0 $0x5  }
0x10a: {  	_ =	swait.ge @!p0 [sflag:s0], s1  }
0x10b: {  	s1 =	ssub.s32 @!p0 $0x0, s1;
	[sflag:s0] =	ssyncset.done @!p0 $0x0  }
0x10c: {  	[sflag:s0] =	ssyncadd.s32 @!p0 s1  }
0x10d: {  	[bflag:$0x3] =	sbarrier.arrive $0xFFFF  }
0x10e: {  	_ =	shalt  }

</sc_bundles>
